<compile_context>
chip_gen: v7x
topology: tpu7x:2x2x1
jax: 0.10.2.dev20260603
libtpu: 0.0.44.dev20260713+nightly
codegen_flags: <defaults>
</compile_context>

<pallas_src>
import functools
import jax
import jax.numpy as jnp
from jax import lax
from jax.experimental import pallas as pl
from jax.experimental.pallas import tpu as pltpu
from jax.experimental.pallas import tpu_sc as plsc

B, C, H, W = 8, 192, 224, 224
NC, NS = 2, 16
NW = NC * NS
TILES_PER_BATCH = NW // B
C_PER_W = C // TILES_PER_BATCH
L = 16
JV = W // L
RB = 28
NB = H // RB


def _body(in_hbm, xs_hbm, ys_hbm, cx_hbm, cy_hbm, out_hbm,
          img0_v, img1_v, ob0_v, ob1_v, xs_v, ys_v, cx_v, cy_v,
          in_sem0, in_sem1, out_sem0, out_sem1):
    wid = lax.axis_index("s") * NC + lax.axis_index("c")
    b = wid // TILES_PER_BATCH
    c0 = (wid % TILES_PER_BATCH) * C_PER_W
    imgs = (img0_v, img1_v)
    obufs = (ob0_v, ob1_v)
    in_sems = (in_sem0, in_sem1)
    out_sems = (out_sem0, out_sem1)

    pltpu.sync_copy(xs_hbm.at[b], xs_v)
    pltpu.sync_copy(ys_hbm.at[b], ys_v)
    pltpu.sync_copy(cx_hbm.at[b], cx_v)
    pltpu.sync_copy(cy_hbm.at[b], cy_v)

    pltpu.async_copy(in_hbm.at[b, c0], img0_v.at[pl.ds(0, H), pl.ds(0, W)],
                     in_sem0)

    def pair(kk, carry):
        for par in range(2):
            k = kk * 2 + par
            c = c0 + k
            knext = k + 1

            @pl.when(knext < C_PER_W)
            def _():
                pltpu.async_copy(in_hbm.at[b, c0 + knext],
                                 imgs[1 - par].at[pl.ds(0, H), pl.ds(0, W)],
                                 in_sems[1 - par])

            pltpu.make_async_copy(in_hbm.at[b, c], imgs[par].at[pl.ds(0, H), pl.ds(0, W)],
                                  in_sems[par]).wait()
            img_v = imgs[par]

            def block(bb, carry2):
                for bpar in range(2):
                    blk = bb * 2 + bpar
                    base = blk * RB
                    obuf_v = obufs[bpar]

                    @pl.when(k * NB + blk >= 2)
                    def _():
                        pltpu.make_async_copy(
                            obuf_v, out_hbm.at[b, c, pl.ds(0, RB)],
                            out_sems[bpar]).wait()

                    def row(r, carry3):
                        i = base + r
                        cxv = cx_v[i, :]
                        cyv = cy_v[i, :]
                        for jv in range(JV):
                            sl = pl.ds(jv * L, L)
                            x = jnp.clip(xs_v[sl] + cxv, 0.0, 222.99998474121094)
                            y = jnp.clip(ys_v[sl] + cyv, 0.0, 222.99998474121094)
                            x0 = x.astype(jnp.int32)
                            y0 = y.astype(jnp.int32)
                            fx = x - x0.astype(jnp.float32)
                            fy = y - y0.astype(jnp.float32)
                            x1 = x0 + 1
                            y1 = y0 + 1
                            Ia = plsc.load_gather(img_v, [y0, x0])
                            Ic = plsc.load_gather(img_v, [y0, x1])
                            Ib = plsc.load_gather(img_v, [y1, x0])
                            Id = plsc.load_gather(img_v, [y1, x1])
                            top = Ia + fx * (Ic - Ia)
                            bot = Ib + fx * (Id - Ib)
                            obuf_v[r, sl] = top + fy * (bot - top)
                        return carry3

                    lax.fori_loop(0, RB, row, 0)
                    pltpu.async_copy(obuf_v, out_hbm.at[b, c, pl.ds(base, RB)],
                                     out_sems[bpar])
                return carry2

            lax.fori_loop(0, NB // 2, block, 0)
        return carry

    lax.fori_loop(0, C_PER_W // 2, pair, 0)

    pltpu.make_async_copy(ob0_v, out_hbm.at[b, c0, pl.ds(0, RB)], out_sem0).wait()
    pltpu.make_async_copy(ob1_v, out_hbm.at[b, c0, pl.ds(0, RB)], out_sem1).wait()


@jax.jit
def kernel(input, theta):
    def bf16_rne(v):
        u = jax.lax.bitcast_convert_type(v, jnp.uint32)
        u = (u + jnp.uint32(0x7FFF) + ((u >> 16) & jnp.uint32(1))) & jnp.uint32(0xFFFF0000)
        return jax.lax.bitcast_convert_type(u, jnp.float32)

    t = bf16_rne(theta.reshape(B, 2, 3))
    xg = bf16_rne(jnp.linspace(-1.0, 1.0, W, dtype=jnp.float32))
    sc = jnp.float32((W - 1) / 2.0)
    xs = t[:, 0, 0:1] * xg[None, :] * sc
    ys = t[:, 1, 0:1] * xg[None, :] * sc
    cx = (t[:, 0, 1:2] * xg[None, :] + t[:, 0, 2:3]) * sc + sc
    cy = (t[:, 1, 1:2] * xg[None, :] + t[:, 1, 2:3]) * sc + sc
    cx = jnp.broadcast_to(cx[:, :, None], (B, H, L)).copy()
    cy = jnp.broadcast_to(cy[:, :, None], (B, H, L)).copy()

    run = functools.partial(
        pl.kernel,
        out_type=jax.ShapeDtypeStruct((B, C, H, W), jnp.float32),
        mesh=plsc.VectorSubcoreMesh(core_axis_name="c", subcore_axis_name="s"),
        compiler_params=pltpu.CompilerParams(
            use_tc_tiling_on_sc=False, needs_layout_passes=False),
        scratch_types=[
            pltpu.VMEM((H, W + 1), jnp.float32),
            pltpu.VMEM((H, W + 1), jnp.float32),
            pltpu.VMEM((RB, W), jnp.float32),
            pltpu.VMEM((RB, W), jnp.float32),
            pltpu.VMEM((W,), jnp.float32),
            pltpu.VMEM((W,), jnp.float32),
            pltpu.VMEM((H, L), jnp.float32),
            pltpu.VMEM((H, L), jnp.float32),
            pltpu.SemaphoreType.DMA,
            pltpu.SemaphoreType.DMA,
            pltpu.SemaphoreType.DMA,
            pltpu.SemaphoreType.DMA,
        ],
    )(_body)
    return run(input, xs, ys, cx, cy)

# --- scband reference (transcript-rebuilt; emitter-appended) ---
"""Pipeline reference for scband-spatial-transformer-9835475108625 (READ-ONLY COPY).

The authoritative reference and input builder live on the scoring server;
editing this copy changes nothing except your own understanding.
"""

import jax, jax.numpy as jnp
import numpy as np

DS = 1

def _meshgrid(h, w):
    x_t = jnp.dot(jnp.ones((h, 1), dtype=jnp.float32), jnp.linspace(-1.0, 1.0, w, dtype=jnp.float32)[None, :])
    y_t = jnp.dot(jnp.linspace(-1.0, 1.0, h, dtype=jnp.float32)[:, None], jnp.ones((1, w), dtype=jnp.float32))
    x_t_flat = x_t.reshape(1, -1)
    y_t_flat = y_t.reshape(1, -1)
    ones = jnp.ones_like(x_t_flat)
    return jnp.concatenate([x_t_flat, y_t_flat, ones], axis=0)

def _interpolate(im, x, y, out_h, out_w):
    B, H, W, C = im.shape
    hf = jnp.float32(H)
    wf = jnp.float32(W)
    x = jnp.clip(x, -1.0, 1.0)
    y = jnp.clip(y, -1.0, 1.0)
    x = (x + 1.0) / 2.0 * (wf - 1.0)
    y = (y + 1.0) / 2.0 * (hf - 1.0)
    x0_f = jnp.floor(x)
    y0_f = jnp.floor(y)
    x1_f = x0_f + 1.0
    y1_f = y0_f + 1.0
    x0 = x0_f.astype(jnp.int32)
    y0 = y0_f.astype(jnp.int32)
    x1 = jnp.minimum(x1_f, wf - 1.0).astype(jnp.int32)
    y1 = jnp.minimum(y1_f, hf - 1.0).astype(jnp.int32)
    dim2 = W
    dim1 = W * H
    base = jnp.repeat(jnp.arange(B, dtype=jnp.int32) * dim1, out_h * out_w)
    base_y0 = base + y0 * dim2
    base_y1 = base + y1 * dim2
    idx_a = base_y0 + x0
    idx_b = base_y1 + x0
    idx_c = base_y0 + x1
    idx_d = base_y1 + x1
    im_flat = im.reshape(-1, C)
    Ia = jnp.take(im_flat, idx_a, axis=0)
    Ib = jnp.take(im_flat, idx_b, axis=0)
    Ic = jnp.take(im_flat, idx_c, axis=0)
    Id = jnp.take(im_flat, idx_d, axis=0)
    wa = ((x1_f - x) * (y1_f - y))[:, None]
    wb = ((x1_f - x) * (y - y0_f))[:, None]
    wc = ((x - x0_f) * (y1_f - y))[:, None]
    wd = ((x - x0_f) * (y - y0_f))[:, None]
    return wa * Ia + wb * Ib + wc * Ic + wd * Id

def reference(input, theta):
    B, C, H, W = input.shape
    theta = theta.reshape(B, 2, 3)
    out_h = H // DS
    out_w = W // DS
    grid = _meshgrid(out_h, out_w)
    T_g = jnp.einsum('bij,jk->bik', theta, grid)
    x_s_flat = T_g[:, 0].reshape(-1)
    y_s_flat = T_g[:, 1].reshape(-1)
    im = jnp.transpose(input, (0, 2, 3, 1))
    out = _interpolate(im, x_s_flat, y_s_flat, out_h, out_w)
    out = out.reshape(B, out_h, out_w, C)
    return jnp.transpose(out, (0, 3, 1, 2))

def setup_inputs(seed: int = 0):
    key = jax.random.key(seed)
    k1, k2 = jax.random.split(key)
    inp = jax.random.normal(k1, (8, 192, 224, 224), dtype=jnp.float32)
    theta = jax.random.normal(k2, (8, 6), dtype=jnp.float32)
    return {"input": inp, "theta": theta}

if __name__ == "__main__":
    import jax
    _d = setup_inputs()
    print(jax.jit(kernel)(*tuple(_d.values())))

</pallas_src>

<mosaic_0001>
#map = affine_map<(d0, d1) -> (0, 0, 0, 0)>
#map1 = affine_map<(d0, d1) -> (0, 0)>
#map2 = affine_map<(d0, d1) -> (0, 0, 0)>
module attributes {stable_mosaic.version = 14 : i64} {
  func.func @_body(%arg0: i32, %arg1: i32, %arg2: memref<8x192x224x224xf32, #tpu.memory_space<hbm>>, %arg3: memref<8x224xf32, #tpu.memory_space<hbm>>, %arg4: memref<8x224xf32, #tpu.memory_space<hbm>>, %arg5: memref<8x224x16xf32, #tpu.memory_space<hbm>>, %arg6: memref<8x224x16xf32, #tpu.memory_space<hbm>>, %arg7: memref<8x192x224x224xf32, #tpu.memory_space<hbm>>, %arg8: memref<224x225xf32, #tpu.memory_space<vmem>>, %arg9: memref<224x225xf32, #tpu.memory_space<vmem>>, %arg10: memref<28x224xf32, #tpu.memory_space<vmem>>, %arg11: memref<28x224xf32, #tpu.memory_space<vmem>>, %arg12: memref<224xf32, #tpu.memory_space<vmem>>, %arg13: memref<224xf32, #tpu.memory_space<vmem>>, %arg14: memref<224x16xf32, #tpu.memory_space<vmem>>, %arg15: memref<224x16xf32, #tpu.memory_space<vmem>>, %arg16: memref<!tpu.dma_semaphore, #tpu.memory_space<semaphore_mem>>, %arg17: memref<!tpu.dma_semaphore, #tpu.memory_space<semaphore_mem>>, %arg18: memref<!tpu.dma_semaphore, #tpu.memory_space<semaphore_mem>>, %arg19: memref<!tpu.dma_semaphore, #tpu.memory_space<semaphore_mem>>) attributes {dimension_semantics = [#tpu.dimension_semantics<core_parallel>, #tpu.dimension_semantics<subcore_parallel>], iteration_bounds = array<i64: 2, 16>, scalar_prefetch = 0 : i64, scratch_operands = 12 : i64, tpu.core_type = #tpu.core_type<sc_vector_subcore>, window_params = [{transform_indices = #map}, {transform_indices = #map1}, {transform_indices = #map1}, {transform_indices = #map2}, {transform_indices = #map2}, {transform_indices = #map}]} {
    %mul3A = arith.constant 2 : i32
    %mul3A_0 = arith.muli %arg1, %mul3A : i32
    %add3A = arith.addi %mul3A_0, %arg0 : i32
    %jit3A = arith.constant 4 : i32
    %div3A = arith.divsi %add3A, %jit3A : i32
    %sign3A = arith.constant 0 : i32
    %sign3A_1 = arith.cmpi sgt, %add3A, %sign3A : i32
    %sign3A_2 = arith.extui %sign3A_1 : i1 to i32
    %sign3A_3 = arith.constant 0 : i32
    %sign3A_4 = arith.cmpi slt, %add3A, %sign3A_3 : i32
    %sign3A_5 = arith.extui %sign3A_4 : i1 to i32
    %sign3A_6 = arith.subi %sign3A_2, %sign3A_5 : i32
    %sign3A_7 = arith.constant 0 : i32
    %sign3A_8 = arith.cmpi sgt, %jit3A, %sign3A_7 : i32
    %sign3A_9 = arith.extui %sign3A_8 : i1 to i32
    %sign3A_10 = arith.constant 0 : i32
    %sign3A_11 = arith.cmpi slt, %jit3A, %sign3A_10 : i32
    %sign3A_12 = arith.extui %sign3A_11 : i1 to i32
    %sign3A_13 = arith.subi %sign3A_9, %sign3A_12 : i32
    %ne3A = arith.cmpi ne, %sign3A_6, %sign3A_13 : i32
    %rem3A = arith.remsi %add3A, %jit3A : i32
    %ne3A_14 = arith.constant 0 : i32
    %ne3A_15 = arith.cmpi ne, %rem3A, %ne3A_14 : i32
    %and3A = arith.andi %ne3A, %ne3A_15 : i1
    %sub3A = arith.constant 1 : i32
    %sub3A_16 = arith.subi %div3A, %sub3A : i32
    %select_n3A = arith.select %and3A, %sub3A_16, %div3A : i32
    %jit3A_17 = arith.constant 4 : i32
    %eq3A = arith.constant 0 : i32
    %eq3A_18 = arith.cmpi eq, %jit3A_17, %eq3A : i32
    %jit3A_19 = arith.constant 1 : i32
    %select_n3A_20 = arith.select %eq3A_18, %jit3A_19, %jit3A_17 : i32
    %rem3A_21 = arith.remsi %add3A, %select_n3A_20 : i32
    %ne3A_22 = arith.constant 0 : i32
    %ne3A_23 = arith.cmpi ne, %rem3A_21, %ne3A_22 : i32
    %lt3A = arith.constant 0 : i32
    %lt3A_24 = arith.cmpi slt, %rem3A_21, %lt3A : i32
    %lt3A_25 = arith.constant 0 : i32
    %lt3A_26 = arith.cmpi slt, %select_n3A_20, %lt3A_25 : i32
    %ne3A_27 = arith.xori %lt3A_24, %lt3A_26 : i1
    %and3A_28 = arith.andi %ne3A_27, %ne3A_23 : i1
    %add3A_29 = arith.addi %rem3A_21, %select_n3A_20 : i32
    %select_n3A_30 = arith.select %and3A_28, %add3A_29, %rem3A_21 : i32
    %mul3A_31 = arith.constant 48 : i32
    %mul3A_32 = arith.muli %select_n3A_30, %mul3A_31 : i32
    "tpu.region"() ({
      %run_scoped3A = tpu.sem_alloc : memref<!tpu.dma_semaphore, #tpu.memory_space<semaphore_mem>>
      %dma_start3A_66 = arith.constant 0 : i32
      %dma_start3A_67 = tpu.memref_slice %arg3[%select_n3A, %dma_start3A_66] : memref<8x224xf32, #tpu.memory_space<hbm>> -> memref<1x224xf32, #tpu.memory_space<hbm>>
      %dma_start3A_68 = tpu.memref_squeeze %dma_start3A_67 : memref<1x224xf32, #tpu.memory_space<hbm>> -> memref<224xf32, #tpu.memory_space<hbm>>
      %dma_start3A_69 = arith.constant 0 : i32
      %dma_start3A_70 = tpu.memref_slice %arg3[%select_n3A, %dma_start3A_69] : memref<8x224xf32, #tpu.memory_space<hbm>> -> memref<1x224xf32, #tpu.memory_space<hbm>>
      %dma_start3A_71 = tpu.memref_squeeze %dma_start3A_70 : memref<1x224xf32, #tpu.memory_space<hbm>> -> memref<224xf32, #tpu.memory_space<hbm>>
      tpu.enqueue_dma source(%dma_start3A_71 : memref<224xf32, #tpu.memory_space<hbm>>) target(%arg12 : memref<224xf32, #tpu.memory_space<vmem>>) target_semaphore(%run_scoped3A : memref<!tpu.dma_semaphore, #tpu.memory_space<semaphore_mem>>)
      %dma_wait3A_72 = arith.constant 0 : i32
      %dma_wait3A_73 = tpu.memref_slice %arg3[%select_n3A, %dma_wait3A_72] : memref<8x224xf32, #tpu.memory_space<hbm>> -> memref<1x224xf32, #tpu.memory_space<hbm>>
      %dma_wait3A_74 = tpu.memref_squeeze %dma_wait3A_73 : memref<1x224xf32, #tpu.memory_space<hbm>> -> memref<224xf32, #tpu.memory_space<hbm>>
      %dma_wait3A_75 = arith.constant 0 : i32
      %dma_wait3A_76 = tpu.memref_slice %arg3[%select_n3A, %dma_wait3A_75] : memref<8x224xf32, #tpu.memory_space<hbm>> -> memref<1x224xf32, #tpu.memory_space<hbm>>
      %dma_wait3A_77 = tpu.memref_squeeze %dma_wait3A_76 : memref<1x224xf32, #tpu.memory_space<hbm>> -> memref<224xf32, #tpu.memory_space<hbm>>
      tpu.wait_dma2 semaphore(%run_scoped3A : memref<!tpu.dma_semaphore, #tpu.memory_space<semaphore_mem>>) src(%dma_wait3A_77 : memref<224xf32, #tpu.memory_space<hbm>>) dst(%arg12 : memref<224xf32, #tpu.memory_space<vmem>>)
      tpu.yield
    }) : () -> ()
    "tpu.region"() ({
      %run_scoped3A = tpu.sem_alloc : memref<!tpu.dma_semaphore, #tpu.memory_space<semaphore_mem>>
      %dma_start3A_66 = arith.constant 0 : i32
      %dma_start3A_67 = tpu.memref_slice %arg4[%select_n3A, %dma_start3A_66] : memref<8x224xf32, #tpu.memory_space<hbm>> -> memref<1x224xf32, #tpu.memory_space<hbm>>
      %dma_start3A_68 = tpu.memref_squeeze %dma_start3A_67 : memref<1x224xf32, #tpu.memory_space<hbm>> -> memref<224xf32, #tpu.memory_space<hbm>>
      %dma_start3A_69 = arith.constant 0 : i32
      %dma_start3A_70 = tpu.memref_slice %arg4[%select_n3A, %dma_start3A_69] : memref<8x224xf32, #tpu.memory_space<hbm>> -> memref<1x224xf32, #tpu.memory_space<hbm>>
      %dma_start3A_71 = tpu.memref_squeeze %dma_start3A_70 : memref<1x224xf32, #tpu.memory_space<hbm>> -> memref<224xf32, #tpu.memory_space<hbm>>
      tpu.enqueue_dma source(%dma_start3A_71 : memref<224xf32, #tpu.memory_space<hbm>>) target(%arg13 : memref<224xf32, #tpu.memory_space<vmem>>) target_semaphore(%run_scoped3A : memref<!tpu.dma_semaphore, #tpu.memory_space<semaphore_mem>>)
      %dma_wait3A_72 = arith.constant 0 : i32
      %dma_wait3A_73 = tpu.memref_slice %arg4[%select_n3A, %dma_wait3A_72] : memref<8x224xf32, #tpu.memory_space<hbm>> -> memref<1x224xf32, #tpu.memory_space<hbm>>
      %dma_wait3A_74 = tpu.memref_squeeze %dma_wait3A_73 : memref<1x224xf32, #tpu.memory_space<hbm>> -> memref<224xf32, #tpu.memory_space<hbm>>
      %dma_wait3A_75 = arith.constant 0 : i32
      %dma_wait3A_76 = tpu.memref_slice %arg4[%select_n3A, %dma_wait3A_75] : memref<8x224xf32, #tpu.memory_space<hbm>> -> memref<1x224xf32, #tpu.memory_space<hbm>>
      %dma_wait3A_77 = tpu.memref_squeeze %dma_wait3A_76 : memref<1x224xf32, #tpu.memory_space<hbm>> -> memref<224xf32, #tpu.memory_space<hbm>>
      tpu.wait_dma2 semaphore(%run_scoped3A : memref<!tpu.dma_semaphore, #tpu.memory_space<semaphore_mem>>) src(%dma_wait3A_77 : memref<224xf32, #tpu.memory_space<hbm>>) dst(%arg13 : memref<224xf32, #tpu.memory_space<vmem>>)
      tpu.yield
    }) : () -> ()
    "tpu.region"() ({
      %run_scoped3A = tpu.sem_alloc : memref<!tpu.dma_semaphore, #tpu.memory_space<semaphore_mem>>
      %dma_start3A_66 = arith.constant 0 : i32
      %dma_start3A_67 = arith.constant 0 : i32
      %dma_start3A_68 = tpu.memref_slice %arg5[%select_n3A, %dma_start3A_66, %dma_start3A_67] : memref<8x224x16xf32, #tpu.memory_space<hbm>> -> memref<1x224x16xf32, #tpu.memory_space<hbm>>
      %dma_start3A_69 = tpu.memref_squeeze %dma_start3A_68 : memref<1x224x16xf32, #tpu.memory_space<hbm>> -> memref<224x16xf32, #tpu.memory_space<hbm>>
      %dma_start3A_70 = arith.constant 0 : i32
      %dma_start3A_71 = arith.constant 0 : i32
      %dma_start3A_72 = tpu.memref_slice %arg5[%select_n3A, %dma_start3A_70, %dma_start3A_71] : memref<8x224x16xf32, #tpu.memory_space<hbm>> -> memref<1x224x16xf32, #tpu.memory_space<hbm>>
      %dma_start3A_73 = tpu.memref_squeeze %dma_start3A_72 : memref<1x224x16xf32, #tpu.memory_space<hbm>> -> memref<224x16xf32, #tpu.memory_space<hbm>>
      tpu.enqueue_dma source(%dma_start3A_73 : memref<224x16xf32, #tpu.memory_space<hbm>>) target(%arg14 : memref<224x16xf32, #tpu.memory_space<vmem>>) target_semaphore(%run_scoped3A : memref<!tpu.dma_semaphore, #tpu.memory_space<semaphore_mem>>)
      %dma_wait3A_74 = arith.constant 0 : i32
      %dma_wait3A_75 = arith.constant 0 : i32
      %dma_wait3A_76 = tpu.memref_slice %arg5[%select_n3A, %dma_wait3A_74, %dma_wait3A_75] : memref<8x224x16xf32, #tpu.memory_space<hbm>> -> memref<1x224x16xf32, #tpu.memory_space<hbm>>
      %dma_wait3A_77 = tpu.memref_squeeze %dma_wait3A_76 : memref<1x224x16xf32, #tpu.memory_space<hbm>> -> memref<224x16xf32, #tpu.memory_space<hbm>>
      %dma_wait3A_78 = arith.constant 0 : i32
      %dma_wait3A_79 = arith.constant 0 : i32
      %dma_wait3A_80 = tpu.memref_slice %arg5[%select_n3A, %dma_wait3A_78, %dma_wait3A_79] : memref<8x224x16xf32, #tpu.memory_space<hbm>> -> memref<1x224x16xf32, #tpu.memory_space<hbm>>
      %dma_wait3A_81 = tpu.memref_squeeze %dma_wait3A_80 : memref<1x224x16xf32, #tpu.memory_space<hbm>> -> memref<224x16xf32, #tpu.memory_space<hbm>>
      tpu.wait_dma2 semaphore(%run_scoped3A : memref<!tpu.dma_semaphore, #tpu.memory_space<semaphore_mem>>) src(%dma_wait3A_81 : memref<224x16xf32, #tpu.memory_space<hbm>>) dst(%arg14 : memref<224x16xf32, #tpu.memory_space<vmem>>)
      tpu.yield
    }) : () -> ()
    "tpu.region"() ({
      %run_scoped3A = tpu.sem_alloc : memref<!tpu.dma_semaphore, #tpu.memory_space<semaphore_mem>>
      %dma_start3A_66 = arith.constant 0 : i32
      %dma_start3A_67 = arith.constant 0 : i32
      %dma_start3A_68 = tpu.memref_slice %arg6[%select_n3A, %dma_start3A_66, %dma_start3A_67] : memref<8x224x16xf32, #tpu.memory_space<hbm>> -> memref<1x224x16xf32, #tpu.memory_space<hbm>>
      %dma_start3A_69 = tpu.memref_squeeze %dma_start3A_68 : memref<1x224x16xf32, #tpu.memory_space<hbm>> -> memref<224x16xf32, #tpu.memory_space<hbm>>
      %dma_start3A_70 = arith.constant 0 : i32
      %dma_start3A_71 = arith.constant 0 : i32
      %dma_start3A_72 = tpu.memref_slice %arg6[%select_n3A, %dma_start3A_70, %dma_start3A_71] : memref<8x224x16xf32, #tpu.memory_space<hbm>> -> memref<1x224x16xf32, #tpu.memory_space<hbm>>
      %dma_start3A_73 = tpu.memref_squeeze %dma_start3A_72 : memref<1x224x16xf32, #tpu.memory_space<hbm>> -> memref<224x16xf32, #tpu.memory_space<hbm>>
      tpu.enqueue_dma source(%dma_start3A_73 : memref<224x16xf32, #tpu.memory_space<hbm>>) target(%arg15 : memref<224x16xf32, #tpu.memory_space<vmem>>) target_semaphore(%run_scoped3A : memref<!tpu.dma_semaphore, #tpu.memory_space<semaphore_mem>>)
      %dma_wait3A_74 = arith.constant 0 : i32
      %dma_wait3A_75 = arith.constant 0 : i32
      %dma_wait3A_76 = tpu.memref_slice %arg6[%select_n3A, %dma_wait3A_74, %dma_wait3A_75] : memref<8x224x16xf32, #tpu.memory_space<hbm>> -> memref<1x224x16xf32, #tpu.memory_space<hbm>>
      %dma_wait3A_77 = tpu.memref_squeeze %dma_wait3A_76 : memref<1x224x16xf32, #tpu.memory_space<hbm>> -> memref<224x16xf32, #tpu.memory_space<hbm>>
      %dma_wait3A_78 = arith.constant 0 : i32
      %dma_wait3A_79 = arith.constant 0 : i32
      %dma_wait3A_80 = tpu.memref_slice %arg6[%select_n3A, %dma_wait3A_78, %dma_wait3A_79] : memref<8x224x16xf32, #tpu.memory_space<hbm>> -> memref<1x224x16xf32, #tpu.memory_space<hbm>>
      %dma_wait3A_81 = tpu.memref_squeeze %dma_wait3A_80 : memref<1x224x16xf32, #tpu.memory_space<hbm>> -> memref<224x16xf32, #tpu.memory_space<hbm>>
      tpu.wait_dma2 semaphore(%run_scoped3A : memref<!tpu.dma_semaphore, #tpu.memory_space<semaphore_mem>>) src(%dma_wait3A_81 : memref<224x16xf32, #tpu.memory_space<hbm>>) dst(%arg15 : memref<224x16xf32, #tpu.memory_space<vmem>>)
      tpu.yield
    }) : () -> ()
    %dma_start3A = arith.constant 0 : i32
    %dma_start3A_33 = arith.constant 0 : i32
    %dma_start3A_34 = tpu.memref_slice %arg8[%dma_start3A, %dma_start3A_33] : memref<224x225xf32, #tpu.memory_space<vmem>> -> memref<224x224xf32, #tpu.memory_space<vmem>>
    %dma_start3A_35 = arith.constant 0 : i32
    %dma_start3A_36 = arith.constant 0 : i32
    %dma_start3A_37 = tpu.memref_slice %arg2[%select_n3A, %mul3A_32, %dma_start3A_35, %dma_start3A_36] : memref<8x192x224x224xf32, #tpu.memory_space<hbm>> -> memref<1x1x224x224xf32, #tpu.memory_space<hbm>>
    %dma_start3A_38 = tpu.memref_squeeze %dma_start3A_37 : memref<1x1x224x224xf32, #tpu.memory_space<hbm>> -> memref<224x224xf32, #tpu.memory_space<hbm>>
    %dma_start3A_39 = arith.constant 0 : i32
    %dma_start3A_40 = arith.constant 0 : i32
    %dma_start3A_41 = tpu.memref_slice %arg8[%dma_start3A_39, %dma_start3A_40] : memref<224x225xf32, #tpu.memory_space<vmem>> -> memref<224x224xf32, #tpu.memory_space<vmem>>
    %dma_start3A_42 = arith.constant 0 : i32
    %dma_start3A_43 = arith.constant 0 : i32
    %dma_start3A_44 = tpu.memref_slice %arg2[%select_n3A, %mul3A_32, %dma_start3A_42, %dma_start3A_43] : memref<8x192x224x224xf32, #tpu.memory_space<hbm>> -> memref<1x1x224x224xf32, #tpu.memory_space<hbm>>
    %dma_start3A_45 = tpu.memref_squeeze %dma_start3A_44 : memref<1x1x224x224xf32, #tpu.memory_space<hbm>> -> memref<224x224xf32, #tpu.memory_space<hbm>>
    tpu.enqueue_dma source(%dma_start3A_45 : memref<224x224xf32, #tpu.memory_space<hbm>>) target(%dma_start3A_41 : memref<224x224xf32, #tpu.memory_space<vmem>>) target_semaphore(%arg16 : memref<!tpu.dma_semaphore, #tpu.memory_space<semaphore_mem>>)
    %scan3A = arith.constant 0 : i32
    %scan3A_46 = arith.constant 0 : i32
    %scan3A_47 = arith.constant 24 : i32
    %scan3A_48 = arith.addi %scan3A_46, %scan3A_47 : i32
    %scan3A_49 = arith.constant 1 : i32
    scf.for %scan3A_66 = %scan3A_46 to %scan3A_48 step %scan3A_49  : i32 {
      %mul3A_67 = arith.constant 2 : i32
      %mul3A_68 = arith.muli %scan3A_66, %mul3A_67 : i32
      %add3A_69 = arith.constant 0 : i32
      %add3A_70 = arith.addi %mul3A_68, %add3A_69 : i32
      %add3A_71 = arith.addi %mul3A_32, %add3A_70 : i32
      %add3A_72 = arith.constant 1 : i32
      %add3A_73 = arith.addi %add3A_70, %add3A_72 : i32
      %lt3A_74 = arith.constant 48 : i32
      %lt3A_75 = arith.cmpi slt, %add3A_73, %lt3A_74 : i32
      %convert_element_type3A = arith.extui %lt3A_75 : i1 to i32
      %cond3A = arith.constant 0 : i32
      %cond3A_76 = arith.cmpi ne, %convert_element_type3A, %cond3A : i32
      scf.if %cond3A_76 {
        %add3A_129 = arith.addi %mul3A_32, %add3A_73 : i32
        %dma_start3A_130 = arith.constant 0 : i32
        %dma_start3A_131 = arith.constant 0 : i32
        %dma_start3A_132 = tpu.memref_slice %arg9[%dma_start3A_130, %dma_start3A_131] : memref<224x225xf32, #tpu.memory_space<vmem>> -> memref<224x224xf32, #tpu.memory_space<vmem>>
        %dma_start3A_133 = arith.constant 0 : i32
        %dma_start3A_134 = arith.constant 0 : i32
        %dma_start3A_135 = tpu.memref_slice %arg2[%select_n3A, %add3A_129, %dma_start3A_133, %dma_start3A_134] : memref<8x192x224x224xf32, #tpu.memory_space<hbm>> -> memref<1x1x224x224xf32, #tpu.memory_space<hbm>>
        %dma_start3A_136 = tpu.memref_squeeze %dma_start3A_135 : memref<1x1x224x224xf32, #tpu.memory_space<hbm>> -> memref<224x224xf32, #tpu.memory_space<hbm>>
        %dma_start3A_137 = arith.constant 0 : i32
        %dma_start3A_138 = arith.constant 0 : i32
        %dma_start3A_139 = tpu.memref_slice %arg9[%dma_start3A_137, %dma_start3A_138] : memref<224x225xf32, #tpu.memory_space<vmem>> -> memref<224x224xf32, #tpu.memory_space<vmem>>
        %dma_start3A_140 = arith.constant 0 : i32
        %dma_start3A_141 = arith.constant 0 : i32
        %dma_start3A_142 = tpu.memref_slice %arg2[%select_n3A, %add3A_129, %dma_start3A_140, %dma_start3A_141] : memref<8x192x224x224xf32, #tpu.memory_space<hbm>> -> memref<1x1x224x224xf32, #tpu.memory_space<hbm>>
        %dma_start3A_143 = tpu.memref_squeeze %dma_start3A_142 : memref<1x1x224x224xf32, #tpu.memory_space<hbm>> -> memref<224x224xf32, #tpu.memory_space<hbm>>
        tpu.enqueue_dma source(%dma_start3A_143 : memref<224x224xf32, #tpu.memory_space<hbm>>) target(%dma_start3A_139 : memref<224x224xf32, #tpu.memory_space<vmem>>) target_semaphore(%arg17 : memref<!tpu.dma_semaphore, #tpu.memory_space<semaphore_mem>>)
      } else {
      }
      %dma_wait3A_77 = arith.constant 0 : i32
      %dma_wait3A_78 = arith.constant 0 : i32
      %dma_wait3A_79 = tpu.memref_slice %arg8[%dma_wait3A_77, %dma_wait3A_78] : memref<224x225xf32, #tpu.memory_space<vmem>> -> memref<224x224xf32, #tpu.memory_space<vmem>>
      %dma_wait3A_80 = arith.constant 0 : i32
      %dma_wait3A_81 = arith.constant 0 : i32
      %dma_wait3A_82 = tpu.memref_slice %arg2[%select_n3A, %add3A_71, %dma_wait3A_80, %dma_wait3A_81] : memref<8x192x224x224xf32, #tpu.memory_space<hbm>> -> memref<1x1x224x224xf32, #tpu.memory_space<hbm>>
      %dma_wait3A_83 = tpu.memref_squeeze %dma_wait3A_82 : memref<1x1x224x224xf32, #tpu.memory_space<hbm>> -> memref<224x224xf32, #tpu.memory_space<hbm>>
      %dma_wait3A_84 = arith.constant 0 : i32
      %dma_wait3A_85 = arith.constant 0 : i32
      %dma_wait3A_86 = tpu.memref_slice %arg8[%dma_wait3A_84, %dma_wait3A_85] : memref<224x225xf32, #tpu.memory_space<vmem>> -> memref<224x224xf32, #tpu.memory_space<vmem>>
      %dma_wait3A_87 = arith.constant 0 : i32
      %dma_wait3A_88 = arith.constant 0 : i32
      %dma_wait3A_89 = tpu.memref_slice %arg2[%select_n3A, %add3A_71, %dma_wait3A_87, %dma_wait3A_88] : memref<8x192x224x224xf32, #tpu.memory_space<hbm>> -> memref<1x1x224x224xf32, #tpu.memory_space<hbm>>
      %dma_wait3A_90 = tpu.memref_squeeze %dma_wait3A_89 : memref<1x1x224x224xf32, #tpu.memory_space<hbm>> -> memref<224x224xf32, #tpu.memory_space<hbm>>
      tpu.wait_dma2 semaphore(%arg16 : memref<!tpu.dma_semaphore, #tpu.memory_space<semaphore_mem>>) src(%dma_wait3A_90 : memref<224x224xf32, #tpu.memory_space<hbm>>) dst(%dma_wait3A_86 : memref<224x224xf32, #tpu.memory_space<vmem>>)
      %scan3A_91 = arith.constant 0 : i32
      %scan3A_92 = arith.constant 0 : i32
      %scan3A_93 = arith.constant 4 : i32
      %scan3A_94 = arith.addi %scan3A_92, %scan3A_93 : i32
      %scan3A_95 = arith.constant 1 : i32
      scf.for %scan3A_129 = %scan3A_92 to %scan3A_94 step %scan3A_95  : i32 {
        %mul3A_130 = arith.constant 2 : i32
        %mul3A_131 = arith.muli %scan3A_129, %mul3A_130 : i32
        %add3A_132 = arith.constant 0 : i32
        %add3A_133 = arith.addi %mul3A_131, %add3A_132 : i32
        %mul3A_134 = arith.constant 28 : i32
        %mul3A_135 = arith.muli %add3A_133, %mul3A_134 : i32
        %mul3A_136 = arith.constant 8 : i32
        %mul3A_137 = arith.muli %add3A_70, %mul3A_136 : i32
        %add3A_138 = arith.addi %mul3A_137, %add3A_133 : i32
        %ge3A = arith.constant 2 : i32
        %ge3A_139 = arith.cmpi sge, %add3A_138, %ge3A : i32
        %convert_element_type3A_140 = arith.extui %ge3A_139 : i1 to i32
        %cond3A_141 = arith.constant 0 : i32
        %cond3A_142 = arith.cmpi ne, %convert_element_type3A_140, %cond3A_141 : i32
        scf.if %cond3A_142 {
          %dma_wait3A_181 = arith.constant 0 : i32
          %dma_wait3A_182 = arith.constant 0 : i32
          %dma_wait3A_183 = tpu.memref_slice %arg7[%select_n3A, %add3A_71, %dma_wait3A_181, %dma_wait3A_182] : memref<8x192x224x224xf32, #tpu.memory_space<hbm>> -> memref<1x1x28x224xf32, #tpu.memory_space<hbm>>
          %dma_wait3A_184 = tpu.memref_squeeze %dma_wait3A_183 : memref<1x1x28x224xf32, #tpu.memory_space<hbm>> -> memref<28x224xf32, #tpu.memory_space<hbm>>
          %dma_wait3A_185 = arith.constant 0 : i32
          %dma_wait3A_186 = arith.constant 0 : i32
          %dma_wait3A_187 = tpu.memref_slice %arg7[%select_n3A, %add3A_71, %dma_wait3A_185, %dma_wait3A_186] : memref<8x192x224x224xf32, #tpu.memory_space<hbm>> -> memref<1x1x28x224xf32, #tpu.memory_space<hbm>>
          %dma_wait3A_188 = tpu.memref_squeeze %dma_wait3A_187 : memref<1x1x28x224xf32, #tpu.memory_space<hbm>> -> memref<28x224xf32, #tpu.memory_space<hbm>>
          tpu.wait_dma2 semaphore(%arg18 : memref<!tpu.dma_semaphore, #tpu.memory_space<semaphore_mem>>) src(%arg10 : memref<28x224xf32, #tpu.memory_space<vmem>>) dst(%dma_wait3A_188 : memref<28x224xf32, #tpu.memory_space<hbm>>)
        } else {
        }
        %scan3A_143 = arith.constant 0 : i32
        %scan3A_144 = arith.constant 0 : i32
        %scan3A_145 = arith.constant 28 : i32
        %scan3A_146 = arith.addi %scan3A_144, %scan3A_145 : i32
        %scan3A_147 = arith.constant 1 : i32
        scf.for %scan3A_181 = %scan3A_144 to %scan3A_146 step %scan3A_147  : i32 {
          %add3A_182 = arith.addi %mul3A_135, %scan3A_181 : i32
          %get3A = arith.index_cast %add3A_182 : i32 to index
          %get3A_183 = arith.constant 0 : index
          %get3A_184 = tpu.vector_load %arg14[%get3A, %get3A_183] {strides = array<i32>} : memref<224x16xf32, #tpu.memory_space<vmem>>, vector<16xf32>,
          %get3A_185 = arith.index_cast %add3A_182 : i32 to index
          %get3A_186 = arith.constant 0 : index
          %get3A_187 = tpu.vector_load %arg15[%get3A_185, %get3A_186] {strides = array<i32>} : memref<224x16xf32, #tpu.memory_space<vmem>>, vector<16xf32>,
          %get3A_188 = arith.constant 0 : index
          %get3A_189 = tpu.vector_load %arg12[%get3A_188] {strides = array<i32>} : memref<224xf32, #tpu.memory_space<vmem>>, vector<16xf32>,
          %add3A_190 = arith.addf %get3A_189, %get3A_184 : vector<16xf32>
          %jit3A_191 = arith.constant 0.000000e+00 : f32
          %jit3A_192 = arith.constant 222.999985 : f32
          %max3A = vector.broadcast %jit3A_191 : f32 to vector<16xf32>
          %max3A_193 = arith.maximumf %max3A, %add3A_190 : vector<16xf32>
          %min3A = vector.broadcast %jit3A_192 : f32 to vector<16xf32>
          %min3A_194 = arith.minimumf %min3A, %max3A_193 : vector<16xf32>
          %get3A_195 = arith.constant 0 : index
          %get3A_196 = tpu.vector_load %arg13[%get3A_195] {strides = array<i32>} : memref<224xf32, #tpu.memory_space<vmem>>, vector<16xf32>,
          %add3A_197 = arith.addf %get3A_196, %get3A_187 : vector<16xf32>
          %jit3A_198 = arith.constant 0.000000e+00 : f32
          %jit3A_199 = arith.constant 222.999985 : f32
          %max3A_200 = vector.broadcast %jit3A_198 : f32 to vector<16xf32>
          %max3A_201 = arith.maximumf %max3A_200, %add3A_197 : vector<16xf32>
          %min3A_202 = vector.broadcast %jit3A_199 : f32 to vector<16xf32>
          %min3A_203 = arith.minimumf %min3A_202, %max3A_201 : vector<16xf32>
          %convert_element_type3A_204 = arith.fptosi %min3A_194 : vector<16xf32> to vector<16xi32>
          %convert_element_type3A_205 = arith.fptosi %min3A_203 : vector<16xf32> to vector<16xi32>
          %convert_element_type3A_206 = arith.sitofp %convert_element_type3A_204 : vector<16xi32> to vector<16xf32>
          %sub3A_207 = arith.subf %min3A_194, %convert_element_type3A_206 : vector<16xf32>
          %convert_element_type3A_208 = arith.sitofp %convert_element_type3A_205 : vector<16xi32> to vector<16xf32>
          %sub3A_209 = arith.subf %min3A_203, %convert_element_type3A_208 : vector<16xf32>
          %add3A_210 = arith.constant 1 : i32
          %add3A_211 = vector.broadcast %add3A_210 : i32 to vector<16xi32>
          %add3A_212 = arith.addi %convert_element_type3A_204, %add3A_211 : vector<16xi32>
          %add3A_213 = arith.constant 1 : i32
          %add3A_214 = vector.broadcast %add3A_213 : i32 to vector<16xi32>
          %add3A_215 = arith.addi %convert_element_type3A_205, %add3A_214 : vector<16xi32>
          %gather3A = tpu.vector_load_idx %arg8[%convert_element_type3A_205, %convert_element_type3A_204] : memref<224x225xf32, #tpu.memory_space<vmem>>[vector<16xi32>, vector<16xi32>], vector<16xf32>,
          %gather3A_216 = tpu.vector_load_idx %arg8[%convert_element_type3A_205, %add3A_212] : memref<224x225xf32, #tpu.memory_space<vmem>>[vector<16xi32>, vector<16xi32>], vector<16xf32>,
          %gather3A_217 = tpu.vector_load_idx %arg8[%add3A_215, %convert_element_type3A_204] : memref<224x225xf32, #tpu.memory_space<vmem>>[vector<16xi32>, vector<16xi32>], vector<16xf32>,
          %gather3A_218 = tpu.vector_load_idx %arg8[%add3A_215, %add3A_212] : memref<224x225xf32, #tpu.memory_space<vmem>>[vector<16xi32>, vector<16xi32>], vector<16xf32>,
          %sub3A_219 = arith.subf %gather3A_216, %gather3A : vector<16xf32>
          %mul3A_220 = arith.mulf %sub3A_207, %sub3A_219 : vector<16xf32>
          %add3A_221 = arith.addf %gather3A, %mul3A_220 : vector<16xf32>
          %sub3A_222 = arith.subf %gather3A_218, %gather3A_217 : vector<16xf32>
          %mul3A_223 = arith.mulf %sub3A_207, %sub3A_222 : vector<16xf32>
          %add3A_224 = arith.addf %gather3A_217, %mul3A_223 : vector<16xf32>
          %sub3A_225 = arith.subf %add3A_224, %add3A_221 : vector<16xf32>
          %mul3A_226 = arith.mulf %sub3A_209, %sub3A_225 : vector<16xf32>
          %add3A_227 = arith.addf %add3A_221, %mul3A_226 : vector<16xf32>
          %swap3A = arith.index_cast %scan3A_181 : i32 to index
          %swap3A_228 = arith.constant 0 : index
          %swap3A_229 = tpu.vector_load %arg10[%swap3A, %swap3A_228] {strides = array<i32>} : memref<28x224xf32, #tpu.memory_space<vmem>>, vector<16xf32>,
          tpu.vector_store %arg10[%swap3A, %swap3A_228], %add3A_227 {strides = array<i32>} : memref<28x224xf32, #tpu.memory_space<vmem>>, vector<16xf32>,
          %get3A_230 = arith.constant 16 : index
          %get3A_231 = tpu.vector_load %arg12[%get3A_230] {strides = array<i32>} : memref<224xf32, #tpu.memory_space<vmem>>, vector<16xf32>,
          %add3A_232 = arith.addf %get3A_231, %get3A_184 : vector<16xf32>
          %jit3A_233 = arith.constant 0.000000e+00 : f32
          %jit3A_234 = arith.constant 222.999985 : f32
          %max3A_235 = vector.broadcast %jit3A_233 : f32 to vector<16xf32>
          %max3A_236 = arith.maximumf %max3A_235, %add3A_232 : vector<16xf32>
          %min3A_237 = vector.broadcast %jit3A_234 : f32 to vector<16xf32>
          %min3A_238 = arith.minimumf %min3A_237, %max3A_236 : vector<16xf32>
          %get3A_239 = arith.constant 16 : index
          %get3A_240 = tpu.vector_load %arg13[%get3A_239] {strides = array<i32>} : memref<224xf32, #tpu.memory_space<vmem>>, vector<16xf32>,
          %add3A_241 = arith.addf %get3A_240, %get3A_187 : vector<16xf32>
          %jit3A_242 = arith.constant 0.000000e+00 : f32
          %jit3A_243 = arith.constant 222.999985 : f32
          %max3A_244 = vector.broadcast %jit3A_242 : f32 to vector<16xf32>
          %max3A_245 = arith.maximumf %max3A_244, %add3A_241 : vector<16xf32>
          %min3A_246 = vector.broadcast %jit3A_243 : f32 to vector<16xf32>
          %min3A_247 = arith.minimumf %min3A_246, %max3A_245 : vector<16xf32>
          %convert_element_type3A_248 = arith.fptosi %min3A_238 : vector<16xf32> to vector<16xi32>
          %convert_element_type3A_249 = arith.fptosi %min3A_247 : vector<16xf32> to vector<16xi32>
          %convert_element_type3A_250 = arith.sitofp %convert_element_type3A_248 : vector<16xi32> to vector<16xf32>
          %sub3A_251 = arith.subf %min3A_238, %convert_element_type3A_250 : vector<16xf32>
          %convert_element_type3A_252 = arith.sitofp %convert_element_type3A_249 : vector<16xi32> to vector<16xf32>
          %sub3A_253 = arith.subf %min3A_247, %convert_element_type3A_252 : vector<16xf32>
          %add3A_254 = arith.constant 1 : i32
          %add3A_255 = vector.broadcast %add3A_254 : i32 to vector<16xi32>
          %add3A_256 = arith.addi %convert_element_type3A_248, %add3A_255 : vector<16xi32>
          %add3A_257 = arith.constant 1 : i32
          %add3A_258 = vector.broadcast %add3A_257 : i32 to vector<16xi32>
          %add3A_259 = arith.addi %convert_element_type3A_249, %add3A_258 : vector<16xi32>
          %gather3A_260 = tpu.vector_load_idx %arg8[%convert_element_type3A_249, %convert_element_type3A_248] : memref<224x225xf32, #tpu.memory_space<vmem>>[vector<16xi32>, vector<16xi32>], vector<16xf32>,
          %gather3A_261 = tpu.vector_load_idx %arg8[%convert_element_type3A_249, %add3A_256] : memref<224x225xf32, #tpu.memory_space<vmem>>[vector<16xi32>, vector<16xi32>], vector<16xf32>,
          %gather3A_262 = tpu.vector_load_idx %arg8[%add3A_259, %convert_element_type3A_248] : memref<224x225xf32, #tpu.memory_space<vmem>>[vector<16xi32>, vector<16xi32>], vector<16xf32>,
          %gather3A_263 = tpu.vector_load_idx %arg8[%add3A_259, %add3A_256] : memref<224x225xf32, #tpu.memory_space<vmem>>[vector<16xi32>, vector<16xi32>], vector<16xf32>,
          %sub3A_264 = arith.subf %gather3A_261, %gather3A_260 : vector<16xf32>
          %mul3A_265 = arith.mulf %sub3A_251, %sub3A_264 : vector<16xf32>
          %add3A_266 = arith.addf %gather3A_260, %mul3A_265 : vector<16xf32>
          %sub3A_267 = arith.subf %gather3A_263, %gather3A_262 : vector<16xf32>
          %mul3A_268 = arith.mulf %sub3A_251, %sub3A_267 : vector<16xf32>
          %add3A_269 = arith.addf %gather3A_262, %mul3A_268 : vector<16xf32>
          %sub3A_270 = arith.subf %add3A_269, %add3A_266 : vector<16xf32>
          %mul3A_271 = arith.mulf %sub3A_253, %sub3A_270 : vector<16xf32>
          %add3A_272 = arith.addf %add3A_266, %mul3A_271 : vector<16xf32>
          %swap3A_273 = arith.index_cast %scan3A_181 : i32 to index
          %swap3A_274 = arith.constant 16 : index
          %swap3A_275 = tpu.vector_load %arg10[%swap3A_273, %swap3A_274] {strides = array<i32>} : memref<28x224xf32, #tpu.memory_space<vmem>>, vector<16xf32>,
          tpu.vector_store %arg10[%swap3A_273, %swap3A_274], %add3A_272 {strides = array<i32>} : memref<28x224xf32, #tpu.memory_space<vmem>>, vector<16xf32>,
          %get3A_276 = arith.constant 32 : index
          %get3A_277 = tpu.vector_load %arg12[%get3A_276] {strides = array<i32>} : memref<224xf32, #tpu.memory_space<vmem>>, vector<16xf32>,
          %add3A_278 = arith.addf %get3A_277, %get3A_184 : vector<16xf32>
          %jit3A_279 = arith.constant 0.000000e+00 : f32
          %jit3A_280 = arith.constant 222.999985 : f32
          %max3A_281 = vector.broadcast %jit3A_279 : f32 to vector<16xf32>
          %max3A_282 = arith.maximumf %max3A_281, %add3A_278 : vector<16xf32>
          %min3A_283 = vector.broadcast %jit3A_280 : f32 to vector<16xf32>
          %min3A_284 = arith.minimumf %min3A_283, %max3A_282 : vector<16xf32>
          %get3A_285 = arith.constant 32 : index
          %get3A_286 = tpu.vector_load %arg13[%get3A_285] {strides = array<i32>} : memref<224xf32, #tpu.memory_space<vmem>>, vector<16xf32>,
          %add3A_287 = arith.addf %get3A_286, %get3A_187 : vector<16xf32>
          %jit3A_288 = arith.constant 0.000000e+00 : f32
          %jit3A_289 = arith.constant 222.999985 : f32
          %max3A_290 = vector.broadcast %jit3A_288 : f32 to vector<16xf32>
          %max3A_291 = arith.maximumf %max3A_290, %add3A_287 : vector<16xf32>
          %min3A_292 = vector.broadcast %jit3A_289 : f32 to vector<16xf32>
          %min3A_293 = arith.minimumf %min3A_292, %max3A_291 : vector<16xf32>
          %convert_element_type3A_294 = arith.fptosi %min3A_284 : vector<16xf32> to vector<16xi32>
          %convert_element_type3A_295 = arith.fptosi %min3A_293 : vector<16xf32> to vector<16xi32>
          %convert_element_type3A_296 = arith.sitofp %convert_element_type3A_294 : vector<16xi32> to vector<16xf32>
          %sub3A_297 = arith.subf %min3A_284, %convert_element_type3A_296 : vector<16xf32>
          %convert_element_type3A_298 = arith.sitofp %convert_element_type3A_295 : vector<16xi32> to vector<16xf32>
          %sub3A_299 = arith.subf %min3A_293, %convert_element_type3A_298 : vector<16xf32>
          %add3A_300 = arith.constant 1 : i32
          %add3A_301 = vector.broadcast %add3A_300 : i32 to vector<16xi32>
          %add3A_302 = arith.addi %convert_element_type3A_294, %add3A_301 : vector<16xi32>
          %add3A_303 = arith.constant 1 : i32
          %add3A_304 = vector.broadcast %add3A_303 : i32 to vector<16xi32>
          %add3A_305 = arith.addi %convert_element_type3A_295, %add3A_304 : vector<16xi32>
          %gather3A_306 = tpu.vector_load_idx %arg8[%convert_element_type3A_295, %convert_element_type3A_294] : memref<224x225xf32, #tpu.memory_space<vmem>>[vector<16xi32>, vector<16xi32>], vector<16xf32>,
          %gather3A_307 = tpu.vector_load_idx %arg8[%convert_element_type3A_295, %add3A_302] : memref<224x225xf32, #tpu.memory_space<vmem>>[vector<16xi32>, vector<16xi32>], vector<16xf32>,
          %gather3A_308 = tpu.vector_load_idx %arg8[%add3A_305, %convert_element_type3A_294] : memref<224x225xf32, #tpu.memory_space<vmem>>[vector<16xi32>, vector<16xi32>], vector<16xf32>,
          %gather3A_309 = tpu.vector_load_idx %arg8[%add3A_305, %add3A_302] : memref<224x225xf32, #tpu.memory_space<vmem>>[vector<16xi32>, vector<16xi32>], vector<16xf32>,
          %sub3A_310 = arith.subf %gather3A_307, %gather3A_306 : vector<16xf32>
          %mul3A_311 = arith.mulf %sub3A_297, %sub3A_310 : vector<16xf32>
          %add3A_312 = arith.addf %gather3A_306, %mul3A_311 : vector<16xf32>
          %sub3A_313 = arith.subf %gather3A_309, %gather3A_308 : vector<16xf32>
          %mul3A_314 = arith.mulf %sub3A_297, %sub3A_313 : vector<16xf32>
          %add3A_315 = arith.addf %gather3A_308, %mul3A_314 : vector<16xf32>
          %sub3A_316 = arith.subf %add3A_315, %add3A_312 : vector<16xf32>
          %mul3A_317 = arith.mulf %sub3A_299, %sub3A_316 : vector<16xf32>
          %add3A_318 = arith.addf %add3A_312, %mul3A_317 : vector<16xf32>
          %swap3A_319 = arith.index_cast %scan3A_181 : i32 to index
          %swap3A_320 = arith.constant 32 : index
          %swap3A_321 = tpu.vector_load %arg10[%swap3A_319, %swap3A_320] {strides = array<i32>} : memref<28x224xf32, #tpu.memory_space<vmem>>, vector<16xf32>,
          tpu.vector_store %arg10[%swap3A_319, %swap3A_320], %add3A_318 {strides = array<i32>} : memref<28x224xf32, #tpu.memory_space<vmem>>, vector<16xf32>,
          %get3A_322 = arith.constant 48 : index
          %get3A_323 = tpu.vector_load %arg12[%get3A_322] {strides = array<i32>} : memref<224xf32, #tpu.memory_space<vmem>>, vector<16xf32>,
          %add3A_324 = arith.addf %get3A_323, %get3A_184 : vector<16xf32>
          %jit3A_325 = arith.constant 0.000000e+00 : f32
          %jit3A_326 = arith.constant 222.999985 : f32
          %max3A_327 = vector.broadcast %jit3A_325 : f32 to vector<16xf32>
          %max3A_328 = arith.maximumf %max3A_327, %add3A_324 : vector<16xf32>
          %min3A_329 = vector.broadcast %jit3A_326 : f32 to vector<16xf32>
          %min3A_330 = arith.minimumf %min3A_329, %max3A_328 : vector<16xf32>
          %get3A_331 = arith.constant 48 : index
          %get3A_332 = tpu.vector_load %arg13[%get3A_331] {strides = array<i32>} : memref<224xf32, #tpu.memory_space<vmem>>, vector<16xf32>,
          %add3A_333 = arith.addf %get3A_332, %get3A_187 : vector<16xf32>
          %jit3A_334 = arith.constant 0.000000e+00 : f32
          %jit3A_335 = arith.constant 222.999985 : f32
          %max3A_336 = vector.broadcast %jit3A_334 : f32 to vector<16xf32>
          %max3A_337 = arith.maximumf %max3A_336, %add3A_333 : vector<16xf32>
          %min3A_338 = vector.broadcast %jit3A_335 : f32 to vector<16xf32>
          %min3A_339 = arith.minimumf %min3A_338, %max3A_337 : vector<16xf32>
          %convert_element_type3A_340 = arith.fptosi %min3A_330 : vector<16xf32> to vector<16xi32>
          %convert_element_type3A_341 = arith.fptosi %min3A_339 : vector<16xf32> to vector<16xi32>
          %convert_element_type3A_342 = arith.sitofp %convert_element_type3A_340 : vector<16xi32> to vector<16xf32>
          %sub3A_343 = arith.subf %min3A_330, %convert_element_type3A_342 : vector<16xf32>
          %convert_element_type3A_344 = arith.sitofp %convert_element_type3A_341 : vector<16xi32> to vector<16xf32>
          %sub3A_345 = arith.subf %min3A_339, %convert_element_type3A_344 : vector<16xf32>
          %add3A_346 = arith.constant 1 : i32
          %add3A_347 = vector.broadcast %add3A_346 : i32 to vector<16xi32>
          %add3A_348 = arith.addi %convert_element_type3A_340, %add3A_347 : vector<16xi32>
          %add3A_349 = arith.constant 1 : i32
          %add3A_350 = vector.broadcast %add3A_349 : i32 to vector<16xi32>
          %add3A_351 = arith.addi %convert_element_type3A_341, %add3A_350 : vector<16xi32>
          %gather3A_352 = tpu.vector_load_idx %arg8[%convert_element_type3A_341, %convert_element_type3A_340] : memref<224x225xf32, #tpu.memory_space<vmem>>[vector<16xi32>, vector<16xi32>], vector<16xf32>,
          %gather3A_353 = tpu.vector_load_idx %arg8[%convert_element_type3A_341, %add3A_348] : memref<224x225xf32, #tpu.memory_space<vmem>>[vector<16xi32>, vector<16xi32>], vector<16xf32>,
          %gather3A_354 = tpu.vector_load_idx %arg8[%add3A_351, %convert_element_type3A_340] : memref<224x225xf32, #tpu.memory_space<vmem>>[vector<16xi32>, vector<16xi32>], vector<16xf32>,
          %gather3A_355 = tpu.vector_load_idx %arg8[%add3A_351, %add3A_348] : memref<224x225xf32, #tpu.memory_space<vmem>>[vector<16xi32>, vector<16xi32>], vector<16xf32>,
          %sub3A_356 = arith.subf %gather3A_353, %gather3A_352 : vector<16xf32>
          %mul3A_357 = arith.mulf %sub3A_343, %sub3A_356 : vector<16xf32>
          %add3A_358 = arith.addf %gather3A_352, %mul3A_357 : vector<16xf32>
          %sub3A_359 = arith.subf %gather3A_355, %gather3A_354 : vector<16xf32>
          %mul3A_360 = arith.mulf %sub3A_343, %sub3A_359 : vector<16xf32>
          %add3A_361 = arith.addf %gather3A_354, %mul3A_360 : vector<16xf32>
          %sub3A_362 = arith.subf %add3A_361, %add3A_358 : vector<16xf32>
          %mul3A_363 = arith.mulf %sub3A_345, %sub3A_362 : vector<16xf32>
          %add3A_364 = arith.addf %add3A_358, %mul3A_363 : vector<16xf32>
          %swap3A_365 = arith.index_cast %scan3A_181 : i32 to index
          %swap3A_366 = arith.constant 48 : index
          %swap3A_367 = tpu.vector_load %arg10[%swap3A_365, %swap3A_366] {strides = array<i32>} : memref<28x224xf32, #tpu.memory_space<vmem>>, vector<16xf32>,
          tpu.vector_store %arg10[%swap3A_365, %swap3A_366], %add3A_364 {strides = array<i32>} : memref<28x224xf32, #tpu.memory_space<vmem>>, vector<16xf32>,
          %get3A_368 = arith.constant 64 : index
          %get3A_369 = tpu.vector_load %arg12[%get3A_368] {strides = array<i32>} : memref<224xf32, #tpu.memory_space<vmem>>, vector<16xf32>,
          %add3A_370 = arith.addf %get3A_369, %get3A_184 : vector<16xf32>
          %jit3A_371 = arith.constant 0.000000e+00 : f32
          %jit3A_372 = arith.constant 222.999985 : f32
          %max3A_373 = vector.broadcast %jit3A_371 : f32 to vector<16xf32>
          %max3A_374 = arith.maximumf %max3A_373, %add3A_370 : vector<16xf32>
          %min3A_375 = vector.broadcast %jit3A_372 : f32 to vector<16xf32>
          %min3A_376 = arith.minimumf %min3A_375, %max3A_374 : vector<16xf32>
          %get3A_377 = arith.constant 64 : index
          %get3A_378 = tpu.vector_load %arg13[%get3A_377] {strides = array<i32>} : memref<224xf32, #tpu.memory_space<vmem>>, vector<16xf32>,
          %add3A_379 = arith.addf %get3A_378, %get3A_187 : vector<16xf32>
          %jit3A_380 = arith.constant 0.000000e+00 : f32
          %jit3A_381 = arith.constant 222.999985 : f32
          %max3A_382 = vector.broadcast %jit3A_380 : f32 to vector<16xf32>
          %max3A_383 = arith.maximumf %max3A_382, %add3A_379 : vector<16xf32>
          %min3A_384 = vector.broadcast %jit3A_381 : f32 to vector<16xf32>
          %min3A_385 = arith.minimumf %min3A_384, %max3A_383 : vector<16xf32>
          %convert_element_type3A_386 = arith.fptosi %min3A_376 : vector<16xf32> to vector<16xi32>
          %convert_element_type3A_387 = arith.fptosi %min3A_385 : vector<16xf32> to vector<16xi32>
          %convert_element_type3A_388 = arith.sitofp %convert_element_type3A_386 : vector<16xi32> to vector<16xf32>
          %sub3A_389 = arith.subf %min3A_376, %convert_element_type3A_388 : vector<16xf32>
          %convert_element_type3A_390 = arith.sitofp %convert_element_type3A_387 : vector<16xi32> to vector<16xf32>
          %sub3A_391 = arith.subf %min3A_385, %convert_element_type3A_390 : vector<16xf32>
          %add3A_392 = arith.constant 1 : i32
          %add3A_393 = vector.broadcast %add3A_392 : i32 to vector<16xi32>
          %add3A_394 = arith.addi %convert_element_type3A_386, %add3A_393 : vector<16xi32>
          %add3A_395 = arith.constant 1 : i32
          %add3A_396 = vector.broadcast %add3A_395 : i32 to vector<16xi32>
          %add3A_397 = arith.addi %convert_element_type3A_387, %add3A_396 : vector<16xi32>
          %gather3A_398 = tpu.vector_load_idx %arg8[%convert_element_type3A_387, %convert_element_type3A_386] : memref<224x225xf32, #tpu.memory_space<vmem>>[vector<16xi32>, vector<16xi32>], vector<16xf32>,
          %gather3A_399 = tpu.vector_load_idx %arg8[%convert_element_type3A_387, %add3A_394] : memref<224x225xf32, #tpu.memory_space<vmem>>[vector<16xi32>, vector<16xi32>], vector<16xf32>,
          %gather3A_400 = tpu.vector_load_idx %arg8[%add3A_397, %convert_element_type3A_386] : memref<224x225xf32, #tpu.memory_space<vmem>>[vector<16xi32>, vector<16xi32>], vector<16xf32>,
          %gather3A_401 = tpu.vector_load_idx %arg8[%add3A_397, %add3A_394] : memref<224x225xf32, #tpu.memory_space<vmem>>[vector<16xi32>, vector<16xi32>], vector<16xf32>,
          %sub3A_402 = arith.subf %gather3A_399, %gather3A_398 : vector<16xf32>
          %mul3A_403 = arith.mulf %sub3A_389, %sub3A_402 : vector<16xf32>
          %add3A_404 = arith.addf %gather3A_398, %mul3A_403 : vector<16xf32>
          %sub3A_405 = arith.subf %gather3A_401, %gather3A_400 : vector<16xf32>
          %mul3A_406 = arith.mulf %sub3A_389, %sub3A_405 : vector<16xf32>
          %add3A_407 = arith.addf %gather3A_400, %mul3A_406 : vector<16xf32>
          %sub3A_408 = arith.subf %add3A_407, %add3A_404 : vector<16xf32>
          %mul3A_409 = arith.mulf %sub3A_391, %sub3A_408 : vector<16xf32>
          %add3A_410 = arith.addf %add3A_404, %mul3A_409 : vector<16xf32>
          %swap3A_411 = arith.index_cast %scan3A_181 : i32 to index
          %swap3A_412 = arith.constant 64 : index
          %swap3A_413 = tpu.vector_load %arg10[%swap3A_411, %swap3A_412] {strides = array<i32>} : memref<28x224xf32, #tpu.memory_space<vmem>>, vector<16xf32>,
          tpu.vector_store %arg10[%swap3A_411, %swap3A_412], %add3A_410 {strides = array<i32>} : memref<28x224xf32, #tpu.memory_space<vmem>>, vector<16xf32>,
          %get3A_414 = arith.constant 80 : index
          %get3A_415 = tpu.vector_load %arg12[%get3A_414] {strides = array<i32>} : memref<224xf32, #tpu.memory_space<vmem>>, vector<16xf32>,
          %add3A_416 = arith.addf %get3A_415, %get3A_184 : vector<16xf32>
          %jit3A_417 = arith.constant 0.000000e+00 : f32
          %jit3A_418 = arith.constant 222.999985 : f32
          %max3A_419 = vector.broadcast %jit3A_417 : f32 to vector<16xf32>
          %max3A_420 = arith.maximumf %max3A_419, %add3A_416 : vector<16xf32>
          %min3A_421 = vector.broadcast %jit3A_418 : f32 to vector<16xf32>
          %min3A_422 = arith.minimumf %min3A_421, %max3A_420 : vector<16xf32>
          %get3A_423 = arith.constant 80 : index
          %get3A_424 = tpu.vector_load %arg13[%get3A_423] {strides = array<i32>} : memref<224xf32, #tpu.memory_space<vmem>>, vector<16xf32>,
          %add3A_425 = arith.addf %get3A_424, %get3A_187 : vector<16xf32>
          %jit3A_426 = arith.constant 0.000000e+00 : f32
          %jit3A_427 = arith.constant 222.999985 : f32
          %max3A_428 = vector.broadcast %jit3A_426 : f32 to vector<16xf32>
          %max3A_429 = arith.maximumf %max3A_428, %add3A_425 : vector<16xf32>
          %min3A_430 = vector.broadcast %jit3A_427 : f32 to vector<16xf32>
          %min3A_431 = arith.minimumf %min3A_430, %max3A_429 : vector<16xf32>
          %convert_element_type3A_432 = arith.fptosi %min3A_422 : vector<16xf32> to vector<16xi32>
          %convert_element_type3A_433 = arith.fptosi %min3A_431 : vector<16xf32> to vector<16xi32>
          %convert_element_type3A_434 = arith.sitofp %convert_element_type3A_432 : vector<16xi32> to vector<16xf32>
          %sub3A_435 = arith.subf %min3A_422, %convert_element_type3A_434 : vector<16xf32>
          %convert_element_type3A_436 = arith.sitofp %convert_element_type3A_433 : vector<16xi32> to vector<16xf32>
          %sub3A_437 = arith.subf %min3A_431, %convert_element_type3A_436 : vector<16xf32>
          %add3A_438 = arith.constant 1 : i32
          %add3A_439 = vector.broadcast %add3A_438 : i32 to vector<16xi32>
          %add3A_440 = arith.addi %convert_element_type3A_432, %add3A_439 : vector<16xi32>
          %add3A_441 = arith.constant 1 : i32
          %add3A_442 = vector.broadcast %add3A_441 : i32 to vector<16xi32>
          %add3A_443 = arith.addi %convert_element_type3A_433, %add3A_442 : vector<16xi32>
          %gather3A_444 = tpu.vector_load_idx %arg8[%convert_element_type3A_433, %convert_element_type3A_432] : memref<224x225xf32, #tpu.memory_space<vmem>>[vector<16xi32>, vector<16xi32>], vector<16xf32>,
          %gather3A_445 = tpu.vector_load_idx %arg8[%convert_element_type3A_433, %add3A_440] : memref<224x225xf32, #tpu.memory_space<vmem>>[vector<16xi32>, vector<16xi32>], vector<16xf32>,
          %gather3A_446 = tpu.vector_load_idx %arg8[%add3A_443, %convert_element_type3A_432] : memref<224x225xf32, #tpu.memory_space<vmem>>[vector<16xi32>, vector<16xi32>], vector<16xf32>,
          %gather3A_447 = tpu.vector_load_idx %arg8[%add3A_443, %add3A_440] : memref<224x225xf32, #tpu.memory_space<vmem>>[vector<16xi32>, vector<16xi32>], vector<16xf32>,
          %sub3A_448 = arith.subf %gather3A_445, %gather3A_444 : vector<16xf32>
          %mul3A_449 = arith.mulf %sub3A_435, %sub3A_448 : vector<16xf32>
          %add3A_450 = arith.addf %gather3A_444, %mul3A_449 : vector<16xf32>
          %sub3A_451 = arith.subf %gather3A_447, %gather3A_446 : vector<16xf32>
          %mul3A_452 = arith.mulf %sub3A_435, %sub3A_451 : vector<16xf32>
          %add3A_453 = arith.addf %gather3A_446, %mul3A_452 : vector<16xf32>
          %sub3A_454 = arith.subf %add3A_453, %add3A_450 : vector<16xf32>
          %mul3A_455 = arith.mulf %sub3A_437, %sub3A_454 : vector<16xf32>
          %add3A_456 = arith.addf %add3A_450, %mul3A_455 : vector<16xf32>
          %swap3A_457 = arith.index_cast %scan3A_181 : i32 to index
          %swap3A_458 = arith.constant 80 : index
          %swap3A_459 = tpu.vector_load %arg10[%swap3A_457, %swap3A_458] {strides = array<i32>} : memref<28x224xf32, #tpu.memory_space<vmem>>, vector<16xf32>,
          tpu.vector_store %arg10[%swap3A_457, %swap3A_458], %add3A_456 {strides = array<i32>} : memref<28x224xf32, #tpu.memory_space<vmem>>, vector<16xf32>,
          %get3A_460 = arith.constant 96 : index
          %get3A_461 = tpu.vector_load %arg12[%get3A_460] {strides = array<i32>} : memref<224xf32, #tpu.memory_space<vmem>>, vector<16xf32>,
          %add3A_462 = arith.addf %get3A_461, %get3A_184 : vector<16xf32>
          %jit3A_463 = arith.constant 0.000000e+00 : f32
          %jit3A_464 = arith.constant 222.999985 : f32
          %max3A_465 = vector.broadcast %jit3A_463 : f32 to vector<16xf32>
          %max3A_466 = arith.maximumf %max3A_465, %add3A_462 : vector<16xf32>
          %min3A_467 = vector.broadcast %jit3A_464 : f32 to vector<16xf32>
          %min3A_468 = arith.minimumf %min3A_467, %max3A_466 : vector<16xf32>
          %get3A_469 = arith.constant 96 : index
          %get3A_470 = tpu.vector_load %arg13[%get3A_469] {strides = array<i32>} : memref<224xf32, #tpu.memory_space<vmem>>, vector<16xf32>,
          %add3A_471 = arith.addf %get3A_470, %get3A_187 : vector<16xf32>
          %jit3A_472 = arith.constant 0.000000e+00 : f32
          %jit3A_473 = arith.constant 222.999985 : f32
          %max3A_474 = vector.broadcast %jit3A_472 : f32 to vector<16xf32>
          %max3A_475 = arith.maximumf %max3A_474, %add3A_471 : vector<16xf32>
          %min3A_476 = vector.broadcast %jit3A_473 : f32 to vector<16xf32>
          %min3A_477 = arith.minimumf %min3A_476, %max3A_475 : vector<16xf32>
          %convert_element_type3A_478 = arith.fptosi %min3A_468 : vector<16xf32> to vector<16xi32>
          %convert_element_type3A_479 = arith.fptosi %min3A_477 : vector<16xf32> to vector<16xi32>
          %convert_element_type3A_480 = arith.sitofp %convert_element_type3A_478 : vector<16xi32> to vector<16xf32>
          %sub3A_481 = arith.subf %min3A_468, %convert_element_type3A_480 : vector<16xf32>
          %convert_element_type3A_482 = arith.sitofp %convert_element_type3A_479 : vector<16xi32> to vector<16xf32>
          %sub3A_483 = arith.subf %min3A_477, %convert_element_type3A_482 : vector<16xf32>
          %add3A_484 = arith.constant 1 : i32
          %add3A_485 = vector.broadcast %add3A_484 : i32 to vector<16xi32>
          %add3A_486 = arith.addi %convert_element_type3A_478, %add3A_485 : vector<16xi32>
          %add3A_487 = arith.constant 1 : i32
          %add3A_488 = vector.broadcast %add3A_487 : i32 to vector<16xi32>
          %add3A_489 = arith.addi %convert_element_type3A_479, %add3A_488 : vector<16xi32>
          %gather3A_490 = tpu.vector_load_idx %arg8[%convert_element_type3A_479, %convert_element_type3A_478] : memref<224x225xf32, #tpu.memory_space<vmem>>[vector<16xi32>, vector<16xi32>], vector<16xf32>,
          %gather3A_491 = tpu.vector_load_idx %arg8[%convert_element_type3A_479, %add3A_486] : memref<224x225xf32, #tpu.memory_space<vmem>>[vector<16xi32>, vector<16xi32>], vector<16xf32>,
          %gather3A_492 = tpu.vector_load_idx %arg8[%add3A_489, %convert_element_type3A_478] : memref<224x225xf32, #tpu.memory_space<vmem>>[vector<16xi32>, vector<16xi32>], vector<16xf32>,
          %gather3A_493 = tpu.vector_load_idx %arg8[%add3A_489, %add3A_486] : memref<224x225xf32, #tpu.memory_space<vmem>>[vector<16xi32>, vector<16xi32>], vector<16xf32>,
          %sub3A_494 = arith.subf %gather3A_491, %gather3A_490 : vector<16xf32>
          %mul3A_495 = arith.mulf %sub3A_481, %sub3A_494 : vector<16xf32>
          %add3A_496 = arith.addf %gather3A_490, %mul3A_495 : vector<16xf32>
          %sub3A_497 = arith.subf %gather3A_493, %gather3A_492 : vector<16xf32>
          %mul3A_498 = arith.mulf %sub3A_481, %sub3A_497 : vector<16xf32>
          %add3A_499 = arith.addf %gather3A_492, %mul3A_498 : vector<16xf32>
          %sub3A_500 = arith.subf %add3A_499, %add3A_496 : vector<16xf32>
          %mul3A_501 = arith.mulf %sub3A_483, %sub3A_500 : vector<16xf32>
          %add3A_502 = arith.addf %add3A_496, %mul3A_501 : vector<16xf32>
          %swap3A_503 = arith.index_cast %scan3A_181 : i32 to index
          %swap3A_504 = arith.constant 96 : index
          %swap3A_505 = tpu.vector_load %arg10[%swap3A_503, %swap3A_504] {strides = array<i32>} : memref<28x224xf32, #tpu.memory_space<vmem>>, vector<16xf32>,
          tpu.vector_store %arg10[%swap3A_503, %swap3A_504], %add3A_502 {strides = array<i32>} : memref<28x224xf32, #tpu.memory_space<vmem>>, vector<16xf32>,
          %get3A_506 = arith.constant 112 : index
          %get3A_507 = tpu.vector_load %arg12[%get3A_506] {strides = array<i32>} : memref<224xf32, #tpu.memory_space<vmem>>, vector<16xf32>,
          %add3A_508 = arith.addf %get3A_507, %get3A_184 : vector<16xf32>
          %jit3A_509 = arith.constant 0.000000e+00 : f32
          %jit3A_510 = arith.constant 222.999985 : f32
          %max3A_511 = vector.broadcast %jit3A_509 : f32 to vector<16xf32>
          %max3A_512 = arith.maximumf %max3A_511, %add3A_508 : vector<16xf32>
          %min3A_513 = vector.broadcast %jit3A_510 : f32 to vector<16xf32>
          %min3A_514 = arith.minimumf %min3A_513, %max3A_512 : vector<16xf32>
          %get3A_515 = arith.constant 112 : index
          %get3A_516 = tpu.vector_load %arg13[%get3A_515] {strides = array<i32>} : memref<224xf32, #tpu.memory_space<vmem>>, vector<16xf32>,
          %add3A_517 = arith.addf %get3A_516, %get3A_187 : vector<16xf32>
          %jit3A_518 = arith.constant 0.000000e+00 : f32
          %jit3A_519 = arith.constant 222.999985 : f32
          %max3A_520 = vector.broadcast %jit3A_518 : f32 to vector<16xf32>
          %max3A_521 = arith.maximumf %max3A_520, %add3A_517 : vector<16xf32>
          %min3A_522 = vector.broadcast %jit3A_519 : f32 to vector<16xf32>
          %min3A_523 = arith.minimumf %min3A_522, %max3A_521 : vector<16xf32>
          %convert_element_type3A_524 = arith.fptosi %min3A_514 : vector<16xf32> to vector<16xi32>
          %convert_element_type3A_525 = arith.fptosi %min3A_523 : vector<16xf32> to vector<16xi32>
          %convert_element_type3A_526 = arith.sitofp %convert_element_type3A_524 : vector<16xi32> to vector<16xf32>
          %sub3A_527 = arith.subf %min3A_514, %convert_element_type3A_526 : vector<16xf32>
          %convert_element_type3A_528 = arith.sitofp %convert_element_type3A_525 : vector<16xi32> to vector<16xf32>
          %sub3A_529 = arith.subf %min3A_523, %convert_element_type3A_528 : vector<16xf32>
          %add3A_530 = arith.constant 1 : i32
          %add3A_531 = vector.broadcast %add3A_530 : i32 to vector<16xi32>
          %add3A_532 = arith.addi %convert_element_type3A_524, %add3A_531 : vector<16xi32>
          %add3A_533 = arith.constant 1 : i32
          %add3A_534 = vector.broadcast %add3A_533 : i32 to vector<16xi32>
          %add3A_535 = arith.addi %convert_element_type3A_525, %add3A_534 : vector<16xi32>
          %gather3A_536 = tpu.vector_load_idx %arg8[%convert_element_type3A_525, %convert_element_type3A_524] : memref<224x225xf32, #tpu.memory_space<vmem>>[vector<16xi32>, vector<16xi32>], vector<16xf32>,
          %gather3A_537 = tpu.vector_load_idx %arg8[%convert_element_type3A_525, %add3A_532] : memref<224x225xf32, #tpu.memory_space<vmem>>[vector<16xi32>, vector<16xi32>], vector<16xf32>,
          %gather3A_538 = tpu.vector_load_idx %arg8[%add3A_535, %convert_element_type3A_524] : memref<224x225xf32, #tpu.memory_space<vmem>>[vector<16xi32>, vector<16xi32>], vector<16xf32>,
          %gather3A_539 = tpu.vector_load_idx %arg8[%add3A_535, %add3A_532] : memref<224x225xf32, #tpu.memory_space<vmem>>[vector<16xi32>, vector<16xi32>], vector<16xf32>,
          %sub3A_540 = arith.subf %gather3A_537, %gather3A_536 : vector<16xf32>
          %mul3A_541 = arith.mulf %sub3A_527, %sub3A_540 : vector<16xf32>
          %add3A_542 = arith.addf %gather3A_536, %mul3A_541 : vector<16xf32>
          %sub3A_543 = arith.subf %gather3A_539, %gather3A_538 : vector<16xf32>
          %mul3A_544 = arith.mulf %sub3A_527, %sub3A_543 : vector<16xf32>
          %add3A_545 = arith.addf %gather3A_538, %mul3A_544 : vector<16xf32>
          %sub3A_546 = arith.subf %add3A_545, %add3A_542 : vector<16xf32>
          %mul3A_547 = arith.mulf %sub3A_529, %sub3A_546 : vector<16xf32>
          %add3A_548 = arith.addf %add3A_542, %mul3A_547 : vector<16xf32>
          %swap3A_549 = arith.index_cast %scan3A_181 : i32 to index
          %swap3A_550 = arith.constant 112 : index
          %swap3A_551 = tpu.vector_load %arg10[%swap3A_549, %swap3A_550] {strides = array<i32>} : memref<28x224xf32, #tpu.memory_space<vmem>>, vector<16xf32>,
          tpu.vector_store %arg10[%swap3A_549, %swap3A_550], %add3A_548 {strides = array<i32>} : memref<28x224xf32, #tpu.memory_space<vmem>>, vector<16xf32>,
          %get3A_552 = arith.constant 128 : index
          %get3A_553 = tpu.vector_load %arg12[%get3A_552] {strides = array<i32>} : memref<224xf32, #tpu.memory_space<vmem>>, vector<16xf32>,
          %add3A_554 = arith.addf %get3A_553, %get3A_184 : vector<16xf32>
          %jit3A_555 = arith.constant 0.000000e+00 : f32
          %jit3A_556 = arith.constant 222.999985 : f32
          %max3A_557 = vector.broadcast %jit3A_555 : f32 to vector<16xf32>
          %max3A_558 = arith.maximumf %max3A_557, %add3A_554 : vector<16xf32>
          %min3A_559 = vector.broadcast %jit3A_556 : f32 to vector<16xf32>
          %min3A_560 = arith.minimumf %min3A_559, %max3A_558 : vector<16xf32>
          %get3A_561 = arith.constant 128 : index
          %get3A_562 = tpu.vector_load %arg13[%get3A_561] {strides = array<i32>} : memref<224xf32, #tpu.memory_space<vmem>>, vector<16xf32>,
          %add3A_563 = arith.addf %get3A_562, %get3A_187 : vector<16xf32>
          %jit3A_564 = arith.constant 0.000000e+00 : f32
          %jit3A_565 = arith.constant 222.999985 : f32
          %max3A_566 = vector.broadcast %jit3A_564 : f32 to vector<16xf32>
          %max3A_567 = arith.maximumf %max3A_566, %add3A_563 : vector<16xf32>
          %min3A_568 = vector.broadcast %jit3A_565 : f32 to vector<16xf32>
          %min3A_569 = arith.minimumf %min3A_568, %max3A_567 : vector<16xf32>
          %convert_element_type3A_570 = arith.fptosi %min3A_560 : vector<16xf32> to vector<16xi32>
          %convert_element_type3A_571 = arith.fptosi %min3A_569 : vector<16xf32> to vector<16xi32>
          %convert_element_type3A_572 = arith.sitofp %convert_element_type3A_570 : vector<16xi32> to vector<16xf32>
          %sub3A_573 = arith.subf %min3A_560, %convert_element_type3A_572 : vector<16xf32>
          %convert_element_type3A_574 = arith.sitofp %convert_element_type3A_571 : vector<16xi32> to vector<16xf32>
          %sub3A_575 = arith.subf %min3A_569, %convert_element_type3A_574 : vector<16xf32>
          %add3A_576 = arith.constant 1 : i32
          %add3A_577 = vector.broadcast %add3A_576 : i32 to vector<16xi32>
          %add3A_578 = arith.addi %convert_element_type3A_570, %add3A_577 : vector<16xi32>
          %add3A_579 = arith.constant 1 : i32
          %add3A_580 = vector.broadcast %add3A_579 : i32 to vector<16xi32>
          %add3A_581 = arith.addi %convert_element_type3A_571, %add3A_580 : vector<16xi32>
          %gather3A_582 = tpu.vector_load_idx %arg8[%convert_element_type3A_571, %convert_element_type3A_570] : memref<224x225xf32, #tpu.memory_space<vmem>>[vector<16xi32>, vector<16xi32>], vector<16xf32>,
          %gather3A_583 = tpu.vector_load_idx %arg8[%convert_element_type3A_571, %add3A_578] : memref<224x225xf32, #tpu.memory_space<vmem>>[vector<16xi32>, vector<16xi32>], vector<16xf32>,
          %gather3A_584 = tpu.vector_load_idx %arg8[%add3A_581, %convert_element_type3A_570] : memref<224x225xf32, #tpu.memory_space<vmem>>[vector<16xi32>, vector<16xi32>], vector<16xf32>,
          %gather3A_585 = tpu.vector_load_idx %arg8[%add3A_581, %add3A_578] : memref<224x225xf32, #tpu.memory_space<vmem>>[vector<16xi32>, vector<16xi32>], vector<16xf32>,
          %sub3A_586 = arith.subf %gather3A_583, %gather3A_582 : vector<16xf32>
          %mul3A_587 = arith.mulf %sub3A_573, %sub3A_586 : vector<16xf32>
          %add3A_588 = arith.addf %gather3A_582, %mul3A_587 : vector<16xf32>
          %sub3A_589 = arith.subf %gather3A_585, %gather3A_584 : vector<16xf32>
          %mul3A_590 = arith.mulf %sub3A_573, %sub3A_589 : vector<16xf32>
          %add3A_591 = arith.addf %gather3A_584, %mul3A_590 : vector<16xf32>
          %sub3A_592 = arith.subf %add3A_591, %add3A_588 : vector<16xf32>
          %mul3A_593 = arith.mulf %sub3A_575, %sub3A_592 : vector<16xf32>
          %add3A_594 = arith.addf %add3A_588, %mul3A_593 : vector<16xf32>
          %swap3A_595 = arith.index_cast %scan3A_181 : i32 to index
          %swap3A_596 = arith.constant 128 : index
          %swap3A_597 = tpu.vector_load %arg10[%swap3A_595, %swap3A_596] {strides = array<i32>} : memref<28x224xf32, #tpu.memory_space<vmem>>, vector<16xf32>,
          tpu.vector_store %arg10[%swap3A_595, %swap3A_596], %add3A_594 {strides = array<i32>} : memref<28x224xf32, #tpu.memory_space<vmem>>, vector<16xf32>,
          %get3A_598 = arith.constant 144 : index
          %get3A_599 = tpu.vector_load %arg12[%get3A_598] {strides = array<i32>} : memref<224xf32, #tpu.memory_space<vmem>>, vector<16xf32>,
          %add3A_600 = arith.addf %get3A_599, %get3A_184 : vector<16xf32>
          %jit3A_601 = arith.constant 0.000000e+00 : f32
          %jit3A_602 = arith.constant 222.999985 : f32
          %max3A_603 = vector.broadcast %jit3A_601 : f32 to vector<16xf32>
          %max3A_604 = arith.maximumf %max3A_603, %add3A_600 : vector<16xf32>
          %min3A_605 = vector.broadcast %jit3A_602 : f32 to vector<16xf32>
          %min3A_606 = arith.minimumf %min3A_605, %max3A_604 : vector<16xf32>
          %get3A_607 = arith.constant 144 : index
          %get3A_608 = tpu.vector_load %arg13[%get3A_607] {strides = array<i32>} : memref<224xf32, #tpu.memory_space<vmem>>, vector<16xf32>,
          %add3A_609 = arith.addf %get3A_608, %get3A_187 : vector<16xf32>
          %jit3A_610 = arith.constant 0.000000e+00 : f32
          %jit3A_611 = arith.constant 222.999985 : f32
          %max3A_612 = vector.broadcast %jit3A_610 : f32 to vector<16xf32>
          %max3A_613 = arith.maximumf %max3A_612, %add3A_609 : vector<16xf32>
          %min3A_614 = vector.broadcast %jit3A_611 : f32 to vector<16xf32>
          %min3A_615 = arith.minimumf %min3A_614, %max3A_613 : vector<16xf32>
          %convert_element_type3A_616 = arith.fptosi %min3A_606 : vector<16xf32> to vector<16xi32>
          %convert_element_type3A_617 = arith.fptosi %min3A_615 : vector<16xf32> to vector<16xi32>
          %convert_element_type3A_618 = arith.sitofp %convert_element_type3A_616 : vector<16xi32> to vector<16xf32>
          %sub3A_619 = arith.subf %min3A_606, %convert_element_type3A_618 : vector<16xf32>
          %convert_element_type3A_620 = arith.sitofp %convert_element_type3A_617 : vector<16xi32> to vector<16xf32>
          %sub3A_621 = arith.subf %min3A_615, %convert_element_type3A_620 : vector<16xf32>
          %add3A_622 = arith.constant 1 : i32
          %add3A_623 = vector.broadcast %add3A_622 : i32 to vector<16xi32>
          %add3A_624 = arith.addi %convert_element_type3A_616, %add3A_623 : vector<16xi32>
          %add3A_625 = arith.constant 1 : i32
          %add3A_626 = vector.broadcast %add3A_625 : i32 to vector<16xi32>
          %add3A_627 = arith.addi %convert_element_type3A_617, %add3A_626 : vector<16xi32>
          %gather3A_628 = tpu.vector_load_idx %arg8[%convert_element_type3A_617, %convert_element_type3A_616] : memref<224x225xf32, #tpu.memory_space<vmem>>[vector<16xi32>, vector<16xi32>], vector<16xf32>,
          %gather3A_629 = tpu.vector_load_idx %arg8[%convert_element_type3A_617, %add3A_624] : memref<224x225xf32, #tpu.memory_space<vmem>>[vector<16xi32>, vector<16xi32>], vector<16xf32>,
          %gather3A_630 = tpu.vector_load_idx %arg8[%add3A_627, %convert_element_type3A_616] : memref<224x225xf32, #tpu.memory_space<vmem>>[vector<16xi32>, vector<16xi32>], vector<16xf32>,
          %gather3A_631 = tpu.vector_load_idx %arg8[%add3A_627, %add3A_624] : memref<224x225xf32, #tpu.memory_space<vmem>>[vector<16xi32>, vector<16xi32>], vector<16xf32>,
          %sub3A_632 = arith.subf %gather3A_629, %gather3A_628 : vector<16xf32>
          %mul3A_633 = arith.mulf %sub3A_619, %sub3A_632 : vector<16xf32>
          %add3A_634 = arith.addf %gather3A_628, %mul3A_633 : vector<16xf32>
          %sub3A_635 = arith.subf %gather3A_631, %gather3A_630 : vector<16xf32>
          %mul3A_636 = arith.mulf %sub3A_619, %sub3A_635 : vector<16xf32>
          %add3A_637 = arith.addf %gather3A_630, %mul3A_636 : vector<16xf32>
          %sub3A_638 = arith.subf %add3A_637, %add3A_634 : vector<16xf32>
          %mul3A_639 = arith.mulf %sub3A_621, %sub3A_638 : vector<16xf32>
          %add3A_640 = arith.addf %add3A_634, %mul3A_639 : vector<16xf32>
          %swap3A_641 = arith.index_cast %scan3A_181 : i32 to index
          %swap3A_642 = arith.constant 144 : index
          %swap3A_643 = tpu.vector_load %arg10[%swap3A_641, %swap3A_642] {strides = array<i32>} : memref<28x224xf32, #tpu.memory_space<vmem>>, vector<16xf32>,
          tpu.vector_store %arg10[%swap3A_641, %swap3A_642], %add3A_640 {strides = array<i32>} : memref<28x224xf32, #tpu.memory_space<vmem>>, vector<16xf32>,
          %get3A_644 = arith.constant 160 : index
          %get3A_645 = tpu.vector_load %arg12[%get3A_644] {strides = array<i32>} : memref<224xf32, #tpu.memory_space<vmem>>, vector<16xf32>,
          %add3A_646 = arith.addf %get3A_645, %get3A_184 : vector<16xf32>
          %jit3A_647 = arith.constant 0.000000e+00 : f32
          %jit3A_648 = arith.constant 222.999985 : f32
          %max3A_649 = vector.broadcast %jit3A_647 : f32 to vector<16xf32>
          %max3A_650 = arith.maximumf %max3A_649, %add3A_646 : vector<16xf32>
          %min3A_651 = vector.broadcast %jit3A_648 : f32 to vector<16xf32>
          %min3A_652 = arith.minimumf %min3A_651, %max3A_650 : vector<16xf32>
          %get3A_653 = arith.constant 160 : index
          %get3A_654 = tpu.vector_load %arg13[%get3A_653] {strides = array<i32>} : memref<224xf32, #tpu.memory_space<vmem>>, vector<16xf32>,
          %add3A_655 = arith.addf %get3A_654, %get3A_187 : vector<16xf32>
          %jit3A_656 = arith.constant 0.000000e+00 : f32
          %jit3A_657 = arith.constant 222.999985 : f32
          %max3A_658 = vector.broadcast %jit3A_656 : f32 to vector<16xf32>
          %max3A_659 = arith.maximumf %max3A_658, %add3A_655 : vector<16xf32>
          %min3A_660 = vector.broadcast %jit3A_657 : f32 to vector<16xf32>
          %min3A_661 = arith.minimumf %min3A_660, %max3A_659 : vector<16xf32>
          %convert_element_type3A_662 = arith.fptosi %min3A_652 : vector<16xf32> to vector<16xi32>
          %convert_element_type3A_663 = arith.fptosi %min3A_661 : vector<16xf32> to vector<16xi32>
          %convert_element_type3A_664 = arith.sitofp %convert_element_type3A_662 : vector<16xi32> to vector<16xf32>
          %sub3A_665 = arith.subf %min3A_652, %convert_element_type3A_664 : vector<16xf32>
          %convert_element_type3A_666 = arith.sitofp %convert_element_type3A_663 : vector<16xi32> to vector<16xf32>
          %sub3A_667 = arith.subf %min3A_661, %convert_element_type3A_666 : vector<16xf32>
          %add3A_668 = arith.constant 1 : i32
          %add3A_669 = vector.broadcast %add3A_668 : i32 to vector<16xi32>
          %add3A_670 = arith.addi %convert_element_type3A_662, %add3A_669 : vector<16xi32>
          %add3A_671 = arith.constant 1 : i32
          %add3A_672 = vector.broadcast %add3A_671 : i32 to vector<16xi32>
          %add3A_673 = arith.addi %convert_element_type3A_663, %add3A_672 : vector<16xi32>
          %gather3A_674 = tpu.vector_load_idx %arg8[%convert_element_type3A_663, %convert_element_type3A_662] : memref<224x225xf32, #tpu.memory_space<vmem>>[vector<16xi32>, vector<16xi32>], vector<16xf32>,
          %gather3A_675 = tpu.vector_load_idx %arg8[%convert_element_type3A_663, %add3A_670] : memref<224x225xf32, #tpu.memory_space<vmem>>[vector<16xi32>, vector<16xi32>], vector<16xf32>,
          %gather3A_676 = tpu.vector_load_idx %arg8[%add3A_673, %convert_element_type3A_662] : memref<224x225xf32, #tpu.memory_space<vmem>>[vector<16xi32>, vector<16xi32>], vector<16xf32>,
          %gather3A_677 = tpu.vector_load_idx %arg8[%add3A_673, %add3A_670] : memref<224x225xf32, #tpu.memory_space<vmem>>[vector<16xi32>, vector<16xi32>], vector<16xf32>,
          %sub3A_678 = arith.subf %gather3A_675, %gather3A_674 : vector<16xf32>
          %mul3A_679 = arith.mulf %sub3A_665, %sub3A_678 : vector<16xf32>
          %add3A_680 = arith.addf %gather3A_674, %mul3A_679 : vector<16xf32>
          %sub3A_681 = arith.subf %gather3A_677, %gather3A_676 : vector<16xf32>
          %mul3A_682 = arith.mulf %sub3A_665, %sub3A_681 : vector<16xf32>
          %add3A_683 = arith.addf %gather3A_676, %mul3A_682 : vector<16xf32>
          %sub3A_684 = arith.subf %add3A_683, %add3A_680 : vector<16xf32>
          %mul3A_685 = arith.mulf %sub3A_667, %sub3A_684 : vector<16xf32>
          %add3A_686 = arith.addf %add3A_680, %mul3A_685 : vector<16xf32>
          %swap3A_687 = arith.index_cast %scan3A_181 : i32 to index
          %swap3A_688 = arith.constant 160 : index
          %swap3A_689 = tpu.vector_load %arg10[%swap3A_687, %swap3A_688] {strides = array<i32>} : memref<28x224xf32, #tpu.memory_space<vmem>>, vector<16xf32>,
          tpu.vector_store %arg10[%swap3A_687, %swap3A_688], %add3A_686 {strides = array<i32>} : memref<28x224xf32, #tpu.memory_space<vmem>>, vector<16xf32>,
          %get3A_690 = arith.constant 176 : index
          %get3A_691 = tpu.vector_load %arg12[%get3A_690] {strides = array<i32>} : memref<224xf32, #tpu.memory_space<vmem>>, vector<16xf32>,
          %add3A_692 = arith.addf %get3A_691, %get3A_184 : vector<16xf32>
          %jit3A_693 = arith.constant 0.000000e+00 : f32
          %jit3A_694 = arith.constant 222.999985 : f32
          %max3A_695 = vector.broadcast %jit3A_693 : f32 to vector<16xf32>
          %max3A_696 = arith.maximumf %max3A_695, %add3A_692 : vector<16xf32>
          %min3A_697 = vector.broadcast %jit3A_694 : f32 to vector<16xf32>
          %min3A_698 = arith.minimumf %min3A_697, %max3A_696 : vector<16xf32>
          %get3A_699 = arith.constant 176 : index
          %get3A_700 = tpu.vector_load %arg13[%get3A_699] {strides = array<i32>} : memref<224xf32, #tpu.memory_space<vmem>>, vector<16xf32>,
          %add3A_701 = arith.addf %get3A_700, %get3A_187 : vector<16xf32>
          %jit3A_702 = arith.constant 0.000000e+00 : f32
          %jit3A_703 = arith.constant 222.999985 : f32
          %max3A_704 = vector.broadcast %jit3A_702 : f32 to vector<16xf32>
          %max3A_705 = arith.maximumf %max3A_704, %add3A_701 : vector<16xf32>
          %min3A_706 = vector.broadcast %jit3A_703 : f32 to vector<16xf32>
          %min3A_707 = arith.minimumf %min3A_706, %max3A_705 : vector<16xf32>
          %convert_element_type3A_708 = arith.fptosi %min3A_698 : vector<16xf32> to vector<16xi32>
          %convert_element_type3A_709 = arith.fptosi %min3A_707 : vector<16xf32> to vector<16xi32>
          %convert_element_type3A_710 = arith.sitofp %convert_element_type3A_708 : vector<16xi32> to vector<16xf32>
          %sub3A_711 = arith.subf %min3A_698, %convert_element_type3A_710 : vector<16xf32>
          %convert_element_type3A_712 = arith.sitofp %convert_element_type3A_709 : vector<16xi32> to vector<16xf32>
          %sub3A_713 = arith.subf %min3A_707, %convert_element_type3A_712 : vector<16xf32>
          %add3A_714 = arith.constant 1 : i32
          %add3A_715 = vector.broadcast %add3A_714 : i32 to vector<16xi32>
          %add3A_716 = arith.addi %convert_element_type3A_708, %add3A_715 : vector<16xi32>
          %add3A_717 = arith.constant 1 : i32
          %add3A_718 = vector.broadcast %add3A_717 : i32 to vector<16xi32>
          %add3A_719 = arith.addi %convert_element_type3A_709, %add3A_718 : vector<16xi32>
          %gather3A_720 = tpu.vector_load_idx %arg8[%convert_element_type3A_709, %convert_element_type3A_708] : memref<224x225xf32, #tpu.memory_space<vmem>>[vector<16xi32>, vector<16xi32>], vector<16xf32>,
          %gather3A_721 = tpu.vector_load_idx %arg8[%convert_element_type3A_709, %add3A_716] : memref<224x225xf32, #tpu.memory_space<vmem>>[vector<16xi32>, vector<16xi32>], vector<16xf32>,
          %gather3A_722 = tpu.vector_load_idx %arg8[%add3A_719, %convert_element_type3A_708] : memref<224x225xf32, #tpu.memory_space<vmem>>[vector<16xi32>, vector<16xi32>], vector<16xf32>,
          %gather3A_723 = tpu.vector_load_idx %arg8[%add3A_719, %add3A_716] : memref<224x225xf32, #tpu.memory_space<vmem>>[vector<16xi32>, vector<16xi32>], vector<16xf32>,
          %sub3A_724 = arith.subf %gather3A_721, %gather3A_720 : vector<16xf32>
          %mul3A_725 = arith.mulf %sub3A_711, %sub3A_724 : vector<16xf32>
          %add3A_726 = arith.addf %gather3A_720, %mul3A_725 : vector<16xf32>
          %sub3A_727 = arith.subf %gather3A_723, %gather3A_722 : vector<16xf32>
          %mul3A_728 = arith.mulf %sub3A_711, %sub3A_727 : vector<16xf32>
          %add3A_729 = arith.addf %gather3A_722, %mul3A_728 : vector<16xf32>
          %sub3A_730 = arith.subf %add3A_729, %add3A_726 : vector<16xf32>
          %mul3A_731 = arith.mulf %sub3A_713, %sub3A_730 : vector<16xf32>
          %add3A_732 = arith.addf %add3A_726, %mul3A_731 : vector<16xf32>
          %swap3A_733 = arith.index_cast %scan3A_181 : i32 to index
          %swap3A_734 = arith.constant 176 : index
          %swap3A_735 = tpu.vector_load %arg10[%swap3A_733, %swap3A_734] {strides = array<i32>} : memref<28x224xf32, #tpu.memory_space<vmem>>, vector<16xf32>,
          tpu.vector_store %arg10[%swap3A_733, %swap3A_734], %add3A_732 {strides = array<i32>} : memref<28x224xf32, #tpu.memory_space<vmem>>, vector<16xf32>,
          %get3A_736 = arith.constant 192 : index
          %get3A_737 = tpu.vector_load %arg12[%get3A_736] {strides = array<i32>} : memref<224xf32, #tpu.memory_space<vmem>>, vector<16xf32>,
          %add3A_738 = arith.addf %get3A_737, %get3A_184 : vector<16xf32>
          %jit3A_739 = arith.constant 0.000000e+00 : f32
          %jit3A_740 = arith.constant 222.999985 : f32
          %max3A_741 = vector.broadcast %jit3A_739 : f32 to vector<16xf32>
          %max3A_742 = arith.maximumf %max3A_741, %add3A_738 : vector<16xf32>
          %min3A_743 = vector.broadcast %jit3A_740 : f32 to vector<16xf32>
          %min3A_744 = arith.minimumf %min3A_743, %max3A_742 : vector<16xf32>
          %get3A_745 = arith.constant 192 : index
          %get3A_746 = tpu.vector_load %arg13[%get3A_745] {strides = array<i32>} : memref<224xf32, #tpu.memory_space<vmem>>, vector<16xf32>,
          %add3A_747 = arith.addf %get3A_746, %get3A_187 : vector<16xf32>
          %jit3A_748 = arith.constant 0.000000e+00 : f32
          %jit3A_749 = arith.constant 222.999985 : f32
          %max3A_750 = vector.broadcast %jit3A_748 : f32 to vector<16xf32>
          %max3A_751 = arith.maximumf %max3A_750, %add3A_747 : vector<16xf32>
          %min3A_752 = vector.broadcast %jit3A_749 : f32 to vector<16xf32>
          %min3A_753 = arith.minimumf %min3A_752, %max3A_751 : vector<16xf32>
          %convert_element_type3A_754 = arith.fptosi %min3A_744 : vector<16xf32> to vector<16xi32>
          %convert_element_type3A_755 = arith.fptosi %min3A_753 : vector<16xf32> to vector<16xi32>
          %convert_element_type3A_756 = arith.sitofp %convert_element_type3A_754 : vector<16xi32> to vector<16xf32>
          %sub3A_757 = arith.subf %min3A_744, %convert_element_type3A_756 : vector<16xf32>
          %convert_element_type3A_758 = arith.sitofp %convert_element_type3A_755 : vector<16xi32> to vector<16xf32>
          %sub3A_759 = arith.subf %min3A_753, %convert_element_type3A_758 : vector<16xf32>
          %add3A_760 = arith.constant 1 : i32
          %add3A_761 = vector.broadcast %add3A_760 : i32 to vector<16xi32>
          %add3A_762 = arith.addi %convert_element_type3A_754, %add3A_761 : vector<16xi32>
          %add3A_763 = arith.constant 1 : i32
          %add3A_764 = vector.broadcast %add3A_763 : i32 to vector<16xi32>
          %add3A_765 = arith.addi %convert_element_type3A_755, %add3A_764 : vector<16xi32>
          %gather3A_766 = tpu.vector_load_idx %arg8[%convert_element_type3A_755, %convert_element_type3A_754] : memref<224x225xf32, #tpu.memory_space<vmem>>[vector<16xi32>, vector<16xi32>], vector<16xf32>,
          %gather3A_767 = tpu.vector_load_idx %arg8[%convert_element_type3A_755, %add3A_762] : memref<224x225xf32, #tpu.memory_space<vmem>>[vector<16xi32>, vector<16xi32>], vector<16xf32>,
          %gather3A_768 = tpu.vector_load_idx %arg8[%add3A_765, %convert_element_type3A_754] : memref<224x225xf32, #tpu.memory_space<vmem>>[vector<16xi32>, vector<16xi32>], vector<16xf32>,
          %gather3A_769 = tpu.vector_load_idx %arg8[%add3A_765, %add3A_762] : memref<224x225xf32, #tpu.memory_space<vmem>>[vector<16xi32>, vector<16xi32>], vector<16xf32>,
          %sub3A_770 = arith.subf %gather3A_767, %gather3A_766 : vector<16xf32>
          %mul3A_771 = arith.mulf %sub3A_757, %sub3A_770 : vector<16xf32>
          %add3A_772 = arith.addf %gather3A_766, %mul3A_771 : vector<16xf32>
          %sub3A_773 = arith.subf %gather3A_769, %gather3A_768 : vector<16xf32>
          %mul3A_774 = arith.mulf %sub3A_757, %sub3A_773 : vector<16xf32>
          %add3A_775 = arith.addf %gather3A_768, %mul3A_774 : vector<16xf32>
          %sub3A_776 = arith.subf %add3A_775, %add3A_772 : vector<16xf32>
          %mul3A_777 = arith.mulf %sub3A_759, %sub3A_776 : vector<16xf32>
          %add3A_778 = arith.addf %add3A_772, %mul3A_777 : vector<16xf32>
          %swap3A_779 = arith.index_cast %scan3A_181 : i32 to index
          %swap3A_780 = arith.constant 192 : index
          %swap3A_781 = tpu.vector_load %arg10[%swap3A_779, %swap3A_780] {strides = array<i32>} : memref<28x224xf32, #tpu.memory_space<vmem>>, vector<16xf32>,
          tpu.vector_store %arg10[%swap3A_779, %swap3A_780], %add3A_778 {strides = array<i32>} : memref<28x224xf32, #tpu.memory_space<vmem>>, vector<16xf32>,
          %get3A_782 = arith.constant 208 : index
          %get3A_783 = tpu.vector_load %arg12[%get3A_782] {strides = array<i32>} : memref<224xf32, #tpu.memory_space<vmem>>, vector<16xf32>,
          %add3A_784 = arith.addf %get3A_783, %get3A_184 : vector<16xf32>
          %jit3A_785 = arith.constant 0.000000e+00 : f32
          %jit3A_786 = arith.constant 222.999985 : f32
          %max3A_787 = vector.broadcast %jit3A_785 : f32 to vector<16xf32>
          %max3A_788 = arith.maximumf %max3A_787, %add3A_784 : vector<16xf32>
          %min3A_789 = vector.broadcast %jit3A_786 : f32 to vector<16xf32>
          %min3A_790 = arith.minimumf %min3A_789, %max3A_788 : vector<16xf32>
          %get3A_791 = arith.constant 208 : index
          %get3A_792 = tpu.vector_load %arg13[%get3A_791] {strides = array<i32>} : memref<224xf32, #tpu.memory_space<vmem>>, vector<16xf32>,
          %add3A_793 = arith.addf %get3A_792, %get3A_187 : vector<16xf32>
          %jit3A_794 = arith.constant 0.000000e+00 : f32
          %jit3A_795 = arith.constant 222.999985 : f32
          %max3A_796 = vector.broadcast %jit3A_794 : f32 to vector<16xf32>
          %max3A_797 = arith.maximumf %max3A_796, %add3A_793 : vector<16xf32>
          %min3A_798 = vector.broadcast %jit3A_795 : f32 to vector<16xf32>
          %min3A_799 = arith.minimumf %min3A_798, %max3A_797 : vector<16xf32>
          %convert_element_type3A_800 = arith.fptosi %min3A_790 : vector<16xf32> to vector<16xi32>
          %convert_element_type3A_801 = arith.fptosi %min3A_799 : vector<16xf32> to vector<16xi32>
          %convert_element_type3A_802 = arith.sitofp %convert_element_type3A_800 : vector<16xi32> to vector<16xf32>
          %sub3A_803 = arith.subf %min3A_790, %convert_element_type3A_802 : vector<16xf32>
          %convert_element_type3A_804 = arith.sitofp %convert_element_type3A_801 : vector<16xi32> to vector<16xf32>
          %sub3A_805 = arith.subf %min3A_799, %convert_element_type3A_804 : vector<16xf32>
          %add3A_806 = arith.constant 1 : i32
          %add3A_807 = vector.broadcast %add3A_806 : i32 to vector<16xi32>
          %add3A_808 = arith.addi %convert_element_type3A_800, %add3A_807 : vector<16xi32>
          %add3A_809 = arith.constant 1 : i32
          %add3A_810 = vector.broadcast %add3A_809 : i32 to vector<16xi32>
          %add3A_811 = arith.addi %convert_element_type3A_801, %add3A_810 : vector<16xi32>
          %gather3A_812 = tpu.vector_load_idx %arg8[%convert_element_type3A_801, %convert_element_type3A_800] : memref<224x225xf32, #tpu.memory_space<vmem>>[vector<16xi32>, vector<16xi32>], vector<16xf32>,
          %gather3A_813 = tpu.vector_load_idx %arg8[%convert_element_type3A_801, %add3A_808] : memref<224x225xf32, #tpu.memory_space<vmem>>[vector<16xi32>, vector<16xi32>], vector<16xf32>,
          %gather3A_814 = tpu.vector_load_idx %arg8[%add3A_811, %convert_element_type3A_800] : memref<224x225xf32, #tpu.memory_space<vmem>>[vector<16xi32>, vector<16xi32>], vector<16xf32>,
          %gather3A_815 = tpu.vector_load_idx %arg8[%add3A_811, %add3A_808] : memref<224x225xf32, #tpu.memory_space<vmem>>[vector<16xi32>, vector<16xi32>], vector<16xf32>,
          %sub3A_816 = arith.subf %gather3A_813, %gather3A_812 : vector<16xf32>
          %mul3A_817 = arith.mulf %sub3A_803, %sub3A_816 : vector<16xf32>
          %add3A_818 = arith.addf %gather3A_812, %mul3A_817 : vector<16xf32>
          %sub3A_819 = arith.subf %gather3A_815, %gather3A_814 : vector<16xf32>
          %mul3A_820 = arith.mulf %sub3A_803, %sub3A_819 : vector<16xf32>
          %add3A_821 = arith.addf %gather3A_814, %mul3A_820 : vector<16xf32>
          %sub3A_822 = arith.subf %add3A_821, %add3A_818 : vector<16xf32>
          %mul3A_823 = arith.mulf %sub3A_805, %sub3A_822 : vector<16xf32>
          %add3A_824 = arith.addf %add3A_818, %mul3A_823 : vector<16xf32>
          %swap3A_825 = arith.index_cast %scan3A_181 : i32 to index
          %swap3A_826 = arith.constant 208 : index
          %swap3A_827 = tpu.vector_load %arg10[%swap3A_825, %swap3A_826] {strides = array<i32>} : memref<28x224xf32, #tpu.memory_space<vmem>>, vector<16xf32>,
          tpu.vector_store %arg10[%swap3A_825, %swap3A_826], %add3A_824 {strides = array<i32>} : memref<28x224xf32, #tpu.memory_space<vmem>>, vector<16xf32>,
        }
        %scan3A_148 = arith.constant 28 : i32
        %dma_start3A_149 = arith.constant 0 : i32
        %dma_start3A_150 = tpu.memref_slice %arg7[%select_n3A, %add3A_71, %mul3A_135, %dma_start3A_149] : memref<8x192x224x224xf32, #tpu.memory_space<hbm>> -> memref<1x1x28x224xf32, #tpu.memory_space<hbm>>
        %dma_start3A_151 = tpu.memref_squeeze %dma_start3A_150 : memref<1x1x28x224xf32, #tpu.memory_space<hbm>> -> memref<28x224xf32, #tpu.memory_space<hbm>>
        %dma_start3A_152 = arith.constant 0 : i32
        %dma_start3A_153 = tpu.memref_slice %arg7[%select_n3A, %add3A_71, %mul3A_135, %dma_start3A_152] : memref<8x192x224x224xf32, #tpu.memory_space<hbm>> -> memref<1x1x28x224xf32, #tpu.memory_space<hbm>>
        %dma_start3A_154 = tpu.memref_squeeze %dma_start3A_153 : memref<1x1x28x224xf32, #tpu.memory_space<hbm>> -> memref<28x224xf32, #tpu.memory_space<hbm>>
        tpu.enqueue_dma source(%arg10 : memref<28x224xf32, #tpu.memory_space<vmem>>) target(%dma_start3A_154 : memref<28x224xf32, #tpu.memory_space<hbm>>) target_semaphore(%arg18 : memref<!tpu.dma_semaphore, #tpu.memory_space<semaphore_mem>>)
        %mul3A_155 = arith.constant 2 : i32
        %mul3A_156 = arith.muli %scan3A_129, %mul3A_155 : i32
        %add3A_157 = arith.constant 1 : i32
        %add3A_158 = arith.addi %mul3A_156, %add3A_157 : i32
        %mul3A_159 = arith.constant 28 : i32
        %mul3A_160 = arith.muli %add3A_158, %mul3A_159 : i32
        %mul3A_161 = arith.constant 8 : i32
        %mul3A_162 = arith.muli %add3A_70, %mul3A_161 : i32
        %add3A_163 = arith.addi %mul3A_162, %add3A_158 : i32
        %ge3A_164 = arith.constant 2 : i32
        %ge3A_165 = arith.cmpi sge, %add3A_163, %ge3A_164 : i32
        %convert_element_type3A_166 = arith.extui %ge3A_165 : i1 to i32
        %cond3A_167 = arith.constant 0 : i32
        %cond3A_168 = arith.cmpi ne, %convert_element_type3A_166, %cond3A_167 : i32
        scf.if %cond3A_168 {
          %dma_wait3A_181 = arith.constant 0 : i32
          %dma_wait3A_182 = arith.constant 0 : i32
          %dma_wait3A_183 = tpu.memref_slice %arg7[%select_n3A, %add3A_71, %dma_wait3A_181, %dma_wait3A_182] : memref<8x192x224x224xf32, #tpu.memory_space<hbm>> -> memref<1x1x28x224xf32, #tpu.memory_space<hbm>>
          %dma_wait3A_184 = tpu.memref_squeeze %dma_wait3A_183 : memref<1x1x28x224xf32, #tpu.memory_space<hbm>> -> memref<28x224xf32, #tpu.memory_space<hbm>>
          %dma_wait3A_185 = arith.constant 0 : i32
          %dma_wait3A_186 = arith.constant 0 : i32
          %dma_wait3A_187 = tpu.memref_slice %arg7[%select_n3A, %add3A_71, %dma_wait3A_185, %dma_wait3A_186] : memref<8x192x224x224xf32, #tpu.memory_space<hbm>> -> memref<1x1x28x224xf32, #tpu.memory_space<hbm>>
          %dma_wait3A_188 = tpu.memref_squeeze %dma_wait3A_187 : memref<1x1x28x224xf32, #tpu.memory_space<hbm>> -> memref<28x224xf32, #tpu.memory_space<hbm>>
          tpu.wait_dma2 semaphore(%arg19 : memref<!tpu.dma_semaphore, #tpu.memory_space<semaphore_mem>>) src(%arg11 : memref<28x224xf32, #tpu.memory_space<vmem>>) dst(%dma_wait3A_188 : memref<28x224xf32, #tpu.memory_space<hbm>>)
        } else {
        }
        %scan3A_169 = arith.constant 0 : i32
        %scan3A_170 = arith.constant 0 : i32
        %scan3A_171 = arith.constant 28 : i32
        %scan3A_172 = arith.addi %scan3A_170, %scan3A_171 : i32
        %scan3A_173 = arith.constant 1 : i32
        scf.for %scan3A_181 = %scan3A_170 to %scan3A_172 step %scan3A_173  : i32 {
          %add3A_182 = arith.addi %mul3A_160, %scan3A_181 : i32
          %get3A = arith.index_cast %add3A_182 : i32 to index
          %get3A_183 = arith.constant 0 : index
          %get3A_184 = tpu.vector_load %arg14[%get3A, %get3A_183] {strides = array<i32>} : memref<224x16xf32, #tpu.memory_space<vmem>>, vector<16xf32>,
          %get3A_185 = arith.index_cast %add3A_182 : i32 to index
          %get3A_186 = arith.constant 0 : index
          %get3A_187 = tpu.vector_load %arg15[%get3A_185, %get3A_186] {strides = array<i32>} : memref<224x16xf32, #tpu.memory_space<vmem>>, vector<16xf32>,
          %get3A_188 = arith.constant 0 : index
          %get3A_189 = tpu.vector_load %arg12[%get3A_188] {strides = array<i32>} : memref<224xf32, #tpu.memory_space<vmem>>, vector<16xf32>,
          %add3A_190 = arith.addf %get3A_189, %get3A_184 : vector<16xf32>
          %jit3A_191 = arith.constant 0.000000e+00 : f32
          %jit3A_192 = arith.constant 222.999985 : f32
          %max3A = vector.broadcast %jit3A_191 : f32 to vector<16xf32>
          %max3A_193 = arith.maximumf %max3A, %add3A_190 : vector<16xf32>
          %min3A = vector.broadcast %jit3A_192 : f32 to vector<16xf32>
          %min3A_194 = arith.minimumf %min3A, %max3A_193 : vector<16xf32>
          %get3A_195 = arith.constant 0 : index
          %get3A_196 = tpu.vector_load %arg13[%get3A_195] {strides = array<i32>} : memref<224xf32, #tpu.memory_space<vmem>>, vector<16xf32>,
          %add3A_197 = arith.addf %get3A_196, %get3A_187 : vector<16xf32>
          %jit3A_198 = arith.constant 0.000000e+00 : f32
          %jit3A_199 = arith.constant 222.999985 : f32
          %max3A_200 = vector.broadcast %jit3A_198 : f32 to vector<16xf32>
          %max3A_201 = arith.maximumf %max3A_200, %add3A_197 : vector<16xf32>
          %min3A_202 = vector.broadcast %jit3A_199 : f32 to vector<16xf32>
          %min3A_203 = arith.minimumf %min3A_202, %max3A_201 : vector<16xf32>
          %convert_element_type3A_204 = arith.fptosi %min3A_194 : vector<16xf32> to vector<16xi32>
          %convert_element_type3A_205 = arith.fptosi %min3A_203 : vector<16xf32> to vector<16xi32>
          %convert_element_type3A_206 = arith.sitofp %convert_element_type3A_204 : vector<16xi32> to vector<16xf32>
          %sub3A_207 = arith.subf %min3A_194, %convert_element_type3A_206 : vector<16xf32>
          %convert_element_type3A_208 = arith.sitofp %convert_element_type3A_205 : vector<16xi32> to vector<16xf32>
          %sub3A_209 = arith.subf %min3A_203, %convert_element_type3A_208 : vector<16xf32>
          %add3A_210 = arith.constant 1 : i32
          %add3A_211 = vector.broadcast %add3A_210 : i32 to vector<16xi32>
          %add3A_212 = arith.addi %convert_element_type3A_204, %add3A_211 : vector<16xi32>
          %add3A_213 = arith.constant 1 : i32
          %add3A_214 = vector.broadcast %add3A_213 : i32 to vector<16xi32>
          %add3A_215 = arith.addi %convert_element_type3A_205, %add3A_214 : vector<16xi32>
          %gather3A = tpu.vector_load_idx %arg8[%convert_element_type3A_205, %convert_element_type3A_204] : memref<224x225xf32, #tpu.memory_space<vmem>>[vector<16xi32>, vector<16xi32>], vector<16xf32>,
          %gather3A_216 = tpu.vector_load_idx %arg8[%convert_element_type3A_205, %add3A_212] : memref<224x225xf32, #tpu.memory_space<vmem>>[vector<16xi32>, vector<16xi32>], vector<16xf32>,
          %gather3A_217 = tpu.vector_load_idx %arg8[%add3A_215, %convert_element_type3A_204] : memref<224x225xf32, #tpu.memory_space<vmem>>[vector<16xi32>, vector<16xi32>], vector<16xf32>,
          %gather3A_218 = tpu.vector_load_idx %arg8[%add3A_215, %add3A_212] : memref<224x225xf32, #tpu.memory_space<vmem>>[vector<16xi32>, vector<16xi32>], vector<16xf32>,
          %sub3A_219 = arith.subf %gather3A_216, %gather3A : vector<16xf32>
          %mul3A_220 = arith.mulf %sub3A_207, %sub3A_219 : vector<16xf32>
          %add3A_221 = arith.addf %gather3A, %mul3A_220 : vector<16xf32>
          %sub3A_222 = arith.subf %gather3A_218, %gather3A_217 : vector<16xf32>
          %mul3A_223 = arith.mulf %sub3A_207, %sub3A_222 : vector<16xf32>
          %add3A_224 = arith.addf %gather3A_217, %mul3A_223 : vector<16xf32>
          %sub3A_225 = arith.subf %add3A_224, %add3A_221 : vector<16xf32>
          %mul3A_226 = arith.mulf %sub3A_209, %sub3A_225 : vector<16xf32>
          %add3A_227 = arith.addf %add3A_221, %mul3A_226 : vector<16xf32>
          %swap3A = arith.index_cast %scan3A_181 : i32 to index
          %swap3A_228 = arith.constant 0 : index
          %swap3A_229 = tpu.vector_load %arg11[%swap3A, %swap3A_228] {strides = array<i32>} : memref<28x224xf32, #tpu.memory_space<vmem>>, vector<16xf32>,
          tpu.vector_store %arg11[%swap3A, %swap3A_228], %add3A_227 {strides = array<i32>} : memref<28x224xf32, #tpu.memory_space<vmem>>, vector<16xf32>,
          %get3A_230 = arith.constant 16 : index
          %get3A_231 = tpu.vector_load %arg12[%get3A_230] {strides = array<i32>} : memref<224xf32, #tpu.memory_space<vmem>>, vector<16xf32>,
          %add3A_232 = arith.addf %get3A_231, %get3A_184 : vector<16xf32>
          %jit3A_233 = arith.constant 0.000000e+00 : f32
          %jit3A_234 = arith.constant 222.999985 : f32
          %max3A_235 = vector.broadcast %jit3A_233 : f32 to vector<16xf32>
          %max3A_236 = arith.maximumf %max3A_235, %add3A_232 : vector<16xf32>
          %min3A_237 = vector.broadcast %jit3A_234 : f32 to vector<16xf32>
          %min3A_238 = arith.minimumf %min3A_237, %max3A_236 : vector<16xf32>
          %get3A_239 = arith.constant 16 : index
          %get3A_240 = tpu.vector_load %arg13[%get3A_239] {strides = array<i32>} : memref<224xf32, #tpu.memory_space<vmem>>, vector<16xf32>,
          %add3A_241 = arith.addf %get3A_240, %get3A_187 : vector<16xf32>
          %jit3A_242 = arith.constant 0.000000e+00 : f32
          %jit3A_243 = arith.constant 222.999985 : f32
          %max3A_244 = vector.broadcast %jit3A_242 : f32 to vector<16xf32>
          %max3A_245 = arith.maximumf %max3A_244, %add3A_241 : vector<16xf32>
          %min3A_246 = vector.broadcast %jit3A_243 : f32 to vector<16xf32>
          %min3A_247 = arith.minimumf %min3A_246, %max3A_245 : vector<16xf32>
          %convert_element_type3A_248 = arith.fptosi %min3A_238 : vector<16xf32> to vector<16xi32>
          %convert_element_type3A_249 = arith.fptosi %min3A_247 : vector<16xf32> to vector<16xi32>
          %convert_element_type3A_250 = arith.sitofp %convert_element_type3A_248 : vector<16xi32> to vector<16xf32>
          %sub3A_251 = arith.subf %min3A_238, %convert_element_type3A_250 : vector<16xf32>
          %convert_element_type3A_252 = arith.sitofp %convert_element_type3A_249 : vector<16xi32> to vector<16xf32>
          %sub3A_253 = arith.subf %min3A_247, %convert_element_type3A_252 : vector<16xf32>
          %add3A_254 = arith.constant 1 : i32
          %add3A_255 = vector.broadcast %add3A_254 : i32 to vector<16xi32>
          %add3A_256 = arith.addi %convert_element_type3A_248, %add3A_255 : vector<16xi32>
          %add3A_257 = arith.constant 1 : i32
          %add3A_258 = vector.broadcast %add3A_257 : i32 to vector<16xi32>
          %add3A_259 = arith.addi %convert_element_type3A_249, %add3A_258 : vector<16xi32>
          %gather3A_260 = tpu.vector_load_idx %arg8[%convert_element_type3A_249, %convert_element_type3A_248] : memref<224x225xf32, #tpu.memory_space<vmem>>[vector<16xi32>, vector<16xi32>], vector<16xf32>,
          %gather3A_261 = tpu.vector_load_idx %arg8[%convert_element_type3A_249, %add3A_256] : memref<224x225xf32, #tpu.memory_space<vmem>>[vector<16xi32>, vector<16xi32>], vector<16xf32>,
          %gather3A_262 = tpu.vector_load_idx %arg8[%add3A_259, %convert_element_type3A_248] : memref<224x225xf32, #tpu.memory_space<vmem>>[vector<16xi32>, vector<16xi32>], vector<16xf32>,
          %gather3A_263 = tpu.vector_load_idx %arg8[%add3A_259, %add3A_256] : memref<224x225xf32, #tpu.memory_space<vmem>>[vector<16xi32>, vector<16xi32>], vector<16xf32>,
          %sub3A_264 = arith.subf %gather3A_261, %gather3A_260 : vector<16xf32>
          %mul3A_265 = arith.mulf %sub3A_251, %sub3A_264 : vector<16xf32>
          %add3A_266 = arith.addf %gather3A_260, %mul3A_265 : vector<16xf32>
          %sub3A_267 = arith.subf %gather3A_263, %gather3A_262 : vector<16xf32>
          %mul3A_268 = arith.mulf %sub3A_251, %sub3A_267 : vector<16xf32>
          %add3A_269 = arith.addf %gather3A_262, %mul3A_268 : vector<16xf32>
          %sub3A_270 = arith.subf %add3A_269, %add3A_266 : vector<16xf32>
          %mul3A_271 = arith.mulf %sub3A_253, %sub3A_270 : vector<16xf32>
          %add3A_272 = arith.addf %add3A_266, %mul3A_271 : vector<16xf32>
          %swap3A_273 = arith.index_cast %scan3A_181 : i32 to index
          %swap3A_274 = arith.constant 16 : index
          %swap3A_275 = tpu.vector_load %arg11[%swap3A_273, %swap3A_274] {strides = array<i32>} : memref<28x224xf32, #tpu.memory_space<vmem>>, vector<16xf32>,
          tpu.vector_store %arg11[%swap3A_273, %swap3A_274], %add3A_272 {strides = array<i32>} : memref<28x224xf32, #tpu.memory_space<vmem>>, vector<16xf32>,
          %get3A_276 = arith.constant 32 : index
          %get3A_277 = tpu.vector_load %arg12[%get3A_276] {strides = array<i32>} : memref<224xf32, #tpu.memory_space<vmem>>, vector<16xf32>,
          %add3A_278 = arith.addf %get3A_277, %get3A_184 : vector<16xf32>
          %jit3A_279 = arith.constant 0.000000e+00 : f32
          %jit3A_280 = arith.constant 222.999985 : f32
          %max3A_281 = vector.broadcast %jit3A_279 : f32 to vector<16xf32>
          %max3A_282 = arith.maximumf %max3A_281, %add3A_278 : vector<16xf32>
          %min3A_283 = vector.broadcast %jit3A_280 : f32 to vector<16xf32>
          %min3A_284 = arith.minimumf %min3A_283, %max3A_282 : vector<16xf32>
          %get3A_285 = arith.constant 32 : index
          %get3A_286 = tpu.vector_load %arg13[%get3A_285] {strides = array<i32>} : memref<224xf32, #tpu.memory_space<vmem>>, vector<16xf32>,
          %add3A_287 = arith.addf %get3A_286, %get3A_187 : vector<16xf32>
          %jit3A_288 = arith.constant 0.000000e+00 : f32
          %jit3A_289 = arith.constant 222.999985 : f32
          %max3A_290 = vector.broadcast %jit3A_288 : f32 to vector<16xf32>
          %max3A_291 = arith.maximumf %max3A_290, %add3A_287 : vector<16xf32>
          %min3A_292 = vector.broadcast %jit3A_289 : f32 to vector<16xf32>
          %min3A_293 = arith.minimumf %min3A_292, %max3A_291 : vector<16xf32>
          %convert_element_type3A_294 = arith.fptosi %min3A_284 : vector<16xf32> to vector<16xi32>
          %convert_element_type3A_295 = arith.fptosi %min3A_293 : vector<16xf32> to vector<16xi32>
          %convert_element_type3A_296 = arith.sitofp %convert_element_type3A_294 : vector<16xi32> to vector<16xf32>
          %sub3A_297 = arith.subf %min3A_284, %convert_element_type3A_296 : vector<16xf32>
          %convert_element_type3A_298 = arith.sitofp %convert_element_type3A_295 : vector<16xi32> to vector<16xf32>
          %sub3A_299 = arith.subf %min3A_293, %convert_element_type3A_298 : vector<16xf32>
          %add3A_300 = arith.constant 1 : i32
          %add3A_301 = vector.broadcast %add3A_300 : i32 to vector<16xi32>
          %add3A_302 = arith.addi %convert_element_type3A_294, %add3A_301 : vector<16xi32>
          %add3A_303 = arith.constant 1 : i32
          %add3A_304 = vector.broadcast %add3A_303 : i32 to vector<16xi32>
          %add3A_305 = arith.addi %convert_element_type3A_295, %add3A_304 : vector<16xi32>
          %gather3A_306 = tpu.vector_load_idx %arg8[%convert_element_type3A_295, %convert_element_type3A_294] : memref<224x225xf32, #tpu.memory_space<vmem>>[vector<16xi32>, vector<16xi32>], vector<16xf32>,
          %gather3A_307 = tpu.vector_load_idx %arg8[%convert_element_type3A_295, %add3A_302] : memref<224x225xf32, #tpu.memory_space<vmem>>[vector<16xi32>, vector<16xi32>], vector<16xf32>,
          %gather3A_308 = tpu.vector_load_idx %arg8[%add3A_305, %convert_element_type3A_294] : memref<224x225xf32, #tpu.memory_space<vmem>>[vector<16xi32>, vector<16xi32>], vector<16xf32>,
          %gather3A_309 = tpu.vector_load_idx %arg8[%add3A_305, %add3A_302] : memref<224x225xf32, #tpu.memory_space<vmem>>[vector<16xi32>, vector<16xi32>], vector<16xf32>,
          %sub3A_310 = arith.subf %gather3A_307, %gather3A_306 : vector<16xf32>
          %mul3A_311 = arith.mulf %sub3A_297, %sub3A_310 : vector<16xf32>
          %add3A_312 = arith.addf %gather3A_306, %mul3A_311 : vector<16xf32>
          %sub3A_313 = arith.subf %gather3A_309, %gather3A_308 : vector<16xf32>
          %mul3A_314 = arith.mulf %sub3A_297, %sub3A_313 : vector<16xf32>
          %add3A_315 = arith.addf %gather3A_308, %mul3A_314 : vector<16xf32>
          %sub3A_316 = arith.subf %add3A_315, %add3A_312 : vector<16xf32>
          %mul3A_317 = arith.mulf %sub3A_299, %sub3A_316 : vector<16xf32>
          %add3A_318 = arith.addf %add3A_312, %mul3A_317 : vector<16xf32>
          %swap3A_319 = arith.index_cast %scan3A_181 : i32 to index
          %swap3A_320 = arith.constant 32 : index
          %swap3A_321 = tpu.vector_load %arg11[%swap3A_319, %swap3A_320] {strides = array<i32>} : memref<28x224xf32, #tpu.memory_space<vmem>>, vector<16xf32>,
          tpu.vector_store %arg11[%swap3A_319, %swap3A_320], %add3A_318 {strides = array<i32>} : memref<28x224xf32, #tpu.memory_space<vmem>>, vector<16xf32>,
          %get3A_322 = arith.constant 48 : index
          %get3A_323 = tpu.vector_load %arg12[%get3A_322] {strides = array<i32>} : memref<224xf32, #tpu.memory_space<vmem>>, vector<16xf32>,
          %add3A_324 = arith.addf %get3A_323, %get3A_184 : vector<16xf32>
          %jit3A_325 = arith.constant 0.000000e+00 : f32
          %jit3A_326 = arith.constant 222.999985 : f32
          %max3A_327 = vector.broadcast %jit3A_325 : f32 to vector<16xf32>
          %max3A_328 = arith.maximumf %max3A_327, %add3A_324 : vector<16xf32>
          %min3A_329 = vector.broadcast %jit3A_326 : f32 to vector<16xf32>
          %min3A_330 = arith.minimumf %min3A_329, %max3A_328 : vector<16xf32>
          %get3A_331 = arith.constant 48 : index
          %get3A_332 = tpu.vector_load %arg13[%get3A_331] {strides = array<i32>} : memref<224xf32, #tpu.memory_space<vmem>>, vector<16xf32>,
          %add3A_333 = arith.addf %get3A_332, %get3A_187 : vector<16xf32>
          %jit3A_334 = arith.constant 0.000000e+00 : f32
          %jit3A_335 = arith.constant 222.999985 : f32
          %max3A_336 = vector.broadcast %jit3A_334 : f32 to vector<16xf32>
          %max3A_337 = arith.maximumf %max3A_336, %add3A_333 : vector<16xf32>
          %min3A_338 = vector.broadcast %jit3A_335 : f32 to vector<16xf32>
          %min3A_339 = arith.minimumf %min3A_338, %max3A_337 : vector<16xf32>
          %convert_element_type3A_340 = arith.fptosi %min3A_330 : vector<16xf32> to vector<16xi32>
          %convert_element_type3A_341 = arith.fptosi %min3A_339 : vector<16xf32> to vector<16xi32>
          %convert_element_type3A_342 = arith.sitofp %convert_element_type3A_340 : vector<16xi32> to vector<16xf32>
          %sub3A_343 = arith.subf %min3A_330, %convert_element_type3A_342 : vector<16xf32>
          %convert_element_type3A_344 = arith.sitofp %convert_element_type3A_341 : vector<16xi32> to vector<16xf32>
          %sub3A_345 = arith.subf %min3A_339, %convert_element_type3A_344 : vector<16xf32>
          %add3A_346 = arith.constant 1 : i32
          %add3A_347 = vector.broadcast %add3A_346 : i32 to vector<16xi32>
          %add3A_348 = arith.addi %convert_element_type3A_340, %add3A_347 : vector<16xi32>
          %add3A_349 = arith.constant 1 : i32
          %add3A_350 = vector.broadcast %add3A_349 : i32 to vector<16xi32>
          %add3A_351 = arith.addi %convert_element_type3A_341, %add3A_350 : vector<16xi32>
          %gather3A_352 = tpu.vector_load_idx %arg8[%convert_element_type3A_341, %convert_element_type3A_340] : memref<224x225xf32, #tpu.memory_space<vmem>>[vector<16xi32>, vector<16xi32>], vector<16xf32>,
          %gather3A_353 = tpu.vector_load_idx %arg8[%convert_element_type3A_341, %add3A_348] : memref<224x225xf32, #tpu.memory_space<vmem>>[vector<16xi32>, vector<16xi32>], vector<16xf32>,
          %gather3A_354 = tpu.vector_load_idx %arg8[%add3A_351, %convert_element_type3A_340] : memref<224x225xf32, #tpu.memory_space<vmem>>[vector<16xi32>, vector<16xi32>], vector<16xf32>,
          %gather3A_355 = tpu.vector_load_idx %arg8[%add3A_351, %add3A_348] : memref<224x225xf32, #tpu.memory_space<vmem>>[vector<16xi32>, vector<16xi32>], vector<16xf32>,
          %sub3A_356 = arith.subf %gather3A_353, %gather3A_352 : vector<16xf32>
          %mul3A_357 = arith.mulf %sub3A_343, %sub3A_356 : vector<16xf32>
          %add3A_358 = arith.addf %gather3A_352, %mul3A_357 : vector<16xf32>
          %sub3A_359 = arith.subf %gather3A_355, %gather3A_354 : vector<16xf32>
          %mul3A_360 = arith.mulf %sub3A_343, %sub3A_359 : vector<16xf32>
          %add3A_361 = arith.addf %gather3A_354, %mul3A_360 : vector<16xf32>
          %sub3A_362 = arith.subf %add3A_361, %add3A_358 : vector<16xf32>
          %mul3A_363 = arith.mulf %sub3A_345, %sub3A_362 : vector<16xf32>
          %add3A_364 = arith.addf %add3A_358, %mul3A_363 : vector<16xf32>
          %swap3A_365 = arith.index_cast %scan3A_181 : i32 to index
          %swap3A_366 = arith.constant 48 : index
          %swap3A_367 = tpu.vector_load %arg11[%swap3A_365, %swap3A_366] {strides = array<i32>} : memref<28x224xf32, #tpu.memory_space<vmem>>, vector<16xf32>,
          tpu.vector_store %arg11[%swap3A_365, %swap3A_366], %add3A_364 {strides = array<i32>} : memref<28x224xf32, #tpu.memory_space<vmem>>, vector<16xf32>,
          %get3A_368 = arith.constant 64 : index
          %get3A_369 = tpu.vector_load %arg12[%get3A_368] {strides = array<i32>} : memref<224xf32, #tpu.memory_space<vmem>>, vector<16xf32>,
          %add3A_370 = arith.addf %get3A_369, %get3A_184 : vector<16xf32>
          %jit3A_371 = arith.constant 0.000000e+00 : f32
          %jit3A_372 = arith.constant 222.999985 : f32
          %max3A_373 = vector.broadcast %jit3A_371 : f32 to vector<16xf32>
          %max3A_374 = arith.maximumf %max3A_373, %add3A_370 : vector<16xf32>
          %min3A_375 = vector.broadcast %jit3A_372 : f32 to vector<16xf32>
          %min3A_376 = arith.minimumf %min3A_375, %max3A_374 : vector<16xf32>
          %get3A_377 = arith.constant 64 : index
          %get3A_378 = tpu.vector_load %arg13[%get3A_377] {strides = array<i32>} : memref<224xf32, #tpu.memory_space<vmem>>, vector<16xf32>,
          %add3A_379 = arith.addf %get3A_378, %get3A_187 : vector<16xf32>
          %jit3A_380 = arith.constant 0.000000e+00 : f32
          %jit3A_381 = arith.constant 222.999985 : f32
          %max3A_382 = vector.broadcast %jit3A_380 : f32 to vector<16xf32>
          %max3A_383 = arith.maximumf %max3A_382, %add3A_379 : vector<16xf32>
          %min3A_384 = vector.broadcast %jit3A_381 : f32 to vector<16xf32>
          %min3A_385 = arith.minimumf %min3A_384, %max3A_383 : vector<16xf32>
          %convert_element_type3A_386 = arith.fptosi %min3A_376 : vector<16xf32> to vector<16xi32>
          %convert_element_type3A_387 = arith.fptosi %min3A_385 : vector<16xf32> to vector<16xi32>
          %convert_element_type3A_388 = arith.sitofp %convert_element_type3A_386 : vector<16xi32> to vector<16xf32>
          %sub3A_389 = arith.subf %min3A_376, %convert_element_type3A_388 : vector<16xf32>
          %convert_element_type3A_390 = arith.sitofp %convert_element_type3A_387 : vector<16xi32> to vector<16xf32>
          %sub3A_391 = arith.subf %min3A_385, %convert_element_type3A_390 : vector<16xf32>
          %add3A_392 = arith.constant 1 : i32
          %add3A_393 = vector.broadcast %add3A_392 : i32 to vector<16xi32>
          %add3A_394 = arith.addi %convert_element_type3A_386, %add3A_393 : vector<16xi32>
          %add3A_395 = arith.constant 1 : i32
          %add3A_396 = vector.broadcast %add3A_395 : i32 to vector<16xi32>
          %add3A_397 = arith.addi %convert_element_type3A_387, %add3A_396 : vector<16xi32>
          %gather3A_398 = tpu.vector_load_idx %arg8[%convert_element_type3A_387, %convert_element_type3A_386] : memref<224x225xf32, #tpu.memory_space<vmem>>[vector<16xi32>, vector<16xi32>], vector<16xf32>,
          %gather3A_399 = tpu.vector_load_idx %arg8[%convert_element_type3A_387, %add3A_394] : memref<224x225xf32, #tpu.memory_space<vmem>>[vector<16xi32>, vector<16xi32>], vector<16xf32>,
          %gather3A_400 = tpu.vector_load_idx %arg8[%add3A_397, %convert_element_type3A_386] : memref<224x225xf32, #tpu.memory_space<vmem>>[vector<16xi32>, vector<16xi32>], vector<16xf32>,
          %gather3A_401 = tpu.vector_load_idx %arg8[%add3A_397, %add3A_394] : memref<224x225xf32, #tpu.memory_space<vmem>>[vector<16xi32>, vector<16xi32>], vector<16xf32>,
          %sub3A_402 = arith.subf %gather3A_399, %gather3A_398 : vector<16xf32>
          %mul3A_403 = arith.mulf %sub3A_389, %sub3A_402 : vector<16xf32>
          %add3A_404 = arith.addf %gather3A_398, %mul3A_403 : vector<16xf32>
          %sub3A_405 = arith.subf %gather3A_401, %gather3A_400 : vector<16xf32>
          %mul3A_406 = arith.mulf %sub3A_389, %sub3A_405 : vector<16xf32>
          %add3A_407 = arith.addf %gather3A_400, %mul3A_406 : vector<16xf32>
          %sub3A_408 = arith.subf %add3A_407, %add3A_404 : vector<16xf32>
          %mul3A_409 = arith.mulf %sub3A_391, %sub3A_408 : vector<16xf32>
          %add3A_410 = arith.addf %add3A_404, %mul3A_409 : vector<16xf32>
          %swap3A_411 = arith.index_cast %scan3A_181 : i32 to index
          %swap3A_412 = arith.constant 64 : index
          %swap3A_413 = tpu.vector_load %arg11[%swap3A_411, %swap3A_412] {strides = array<i32>} : memref<28x224xf32, #tpu.memory_space<vmem>>, vector<16xf32>,
          tpu.vector_store %arg11[%swap3A_411, %swap3A_412], %add3A_410 {strides = array<i32>} : memref<28x224xf32, #tpu.memory_space<vmem>>, vector<16xf32>,
          %get3A_414 = arith.constant 80 : index
          %get3A_415 = tpu.vector_load %arg12[%get3A_414] {strides = array<i32>} : memref<224xf32, #tpu.memory_space<vmem>>, vector<16xf32>,
          %add3A_416 = arith.addf %get3A_415, %get3A_184 : vector<16xf32>
          %jit3A_417 = arith.constant 0.000000e+00 : f32
          %jit3A_418 = arith.constant 222.999985 : f32
          %max3A_419 = vector.broadcast %jit3A_417 : f32 to vector<16xf32>
          %max3A_420 = arith.maximumf %max3A_419, %add3A_416 : vector<16xf32>
          %min3A_421 = vector.broadcast %jit3A_418 : f32 to vector<16xf32>
          %min3A_422 = arith.minimumf %min3A_421, %max3A_420 : vector<16xf32>
          %get3A_423 = arith.constant 80 : index
          %get3A_424 = tpu.vector_load %arg13[%get3A_423] {strides = array<i32>} : memref<224xf32, #tpu.memory_space<vmem>>, vector<16xf32>,
          %add3A_425 = arith.addf %get3A_424, %get3A_187 : vector<16xf32>
          %jit3A_426 = arith.constant 0.000000e+00 : f32
          %jit3A_427 = arith.constant 222.999985 : f32
          %max3A_428 = vector.broadcast %jit3A_426 : f32 to vector<16xf32>
          %max3A_429 = arith.maximumf %max3A_428, %add3A_425 : vector<16xf32>
          %min3A_430 = vector.broadcast %jit3A_427 : f32 to vector<16xf32>
          %min3A_431 = arith.minimumf %min3A_430, %max3A_429 : vector<16xf32>
          %convert_element_type3A_432 = arith.fptosi %min3A_422 : vector<16xf32> to vector<16xi32>
          %convert_element_type3A_433 = arith.fptosi %min3A_431 : vector<16xf32> to vector<16xi32>
          %convert_element_type3A_434 = arith.sitofp %convert_element_type3A_432 : vector<16xi32> to vector<16xf32>
          %sub3A_435 = arith.subf %min3A_422, %convert_element_type3A_434 : vector<16xf32>
          %convert_element_type3A_436 = arith.sitofp %convert_element_type3A_433 : vector<16xi32> to vector<16xf32>
          %sub3A_437 = arith.subf %min3A_431, %convert_element_type3A_436 : vector<16xf32>
          %add3A_438 = arith.constant 1 : i32
          %add3A_439 = vector.broadcast %add3A_438 : i32 to vector<16xi32>
          %add3A_440 = arith.addi %convert_element_type3A_432, %add3A_439 : vector<16xi32>
          %add3A_441 = arith.constant 1 : i32
          %add3A_442 = vector.broadcast %add3A_441 : i32 to vector<16xi32>
          %add3A_443 = arith.addi %convert_element_type3A_433, %add3A_442 : vector<16xi32>
          %gather3A_444 = tpu.vector_load_idx %arg8[%convert_element_type3A_433, %convert_element_type3A_432] : memref<224x225xf32, #tpu.memory_space<vmem>>[vector<16xi32>, vector<16xi32>], vector<16xf32>,
          %gather3A_445 = tpu.vector_load_idx %arg8[%convert_element_type3A_433, %add3A_440] : memref<224x225xf32, #tpu.memory_space<vmem>>[vector<16xi32>, vector<16xi32>], vector<16xf32>,
          %gather3A_446 = tpu.vector_load_idx %arg8[%add3A_443, %convert_element_type3A_432] : memref<224x225xf32, #tpu.memory_space<vmem>>[vector<16xi32>, vector<16xi32>], vector<16xf32>,
          %gather3A_447 = tpu.vector_load_idx %arg8[%add3A_443, %add3A_440] : memref<224x225xf32, #tpu.memory_space<vmem>>[vector<16xi32>, vector<16xi32>], vector<16xf32>,
          %sub3A_448 = arith.subf %gather3A_445, %gather3A_444 : vector<16xf32>
          %mul3A_449 = arith.mulf %sub3A_435, %sub3A_448 : vector<16xf32>
          %add3A_450 = arith.addf %gather3A_444, %mul3A_449 : vector<16xf32>
          %sub3A_451 = arith.subf %gather3A_447, %gather3A_446 : vector<16xf32>
          %mul3A_452 = arith.mulf %sub3A_435, %sub3A_451 : vector<16xf32>
          %add3A_453 = arith.addf %gather3A_446, %mul3A_452 : vector<16xf32>
          %sub3A_454 = arith.subf %add3A_453, %add3A_450 : vector<16xf32>
          %mul3A_455 = arith.mulf %sub3A_437, %sub3A_454 : vector<16xf32>
          %add3A_456 = arith.addf %add3A_450, %mul3A_455 : vector<16xf32>
          %swap3A_457 = arith.index_cast %scan3A_181 : i32 to index
          %swap3A_458 = arith.constant 80 : index
          %swap3A_459 = tpu.vector_load %arg11[%swap3A_457, %swap3A_458] {strides = array<i32>} : memref<28x224xf32, #tpu.memory_space<vmem>>, vector<16xf32>,
          tpu.vector_store %arg11[%swap3A_457, %swap3A_458], %add3A_456 {strides = array<i32>} : memref<28x224xf32, #tpu.memory_space<vmem>>, vector<16xf32>,
          %get3A_460 = arith.constant 96 : index
          %get3A_461 = tpu.vector_load %arg12[%get3A_460] {strides = array<i32>} : memref<224xf32, #tpu.memory_space<vmem>>, vector<16xf32>,
          %add3A_462 = arith.addf %get3A_461, %get3A_184 : vector<16xf32>
          %jit3A_463 = arith.constant 0.000000e+00 : f32
          %jit3A_464 = arith.constant 222.999985 : f32
          %max3A_465 = vector.broadcast %jit3A_463 : f32 to vector<16xf32>
          %max3A_466 = arith.maximumf %max3A_465, %add3A_462 : vector<16xf32>
          %min3A_467 = vector.broadcast %jit3A_464 : f32 to vector<16xf32>
          %min3A_468 = arith.minimumf %min3A_467, %max3A_466 : vector<16xf32>
          %get3A_469 = arith.constant 96 : index
          %get3A_470 = tpu.vector_load %arg13[%get3A_469] {strides = array<i32>} : memref<224xf32, #tpu.memory_space<vmem>>, vector<16xf32>,
          %add3A_471 = arith.addf %get3A_470, %get3A_187 : vector<16xf32>
          %jit3A_472 = arith.constant 0.000000e+00 : f32
          %jit3A_473 = arith.constant 222.999985 : f32
          %max3A_474 = vector.broadcast %jit3A_472 : f32 to vector<16xf32>
          %max3A_475 = arith.maximumf %max3A_474, %add3A_471 : vector<16xf32>
          %min3A_476 = vector.broadcast %jit3A_473 : f32 to vector<16xf32>
          %min3A_477 = arith.minimumf %min3A_476, %max3A_475 : vector<16xf32>
          %convert_element_type3A_478 = arith.fptosi %min3A_468 : vector<16xf32> to vector<16xi32>
          %convert_element_type3A_479 = arith.fptosi %min3A_477 : vector<16xf32> to vector<16xi32>
          %convert_element_type3A_480 = arith.sitofp %convert_element_type3A_478 : vector<16xi32> to vector<16xf32>
          %sub3A_481 = arith.subf %min3A_468, %convert_element_type3A_480 : vector<16xf32>
          %convert_element_type3A_482 = arith.sitofp %convert_element_type3A_479 : vector<16xi32> to vector<16xf32>
          %sub3A_483 = arith.subf %min3A_477, %convert_element_type3A_482 : vector<16xf32>
          %add3A_484 = arith.constant 1 : i32
          %add3A_485 = vector.broadcast %add3A_484 : i32 to vector<16xi32>
          %add3A_486 = arith.addi %convert_element_type3A_478, %add3A_485 : vector<16xi32>
          %add3A_487 = arith.constant 1 : i32
          %add3A_488 = vector.broadcast %add3A_487 : i32 to vector<16xi32>
          %add3A_489 = arith.addi %convert_element_type3A_479, %add3A_488 : vector<16xi32>
          %gather3A_490 = tpu.vector_load_idx %arg8[%convert_element_type3A_479, %convert_element_type3A_478] : memref<224x225xf32, #tpu.memory_space<vmem>>[vector<16xi32>, vector<16xi32>], vector<16xf32>,
          %gather3A_491 = tpu.vector_load_idx %arg8[%convert_element_type3A_479, %add3A_486] : memref<224x225xf32, #tpu.memory_space<vmem>>[vector<16xi32>, vector<16xi32>], vector<16xf32>,
          %gather3A_492 = tpu.vector_load_idx %arg8[%add3A_489, %convert_element_type3A_478] : memref<224x225xf32, #tpu.memory_space<vmem>>[vector<16xi32>, vector<16xi32>], vector<16xf32>,
          %gather3A_493 = tpu.vector_load_idx %arg8[%add3A_489, %add3A_486] : memref<224x225xf32, #tpu.memory_space<vmem>>[vector<16xi32>, vector<16xi32>], vector<16xf32>,
          %sub3A_494 = arith.subf %gather3A_491, %gather3A_490 : vector<16xf32>
          %mul3A_495 = arith.mulf %sub3A_481, %sub3A_494 : vector<16xf32>
          %add3A_496 = arith.addf %gather3A_490, %mul3A_495 : vector<16xf32>
          %sub3A_497 = arith.subf %gather3A_493, %gather3A_492 : vector<16xf32>
          %mul3A_498 = arith.mulf %sub3A_481, %sub3A_497 : vector<16xf32>
          %add3A_499 = arith.addf %gather3A_492, %mul3A_498 : vector<16xf32>
          %sub3A_500 = arith.subf %add3A_499, %add3A_496 : vector<16xf32>
          %mul3A_501 = arith.mulf %sub3A_483, %sub3A_500 : vector<16xf32>
          %add3A_502 = arith.addf %add3A_496, %mul3A_501 : vector<16xf32>
          %swap3A_503 = arith.index_cast %scan3A_181 : i32 to index
          %swap3A_504 = arith.constant 96 : index
          %swap3A_505 = tpu.vector_load %arg11[%swap3A_503, %swap3A_504] {strides = array<i32>} : memref<28x224xf32, #tpu.memory_space<vmem>>, vector<16xf32>,
          tpu.vector_store %arg11[%swap3A_503, %swap3A_504], %add3A_502 {strides = array<i32>} : memref<28x224xf32, #tpu.memory_space<vmem>>, vector<16xf32>,
          %get3A_506 = arith.constant 112 : index
          %get3A_507 = tpu.vector_load %arg12[%get3A_506] {strides = array<i32>} : memref<224xf32, #tpu.memory_space<vmem>>, vector<16xf32>,
          %add3A_508 = arith.addf %get3A_507, %get3A_184 : vector<16xf32>
          %jit3A_509 = arith.constant 0.000000e+00 : f32
          %jit3A_510 = arith.constant 222.999985 : f32
          %max3A_511 = vector.broadcast %jit3A_509 : f32 to vector<16xf32>
          %max3A_512 = arith.maximumf %max3A_511, %add3A_508 : vector<16xf32>
          %min3A_513 = vector.broadcast %jit3A_510 : f32 to vector<16xf32>
          %min3A_514 = arith.minimumf %min3A_513, %max3A_512 : vector<16xf32>
          %get3A_515 = arith.constant 112 : index
          %get3A_516 = tpu.vector_load %arg13[%get3A_515] {strides = array<i32>} : memref<224xf32, #tpu.memory_space<vmem>>, vector<16xf32>,
          %add3A_517 = arith.addf %get3A_516, %get3A_187 : vector<16xf32>
          %jit3A_518 = arith.constant 0.000000e+00 : f32
          %jit3A_519 = arith.constant 222.999985 : f32
          %max3A_520 = vector.broadcast %jit3A_518 : f32 to vector<16xf32>
          %max3A_521 = arith.maximumf %max3A_520, %add3A_517 : vector<16xf32>
          %min3A_522 = vector.broadcast %jit3A_519 : f32 to vector<16xf32>
          %min3A_523 = arith.minimumf %min3A_522, %max3A_521 : vector<16xf32>
          %convert_element_type3A_524 = arith.fptosi %min3A_514 : vector<16xf32> to vector<16xi32>
          %convert_element_type3A_525 = arith.fptosi %min3A_523 : vector<16xf32> to vector<16xi32>
          %convert_element_type3A_526 = arith.sitofp %convert_element_type3A_524 : vector<16xi32> to vector<16xf32>
          %sub3A_527 = arith.subf %min3A_514, %convert_element_type3A_526 : vector<16xf32>
          %convert_element_type3A_528 = arith.sitofp %convert_element_type3A_525 : vector<16xi32> to vector<16xf32>
          %sub3A_529 = arith.subf %min3A_523, %convert_element_type3A_528 : vector<16xf32>
          %add3A_530 = arith.constant 1 : i32
          %add3A_531 = vector.broadcast %add3A_530 : i32 to vector<16xi32>
          %add3A_532 = arith.addi %convert_element_type3A_524, %add3A_531 : vector<16xi32>
          %add3A_533 = arith.constant 1 : i32
          %add3A_534 = vector.broadcast %add3A_533 : i32 to vector<16xi32>
          %add3A_535 = arith.addi %convert_element_type3A_525, %add3A_534 : vector<16xi32>
          %gather3A_536 = tpu.vector_load_idx %arg8[%convert_element_type3A_525, %convert_element_type3A_524] : memref<224x225xf32, #tpu.memory_space<vmem>>[vector<16xi32>, vector<16xi32>], vector<16xf32>,
          %gather3A_537 = tpu.vector_load_idx %arg8[%convert_element_type3A_525, %add3A_532] : memref<224x225xf32, #tpu.memory_space<vmem>>[vector<16xi32>, vector<16xi32>], vector<16xf32>,
          %gather3A_538 = tpu.vector_load_idx %arg8[%add3A_535, %convert_element_type3A_524] : memref<224x225xf32, #tpu.memory_space<vmem>>[vector<16xi32>, vector<16xi32>], vector<16xf32>,
          %gather3A_539 = tpu.vector_load_idx %arg8[%add3A_535, %add3A_532] : memref<224x225xf32, #tpu.memory_space<vmem>>[vector<16xi32>, vector<16xi32>], vector<16xf32>,
          %sub3A_540 = arith.subf %gather3A_537, %gather3A_536 : vector<16xf32>
          %mul3A_541 = arith.mulf %sub3A_527, %sub3A_540 : vector<16xf32>
          %add3A_542 = arith.addf %gather3A_536, %mul3A_541 : vector<16xf32>
          %sub3A_543 = arith.subf %gather3A_539, %gather3A_538 : vector<16xf32>
          %mul3A_544 = arith.mulf %sub3A_527, %sub3A_543 : vector<16xf32>
          %add3A_545 = arith.addf %gather3A_538, %mul3A_544 : vector<16xf32>
          %sub3A_546 = arith.subf %add3A_545, %add3A_542 : vector<16xf32>
          %mul3A_547 = arith.mulf %sub3A_529, %sub3A_546 : vector<16xf32>
          %add3A_548 = arith.addf %add3A_542, %mul3A_547 : vector<16xf32>
          %swap3A_549 = arith.index_cast %scan3A_181 : i32 to index
          %swap3A_550 = arith.constant 112 : index
          %swap3A_551 = tpu.vector_load %arg11[%swap3A_549, %swap3A_550] {strides = array<i32>} : memref<28x224xf32, #tpu.memory_space<vmem>>, vector<16xf32>,
          tpu.vector_store %arg11[%swap3A_549, %swap3A_550], %add3A_548 {strides = array<i32>} : memref<28x224xf32, #tpu.memory_space<vmem>>, vector<16xf32>,
          %get3A_552 = arith.constant 128 : index
          %get3A_553 = tpu.vector_load %arg12[%get3A_552] {strides = array<i32>} : memref<224xf32, #tpu.memory_space<vmem>>, vector<16xf32>,
          %add3A_554 = arith.addf %get3A_553, %get3A_184 : vector<16xf32>
          %jit3A_555 = arith.constant 0.000000e+00 : f32
          %jit3A_556 = arith.constant 222.999985 : f32
          %max3A_557 = vector.broadcast %jit3A_555 : f32 to vector<16xf32>
          %max3A_558 = arith.maximumf %max3A_557, %add3A_554 : vector<16xf32>
          %min3A_559 = vector.broadcast %jit3A_556 : f32 to vector<16xf32>
          %min3A_560 = arith.minimumf %min3A_559, %max3A_558 : vector<16xf32>
          %get3A_561 = arith.constant 128 : index
          %get3A_562 = tpu.vector_load %arg13[%get3A_561] {strides = array<i32>} : memref<224xf32, #tpu.memory_space<vmem>>, vector<16xf32>,
          %add3A_563 = arith.addf %get3A_562, %get3A_187 : vector<16xf32>
          %jit3A_564 = arith.constant 0.000000e+00 : f32
          %jit3A_565 = arith.constant 222.999985 : f32
          %max3A_566 = vector.broadcast %jit3A_564 : f32 to vector<16xf32>
          %max3A_567 = arith.maximumf %max3A_566, %add3A_563 : vector<16xf32>
          %min3A_568 = vector.broadcast %jit3A_565 : f32 to vector<16xf32>
          %min3A_569 = arith.minimumf %min3A_568, %max3A_567 : vector<16xf32>
          %convert_element_type3A_570 = arith.fptosi %min3A_560 : vector<16xf32> to vector<16xi32>
          %convert_element_type3A_571 = arith.fptosi %min3A_569 : vector<16xf32> to vector<16xi32>
          %convert_element_type3A_572 = arith.sitofp %convert_element_type3A_570 : vector<16xi32> to vector<16xf32>
          %sub3A_573 = arith.subf %min3A_560, %convert_element_type3A_572 : vector<16xf32>
          %convert_element_type3A_574 = arith.sitofp %convert_element_type3A_571 : vector<16xi32> to vector<16xf32>
          %sub3A_575 = arith.subf %min3A_569, %convert_element_type3A_574 : vector<16xf32>
          %add3A_576 = arith.constant 1 : i32
          %add3A_577 = vector.broadcast %add3A_576 : i32 to vector<16xi32>
          %add3A_578 = arith.addi %convert_element_type3A_570, %add3A_577 : vector<16xi32>
          %add3A_579 = arith.constant 1 : i32
          %add3A_580 = vector.broadcast %add3A_579 : i32 to vector<16xi32>
          %add3A_581 = arith.addi %convert_element_type3A_571, %add3A_580 : vector<16xi32>
          %gather3A_582 = tpu.vector_load_idx %arg8[%convert_element_type3A_571, %convert_element_type3A_570] : memref<224x225xf32, #tpu.memory_space<vmem>>[vector<16xi32>, vector<16xi32>], vector<16xf32>,
          %gather3A_583 = tpu.vector_load_idx %arg8[%convert_element_type3A_571, %add3A_578] : memref<224x225xf32, #tpu.memory_space<vmem>>[vector<16xi32>, vector<16xi32>], vector<16xf32>,
          %gather3A_584 = tpu.vector_load_idx %arg8[%add3A_581, %convert_element_type3A_570] : memref<224x225xf32, #tpu.memory_space<vmem>>[vector<16xi32>, vector<16xi32>], vector<16xf32>,
          %gather3A_585 = tpu.vector_load_idx %arg8[%add3A_581, %add3A_578] : memref<224x225xf32, #tpu.memory_space<vmem>>[vector<16xi32>, vector<16xi32>], vector<16xf32>,
          %sub3A_586 = arith.subf %gather3A_583, %gather3A_582 : vector<16xf32>
          %mul3A_587 = arith.mulf %sub3A_573, %sub3A_586 : vector<16xf32>
          %add3A_588 = arith.addf %gather3A_582, %mul3A_587 : vector<16xf32>
          %sub3A_589 = arith.subf %gather3A_585, %gather3A_584 : vector<16xf32>
          %mul3A_590 = arith.mulf %sub3A_573, %sub3A_589 : vector<16xf32>
          %add3A_591 = arith.addf %gather3A_584, %mul3A_590 : vector<16xf32>
          %sub3A_592 = arith.subf %add3A_591, %add3A_588 : vector<16xf32>
          %mul3A_593 = arith.mulf %sub3A_575, %sub3A_592 : vector<16xf32>
          %add3A_594 = arith.addf %add3A_588, %mul3A_593 : vector<16xf32>
          %swap3A_595 = arith.index_cast %scan3A_181 : i32 to index
          %swap3A_596 = arith.constant 128 : index
          %swap3A_597 = tpu.vector_load %arg11[%swap3A_595, %swap3A_596] {strides = array<i32>} : memref<28x224xf32, #tpu.memory_space<vmem>>, vector<16xf32>,
          tpu.vector_store %arg11[%swap3A_595, %swap3A_596], %add3A_594 {strides = array<i32>} : memref<28x224xf32, #tpu.memory_space<vmem>>, vector<16xf32>,
          %get3A_598 = arith.constant 144 : index
          %get3A_599 = tpu.vector_load %arg12[%get3A_598] {strides = array<i32>} : memref<224xf32, #tpu.memory_space<vmem>>, vector<16xf32>,
          %add3A_600 = arith.addf %get3A_599, %get3A_184 : vector<16xf32>
          %jit3A_601 = arith.constant 0.000000e+00 : f32
          %jit3A_602 = arith.constant 222.999985 : f32
          %max3A_603 = vector.broadcast %jit3A_601 : f32 to vector<16xf32>
          %max3A_604 = arith.maximumf %max3A_603, %add3A_600 : vector<16xf32>
          %min3A_605 = vector.broadcast %jit3A_602 : f32 to vector<16xf32>
          %min3A_606 = arith.minimumf %min3A_605, %max3A_604 : vector<16xf32>
          %get3A_607 = arith.constant 144 : index
          %get3A_608 = tpu.vector_load %arg13[%get3A_607] {strides = array<i32>} : memref<224xf32, #tpu.memory_space<vmem>>, vector<16xf32>,
          %add3A_609 = arith.addf %get3A_608, %get3A_187 : vector<16xf32>
          %jit3A_610 = arith.constant 0.000000e+00 : f32
          %jit3A_611 = arith.constant 222.999985 : f32
          %max3A_612 = vector.broadcast %jit3A_610 : f32 to vector<16xf32>
          %max3A_613 = arith.maximumf %max3A_612, %add3A_609 : vector<16xf32>
          %min3A_614 = vector.broadcast %jit3A_611 : f32 to vector<16xf32>
          %min3A_615 = arith.minimumf %min3A_614, %max3A_613 : vector<16xf32>
          %convert_element_type3A_616 = arith.fptosi %min3A_606 : vector<16xf32> to vector<16xi32>
          %convert_element_type3A_617 = arith.fptosi %min3A_615 : vector<16xf32> to vector<16xi32>
          %convert_element_type3A_618 = arith.sitofp %convert_element_type3A_616 : vector<16xi32> to vector<16xf32>
          %sub3A_619 = arith.subf %min3A_606, %convert_element_type3A_618 : vector<16xf32>
          %convert_element_type3A_620 = arith.sitofp %convert_element_type3A_617 : vector<16xi32> to vector<16xf32>
          %sub3A_621 = arith.subf %min3A_615, %convert_element_type3A_620 : vector<16xf32>
          %add3A_622 = arith.constant 1 : i32
          %add3A_623 = vector.broadcast %add3A_622 : i32 to vector<16xi32>
          %add3A_624 = arith.addi %convert_element_type3A_616, %add3A_623 : vector<16xi32>
          %add3A_625 = arith.constant 1 : i32
          %add3A_626 = vector.broadcast %add3A_625 : i32 to vector<16xi32>
          %add3A_627 = arith.addi %convert_element_type3A_617, %add3A_626 : vector<16xi32>
          %gather3A_628 = tpu.vector_load_idx %arg8[%convert_element_type3A_617, %convert_element_type3A_616] : memref<224x225xf32, #tpu.memory_space<vmem>>[vector<16xi32>, vector<16xi32>], vector<16xf32>,
          %gather3A_629 = tpu.vector_load_idx %arg8[%convert_element_type3A_617, %add3A_624] : memref<224x225xf32, #tpu.memory_space<vmem>>[vector<16xi32>, vector<16xi32>], vector<16xf32>,
          %gather3A_630 = tpu.vector_load_idx %arg8[%add3A_627, %convert_element_type3A_616] : memref<224x225xf32, #tpu.memory_space<vmem>>[vector<16xi32>, vector<16xi32>], vector<16xf32>,
          %gather3A_631 = tpu.vector_load_idx %arg8[%add3A_627, %add3A_624] : memref<224x225xf32, #tpu.memory_space<vmem>>[vector<16xi32>, vector<16xi32>], vector<16xf32>,
          %sub3A_632 = arith.subf %gather3A_629, %gather3A_628 : vector<16xf32>
          %mul3A_633 = arith.mulf %sub3A_619, %sub3A_632 : vector<16xf32>
          %add3A_634 = arith.addf %gather3A_628, %mul3A_633 : vector<16xf32>
          %sub3A_635 = arith.subf %gather3A_631, %gather3A_630 : vector<16xf32>
          %mul3A_636 = arith.mulf %sub3A_619, %sub3A_635 : vector<16xf32>
          %add3A_637 = arith.addf %gather3A_630, %mul3A_636 : vector<16xf32>
          %sub3A_638 = arith.subf %add3A_637, %add3A_634 : vector<16xf32>
          %mul3A_639 = arith.mulf %sub3A_621, %sub3A_638 : vector<16xf32>
          %add3A_640 = arith.addf %add3A_634, %mul3A_639 : vector<16xf32>
          %swap3A_641 = arith.index_cast %scan3A_181 : i32 to index
          %swap3A_642 = arith.constant 144 : index
          %swap3A_643 = tpu.vector_load %arg11[%swap3A_641, %swap3A_642] {strides = array<i32>} : memref<28x224xf32, #tpu.memory_space<vmem>>, vector<16xf32>,
          tpu.vector_store %arg11[%swap3A_641, %swap3A_642], %add3A_640 {strides = array<i32>} : memref<28x224xf32, #tpu.memory_space<vmem>>, vector<16xf32>,
          %get3A_644 = arith.constant 160 : index
          %get3A_645 = tpu.vector_load %arg12[%get3A_644] {strides = array<i32>} : memref<224xf32, #tpu.memory_space<vmem>>, vector<16xf32>,
          %add3A_646 = arith.addf %get3A_645, %get3A_184 : vector<16xf32>
          %jit3A_647 = arith.constant 0.000000e+00 : f32
          %jit3A_648 = arith.constant 222.999985 : f32
          %max3A_649 = vector.broadcast %jit3A_647 : f32 to vector<16xf32>
          %max3A_650 = arith.maximumf %max3A_649, %add3A_646 : vector<16xf32>
          %min3A_651 = vector.broadcast %jit3A_648 : f32 to vector<16xf32>
          %min3A_652 = arith.minimumf %min3A_651, %max3A_650 : vector<16xf32>
          %get3A_653 = arith.constant 160 : index
          %get3A_654 = tpu.vector_load %arg13[%get3A_653] {strides = array<i32>} : memref<224xf32, #tpu.memory_space<vmem>>, vector<16xf32>,
          %add3A_655 = arith.addf %get3A_654, %get3A_187 : vector<16xf32>
          %jit3A_656 = arith.constant 0.000000e+00 : f32
          %jit3A_657 = arith.constant 222.999985 : f32
          %max3A_658 = vector.broadcast %jit3A_656 : f32 to vector<16xf32>
          %max3A_659 = arith.maximumf %max3A_658, %add3A_655 : vector<16xf32>
          %min3A_660 = vector.broadcast %jit3A_657 : f32 to vector<16xf32>
          %min3A_661 = arith.minimumf %min3A_660, %max3A_659 : vector<16xf32>
          %convert_element_type3A_662 = arith.fptosi %min3A_652 : vector<16xf32> to vector<16xi32>
          %convert_element_type3A_663 = arith.fptosi %min3A_661 : vector<16xf32> to vector<16xi32>
          %convert_element_type3A_664 = arith.sitofp %convert_element_type3A_662 : vector<16xi32> to vector<16xf32>
          %sub3A_665 = arith.subf %min3A_652, %convert_element_type3A_664 : vector<16xf32>
          %convert_element_type3A_666 = arith.sitofp %convert_element_type3A_663 : vector<16xi32> to vector<16xf32>
          %sub3A_667 = arith.subf %min3A_661, %convert_element_type3A_666 : vector<16xf32>
          %add3A_668 = arith.constant 1 : i32
          %add3A_669 = vector.broadcast %add3A_668 : i32 to vector<16xi32>
          %add3A_670 = arith.addi %convert_element_type3A_662, %add3A_669 : vector<16xi32>
          %add3A_671 = arith.constant 1 : i32
          %add3A_672 = vector.broadcast %add3A_671 : i32 to vector<16xi32>
          %add3A_673 = arith.addi %convert_element_type3A_663, %add3A_672 : vector<16xi32>
          %gather3A_674 = tpu.vector_load_idx %arg8[%convert_element_type3A_663, %convert_element_type3A_662] : memref<224x225xf32, #tpu.memory_space<vmem>>[vector<16xi32>, vector<16xi32>], vector<16xf32>,
          %gather3A_675 = tpu.vector_load_idx %arg8[%convert_element_type3A_663, %add3A_670] : memref<224x225xf32, #tpu.memory_space<vmem>>[vector<16xi32>, vector<16xi32>], vector<16xf32>,
          %gather3A_676 = tpu.vector_load_idx %arg8[%add3A_673, %convert_element_type3A_662] : memref<224x225xf32, #tpu.memory_space<vmem>>[vector<16xi32>, vector<16xi32>], vector<16xf32>,
          %gather3A_677 = tpu.vector_load_idx %arg8[%add3A_673, %add3A_670] : memref<224x225xf32, #tpu.memory_space<vmem>>[vector<16xi32>, vector<16xi32>], vector<16xf32>,
          %sub3A_678 = arith.subf %gather3A_675, %gather3A_674 : vector<16xf32>
          %mul3A_679 = arith.mulf %sub3A_665, %sub3A_678 : vector<16xf32>
          %add3A_680 = arith.addf %gather3A_674, %mul3A_679 : vector<16xf32>
          %sub3A_681 = arith.subf %gather3A_677, %gather3A_676 : vector<16xf32>
          %mul3A_682 = arith.mulf %sub3A_665, %sub3A_681 : vector<16xf32>
          %add3A_683 = arith.addf %gather3A_676, %mul3A_682 : vector<16xf32>
          %sub3A_684 = arith.subf %add3A_683, %add3A_680 : vector<16xf32>
          %mul3A_685 = arith.mulf %sub3A_667, %sub3A_684 : vector<16xf32>
          %add3A_686 = arith.addf %add3A_680, %mul3A_685 : vector<16xf32>
          %swap3A_687 = arith.index_cast %scan3A_181 : i32 to index
          %swap3A_688 = arith.constant 160 : index
          %swap3A_689 = tpu.vector_load %arg11[%swap3A_687, %swap3A_688] {strides = array<i32>} : memref<28x224xf32, #tpu.memory_space<vmem>>, vector<16xf32>,
          tpu.vector_store %arg11[%swap3A_687, %swap3A_688], %add3A_686 {strides = array<i32>} : memref<28x224xf32, #tpu.memory_space<vmem>>, vector<16xf32>,
          %get3A_690 = arith.constant 176 : index
          %get3A_691 = tpu.vector_load %arg12[%get3A_690] {strides = array<i32>} : memref<224xf32, #tpu.memory_space<vmem>>, vector<16xf32>,
          %add3A_692 = arith.addf %get3A_691, %get3A_184 : vector<16xf32>
          %jit3A_693 = arith.constant 0.000000e+00 : f32
          %jit3A_694 = arith.constant 222.999985 : f32
          %max3A_695 = vector.broadcast %jit3A_693 : f32 to vector<16xf32>
          %max3A_696 = arith.maximumf %max3A_695, %add3A_692 : vector<16xf32>
          %min3A_697 = vector.broadcast %jit3A_694 : f32 to vector<16xf32>
          %min3A_698 = arith.minimumf %min3A_697, %max3A_696 : vector<16xf32>
          %get3A_699 = arith.constant 176 : index
          %get3A_700 = tpu.vector_load %arg13[%get3A_699] {strides = array<i32>} : memref<224xf32, #tpu.memory_space<vmem>>, vector<16xf32>,
          %add3A_701 = arith.addf %get3A_700, %get3A_187 : vector<16xf32>
          %jit3A_702 = arith.constant 0.000000e+00 : f32
          %jit3A_703 = arith.constant 222.999985 : f32
          %max3A_704 = vector.broadcast %jit3A_702 : f32 to vector<16xf32>
          %max3A_705 = arith.maximumf %max3A_704, %add3A_701 : vector<16xf32>
          %min3A_706 = vector.broadcast %jit3A_703 : f32 to vector<16xf32>
          %min3A_707 = arith.minimumf %min3A_706, %max3A_705 : vector<16xf32>
          %convert_element_type3A_708 = arith.fptosi %min3A_698 : vector<16xf32> to vector<16xi32>
          %convert_element_type3A_709 = arith.fptosi %min3A_707 : vector<16xf32> to vector<16xi32>
          %convert_element_type3A_710 = arith.sitofp %convert_element_type3A_708 : vector<16xi32> to vector<16xf32>
          %sub3A_711 = arith.subf %min3A_698, %convert_element_type3A_710 : vector<16xf32>
          %convert_element_type3A_712 = arith.sitofp %convert_element_type3A_709 : vector<16xi32> to vector<16xf32>
          %sub3A_713 = arith.subf %min3A_707, %convert_element_type3A_712 : vector<16xf32>
          %add3A_714 = arith.constant 1 : i32
          %add3A_715 = vector.broadcast %add3A_714 : i32 to vector<16xi32>
          %add3A_716 = arith.addi %convert_element_type3A_708, %add3A_715 : vector<16xi32>
          %add3A_717 = arith.constant 1 : i32
          %add3A_718 = vector.broadcast %add3A_717 : i32 to vector<16xi32>
          %add3A_719 = arith.addi %convert_element_type3A_709, %add3A_718 : vector<16xi32>
          %gather3A_720 = tpu.vector_load_idx %arg8[%convert_element_type3A_709, %convert_element_type3A_708] : memref<224x225xf32, #tpu.memory_space<vmem>>[vector<16xi32>, vector<16xi32>], vector<16xf32>,
          %gather3A_721 = tpu.vector_load_idx %arg8[%convert_element_type3A_709, %add3A_716] : memref<224x225xf32, #tpu.memory_space<vmem>>[vector<16xi32>, vector<16xi32>], vector<16xf32>,
          %gather3A_722 = tpu.vector_load_idx %arg8[%add3A_719, %convert_element_type3A_708] : memref<224x225xf32, #tpu.memory_space<vmem>>[vector<16xi32>, vector<16xi32>], vector<16xf32>,
          %gather3A_723 = tpu.vector_load_idx %arg8[%add3A_719, %add3A_716] : memref<224x225xf32, #tpu.memory_space<vmem>>[vector<16xi32>, vector<16xi32>], vector<16xf32>,
          %sub3A_724 = arith.subf %gather3A_721, %gather3A_720 : vector<16xf32>
          %mul3A_725 = arith.mulf %sub3A_711, %sub3A_724 : vector<16xf32>
          %add3A_726 = arith.addf %gather3A_720, %mul3A_725 : vector<16xf32>
          %sub3A_727 = arith.subf %gather3A_723, %gather3A_722 : vector<16xf32>
          %mul3A_728 = arith.mulf %sub3A_711, %sub3A_727 : vector<16xf32>
          %add3A_729 = arith.addf %gather3A_722, %mul3A_728 : vector<16xf32>
          %sub3A_730 = arith.subf %add3A_729, %add3A_726 : vector<16xf32>
          %mul3A_731 = arith.mulf %sub3A_713, %sub3A_730 : vector<16xf32>
          %add3A_732 = arith.addf %add3A_726, %mul3A_731 : vector<16xf32>
          %swap3A_733 = arith.index_cast %scan3A_181 : i32 to index
          %swap3A_734 = arith.constant 176 : index
          %swap3A_735 = tpu.vector_load %arg11[%swap3A_733, %swap3A_734] {strides = array<i32>} : memref<28x224xf32, #tpu.memory_space<vmem>>, vector<16xf32>,
          tpu.vector_store %arg11[%swap3A_733, %swap3A_734], %add3A_732 {strides = array<i32>} : memref<28x224xf32, #tpu.memory_space<vmem>>, vector<16xf32>,
          %get3A_736 = arith.constant 192 : index
          %get3A_737 = tpu.vector_load %arg12[%get3A_736] {strides = array<i32>} : memref<224xf32, #tpu.memory_space<vmem>>, vector<16xf32>,
          %add3A_738 = arith.addf %get3A_737, %get3A_184 : vector<16xf32>
          %jit3A_739 = arith.constant 0.000000e+00 : f32
          %jit3A_740 = arith.constant 222.999985 : f32
          %max3A_741 = vector.broadcast %jit3A_739 : f32 to vector<16xf32>
          %max3A_742 = arith.maximumf %max3A_741, %add3A_738 : vector<16xf32>
          %min3A_743 = vector.broadcast %jit3A_740 : f32 to vector<16xf32>
          %min3A_744 = arith.minimumf %min3A_743, %max3A_742 : vector<16xf32>
          %get3A_745 = arith.constant 192 : index
          %get3A_746 = tpu.vector_load %arg13[%get3A_745] {strides = array<i32>} : memref<224xf32, #tpu.memory_space<vmem>>, vector<16xf32>,
          %add3A_747 = arith.addf %get3A_746, %get3A_187 : vector<16xf32>
          %jit3A_748 = arith.constant 0.000000e+00 : f32
          %jit3A_749 = arith.constant 222.999985 : f32
          %max3A_750 = vector.broadcast %jit3A_748 : f32 to vector<16xf32>
          %max3A_751 = arith.maximumf %max3A_750, %add3A_747 : vector<16xf32>
          %min3A_752 = vector.broadcast %jit3A_749 : f32 to vector<16xf32>
          %min3A_753 = arith.minimumf %min3A_752, %max3A_751 : vector<16xf32>
          %convert_element_type3A_754 = arith.fptosi %min3A_744 : vector<16xf32> to vector<16xi32>
          %convert_element_type3A_755 = arith.fptosi %min3A_753 : vector<16xf32> to vector<16xi32>
          %convert_element_type3A_756 = arith.sitofp %convert_element_type3A_754 : vector<16xi32> to vector<16xf32>
          %sub3A_757 = arith.subf %min3A_744, %convert_element_type3A_756 : vector<16xf32>
          %convert_element_type3A_758 = arith.sitofp %convert_element_type3A_755 : vector<16xi32> to vector<16xf32>
          %sub3A_759 = arith.subf %min3A_753, %convert_element_type3A_758 : vector<16xf32>
          %add3A_760 = arith.constant 1 : i32
          %add3A_761 = vector.broadcast %add3A_760 : i32 to vector<16xi32>
          %add3A_762 = arith.addi %convert_element_type3A_754, %add3A_761 : vector<16xi32>
          %add3A_763 = arith.constant 1 : i32
          %add3A_764 = vector.broadcast %add3A_763 : i32 to vector<16xi32>
          %add3A_765 = arith.addi %convert_element_type3A_755, %add3A_764 : vector<16xi32>
          %gather3A_766 = tpu.vector_load_idx %arg8[%convert_element_type3A_755, %convert_element_type3A_754] : memref<224x225xf32, #tpu.memory_space<vmem>>[vector<16xi32>, vector<16xi32>], vector<16xf32>,
          %gather3A_767 = tpu.vector_load_idx %arg8[%convert_element_type3A_755, %add3A_762] : memref<224x225xf32, #tpu.memory_space<vmem>>[vector<16xi32>, vector<16xi32>], vector<16xf32>,
          %gather3A_768 = tpu.vector_load_idx %arg8[%add3A_765, %convert_element_type3A_754] : memref<224x225xf32, #tpu.memory_space<vmem>>[vector<16xi32>, vector<16xi32>], vector<16xf32>,
          %gather3A_769 = tpu.vector_load_idx %arg8[%add3A_765, %add3A_762] : memref<224x225xf32, #tpu.memory_space<vmem>>[vector<16xi32>, vector<16xi32>], vector<16xf32>,
          %sub3A_770 = arith.subf %gather3A_767, %gather3A_766 : vector<16xf32>
          %mul3A_771 = arith.mulf %sub3A_757, %sub3A_770 : vector<16xf32>
          %add3A_772 = arith.addf %gather3A_766, %mul3A_771 : vector<16xf32>
          %sub3A_773 = arith.subf %gather3A_769, %gather3A_768 : vector<16xf32>
          %mul3A_774 = arith.mulf %sub3A_757, %sub3A_773 : vector<16xf32>
          %add3A_775 = arith.addf %gather3A_768, %mul3A_774 : vector<16xf32>
          %sub3A_776 = arith.subf %add3A_775, %add3A_772 : vector<16xf32>
          %mul3A_777 = arith.mulf %sub3A_759, %sub3A_776 : vector<16xf32>
          %add3A_778 = arith.addf %add3A_772, %mul3A_777 : vector<16xf32>
          %swap3A_779 = arith.index_cast %scan3A_181 : i32 to index
          %swap3A_780 = arith.constant 192 : index
          %swap3A_781 = tpu.vector_load %arg11[%swap3A_779, %swap3A_780] {strides = array<i32>} : memref<28x224xf32, #tpu.memory_space<vmem>>, vector<16xf32>,
          tpu.vector_store %arg11[%swap3A_779, %swap3A_780], %add3A_778 {strides = array<i32>} : memref<28x224xf32, #tpu.memory_space<vmem>>, vector<16xf32>,
          %get3A_782 = arith.constant 208 : index
          %get3A_783 = tpu.vector_load %arg12[%get3A_782] {strides = array<i32>} : memref<224xf32, #tpu.memory_space<vmem>>, vector<16xf32>,
          %add3A_784 = arith.addf %get3A_783, %get3A_184 : vector<16xf32>
          %jit3A_785 = arith.constant 0.000000e+00 : f32
          %jit3A_786 = arith.constant 222.999985 : f32
          %max3A_787 = vector.broadcast %jit3A_785 : f32 to vector<16xf32>
          %max3A_788 = arith.maximumf %max3A_787, %add3A_784 : vector<16xf32>
          %min3A_789 = vector.broadcast %jit3A_786 : f32 to vector<16xf32>
          %min3A_790 = arith.minimumf %min3A_789, %max3A_788 : vector<16xf32>
          %get3A_791 = arith.constant 208 : index
          %get3A_792 = tpu.vector_load %arg13[%get3A_791] {strides = array<i32>} : memref<224xf32, #tpu.memory_space<vmem>>, vector<16xf32>,
          %add3A_793 = arith.addf %get3A_792, %get3A_187 : vector<16xf32>
          %jit3A_794 = arith.constant 0.000000e+00 : f32
          %jit3A_795 = arith.constant 222.999985 : f32
          %max3A_796 = vector.broadcast %jit3A_794 : f32 to vector<16xf32>
          %max3A_797 = arith.maximumf %max3A_796, %add3A_793 : vector<16xf32>
          %min3A_798 = vector.broadcast %jit3A_795 : f32 to vector<16xf32>
          %min3A_799 = arith.minimumf %min3A_798, %max3A_797 : vector<16xf32>
          %convert_element_type3A_800 = arith.fptosi %min3A_790 : vector<16xf32> to vector<16xi32>
          %convert_element_type3A_801 = arith.fptosi %min3A_799 : vector<16xf32> to vector<16xi32>
          %convert_element_type3A_802 = arith.sitofp %convert_element_type3A_800 : vector<16xi32> to vector<16xf32>
          %sub3A_803 = arith.subf %min3A_790, %convert_element_type3A_802 : vector<16xf32>
          %convert_element_type3A_804 = arith.sitofp %convert_element_type3A_801 : vector<16xi32> to vector<16xf32>
          %sub3A_805 = arith.subf %min3A_799, %convert_element_type3A_804 : vector<16xf32>
          %add3A_806 = arith.constant 1 : i32
          %add3A_807 = vector.broadcast %add3A_806 : i32 to vector<16xi32>
          %add3A_808 = arith.addi %convert_element_type3A_800, %add3A_807 : vector<16xi32>
          %add3A_809 = arith.constant 1 : i32
          %add3A_810 = vector.broadcast %add3A_809 : i32 to vector<16xi32>
          %add3A_811 = arith.addi %convert_element_type3A_801, %add3A_810 : vector<16xi32>
          %gather3A_812 = tpu.vector_load_idx %arg8[%convert_element_type3A_801, %convert_element_type3A_800] : memref<224x225xf32, #tpu.memory_space<vmem>>[vector<16xi32>, vector<16xi32>], vector<16xf32>,
          %gather3A_813 = tpu.vector_load_idx %arg8[%convert_element_type3A_801, %add3A_808] : memref<224x225xf32, #tpu.memory_space<vmem>>[vector<16xi32>, vector<16xi32>], vector<16xf32>,
          %gather3A_814 = tpu.vector_load_idx %arg8[%add3A_811, %convert_element_type3A_800] : memref<224x225xf32, #tpu.memory_space<vmem>>[vector<16xi32>, vector<16xi32>], vector<16xf32>,
          %gather3A_815 = tpu.vector_load_idx %arg8[%add3A_811, %add3A_808] : memref<224x225xf32, #tpu.memory_space<vmem>>[vector<16xi32>, vector<16xi32>], vector<16xf32>,
          %sub3A_816 = arith.subf %gather3A_813, %gather3A_812 : vector<16xf32>
          %mul3A_817 = arith.mulf %sub3A_803, %sub3A_816 : vector<16xf32>
          %add3A_818 = arith.addf %gather3A_812, %mul3A_817 : vector<16xf32>
          %sub3A_819 = arith.subf %gather3A_815, %gather3A_814 : vector<16xf32>
          %mul3A_820 = arith.mulf %sub3A_803, %sub3A_819 : vector<16xf32>
          %add3A_821 = arith.addf %gather3A_814, %mul3A_820 : vector<16xf32>
          %sub3A_822 = arith.subf %add3A_821, %add3A_818 : vector<16xf32>
          %mul3A_823 = arith.mulf %sub3A_805, %sub3A_822 : vector<16xf32>
          %add3A_824 = arith.addf %add3A_818, %mul3A_823 : vector<16xf32>
          %swap3A_825 = arith.index_cast %scan3A_181 : i32 to index
          %swap3A_826 = arith.constant 208 : index
          %swap3A_827 = tpu.vector_load %arg11[%swap3A_825, %swap3A_826] {strides = array<i32>} : memref<28x224xf32, #tpu.memory_space<vmem>>, vector<16xf32>,
          tpu.vector_store %arg11[%swap3A_825, %swap3A_826], %add3A_824 {strides = array<i32>} : memref<28x224xf32, #tpu.memory_space<vmem>>, vector<16xf32>,
        }
        %scan3A_174 = arith.constant 28 : i32
        %dma_start3A_175 = arith.constant 0 : i32
        %dma_start3A_176 = tpu.memref_slice %arg7[%select_n3A, %add3A_71, %mul3A_160, %dma_start3A_175] : memref<8x192x224x224xf32, #tpu.memory_space<hbm>> -> memref<1x1x28x224xf32, #tpu.memory_space<hbm>>
        %dma_start3A_177 = tpu.memref_squeeze %dma_start3A_176 : memref<1x1x28x224xf32, #tpu.memory_space<hbm>> -> memref<28x224xf32, #tpu.memory_space<hbm>>
        %dma_start3A_178 = arith.constant 0 : i32
        %dma_start3A_179 = tpu.memref_slice %arg7[%select_n3A, %add3A_71, %mul3A_160, %dma_start3A_178] : memref<8x192x224x224xf32, #tpu.memory_space<hbm>> -> memref<1x1x28x224xf32, #tpu.memory_space<hbm>>
        %dma_start3A_180 = tpu.memref_squeeze %dma_start3A_179 : memref<1x1x28x224xf32, #tpu.memory_space<hbm>> -> memref<28x224xf32, #tpu.memory_space<hbm>>
        tpu.enqueue_dma source(%arg11 : memref<28x224xf32, #tpu.memory_space<vmem>>) target(%dma_start3A_180 : memref<28x224xf32, #tpu.memory_space<hbm>>) target_semaphore(%arg19 : memref<!tpu.dma_semaphore, #tpu.memory_space<semaphore_mem>>)
      }
      %scan3A_96 = arith.constant 4 : i32
      %mul3A_97 = arith.constant 2 : i32
      %mul3A_98 = arith.muli %scan3A_66, %mul3A_97 : i32
      %add3A_99 = arith.constant 1 : i32
      %add3A_100 = arith.addi %mul3A_98, %add3A_99 : i32
      %add3A_101 = arith.addi %mul3A_32, %add3A_100 : i32
      %add3A_102 = arith.constant 1 : i32
      %add3A_103 = arith.addi %add3A_100, %add3A_102 : i32
      %lt3A_104 = arith.constant 48 : i32
      %lt3A_105 = arith.cmpi slt, %add3A_103, %lt3A_104 : i32
      %convert_element_type3A_106 = arith.extui %lt3A_105 : i1 to i32
      %cond3A_107 = arith.constant 0 : i32
      %cond3A_108 = arith.cmpi ne, %convert_element_type3A_106, %cond3A_107 : i32
      scf.if %cond3A_108 {
        %add3A_129 = arith.addi %mul3A_32, %add3A_103 : i32
        %dma_start3A_130 = arith.constant 0 : i32
        %dma_start3A_131 = arith.constant 0 : i32
        %dma_start3A_132 = tpu.memref_slice %arg8[%dma_start3A_130, %dma_start3A_131] : memref<224x225xf32, #tpu.memory_space<vmem>> -> memref<224x224xf32, #tpu.memory_space<vmem>>
        %dma_start3A_133 = arith.constant 0 : i32
        %dma_start3A_134 = arith.constant 0 : i32
        %dma_start3A_135 = tpu.memref_slice %arg2[%select_n3A, %add3A_129, %dma_start3A_133, %dma_start3A_134] : memref<8x192x224x224xf32, #tpu.memory_space<hbm>> -> memref<1x1x224x224xf32, #tpu.memory_space<hbm>>
        %dma_start3A_136 = tpu.memref_squeeze %dma_start3A_135 : memref<1x1x224x224xf32, #tpu.memory_space<hbm>> -> memref<224x224xf32, #tpu.memory_space<hbm>>
        %dma_start3A_137 = arith.constant 0 : i32
        %dma_start3A_138 = arith.constant 0 : i32
        %dma_start3A_139 = tpu.memref_slice %arg8[%dma_start3A_137, %dma_start3A_138] : memref<224x225xf32, #tpu.memory_space<vmem>> -> memref<224x224xf32, #tpu.memory_space<vmem>>
        %dma_start3A_140 = arith.constant 0 : i32
        %dma_start3A_141 = arith.constant 0 : i32
        %dma_start3A_142 = tpu.memref_slice %arg2[%select_n3A, %add3A_129, %dma_start3A_140, %dma_start3A_141] : memref<8x192x224x224xf32, #tpu.memory_space<hbm>> -> memref<1x1x224x224xf32, #tpu.memory_space<hbm>>
        %dma_start3A_143 = tpu.memref_squeeze %dma_start3A_142 : memref<1x1x224x224xf32, #tpu.memory_space<hbm>> -> memref<224x224xf32, #tpu.memory_space<hbm>>
        tpu.enqueue_dma source(%dma_start3A_143 : memref<224x224xf32, #tpu.memory_space<hbm>>) target(%dma_start3A_139 : memref<224x224xf32, #tpu.memory_space<vmem>>) target_semaphore(%arg16 : memref<!tpu.dma_semaphore, #tpu.memory_space<semaphore_mem>>)
      } else {
      }
      %dma_wait3A_109 = arith.constant 0 : i32
      %dma_wait3A_110 = arith.constant 0 : i32
      %dma_wait3A_111 = tpu.memref_slice %arg9[%dma_wait3A_109, %dma_wait3A_110] : memref<224x225xf32, #tpu.memory_space<vmem>> -> memref<224x224xf32, #tpu.memory_space<vmem>>
      %dma_wait3A_112 = arith.constant 0 : i32
      %dma_wait3A_113 = arith.constant 0 : i32
      %dma_wait3A_114 = tpu.memref_slice %arg2[%select_n3A, %add3A_101, %dma_wait3A_112, %dma_wait3A_113] : memref<8x192x224x224xf32, #tpu.memory_space<hbm>> -> memref<1x1x224x224xf32, #tpu.memory_space<hbm>>
      %dma_wait3A_115 = tpu.memref_squeeze %dma_wait3A_114 : memref<1x1x224x224xf32, #tpu.memory_space<hbm>> -> memref<224x224xf32, #tpu.memory_space<hbm>>
      %dma_wait3A_116 = arith.constant 0 : i32
      %dma_wait3A_117 = arith.constant 0 : i32
      %dma_wait3A_118 = tpu.memref_slice %arg9[%dma_wait3A_116, %dma_wait3A_117] : memref<224x225xf32, #tpu.memory_space<vmem>> -> memref<224x224xf32, #tpu.memory_space<vmem>>
      %dma_wait3A_119 = arith.constant 0 : i32
      %dma_wait3A_120 = arith.constant 0 : i32
      %dma_wait3A_121 = tpu.memref_slice %arg2[%select_n3A, %add3A_101, %dma_wait3A_119, %dma_wait3A_120] : memref<8x192x224x224xf32, #tpu.memory_space<hbm>> -> memref<1x1x224x224xf32, #tpu.memory_space<hbm>>
      %dma_wait3A_122 = tpu.memref_squeeze %dma_wait3A_121 : memref<1x1x224x224xf32, #tpu.memory_space<hbm>> -> memref<224x224xf32, #tpu.memory_space<hbm>>
      tpu.wait_dma2 semaphore(%arg17 : memref<!tpu.dma_semaphore, #tpu.memory_space<semaphore_mem>>) src(%dma_wait3A_122 : memref<224x224xf32, #tpu.memory_space<hbm>>) dst(%dma_wait3A_118 : memref<224x224xf32, #tpu.memory_space<vmem>>)
      %scan3A_123 = arith.constant 0 : i32
      %scan3A_124 = arith.constant 0 : i32
      %scan3A_125 = arith.constant 4 : i32
      %scan3A_126 = arith.addi %scan3A_124, %scan3A_125 : i32
      %scan3A_127 = arith.constant 1 : i32
      scf.for %scan3A_129 = %scan3A_124 to %scan3A_126 step %scan3A_127  : i32 {
        %mul3A_130 = arith.constant 2 : i32
        %mul3A_131 = arith.muli %scan3A_129, %mul3A_130 : i32
        %add3A_132 = arith.constant 0 : i32
        %add3A_133 = arith.addi %mul3A_131, %add3A_132 : i32
        %mul3A_134 = arith.constant 28 : i32
        %mul3A_135 = arith.muli %add3A_133, %mul3A_134 : i32
        %mul3A_136 = arith.constant 8 : i32
        %mul3A_137 = arith.muli %add3A_100, %mul3A_136 : i32
        %add3A_138 = arith.addi %mul3A_137, %add3A_133 : i32
        %ge3A = arith.constant 2 : i32
        %ge3A_139 = arith.cmpi sge, %add3A_138, %ge3A : i32
        %convert_element_type3A_140 = arith.extui %ge3A_139 : i1 to i32
        %cond3A_141 = arith.constant 0 : i32
        %cond3A_142 = arith.cmpi ne, %convert_element_type3A_140, %cond3A_141 : i32
        scf.if %cond3A_142 {
          %dma_wait3A_181 = arith.constant 0 : i32
          %dma_wait3A_182 = arith.constant 0 : i32
          %dma_wait3A_183 = tpu.memref_slice %arg7[%select_n3A, %add3A_101, %dma_wait3A_181, %dma_wait3A_182] : memref<8x192x224x224xf32, #tpu.memory_space<hbm>> -> memref<1x1x28x224xf32, #tpu.memory_space<hbm>>
          %dma_wait3A_184 = tpu.memref_squeeze %dma_wait3A_183 : memref<1x1x28x224xf32, #tpu.memory_space<hbm>> -> memref<28x224xf32, #tpu.memory_space<hbm>>
          %dma_wait3A_185 = arith.constant 0 : i32
          %dma_wait3A_186 = arith.constant 0 : i32
          %dma_wait3A_187 = tpu.memref_slice %arg7[%select_n3A, %add3A_101, %dma_wait3A_185, %dma_wait3A_186] : memref<8x192x224x224xf32, #tpu.memory_space<hbm>> -> memref<1x1x28x224xf32, #tpu.memory_space<hbm>>
          %dma_wait3A_188 = tpu.memref_squeeze %dma_wait3A_187 : memref<1x1x28x224xf32, #tpu.memory_space<hbm>> -> memref<28x224xf32, #tpu.memory_space<hbm>>
          tpu.wait_dma2 semaphore(%arg18 : memref<!tpu.dma_semaphore, #tpu.memory_space<semaphore_mem>>) src(%arg10 : memref<28x224xf32, #tpu.memory_space<vmem>>) dst(%dma_wait3A_188 : memref<28x224xf32, #tpu.memory_space<hbm>>)
        } else {
        }
        %scan3A_143 = arith.constant 0 : i32
        %scan3A_144 = arith.constant 0 : i32
        %scan3A_145 = arith.constant 28 : i32
        %scan3A_146 = arith.addi %scan3A_144, %scan3A_145 : i32
        %scan3A_147 = arith.constant 1 : i32
        scf.for %scan3A_181 = %scan3A_144 to %scan3A_146 step %scan3A_147  : i32 {
          %add3A_182 = arith.addi %mul3A_135, %scan3A_181 : i32
          %get3A = arith.index_cast %add3A_182 : i32 to index
          %get3A_183 = arith.constant 0 : index
          %get3A_184 = tpu.vector_load %arg14[%get3A, %get3A_183] {strides = array<i32>} : memref<224x16xf32, #tpu.memory_space<vmem>>, vector<16xf32>,
          %get3A_185 = arith.index_cast %add3A_182 : i32 to index
          %get3A_186 = arith.constant 0 : index
          %get3A_187 = tpu.vector_load %arg15[%get3A_185, %get3A_186] {strides = array<i32>} : memref<224x16xf32, #tpu.memory_space<vmem>>, vector<16xf32>,
          %get3A_188 = arith.constant 0 : index
          %get3A_189 = tpu.vector_load %arg12[%get3A_188] {strides = array<i32>} : memref<224xf32, #tpu.memory_space<vmem>>, vector<16xf32>,
          %add3A_190 = arith.addf %get3A_189, %get3A_184 : vector<16xf32>
          %jit3A_191 = arith.constant 0.000000e+00 : f32
          %jit3A_192 = arith.constant 222.999985 : f32
          %max3A = vector.broadcast %jit3A_191 : f32 to vector<16xf32>
          %max3A_193 = arith.maximumf %max3A, %add3A_190 : vector<16xf32>
          %min3A = vector.broadcast %jit3A_192 : f32 to vector<16xf32>
          %min3A_194 = arith.minimumf %min3A, %max3A_193 : vector<16xf32>
          %get3A_195 = arith.constant 0 : index
          %get3A_196 = tpu.vector_load %arg13[%get3A_195] {strides = array<i32>} : memref<224xf32, #tpu.memory_space<vmem>>, vector<16xf32>,
          %add3A_197 = arith.addf %get3A_196, %get3A_187 : vector<16xf32>
          %jit3A_198 = arith.constant 0.000000e+00 : f32
          %jit3A_199 = arith.constant 222.999985 : f32
          %max3A_200 = vector.broadcast %jit3A_198 : f32 to vector<16xf32>
          %max3A_201 = arith.maximumf %max3A_200, %add3A_197 : vector<16xf32>
          %min3A_202 = vector.broadcast %jit3A_199 : f32 to vector<16xf32>
          %min3A_203 = arith.minimumf %min3A_202, %max3A_201 : vector<16xf32>
          %convert_element_type3A_204 = arith.fptosi %min3A_194 : vector<16xf32> to vector<16xi32>
          %convert_element_type3A_205 = arith.fptosi %min3A_203 : vector<16xf32> to vector<16xi32>
          %convert_element_type3A_206 = arith.sitofp %convert_element_type3A_204 : vector<16xi32> to vector<16xf32>
          %sub3A_207 = arith.subf %min3A_194, %convert_element_type3A_206 : vector<16xf32>
          %convert_element_type3A_208 = arith.sitofp %convert_element_type3A_205 : vector<16xi32> to vector<16xf32>
          %sub3A_209 = arith.subf %min3A_203, %convert_element_type3A_208 : vector<16xf32>
          %add3A_210 = arith.constant 1 : i32
          %add3A_211 = vector.broadcast %add3A_210 : i32 to vector<16xi32>
          %add3A_212 = arith.addi %convert_element_type3A_204, %add3A_211 : vector<16xi32>
          %add3A_213 = arith.constant 1 : i32
          %add3A_214 = vector.broadcast %add3A_213 : i32 to vector<16xi32>
          %add3A_215 = arith.addi %convert_element_type3A_205, %add3A_214 : vector<16xi32>
          %gather3A = tpu.vector_load_idx %arg9[%convert_element_type3A_205, %convert_element_type3A_204] : memref<224x225xf32, #tpu.memory_space<vmem>>[vector<16xi32>, vector<16xi32>], vector<16xf32>,
          %gather3A_216 = tpu.vector_load_idx %arg9[%convert_element_type3A_205, %add3A_212] : memref<224x225xf32, #tpu.memory_space<vmem>>[vector<16xi32>, vector<16xi32>], vector<16xf32>,
          %gather3A_217 = tpu.vector_load_idx %arg9[%add3A_215, %convert_element_type3A_204] : memref<224x225xf32, #tpu.memory_space<vmem>>[vector<16xi32>, vector<16xi32>], vector<16xf32>,
          %gather3A_218 = tpu.vector_load_idx %arg9[%add3A_215, %add3A_212] : memref<224x225xf32, #tpu.memory_space<vmem>>[vector<16xi32>, vector<16xi32>], vector<16xf32>,
          %sub3A_219 = arith.subf %gather3A_216, %gather3A : vector<16xf32>
          %mul3A_220 = arith.mulf %sub3A_207, %sub3A_219 : vector<16xf32>
          %add3A_221 = arith.addf %gather3A, %mul3A_220 : vector<16xf32>
          %sub3A_222 = arith.subf %gather3A_218, %gather3A_217 : vector<16xf32>
          %mul3A_223 = arith.mulf %sub3A_207, %sub3A_222 : vector<16xf32>
          %add3A_224 = arith.addf %gather3A_217, %mul3A_223 : vector<16xf32>
          %sub3A_225 = arith.subf %add3A_224, %add3A_221 : vector<16xf32>
          %mul3A_226 = arith.mulf %sub3A_209, %sub3A_225 : vector<16xf32>
          %add3A_227 = arith.addf %add3A_221, %mul3A_226 : vector<16xf32>
          %swap3A = arith.index_cast %scan3A_181 : i32 to index
          %swap3A_228 = arith.constant 0 : index
          %swap3A_229 = tpu.vector_load %arg10[%swap3A, %swap3A_228] {strides = array<i32>} : memref<28x224xf32, #tpu.memory_space<vmem>>, vector<16xf32>,
          tpu.vector_store %arg10[%swap3A, %swap3A_228], %add3A_227 {strides = array<i32>} : memref<28x224xf32, #tpu.memory_space<vmem>>, vector<16xf32>,
          %get3A_230 = arith.constant 16 : index
          %get3A_231 = tpu.vector_load %arg12[%get3A_230] {strides = array<i32>} : memref<224xf32, #tpu.memory_space<vmem>>, vector<16xf32>,
          %add3A_232 = arith.addf %get3A_231, %get3A_184 : vector<16xf32>
          %jit3A_233 = arith.constant 0.000000e+00 : f32
          %jit3A_234 = arith.constant 222.999985 : f32
          %max3A_235 = vector.broadcast %jit3A_233 : f32 to vector<16xf32>
          %max3A_236 = arith.maximumf %max3A_235, %add3A_232 : vector<16xf32>
          %min3A_237 = vector.broadcast %jit3A_234 : f32 to vector<16xf32>
          %min3A_238 = arith.minimumf %min3A_237, %max3A_236 : vector<16xf32>
          %get3A_239 = arith.constant 16 : index
          %get3A_240 = tpu.vector_load %arg13[%get3A_239] {strides = array<i32>} : memref<224xf32, #tpu.memory_space<vmem>>, vector<16xf32>,
          %add3A_241 = arith.addf %get3A_240, %get3A_187 : vector<16xf32>
          %jit3A_242 = arith.constant 0.000000e+00 : f32
          %jit3A_243 = arith.constant 222.999985 : f32
          %max3A_244 = vector.broadcast %jit3A_242 : f32 to vector<16xf32>
          %max3A_245 = arith.maximumf %max3A_244, %add3A_241 : vector<16xf32>
          %min3A_246 = vector.broadcast %jit3A_243 : f32 to vector<16xf32>
          %min3A_247 = arith.minimumf %min3A_246, %max3A_245 : vector<16xf32>
          %convert_element_type3A_248 = arith.fptosi %min3A_238 : vector<16xf32> to vector<16xi32>
          %convert_element_type3A_249 = arith.fptosi %min3A_247 : vector<16xf32> to vector<16xi32>
          %convert_element_type3A_250 = arith.sitofp %convert_element_type3A_248 : vector<16xi32> to vector<16xf32>
          %sub3A_251 = arith.subf %min3A_238, %convert_element_type3A_250 : vector<16xf32>
          %convert_element_type3A_252 = arith.sitofp %convert_element_type3A_249 : vector<16xi32> to vector<16xf32>
          %sub3A_253 = arith.subf %min3A_247, %convert_element_type3A_252 : vector<16xf32>
          %add3A_254 = arith.constant 1 : i32
          %add3A_255 = vector.broadcast %add3A_254 : i32 to vector<16xi32>
          %add3A_256 = arith.addi %convert_element_type3A_248, %add3A_255 : vector<16xi32>
          %add3A_257 = arith.constant 1 : i32
          %add3A_258 = vector.broadcast %add3A_257 : i32 to vector<16xi32>
          %add3A_259 = arith.addi %convert_element_type3A_249, %add3A_258 : vector<16xi32>
          %gather3A_260 = tpu.vector_load_idx %arg9[%convert_element_type3A_249, %convert_element_type3A_248] : memref<224x225xf32, #tpu.memory_space<vmem>>[vector<16xi32>, vector<16xi32>], vector<16xf32>,
          %gather3A_261 = tpu.vector_load_idx %arg9[%convert_element_type3A_249, %add3A_256] : memref<224x225xf32, #tpu.memory_space<vmem>>[vector<16xi32>, vector<16xi32>], vector<16xf32>,
          %gather3A_262 = tpu.vector_load_idx %arg9[%add3A_259, %convert_element_type3A_248] : memref<224x225xf32, #tpu.memory_space<vmem>>[vector<16xi32>, vector<16xi32>], vector<16xf32>,
          %gather3A_263 = tpu.vector_load_idx %arg9[%add3A_259, %add3A_256] : memref<224x225xf32, #tpu.memory_space<vmem>>[vector<16xi32>, vector<16xi32>], vector<16xf32>,
          %sub3A_264 = arith.subf %gather3A_261, %gather3A_260 : vector<16xf32>
          %mul3A_265 = arith.mulf %sub3A_251, %sub3A_264 : vector<16xf32>
          %add3A_266 = arith.addf %gather3A_260, %mul3A_265 : vector<16xf32>
          %sub3A_267 = arith.subf %gather3A_263, %gather3A_262 : vector<16xf32>
          %mul3A_268 = arith.mulf %sub3A_251, %sub3A_267 : vector<16xf32>
          %add3A_269 = arith.addf %gather3A_262, %mul3A_268 : vector<16xf32>
          %sub3A_270 = arith.subf %add3A_269, %add3A_266 : vector<16xf32>
          %mul3A_271 = arith.mulf %sub3A_253, %sub3A_270 : vector<16xf32>
          %add3A_272 = arith.addf %add3A_266, %mul3A_271 : vector<16xf32>
          %swap3A_273 = arith.index_cast %scan3A_181 : i32 to index
          %swap3A_274 = arith.constant 16 : index
          %swap3A_275 = tpu.vector_load %arg10[%swap3A_273, %swap3A_274] {strides = array<i32>} : memref<28x224xf32, #tpu.memory_space<vmem>>, vector<16xf32>,
          tpu.vector_store %arg10[%swap3A_273, %swap3A_274], %add3A_272 {strides = array<i32>} : memref<28x224xf32, #tpu.memory_space<vmem>>, vector<16xf32>,
          %get3A_276 = arith.constant 32 : index
          %get3A_277 = tpu.vector_load %arg12[%get3A_276] {strides = array<i32>} : memref<224xf32, #tpu.memory_space<vmem>>, vector<16xf32>,
          %add3A_278 = arith.addf %get3A_277, %get3A_184 : vector<16xf32>
          %jit3A_279 = arith.constant 0.000000e+00 : f32
          %jit3A_280 = arith.constant 222.999985 : f32
          %max3A_281 = vector.broadcast %jit3A_279 : f32 to vector<16xf32>
          %max3A_282 = arith.maximumf %max3A_281, %add3A_278 : vector<16xf32>
          %min3A_283 = vector.broadcast %jit3A_280 : f32 to vector<16xf32>
          %min3A_284 = arith.minimumf %min3A_283, %max3A_282 : vector<16xf32>
          %get3A_285 = arith.constant 32 : index
          %get3A_286 = tpu.vector_load %arg13[%get3A_285] {strides = array<i32>} : memref<224xf32, #tpu.memory_space<vmem>>, vector<16xf32>,
          %add3A_287 = arith.addf %get3A_286, %get3A_187 : vector<16xf32>
          %jit3A_288 = arith.constant 0.000000e+00 : f32
          %jit3A_289 = arith.constant 222.999985 : f32
          %max3A_290 = vector.broadcast %jit3A_288 : f32 to vector<16xf32>
          %max3A_291 = arith.maximumf %max3A_290, %add3A_287 : vector<16xf32>
          %min3A_292 = vector.broadcast %jit3A_289 : f32 to vector<16xf32>
          %min3A_293 = arith.minimumf %min3A_292, %max3A_291 : vector<16xf32>
          %convert_element_type3A_294 = arith.fptosi %min3A_284 : vector<16xf32> to vector<16xi32>
          %convert_element_type3A_295 = arith.fptosi %min3A_293 : vector<16xf32> to vector<16xi32>
          %convert_element_type3A_296 = arith.sitofp %convert_element_type3A_294 : vector<16xi32> to vector<16xf32>
          %sub3A_297 = arith.subf %min3A_284, %convert_element_type3A_296 : vector<16xf32>
          %convert_element_type3A_298 = arith.sitofp %convert_element_type3A_295 : vector<16xi32> to vector<16xf32>
          %sub3A_299 = arith.subf %min3A_293, %convert_element_type3A_298 : vector<16xf32>
          %add3A_300 = arith.constant 1 : i32
          %add3A_301 = vector.broadcast %add3A_300 : i32 to vector<16xi32>
          %add3A_302 = arith.addi %convert_element_type3A_294, %add3A_301 : vector<16xi32>
          %add3A_303 = arith.constant 1 : i32
          %add3A_304 = vector.broadcast %add3A_303 : i32 to vector<16xi32>
          %add3A_305 = arith.addi %convert_element_type3A_295, %add3A_304 : vector<16xi32>
          %gather3A_306 = tpu.vector_load_idx %arg9[%convert_element_type3A_295, %convert_element_type3A_294] : memref<224x225xf32, #tpu.memory_space<vmem>>[vector<16xi32>, vector<16xi32>], vector<16xf32>,
          %gather3A_307 = tpu.vector_load_idx %arg9[%convert_element_type3A_295, %add3A_302] : memref<224x225xf32, #tpu.memory_space<vmem>>[vector<16xi32>, vector<16xi32>], vector<16xf32>,
          %gather3A_308 = tpu.vector_load_idx %arg9[%add3A_305, %convert_element_type3A_294] : memref<224x225xf32, #tpu.memory_space<vmem>>[vector<16xi32>, vector<16xi32>], vector<16xf32>,
          %gather3A_309 = tpu.vector_load_idx %arg9[%add3A_305, %add3A_302] : memref<224x225xf32, #tpu.memory_space<vmem>>[vector<16xi32>, vector<16xi32>], vector<16xf32>,
          %sub3A_310 = arith.subf %gather3A_307, %gather3A_306 : vector<16xf32>
          %mul3A_311 = arith.mulf %sub3A_297, %sub3A_310 : vector<16xf32>
          %add3A_312 = arith.addf %gather3A_306, %mul3A_311 : vector<16xf32>
          %sub3A_313 = arith.subf %gather3A_309, %gather3A_308 : vector<16xf32>
          %mul3A_314 = arith.mulf %sub3A_297, %sub3A_313 : vector<16xf32>
          %add3A_315 = arith.addf %gather3A_308, %mul3A_314 : vector<16xf32>
          %sub3A_316 = arith.subf %add3A_315, %add3A_312 : vector<16xf32>
          %mul3A_317 = arith.mulf %sub3A_299, %sub3A_316 : vector<16xf32>
          %add3A_318 = arith.addf %add3A_312, %mul3A_317 : vector<16xf32>
          %swap3A_319 = arith.index_cast %scan3A_181 : i32 to index
          %swap3A_320 = arith.constant 32 : index
          %swap3A_321 = tpu.vector_load %arg10[%swap3A_319, %swap3A_320] {strides = array<i32>} : memref<28x224xf32, #tpu.memory_space<vmem>>, vector<16xf32>,
          tpu.vector_store %arg10[%swap3A_319, %swap3A_320], %add3A_318 {strides = array<i32>} : memref<28x224xf32, #tpu.memory_space<vmem>>, vector<16xf32>,
          %get3A_322 = arith.constant 48 : index
          %get3A_323 = tpu.vector_load %arg12[%get3A_322] {strides = array<i32>} : memref<224xf32, #tpu.memory_space<vmem>>, vector<16xf32>,
          %add3A_324 = arith.addf %get3A_323, %get3A_184 : vector<16xf32>
          %jit3A_325 = arith.constant 0.000000e+00 : f32
          %jit3A_326 = arith.constant 222.999985 : f32
          %max3A_327 = vector.broadcast %jit3A_325 : f32 to vector<16xf32>
          %max3A_328 = arith.maximumf %max3A_327, %add3A_324 : vector<16xf32>
          %min3A_329 = vector.broadcast %jit3A_326 : f32 to vector<16xf32>
          %min3A_330 = arith.minimumf %min3A_329, %max3A_328 : vector<16xf32>
          %get3A_331 = arith.constant 48 : index
          %get3A_332 = tpu.vector_load %arg13[%get3A_331] {strides = array<i32>} : memref<224xf32, #tpu.memory_space<vmem>>, vector<16xf32>,
          %add3A_333 = arith.addf %get3A_332, %get3A_187 : vector<16xf32>
          %jit3A_334 = arith.constant 0.000000e+00 : f32
          %jit3A_335 = arith.constant 222.999985 : f32
          %max3A_336 = vector.broadcast %jit3A_334 : f32 to vector<16xf32>
          %max3A_337 = arith.maximumf %max3A_336, %add3A_333 : vector<16xf32>
          %min3A_338 = vector.broadcast %jit3A_335 : f32 to vector<16xf32>
          %min3A_339 = arith.minimumf %min3A_338, %max3A_337 : vector<16xf32>
          %convert_element_type3A_340 = arith.fptosi %min3A_330 : vector<16xf32> to vector<16xi32>
          %convert_element_type3A_341 = arith.fptosi %min3A_339 : vector<16xf32> to vector<16xi32>
          %convert_element_type3A_342 = arith.sitofp %convert_element_type3A_340 : vector<16xi32> to vector<16xf32>
          %sub3A_343 = arith.subf %min3A_330, %convert_element_type3A_342 : vector<16xf32>
          %convert_element_type3A_344 = arith.sitofp %convert_element_type3A_341 : vector<16xi32> to vector<16xf32>
          %sub3A_345 = arith.subf %min3A_339, %convert_element_type3A_344 : vector<16xf32>
          %add3A_346 = arith.constant 1 : i32
          %add3A_347 = vector.broadcast %add3A_346 : i32 to vector<16xi32>
          %add3A_348 = arith.addi %convert_element_type3A_340, %add3A_347 : vector<16xi32>
          %add3A_349 = arith.constant 1 : i32
          %add3A_350 = vector.broadcast %add3A_349 : i32 to vector<16xi32>
          %add3A_351 = arith.addi %convert_element_type3A_341, %add3A_350 : vector<16xi32>
          %gather3A_352 = tpu.vector_load_idx %arg9[%convert_element_type3A_341, %convert_element_type3A_340] : memref<224x225xf32, #tpu.memory_space<vmem>>[vector<16xi32>, vector<16xi32>], vector<16xf32>,
          %gather3A_353 = tpu.vector_load_idx %arg9[%convert_element_type3A_341, %add3A_348] : memref<224x225xf32, #tpu.memory_space<vmem>>[vector<16xi32>, vector<16xi32>], vector<16xf32>,
          %gather3A_354 = tpu.vector_load_idx %arg9[%add3A_351, %convert_element_type3A_340] : memref<224x225xf32, #tpu.memory_space<vmem>>[vector<16xi32>, vector<16xi32>], vector<16xf32>,
          %gather3A_355 = tpu.vector_load_idx %arg9[%add3A_351, %add3A_348] : memref<224x225xf32, #tpu.memory_space<vmem>>[vector<16xi32>, vector<16xi32>], vector<16xf32>,
          %sub3A_356 = arith.subf %gather3A_353, %gather3A_352 : vector<16xf32>
          %mul3A_357 = arith.mulf %sub3A_343, %sub3A_356 : vector<16xf32>
          %add3A_358 = arith.addf %gather3A_352, %mul3A_357 : vector<16xf32>
          %sub3A_359 = arith.subf %gather3A_355, %gather3A_354 : vector<16xf32>
          %mul3A_360 = arith.mulf %sub3A_343, %sub3A_359 : vector<16xf32>
          %add3A_361 = arith.addf %gather3A_354, %mul3A_360 : vector<16xf32>
          %sub3A_362 = arith.subf %add3A_361, %add3A_358 : vector<16xf32>
          %mul3A_363 = arith.mulf %sub3A_345, %sub3A_362 : vector<16xf32>
          %add3A_364 = arith.addf %add3A_358, %mul3A_363 : vector<16xf32>
          %swap3A_365 = arith.index_cast %scan3A_181 : i32 to index
          %swap3A_366 = arith.constant 48 : index
          %swap3A_367 = tpu.vector_load %arg10[%swap3A_365, %swap3A_366] {strides = array<i32>} : memref<28x224xf32, #tpu.memory_space<vmem>>, vector<16xf32>,
          tpu.vector_store %arg10[%swap3A_365, %swap3A_366], %add3A_364 {strides = array<i32>} : memref<28x224xf32, #tpu.memory_space<vmem>>, vector<16xf32>,
          %get3A_368 = arith.constant 64 : index
          %get3A_369 = tpu.vector_load %arg12[%get3A_368] {strides = array<i32>} : memref<224xf32, #tpu.memory_space<vmem>>, vector<16xf32>,
          %add3A_370 = arith.addf %get3A_369, %get3A_184 : vector<16xf32>
          %jit3A_371 = arith.constant 0.000000e+00 : f32
          %jit3A_372 = arith.constant 222.999985 : f32
          %max3A_373 = vector.broadcast %jit3A_371 : f32 to vector<16xf32>
          %max3A_374 = arith.maximumf %max3A_373, %add3A_370 : vector<16xf32>
          %min3A_375 = vector.broadcast %jit3A_372 : f32 to vector<16xf32>
          %min3A_376 = arith.minimumf %min3A_375, %max3A_374 : vector<16xf32>
          %get3A_377 = arith.constant 64 : index
          %get3A_378 = tpu.vector_load %arg13[%get3A_377] {strides = array<i32>} : memref<224xf32, #tpu.memory_space<vmem>>, vector<16xf32>,
          %add3A_379 = arith.addf %get3A_378, %get3A_187 : vector<16xf32>
          %jit3A_380 = arith.constant 0.000000e+00 : f32
          %jit3A_381 = arith.constant 222.999985 : f32
          %max3A_382 = vector.broadcast %jit3A_380 : f32 to vector<16xf32>
          %max3A_383 = arith.maximumf %max3A_382, %add3A_379 : vector<16xf32>
          %min3A_384 = vector.broadcast %jit3A_381 : f32 to vector<16xf32>
          %min3A_385 = arith.minimumf %min3A_384, %max3A_383 : vector<16xf32>
          %convert_element_type3A_386 = arith.fptosi %min3A_376 : vector<16xf32> to vector<16xi32>
          %convert_element_type3A_387 = arith.fptosi %min3A_385 : vector<16xf32> to vector<16xi32>
          %convert_element_type3A_388 = arith.sitofp %convert_element_type3A_386 : vector<16xi32> to vector<16xf32>
          %sub3A_389 = arith.subf %min3A_376, %convert_element_type3A_388 : vector<16xf32>
          %convert_element_type3A_390 = arith.sitofp %convert_element_type3A_387 : vector<16xi32> to vector<16xf32>
          %sub3A_391 = arith.subf %min3A_385, %convert_element_type3A_390 : vector<16xf32>
          %add3A_392 = arith.constant 1 : i32
          %add3A_393 = vector.broadcast %add3A_392 : i32 to vector<16xi32>
          %add3A_394 = arith.addi %convert_element_type3A_386, %add3A_393 : vector<16xi32>
          %add3A_395 = arith.constant 1 : i32
          %add3A_396 = vector.broadcast %add3A_395 : i32 to vector<16xi32>
          %add3A_397 = arith.addi %convert_element_type3A_387, %add3A_396 : vector<16xi32>
          %gather3A_398 = tpu.vector_load_idx %arg9[%convert_element_type3A_387, %convert_element_type3A_386] : memref<224x225xf32, #tpu.memory_space<vmem>>[vector<16xi32>, vector<16xi32>], vector<16xf32>,
          %gather3A_399 = tpu.vector_load_idx %arg9[%convert_element_type3A_387, %add3A_394] : memref<224x225xf32, #tpu.memory_space<vmem>>[vector<16xi32>, vector<16xi32>], vector<16xf32>,
          %gather3A_400 = tpu.vector_load_idx %arg9[%add3A_397, %convert_element_type3A_386] : memref<224x225xf32, #tpu.memory_space<vmem>>[vector<16xi32>, vector<16xi32>], vector<16xf32>,
          %gather3A_401 = tpu.vector_load_idx %arg9[%add3A_397, %add3A_394] : memref<224x225xf32, #tpu.memory_space<vmem>>[vector<16xi32>, vector<16xi32>], vector<16xf32>,
          %sub3A_402 = arith.subf %gather3A_399, %gather3A_398 : vector<16xf32>
          %mul3A_403 = arith.mulf %sub3A_389, %sub3A_402 : vector<16xf32>
          %add3A_404 = arith.addf %gather3A_398, %mul3A_403 : vector<16xf32>
          %sub3A_405 = arith.subf %gather3A_401, %gather3A_400 : vector<16xf32>
          %mul3A_406 = arith.mulf %sub3A_389, %sub3A_405 : vector<16xf32>
          %add3A_407 = arith.addf %gather3A_400, %mul3A_406 : vector<16xf32>
          %sub3A_408 = arith.subf %add3A_407, %add3A_404 : vector<16xf32>
          %mul3A_409 = arith.mulf %sub3A_391, %sub3A_408 : vector<16xf32>
          %add3A_410 = arith.addf %add3A_404, %mul3A_409 : vector<16xf32>
          %swap3A_411 = arith.index_cast %scan3A_181 : i32 to index
          %swap3A_412 = arith.constant 64 : index
          %swap3A_413 = tpu.vector_load %arg10[%swap3A_411, %swap3A_412] {strides = array<i32>} : memref<28x224xf32, #tpu.memory_space<vmem>>, vector<16xf32>,
          tpu.vector_store %arg10[%swap3A_411, %swap3A_412], %add3A_410 {strides = array<i32>} : memref<28x224xf32, #tpu.memory_space<vmem>>, vector<16xf32>,
          %get3A_414 = arith.constant 80 : index
          %get3A_415 = tpu.vector_load %arg12[%get3A_414] {strides = array<i32>} : memref<224xf32, #tpu.memory_space<vmem>>, vector<16xf32>,
          %add3A_416 = arith.addf %get3A_415, %get3A_184 : vector<16xf32>
          %jit3A_417 = arith.constant 0.000000e+00 : f32
          %jit3A_418 = arith.constant 222.999985 : f32
          %max3A_419 = vector.broadcast %jit3A_417 : f32 to vector<16xf32>
          %max3A_420 = arith.maximumf %max3A_419, %add3A_416 : vector<16xf32>
          %min3A_421 = vector.broadcast %jit3A_418 : f32 to vector<16xf32>
          %min3A_422 = arith.minimumf %min3A_421, %max3A_420 : vector<16xf32>
          %get3A_423 = arith.constant 80 : index
          %get3A_424 = tpu.vector_load %arg13[%get3A_423] {strides = array<i32>} : memref<224xf32, #tpu.memory_space<vmem>>, vector<16xf32>,
          %add3A_425 = arith.addf %get3A_424, %get3A_187 : vector<16xf32>
          %jit3A_426 = arith.constant 0.000000e+00 : f32
          %jit3A_427 = arith.constant 222.999985 : f32
          %max3A_428 = vector.broadcast %jit3A_426 : f32 to vector<16xf32>
          %max3A_429 = arith.maximumf %max3A_428, %add3A_425 : vector<16xf32>
          %min3A_430 = vector.broadcast %jit3A_427 : f32 to vector<16xf32>
          %min3A_431 = arith.minimumf %min3A_430, %max3A_429 : vector<16xf32>
          %convert_element_type3A_432 = arith.fptosi %min3A_422 : vector<16xf32> to vector<16xi32>
          %convert_element_type3A_433 = arith.fptosi %min3A_431 : vector<16xf32> to vector<16xi32>
          %convert_element_type3A_434 = arith.sitofp %convert_element_type3A_432 : vector<16xi32> to vector<16xf32>
          %sub3A_435 = arith.subf %min3A_422, %convert_element_type3A_434 : vector<16xf32>
          %convert_element_type3A_436 = arith.sitofp %convert_element_type3A_433 : vector<16xi32> to vector<16xf32>
          %sub3A_437 = arith.subf %min3A_431, %convert_element_type3A_436 : vector<16xf32>
          %add3A_438 = arith.constant 1 : i32
          %add3A_439 = vector.broadcast %add3A_438 : i32 to vector<16xi32>
          %add3A_440 = arith.addi %convert_element_type3A_432, %add3A_439 : vector<16xi32>
          %add3A_441 = arith.constant 1 : i32
          %add3A_442 = vector.broadcast %add3A_441 : i32 to vector<16xi32>
          %add3A_443 = arith.addi %convert_element_type3A_433, %add3A_442 : vector<16xi32>
          %gather3A_444 = tpu.vector_load_idx %arg9[%convert_element_type3A_433, %convert_element_type3A_432] : memref<224x225xf32, #tpu.memory_space<vmem>>[vector<16xi32>, vector<16xi32>], vector<16xf32>,
          %gather3A_445 = tpu.vector_load_idx %arg9[%convert_element_type3A_433, %add3A_440] : memref<224x225xf32, #tpu.memory_space<vmem>>[vector<16xi32>, vector<16xi32>], vector<16xf32>,
          %gather3A_446 = tpu.vector_load_idx %arg9[%add3A_443, %convert_element_type3A_432] : memref<224x225xf32, #tpu.memory_space<vmem>>[vector<16xi32>, vector<16xi32>], vector<16xf32>,
          %gather3A_447 = tpu.vector_load_idx %arg9[%add3A_443, %add3A_440] : memref<224x225xf32, #tpu.memory_space<vmem>>[vector<16xi32>, vector<16xi32>], vector<16xf32>,
          %sub3A_448 = arith.subf %gather3A_445, %gather3A_444 : vector<16xf32>
          %mul3A_449 = arith.mulf %sub3A_435, %sub3A_448 : vector<16xf32>
          %add3A_450 = arith.addf %gather3A_444, %mul3A_449 : vector<16xf32>
          %sub3A_451 = arith.subf %gather3A_447, %gather3A_446 : vector<16xf32>
          %mul3A_452 = arith.mulf %sub3A_435, %sub3A_451 : vector<16xf32>
          %add3A_453 = arith.addf %gather3A_446, %mul3A_452 : vector<16xf32>
          %sub3A_454 = arith.subf %add3A_453, %add3A_450 : vector<16xf32>
          %mul3A_455 = arith.mulf %sub3A_437, %sub3A_454 : vector<16xf32>
          %add3A_456 = arith.addf %add3A_450, %mul3A_455 : vector<16xf32>
          %swap3A_457 = arith.index_cast %scan3A_181 : i32 to index
          %swap3A_458 = arith.constant 80 : index
          %swap3A_459 = tpu.vector_load %arg10[%swap3A_457, %swap3A_458] {strides = array<i32>} : memref<28x224xf32, #tpu.memory_space<vmem>>, vector<16xf32>,
          tpu.vector_store %arg10[%swap3A_457, %swap3A_458], %add3A_456 {strides = array<i32>} : memref<28x224xf32, #tpu.memory_space<vmem>>, vector<16xf32>,
          %get3A_460 = arith.constant 96 : index
          %get3A_461 = tpu.vector_load %arg12[%get3A_460] {strides = array<i32>} : memref<224xf32, #tpu.memory_space<vmem>>, vector<16xf32>,
          %add3A_462 = arith.addf %get3A_461, %get3A_184 : vector<16xf32>
          %jit3A_463 = arith.constant 0.000000e+00 : f32
          %jit3A_464 = arith.constant 222.999985 : f32
          %max3A_465 = vector.broadcast %jit3A_463 : f32 to vector<16xf32>
          %max3A_466 = arith.maximumf %max3A_465, %add3A_462 : vector<16xf32>
          %min3A_467 = vector.broadcast %jit3A_464 : f32 to vector<16xf32>
          %min3A_468 = arith.minimumf %min3A_467, %max3A_466 : vector<16xf32>
          %get3A_469 = arith.constant 96 : index
          %get3A_470 = tpu.vector_load %arg13[%get3A_469] {strides = array<i32>} : memref<224xf32, #tpu.memory_space<vmem>>, vector<16xf32>,
          %add3A_471 = arith.addf %get3A_470, %get3A_187 : vector<16xf32>
          %jit3A_472 = arith.constant 0.000000e+00 : f32
          %jit3A_473 = arith.constant 222.999985 : f32
          %max3A_474 = vector.broadcast %jit3A_472 : f32 to vector<16xf32>
          %max3A_475 = arith.maximumf %max3A_474, %add3A_471 : vector<16xf32>
          %min3A_476 = vector.broadcast %jit3A_473 : f32 to vector<16xf32>
          %min3A_477 = arith.minimumf %min3A_476, %max3A_475 : vector<16xf32>
          %convert_element_type3A_478 = arith.fptosi %min3A_468 : vector<16xf32> to vector<16xi32>
          %convert_element_type3A_479 = arith.fptosi %min3A_477 : vector<16xf32> to vector<16xi32>
          %convert_element_type3A_480 = arith.sitofp %convert_element_type3A_478 : vector<16xi32> to vector<16xf32>
          %sub3A_481 = arith.subf %min3A_468, %convert_element_type3A_480 : vector<16xf32>
          %convert_element_type3A_482 = arith.sitofp %convert_element_type3A_479 : vector<16xi32> to vector<16xf32>
          %sub3A_483 = arith.subf %min3A_477, %convert_element_type3A_482 : vector<16xf32>
          %add3A_484 = arith.constant 1 : i32
          %add3A_485 = vector.broadcast %add3A_484 : i32 to vector<16xi32>
          %add3A_486 = arith.addi %convert_element_type3A_478, %add3A_485 : vector<16xi32>
          %add3A_487 = arith.constant 1 : i32
          %add3A_488 = vector.broadcast %add3A_487 : i32 to vector<16xi32>
          %add3A_489 = arith.addi %convert_element_type3A_479, %add3A_488 : vector<16xi32>
          %gather3A_490 = tpu.vector_load_idx %arg9[%convert_element_type3A_479, %convert_element_type3A_478] : memref<224x225xf32, #tpu.memory_space<vmem>>[vector<16xi32>, vector<16xi32>], vector<16xf32>,
          %gather3A_491 = tpu.vector_load_idx %arg9[%convert_element_type3A_479, %add3A_486] : memref<224x225xf32, #tpu.memory_space<vmem>>[vector<16xi32>, vector<16xi32>], vector<16xf32>,
          %gather3A_492 = tpu.vector_load_idx %arg9[%add3A_489, %convert_element_type3A_478] : memref<224x225xf32, #tpu.memory_space<vmem>>[vector<16xi32>, vector<16xi32>], vector<16xf32>,
          %gather3A_493 = tpu.vector_load_idx %arg9[%add3A_489, %add3A_486] : memref<224x225xf32, #tpu.memory_space<vmem>>[vector<16xi32>, vector<16xi32>], vector<16xf32>,
          %sub3A_494 = arith.subf %gather3A_491, %gather3A_490 : vector<16xf32>
          %mul3A_495 = arith.mulf %sub3A_481, %sub3A_494 : vector<16xf32>
          %add3A_496 = arith.addf %gather3A_490, %mul3A_495 : vector<16xf32>
          %sub3A_497 = arith.subf %gather3A_493, %gather3A_492 : vector<16xf32>
          %mul3A_498 = arith.mulf %sub3A_481, %sub3A_497 : vector<16xf32>
          %add3A_499 = arith.addf %gather3A_492, %mul3A_498 : vector<16xf32>
          %sub3A_500 = arith.subf %add3A_499, %add3A_496 : vector<16xf32>
          %mul3A_501 = arith.mulf %sub3A_483, %sub3A_500 : vector<16xf32>
          %add3A_502 = arith.addf %add3A_496, %mul3A_501 : vector<16xf32>
          %swap3A_503 = arith.index_cast %scan3A_181 : i32 to index
          %swap3A_504 = arith.constant 96 : index
          %swap3A_505 = tpu.vector_load %arg10[%swap3A_503, %swap3A_504] {strides = array<i32>} : memref<28x224xf32, #tpu.memory_space<vmem>>, vector<16xf32>,
          tpu.vector_store %arg10[%swap3A_503, %swap3A_504], %add3A_502 {strides = array<i32>} : memref<28x224xf32, #tpu.memory_space<vmem>>, vector<16xf32>,
          %get3A_506 = arith.constant 112 : index
          %get3A_507 = tpu.vector_load %arg12[%get3A_506] {strides = array<i32>} : memref<224xf32, #tpu.memory_space<vmem>>, vector<16xf32>,
          %add3A_508 = arith.addf %get3A_507, %get3A_184 : vector<16xf32>
          %jit3A_509 = arith.constant 0.000000e+00 : f32
          %jit3A_510 = arith.constant 222.999985 : f32
          %max3A_511 = vector.broadcast %jit3A_509 : f32 to vector<16xf32>
          %max3A_512 = arith.maximumf %max3A_511, %add3A_508 : vector<16xf32>
          %min3A_513 = vector.broadcast %jit3A_510 : f32 to vector<16xf32>
          %min3A_514 = arith.minimumf %min3A_513, %max3A_512 : vector<16xf32>
          %get3A_515 = arith.constant 112 : index
          %get3A_516 = tpu.vector_load %arg13[%get3A_515] {strides = array<i32>} : memref<224xf32, #tpu.memory_space<vmem>>, vector<16xf32>,
          %add3A_517 = arith.addf %get3A_516, %get3A_187 : vector<16xf32>
          %jit3A_518 = arith.constant 0.000000e+00 : f32
          %jit3A_519 = arith.constant 222.999985 : f32
          %max3A_520 = vector.broadcast %jit3A_518 : f32 to vector<16xf32>
          %max3A_521 = arith.maximumf %max3A_520, %add3A_517 : vector<16xf32>
          %min3A_522 = vector.broadcast %jit3A_519 : f32 to vector<16xf32>
          %min3A_523 = arith.minimumf %min3A_522, %max3A_521 : vector<16xf32>
          %convert_element_type3A_524 = arith.fptosi %min3A_514 : vector<16xf32> to vector<16xi32>
          %convert_element_type3A_525 = arith.fptosi %min3A_523 : vector<16xf32> to vector<16xi32>
          %convert_element_type3A_526 = arith.sitofp %convert_element_type3A_524 : vector<16xi32> to vector<16xf32>
          %sub3A_527 = arith.subf %min3A_514, %convert_element_type3A_526 : vector<16xf32>
          %convert_element_type3A_528 = arith.sitofp %convert_element_type3A_525 : vector<16xi32> to vector<16xf32>
          %sub3A_529 = arith.subf %min3A_523, %convert_element_type3A_528 : vector<16xf32>
          %add3A_530 = arith.constant 1 : i32
          %add3A_531 = vector.broadcast %add3A_530 : i32 to vector<16xi32>
          %add3A_532 = arith.addi %convert_element_type3A_524, %add3A_531 : vector<16xi32>
          %add3A_533 = arith.constant 1 : i32
          %add3A_534 = vector.broadcast %add3A_533 : i32 to vector<16xi32>
          %add3A_535 = arith.addi %convert_element_type3A_525, %add3A_534 : vector<16xi32>
          %gather3A_536 = tpu.vector_load_idx %arg9[%convert_element_type3A_525, %convert_element_type3A_524] : memref<224x225xf32, #tpu.memory_space<vmem>>[vector<16xi32>, vector<16xi32>], vector<16xf32>,
          %gather3A_537 = tpu.vector_load_idx %arg9[%convert_element_type3A_525, %add3A_532] : memref<224x225xf32, #tpu.memory_space<vmem>>[vector<16xi32>, vector<16xi32>], vector<16xf32>,
          %gather3A_538 = tpu.vector_load_idx %arg9[%add3A_535, %convert_element_type3A_524] : memref<224x225xf32, #tpu.memory_space<vmem>>[vector<16xi32>, vector<16xi32>], vector<16xf32>,
          %gather3A_539 = tpu.vector_load_idx %arg9[%add3A_535, %add3A_532] : memref<224x225xf32, #tpu.memory_space<vmem>>[vector<16xi32>, vector<16xi32>], vector<16xf32>,
          %sub3A_540 = arith.subf %gather3A_537, %gather3A_536 : vector<16xf32>
          %mul3A_541 = arith.mulf %sub3A_527, %sub3A_540 : vector<16xf32>
          %add3A_542 = arith.addf %gather3A_536, %mul3A_541 : vector<16xf32>
          %sub3A_543 = arith.subf %gather3A_539, %gather3A_538 : vector<16xf32>
          %mul3A_544 = arith.mulf %sub3A_527, %sub3A_543 : vector<16xf32>
          %add3A_545 = arith.addf %gather3A_538, %mul3A_544 : vector<16xf32>
          %sub3A_546 = arith.subf %add3A_545, %add3A_542 : vector<16xf32>
          %mul3A_547 = arith.mulf %sub3A_529, %sub3A_546 : vector<16xf32>
          %add3A_548 = arith.addf %add3A_542, %mul3A_547 : vector<16xf32>
          %swap3A_549 = arith.index_cast %scan3A_181 : i32 to index
          %swap3A_550 = arith.constant 112 : index
          %swap3A_551 = tpu.vector_load %arg10[%swap3A_549, %swap3A_550] {strides = array<i32>} : memref<28x224xf32, #tpu.memory_space<vmem>>, vector<16xf32>,
          tpu.vector_store %arg10[%swap3A_549, %swap3A_550], %add3A_548 {strides = array<i32>} : memref<28x224xf32, #tpu.memory_space<vmem>>, vector<16xf32>,
          %get3A_552 = arith.constant 128 : index
          %get3A_553 = tpu.vector_load %arg12[%get3A_552] {strides = array<i32>} : memref<224xf32, #tpu.memory_space<vmem>>, vector<16xf32>,
          %add3A_554 = arith.addf %get3A_553, %get3A_184 : vector<16xf32>
          %jit3A_555 = arith.constant 0.000000e+00 : f32
          %jit3A_556 = arith.constant 222.999985 : f32
          %max3A_557 = vector.broadcast %jit3A_555 : f32 to vector<16xf32>
          %max3A_558 = arith.maximumf %max3A_557, %add3A_554 : vector<16xf32>
          %min3A_559 = vector.broadcast %jit3A_556 : f32 to vector<16xf32>
          %min3A_560 = arith.minimumf %min3A_559, %max3A_558 : vector<16xf32>
          %get3A_561 = arith.constant 128 : index
          %get3A_562 = tpu.vector_load %arg13[%get3A_561] {strides = array<i32>} : memref<224xf32, #tpu.memory_space<vmem>>, vector<16xf32>,
          %add3A_563 = arith.addf %get3A_562, %get3A_187 : vector<16xf32>
          %jit3A_564 = arith.constant 0.000000e+00 : f32
          %jit3A_565 = arith.constant 222.999985 : f32
          %max3A_566 = vector.broadcast %jit3A_564 : f32 to vector<16xf32>
          %max3A_567 = arith.maximumf %max3A_566, %add3A_563 : vector<16xf32>
          %min3A_568 = vector.broadcast %jit3A_565 : f32 to vector<16xf32>
          %min3A_569 = arith.minimumf %min3A_568, %max3A_567 : vector<16xf32>
          %convert_element_type3A_570 = arith.fptosi %min3A_560 : vector<16xf32> to vector<16xi32>
          %convert_element_type3A_571 = arith.fptosi %min3A_569 : vector<16xf32> to vector<16xi32>
          %convert_element_type3A_572 = arith.sitofp %convert_element_type3A_570 : vector<16xi32> to vector<16xf32>
          %sub3A_573 = arith.subf %min3A_560, %convert_element_type3A_572 : vector<16xf32>
          %convert_element_type3A_574 = arith.sitofp %convert_element_type3A_571 : vector<16xi32> to vector<16xf32>
          %sub3A_575 = arith.subf %min3A_569, %convert_element_type3A_574 : vector<16xf32>
          %add3A_576 = arith.constant 1 : i32
          %add3A_577 = vector.broadcast %add3A_576 : i32 to vector<16xi32>
          %add3A_578 = arith.addi %convert_element_type3A_570, %add3A_577 : vector<16xi32>
          %add3A_579 = arith.constant 1 : i32
          %add3A_580 = vector.broadcast %add3A_579 : i32 to vector<16xi32>
          %add3A_581 = arith.addi %convert_element_type3A_571, %add3A_580 : vector<16xi32>
          %gather3A_582 = tpu.vector_load_idx %arg9[%convert_element_type3A_571, %convert_element_type3A_570] : memref<224x225xf32, #tpu.memory_space<vmem>>[vector<16xi32>, vector<16xi32>], vector<16xf32>,
          %gather3A_583 = tpu.vector_load_idx %arg9[%convert_element_type3A_571, %add3A_578] : memref<224x225xf32, #tpu.memory_space<vmem>>[vector<16xi32>, vector<16xi32>], vector<16xf32>,
          %gather3A_584 = tpu.vector_load_idx %arg9[%add3A_581, %convert_element_type3A_570] : memref<224x225xf32, #tpu.memory_space<vmem>>[vector<16xi32>, vector<16xi32>], vector<16xf32>,
          %gather3A_585 = tpu.vector_load_idx %arg9[%add3A_581, %add3A_578] : memref<224x225xf32, #tpu.memory_space<vmem>>[vector<16xi32>, vector<16xi32>], vector<16xf32>,
          %sub3A_586 = arith.subf %gather3A_583, %gather3A_582 : vector<16xf32>
          %mul3A_587 = arith.mulf %sub3A_573, %sub3A_586 : vector<16xf32>
          %add3A_588 = arith.addf %gather3A_582, %mul3A_587 : vector<16xf32>
          %sub3A_589 = arith.subf %gather3A_585, %gather3A_584 : vector<16xf32>
          %mul3A_590 = arith.mulf %sub3A_573, %sub3A_589 : vector<16xf32>
          %add3A_591 = arith.addf %gather3A_584, %mul3A_590 : vector<16xf32>
          %sub3A_592 = arith.subf %add3A_591, %add3A_588 : vector<16xf32>
          %mul3A_593 = arith.mulf %sub3A_575, %sub3A_592 : vector<16xf32>
          %add3A_594 = arith.addf %add3A_588, %mul3A_593 : vector<16xf32>
          %swap3A_595 = arith.index_cast %scan3A_181 : i32 to index
          %swap3A_596 = arith.constant 128 : index
          %swap3A_597 = tpu.vector_load %arg10[%swap3A_595, %swap3A_596] {strides = array<i32>} : memref<28x224xf32, #tpu.memory_space<vmem>>, vector<16xf32>,
          tpu.vector_store %arg10[%swap3A_595, %swap3A_596], %add3A_594 {strides = array<i32>} : memref<28x224xf32, #tpu.memory_space<vmem>>, vector<16xf32>,
          %get3A_598 = arith.constant 144 : index
          %get3A_599 = tpu.vector_load %arg12[%get3A_598] {strides = array<i32>} : memref<224xf32, #tpu.memory_space<vmem>>, vector<16xf32>,
          %add3A_600 = arith.addf %get3A_599, %get3A_184 : vector<16xf32>
          %jit3A_601 = arith.constant 0.000000e+00 : f32
          %jit3A_602 = arith.constant 222.999985 : f32
          %max3A_603 = vector.broadcast %jit3A_601 : f32 to vector<16xf32>
          %max3A_604 = arith.maximumf %max3A_603, %add3A_600 : vector<16xf32>
          %min3A_605 = vector.broadcast %jit3A_602 : f32 to vector<16xf32>
          %min3A_606 = arith.minimumf %min3A_605, %max3A_604 : vector<16xf32>
          %get3A_607 = arith.constant 144 : index
          %get3A_608 = tpu.vector_load %arg13[%get3A_607] {strides = array<i32>} : memref<224xf32, #tpu.memory_space<vmem>>, vector<16xf32>,
          %add3A_609 = arith.addf %get3A_608, %get3A_187 : vector<16xf32>
          %jit3A_610 = arith.constant 0.000000e+00 : f32
          %jit3A_611 = arith.constant 222.999985 : f32
          %max3A_612 = vector.broadcast %jit3A_610 : f32 to vector<16xf32>
          %max3A_613 = arith.maximumf %max3A_612, %add3A_609 : vector<16xf32>
          %min3A_614 = vector.broadcast %jit3A_611 : f32 to vector<16xf32>
          %min3A_615 = arith.minimumf %min3A_614, %max3A_613 : vector<16xf32>
          %convert_element_type3A_616 = arith.fptosi %min3A_606 : vector<16xf32> to vector<16xi32>
          %convert_element_type3A_617 = arith.fptosi %min3A_615 : vector<16xf32> to vector<16xi32>
          %convert_element_type3A_618 = arith.sitofp %convert_element_type3A_616 : vector<16xi32> to vector<16xf32>
          %sub3A_619 = arith.subf %min3A_606, %convert_element_type3A_618 : vector<16xf32>
          %convert_element_type3A_620 = arith.sitofp %convert_element_type3A_617 : vector<16xi32> to vector<16xf32>
          %sub3A_621 = arith.subf %min3A_615, %convert_element_type3A_620 : vector<16xf32>
          %add3A_622 = arith.constant 1 : i32
          %add3A_623 = vector.broadcast %add3A_622 : i32 to vector<16xi32>
          %add3A_624 = arith.addi %convert_element_type3A_616, %add3A_623 : vector<16xi32>
          %add3A_625 = arith.constant 1 : i32
          %add3A_626 = vector.broadcast %add3A_625 : i32 to vector<16xi32>
          %add3A_627 = arith.addi %convert_element_type3A_617, %add3A_626 : vector<16xi32>
          %gather3A_628 = tpu.vector_load_idx %arg9[%convert_element_type3A_617, %convert_element_type3A_616] : memref<224x225xf32, #tpu.memory_space<vmem>>[vector<16xi32>, vector<16xi32>], vector<16xf32>,
          %gather3A_629 = tpu.vector_load_idx %arg9[%convert_element_type3A_617, %add3A_624] : memref<224x225xf32, #tpu.memory_space<vmem>>[vector<16xi32>, vector<16xi32>], vector<16xf32>,
          %gather3A_630 = tpu.vector_load_idx %arg9[%add3A_627, %convert_element_type3A_616] : memref<224x225xf32, #tpu.memory_space<vmem>>[vector<16xi32>, vector<16xi32>], vector<16xf32>,
          %gather3A_631 = tpu.vector_load_idx %arg9[%add3A_627, %add3A_624] : memref<224x225xf32, #tpu.memory_space<vmem>>[vector<16xi32>, vector<16xi32>], vector<16xf32>,
          %sub3A_632 = arith.subf %gather3A_629, %gather3A_628 : vector<16xf32>
          %mul3A_633 = arith.mulf %sub3A_619, %sub3A_632 : vector<16xf32>
          %add3A_634 = arith.addf %gather3A_628, %mul3A_633 : vector<16xf32>
          %sub3A_635 = arith.subf %gather3A_631, %gather3A_630 : vector<16xf32>
          %mul3A_636 = arith.mulf %sub3A_619, %sub3A_635 : vector<16xf32>
          %add3A_637 = arith.addf %gather3A_630, %mul3A_636 : vector<16xf32>
          %sub3A_638 = arith.subf %add3A_637, %add3A_634 : vector<16xf32>
          %mul3A_639 = arith.mulf %sub3A_621, %sub3A_638 : vector<16xf32>
          %add3A_640 = arith.addf %add3A_634, %mul3A_639 : vector<16xf32>
          %swap3A_641 = arith.index_cast %scan3A_181 : i32 to index
          %swap3A_642 = arith.constant 144 : index
          %swap3A_643 = tpu.vector_load %arg10[%swap3A_641, %swap3A_642] {strides = array<i32>} : memref<28x224xf32, #tpu.memory_space<vmem>>, vector<16xf32>,
          tpu.vector_store %arg10[%swap3A_641, %swap3A_642], %add3A_640 {strides = array<i32>} : memref<28x224xf32, #tpu.memory_space<vmem>>, vector<16xf32>,
          %get3A_644 = arith.constant 160 : index
          %get3A_645 = tpu.vector_load %arg12[%get3A_644] {strides = array<i32>} : memref<224xf32, #tpu.memory_space<vmem>>, vector<16xf32>,
          %add3A_646 = arith.addf %get3A_645, %get3A_184 : vector<16xf32>
          %jit3A_647 = arith.constant 0.000000e+00 : f32
          %jit3A_648 = arith.constant 222.999985 : f32
          %max3A_649 = vector.broadcast %jit3A_647 : f32 to vector<16xf32>
          %max3A_650 = arith.maximumf %max3A_649, %add3A_646 : vector<16xf32>
          %min3A_651 = vector.broadcast %jit3A_648 : f32 to vector<16xf32>
          %min3A_652 = arith.minimumf %min3A_651, %max3A_650 : vector<16xf32>
          %get3A_653 = arith.constant 160 : index
          %get3A_654 = tpu.vector_load %arg13[%get3A_653] {strides = array<i32>} : memref<224xf32, #tpu.memory_space<vmem>>, vector<16xf32>,
          %add3A_655 = arith.addf %get3A_654, %get3A_187 : vector<16xf32>
          %jit3A_656 = arith.constant 0.000000e+00 : f32
          %jit3A_657 = arith.constant 222.999985 : f32
          %max3A_658 = vector.broadcast %jit3A_656 : f32 to vector<16xf32>
          %max3A_659 = arith.maximumf %max3A_658, %add3A_655 : vector<16xf32>
          %min3A_660 = vector.broadcast %jit3A_657 : f32 to vector<16xf32>
          %min3A_661 = arith.minimumf %min3A_660, %max3A_659 : vector<16xf32>
          %convert_element_type3A_662 = arith.fptosi %min3A_652 : vector<16xf32> to vector<16xi32>
          %convert_element_type3A_663 = arith.fptosi %min3A_661 : vector<16xf32> to vector<16xi32>
          %convert_element_type3A_664 = arith.sitofp %convert_element_type3A_662 : vector<16xi32> to vector<16xf32>
          %sub3A_665 = arith.subf %min3A_652, %convert_element_type3A_664 : vector<16xf32>
          %convert_element_type3A_666 = arith.sitofp %convert_element_type3A_663 : vector<16xi32> to vector<16xf32>
          %sub3A_667 = arith.subf %min3A_661, %convert_element_type3A_666 : vector<16xf32>
          %add3A_668 = arith.constant 1 : i32
          %add3A_669 = vector.broadcast %add3A_668 : i32 to vector<16xi32>
          %add3A_670 = arith.addi %convert_element_type3A_662, %add3A_669 : vector<16xi32>
          %add3A_671 = arith.constant 1 : i32
          %add3A_672 = vector.broadcast %add3A_671 : i32 to vector<16xi32>
          %add3A_673 = arith.addi %convert_element_type3A_663, %add3A_672 : vector<16xi32>
          %gather3A_674 = tpu.vector_load_idx %arg9[%convert_element_type3A_663, %convert_element_type3A_662] : memref<224x225xf32, #tpu.memory_space<vmem>>[vector<16xi32>, vector<16xi32>], vector<16xf32>,
          %gather3A_675 = tpu.vector_load_idx %arg9[%convert_element_type3A_663, %add3A_670] : memref<224x225xf32, #tpu.memory_space<vmem>>[vector<16xi32>, vector<16xi32>], vector<16xf32>,
          %gather3A_676 = tpu.vector_load_idx %arg9[%add3A_673, %convert_element_type3A_662] : memref<224x225xf32, #tpu.memory_space<vmem>>[vector<16xi32>, vector<16xi32>], vector<16xf32>,
          %gather3A_677 = tpu.vector_load_idx %arg9[%add3A_673, %add3A_670] : memref<224x225xf32, #tpu.memory_space<vmem>>[vector<16xi32>, vector<16xi32>], vector<16xf32>,
          %sub3A_678 = arith.subf %gather3A_675, %gather3A_674 : vector<16xf32>
          %mul3A_679 = arith.mulf %sub3A_665, %sub3A_678 : vector<16xf32>
          %add3A_680 = arith.addf %gather3A_674, %mul3A_679 : vector<16xf32>
          %sub3A_681 = arith.subf %gather3A_677, %gather3A_676 : vector<16xf32>
          %mul3A_682 = arith.mulf %sub3A_665, %sub3A_681 : vector<16xf32>
          %add3A_683 = arith.addf %gather3A_676, %mul3A_682 : vector<16xf32>
          %sub3A_684 = arith.subf %add3A_683, %add3A_680 : vector<16xf32>
          %mul3A_685 = arith.mulf %sub3A_667, %sub3A_684 : vector<16xf32>
          %add3A_686 = arith.addf %add3A_680, %mul3A_685 : vector<16xf32>
          %swap3A_687 = arith.index_cast %scan3A_181 : i32 to index
          %swap3A_688 = arith.constant 160 : index
          %swap3A_689 = tpu.vector_load %arg10[%swap3A_687, %swap3A_688] {strides = array<i32>} : memref<28x224xf32, #tpu.memory_space<vmem>>, vector<16xf32>,
          tpu.vector_store %arg10[%swap3A_687, %swap3A_688], %add3A_686 {strides = array<i32>} : memref<28x224xf32, #tpu.memory_space<vmem>>, vector<16xf32>,
          %get3A_690 = arith.constant 176 : index
          %get3A_691 = tpu.vector_load %arg12[%get3A_690] {strides = array<i32>} : memref<224xf32, #tpu.memory_space<vmem>>, vector<16xf32>,
          %add3A_692 = arith.addf %get3A_691, %get3A_184 : vector<16xf32>
          %jit3A_693 = arith.constant 0.000000e+00 : f32
          %jit3A_694 = arith.constant 222.999985 : f32
          %max3A_695 = vector.broadcast %jit3A_693 : f32 to vector<16xf32>
          %max3A_696 = arith.maximumf %max3A_695, %add3A_692 : vector<16xf32>
          %min3A_697 = vector.broadcast %jit3A_694 : f32 to vector<16xf32>
          %min3A_698 = arith.minimumf %min3A_697, %max3A_696 : vector<16xf32>
          %get3A_699 = arith.constant 176 : index
          %get3A_700 = tpu.vector_load %arg13[%get3A_699] {strides = array<i32>} : memref<224xf32, #tpu.memory_space<vmem>>, vector<16xf32>,
          %add3A_701 = arith.addf %get3A_700, %get3A_187 : vector<16xf32>
          %jit3A_702 = arith.constant 0.000000e+00 : f32
          %jit3A_703 = arith.constant 222.999985 : f32
          %max3A_704 = vector.broadcast %jit3A_702 : f32 to vector<16xf32>
          %max3A_705 = arith.maximumf %max3A_704, %add3A_701 : vector<16xf32>
          %min3A_706 = vector.broadcast %jit3A_703 : f32 to vector<16xf32>
          %min3A_707 = arith.minimumf %min3A_706, %max3A_705 : vector<16xf32>
          %convert_element_type3A_708 = arith.fptosi %min3A_698 : vector<16xf32> to vector<16xi32>
          %convert_element_type3A_709 = arith.fptosi %min3A_707 : vector<16xf32> to vector<16xi32>
          %convert_element_type3A_710 = arith.sitofp %convert_element_type3A_708 : vector<16xi32> to vector<16xf32>
          %sub3A_711 = arith.subf %min3A_698, %convert_element_type3A_710 : vector<16xf32>
          %convert_element_type3A_712 = arith.sitofp %convert_element_type3A_709 : vector<16xi32> to vector<16xf32>
          %sub3A_713 = arith.subf %min3A_707, %convert_element_type3A_712 : vector<16xf32>
          %add3A_714 = arith.constant 1 : i32
          %add3A_715 = vector.broadcast %add3A_714 : i32 to vector<16xi32>
          %add3A_716 = arith.addi %convert_element_type3A_708, %add3A_715 : vector<16xi32>
          %add3A_717 = arith.constant 1 : i32
          %add3A_718 = vector.broadcast %add3A_717 : i32 to vector<16xi32>
          %add3A_719 = arith.addi %convert_element_type3A_709, %add3A_718 : vector<16xi32>
          %gather3A_720 = tpu.vector_load_idx %arg9[%convert_element_type3A_709, %convert_element_type3A_708] : memref<224x225xf32, #tpu.memory_space<vmem>>[vector<16xi32>, vector<16xi32>], vector<16xf32>,
          %gather3A_721 = tpu.vector_load_idx %arg9[%convert_element_type3A_709, %add3A_716] : memref<224x225xf32, #tpu.memory_space<vmem>>[vector<16xi32>, vector<16xi32>], vector<16xf32>,
          %gather3A_722 = tpu.vector_load_idx %arg9[%add3A_719, %convert_element_type3A_708] : memref<224x225xf32, #tpu.memory_space<vmem>>[vector<16xi32>, vector<16xi32>], vector<16xf32>,
          %gather3A_723 = tpu.vector_load_idx %arg9[%add3A_719, %add3A_716] : memref<224x225xf32, #tpu.memory_space<vmem>>[vector<16xi32>, vector<16xi32>], vector<16xf32>,
          %sub3A_724 = arith.subf %gather3A_721, %gather3A_720 : vector<16xf32>
          %mul3A_725 = arith.mulf %sub3A_711, %sub3A_724 : vector<16xf32>
          %add3A_726 = arith.addf %gather3A_720, %mul3A_725 : vector<16xf32>
          %sub3A_727 = arith.subf %gather3A_723, %gather3A_722 : vector<16xf32>
          %mul3A_728 = arith.mulf %sub3A_711, %sub3A_727 : vector<16xf32>
          %add3A_729 = arith.addf %gather3A_722, %mul3A_728 : vector<16xf32>
          %sub3A_730 = arith.subf %add3A_729, %add3A_726 : vector<16xf32>
          %mul3A_731 = arith.mulf %sub3A_713, %sub3A_730 : vector<16xf32>
          %add3A_732 = arith.addf %add3A_726, %mul3A_731 : vector<16xf32>
          %swap3A_733 = arith.index_cast %scan3A_181 : i32 to index
          %swap3A_734 = arith.constant 176 : index
          %swap3A_735 = tpu.vector_load %arg10[%swap3A_733, %swap3A_734] {strides = array<i32>} : memref<28x224xf32, #tpu.memory_space<vmem>>, vector<16xf32>,
          tpu.vector_store %arg10[%swap3A_733, %swap3A_734], %add3A_732 {strides = array<i32>} : memref<28x224xf32, #tpu.memory_space<vmem>>, vector<16xf32>,
          %get3A_736 = arith.constant 192 : index
          %get3A_737 = tpu.vector_load %arg12[%get3A_736] {strides = array<i32>} : memref<224xf32, #tpu.memory_space<vmem>>, vector<16xf32>,
          %add3A_738 = arith.addf %get3A_737, %get3A_184 : vector<16xf32>
          %jit3A_739 = arith.constant 0.000000e+00 : f32
          %jit3A_740 = arith.constant 222.999985 : f32
          %max3A_741 = vector.broadcast %jit3A_739 : f32 to vector<16xf32>
          %max3A_742 = arith.maximumf %max3A_741, %add3A_738 : vector<16xf32>
          %min3A_743 = vector.broadcast %jit3A_740 : f32 to vector<16xf32>
          %min3A_744 = arith.minimumf %min3A_743, %max3A_742 : vector<16xf32>
          %get3A_745 = arith.constant 192 : index
          %get3A_746 = tpu.vector_load %arg13[%get3A_745] {strides = array<i32>} : memref<224xf32, #tpu.memory_space<vmem>>, vector<16xf32>,
          %add3A_747 = arith.addf %get3A_746, %get3A_187 : vector<16xf32>
          %jit3A_748 = arith.constant 0.000000e+00 : f32
          %jit3A_749 = arith.constant 222.999985 : f32
          %max3A_750 = vector.broadcast %jit3A_748 : f32 to vector<16xf32>
          %max3A_751 = arith.maximumf %max3A_750, %add3A_747 : vector<16xf32>
          %min3A_752 = vector.broadcast %jit3A_749 : f32 to vector<16xf32>
          %min3A_753 = arith.minimumf %min3A_752, %max3A_751 : vector<16xf32>
          %convert_element_type3A_754 = arith.fptosi %min3A_744 : vector<16xf32> to vector<16xi32>
          %convert_element_type3A_755 = arith.fptosi %min3A_753 : vector<16xf32> to vector<16xi32>
          %convert_element_type3A_756 = arith.sitofp %convert_element_type3A_754 : vector<16xi32> to vector<16xf32>
          %sub3A_757 = arith.subf %min3A_744, %convert_element_type3A_756 : vector<16xf32>
          %convert_element_type3A_758 = arith.sitofp %convert_element_type3A_755 : vector<16xi32> to vector<16xf32>
          %sub3A_759 = arith.subf %min3A_753, %convert_element_type3A_758 : vector<16xf32>
          %add3A_760 = arith.constant 1 : i32
          %add3A_761 = vector.broadcast %add3A_760 : i32 to vector<16xi32>
          %add3A_762 = arith.addi %convert_element_type3A_754, %add3A_761 : vector<16xi32>
          %add3A_763 = arith.constant 1 : i32
          %add3A_764 = vector.broadcast %add3A_763 : i32 to vector<16xi32>
          %add3A_765 = arith.addi %convert_element_type3A_755, %add3A_764 : vector<16xi32>
          %gather3A_766 = tpu.vector_load_idx %arg9[%convert_element_type3A_755, %convert_element_type3A_754] : memref<224x225xf32, #tpu.memory_space<vmem>>[vector<16xi32>, vector<16xi32>], vector<16xf32>,
          %gather3A_767 = tpu.vector_load_idx %arg9[%convert_element_type3A_755, %add3A_762] : memref<224x225xf32, #tpu.memory_space<vmem>>[vector<16xi32>, vector<16xi32>], vector<16xf32>,
          %gather3A_768 = tpu.vector_load_idx %arg9[%add3A_765, %convert_element_type3A_754] : memref<224x225xf32, #tpu.memory_space<vmem>>[vector<16xi32>, vector<16xi32>], vector<16xf32>,
          %gather3A_769 = tpu.vector_load_idx %arg9[%add3A_765, %add3A_762] : memref<224x225xf32, #tpu.memory_space<vmem>>[vector<16xi32>, vector<16xi32>], vector<16xf32>,
          %sub3A_770 = arith.subf %gather3A_767, %gather3A_766 : vector<16xf32>
          %mul3A_771 = arith.mulf %sub3A_757, %sub3A_770 : vector<16xf32>
          %add3A_772 = arith.addf %gather3A_766, %mul3A_771 : vector<16xf32>
          %sub3A_773 = arith.subf %gather3A_769, %gather3A_768 : vector<16xf32>
          %mul3A_774 = arith.mulf %sub3A_757, %sub3A_773 : vector<16xf32>
          %add3A_775 = arith.addf %gather3A_768, %mul3A_774 : vector<16xf32>
          %sub3A_776 = arith.subf %add3A_775, %add3A_772 : vector<16xf32>
          %mul3A_777 = arith.mulf %sub3A_759, %sub3A_776 : vector<16xf32>
          %add3A_778 = arith.addf %add3A_772, %mul3A_777 : vector<16xf32>
          %swap3A_779 = arith.index_cast %scan3A_181 : i32 to index
          %swap3A_780 = arith.constant 192 : index
          %swap3A_781 = tpu.vector_load %arg10[%swap3A_779, %swap3A_780] {strides = array<i32>} : memref<28x224xf32, #tpu.memory_space<vmem>>, vector<16xf32>,
          tpu.vector_store %arg10[%swap3A_779, %swap3A_780], %add3A_778 {strides = array<i32>} : memref<28x224xf32, #tpu.memory_space<vmem>>, vector<16xf32>,
          %get3A_782 = arith.constant 208 : index
          %get3A_783 = tpu.vector_load %arg12[%get3A_782] {strides = array<i32>} : memref<224xf32, #tpu.memory_space<vmem>>, vector<16xf32>,
          %add3A_784 = arith.addf %get3A_783, %get3A_184 : vector<16xf32>
          %jit3A_785 = arith.constant 0.000000e+00 : f32
          %jit3A_786 = arith.constant 222.999985 : f32
          %max3A_787 = vector.broadcast %jit3A_785 : f32 to vector<16xf32>
          %max3A_788 = arith.maximumf %max3A_787, %add3A_784 : vector<16xf32>
          %min3A_789 = vector.broadcast %jit3A_786 : f32 to vector<16xf32>
          %min3A_790 = arith.minimumf %min3A_789, %max3A_788 : vector<16xf32>
          %get3A_791 = arith.constant 208 : index
          %get3A_792 = tpu.vector_load %arg13[%get3A_791] {strides = array<i32>} : memref<224xf32, #tpu.memory_space<vmem>>, vector<16xf32>,
          %add3A_793 = arith.addf %get3A_792, %get3A_187 : vector<16xf32>
          %jit3A_794 = arith.constant 0.000000e+00 : f32
          %jit3A_795 = arith.constant 222.999985 : f32
          %max3A_796 = vector.broadcast %jit3A_794 : f32 to vector<16xf32>
          %max3A_797 = arith.maximumf %max3A_796, %add3A_793 : vector<16xf32>
          %min3A_798 = vector.broadcast %jit3A_795 : f32 to vector<16xf32>
          %min3A_799 = arith.minimumf %min3A_798, %max3A_797 : vector<16xf32>
          %convert_element_type3A_800 = arith.fptosi %min3A_790 : vector<16xf32> to vector<16xi32>
          %convert_element_type3A_801 = arith.fptosi %min3A_799 : vector<16xf32> to vector<16xi32>
          %convert_element_type3A_802 = arith.sitofp %convert_element_type3A_800 : vector<16xi32> to vector<16xf32>
          %sub3A_803 = arith.subf %min3A_790, %convert_element_type3A_802 : vector<16xf32>
          %convert_element_type3A_804 = arith.sitofp %convert_element_type3A_801 : vector<16xi32> to vector<16xf32>
          %sub3A_805 = arith.subf %min3A_799, %convert_element_type3A_804 : vector<16xf32>
          %add3A_806 = arith.constant 1 : i32
          %add3A_807 = vector.broadcast %add3A_806 : i32 to vector<16xi32>
          %add3A_808 = arith.addi %convert_element_type3A_800, %add3A_807 : vector<16xi32>
          %add3A_809 = arith.constant 1 : i32
          %add3A_810 = vector.broadcast %add3A_809 : i32 to vector<16xi32>
          %add3A_811 = arith.addi %convert_element_type3A_801, %add3A_810 : vector<16xi32>
          %gather3A_812 = tpu.vector_load_idx %arg9[%convert_element_type3A_801, %convert_element_type3A_800] : memref<224x225xf32, #tpu.memory_space<vmem>>[vector<16xi32>, vector<16xi32>], vector<16xf32>,
          %gather3A_813 = tpu.vector_load_idx %arg9[%convert_element_type3A_801, %add3A_808] : memref<224x225xf32, #tpu.memory_space<vmem>>[vector<16xi32>, vector<16xi32>], vector<16xf32>,
          %gather3A_814 = tpu.vector_load_idx %arg9[%add3A_811, %convert_element_type3A_800] : memref<224x225xf32, #tpu.memory_space<vmem>>[vector<16xi32>, vector<16xi32>], vector<16xf32>,
          %gather3A_815 = tpu.vector_load_idx %arg9[%add3A_811, %add3A_808] : memref<224x225xf32, #tpu.memory_space<vmem>>[vector<16xi32>, vector<16xi32>], vector<16xf32>,
          %sub3A_816 = arith.subf %gather3A_813, %gather3A_812 : vector<16xf32>
          %mul3A_817 = arith.mulf %sub3A_803, %sub3A_816 : vector<16xf32>
          %add3A_818 = arith.addf %gather3A_812, %mul3A_817 : vector<16xf32>
          %sub3A_819 = arith.subf %gather3A_815, %gather3A_814 : vector<16xf32>
          %mul3A_820 = arith.mulf %sub3A_803, %sub3A_819 : vector<16xf32>
          %add3A_821 = arith.addf %gather3A_814, %mul3A_820 : vector<16xf32>
          %sub3A_822 = arith.subf %add3A_821, %add3A_818 : vector<16xf32>
          %mul3A_823 = arith.mulf %sub3A_805, %sub3A_822 : vector<16xf32>
          %add3A_824 = arith.addf %add3A_818, %mul3A_823 : vector<16xf32>
          %swap3A_825 = arith.index_cast %scan3A_181 : i32 to index
          %swap3A_826 = arith.constant 208 : index
          %swap3A_827 = tpu.vector_load %arg10[%swap3A_825, %swap3A_826] {strides = array<i32>} : memref<28x224xf32, #tpu.memory_space<vmem>>, vector<16xf32>,
          tpu.vector_store %arg10[%swap3A_825, %swap3A_826], %add3A_824 {strides = array<i32>} : memref<28x224xf32, #tpu.memory_space<vmem>>, vector<16xf32>,
        }
        %scan3A_148 = arith.constant 28 : i32
        %dma_start3A_149 = arith.constant 0 : i32
        %dma_start3A_150 = tpu.memref_slice %arg7[%select_n3A, %add3A_101, %mul3A_135, %dma_start3A_149] : memref<8x192x224x224xf32, #tpu.memory_space<hbm>> -> memref<1x1x28x224xf32, #tpu.memory_space<hbm>>
        %dma_start3A_151 = tpu.memref_squeeze %dma_start3A_150 : memref<1x1x28x224xf32, #tpu.memory_space<hbm>> -> memref<28x224xf32, #tpu.memory_space<hbm>>
        %dma_start3A_152 = arith.constant 0 : i32
        %dma_start3A_153 = tpu.memref_slice %arg7[%select_n3A, %add3A_101, %mul3A_135, %dma_start3A_152] : memref<8x192x224x224xf32, #tpu.memory_space<hbm>> -> memref<1x1x28x224xf32, #tpu.memory_space<hbm>>
        %dma_start3A_154 = tpu.memref_squeeze %dma_start3A_153 : memref<1x1x28x224xf32, #tpu.memory_space<hbm>> -> memref<28x224xf32, #tpu.memory_space<hbm>>
        tpu.enqueue_dma source(%arg10 : memref<28x224xf32, #tpu.memory_space<vmem>>) target(%dma_start3A_154 : memref<28x224xf32, #tpu.memory_space<hbm>>) target_semaphore(%arg18 : memref<!tpu.dma_semaphore, #tpu.memory_space<semaphore_mem>>)
        %mul3A_155 = arith.constant 2 : i32
        %mul3A_156 = arith.muli %scan3A_129, %mul3A_155 : i32
        %add3A_157 = arith.constant 1 : i32
        %add3A_158 = arith.addi %mul3A_156, %add3A_157 : i32
        %mul3A_159 = arith.constant 28 : i32
        %mul3A_160 = arith.muli %add3A_158, %mul3A_159 : i32
        %mul3A_161 = arith.constant 8 : i32
        %mul3A_162 = arith.muli %add3A_100, %mul3A_161 : i32
        %add3A_163 = arith.addi %mul3A_162, %add3A_158 : i32
        %ge3A_164 = arith.constant 2 : i32
        %ge3A_165 = arith.cmpi sge, %add3A_163, %ge3A_164 : i32
        %convert_element_type3A_166 = arith.extui %ge3A_165 : i1 to i32
        %cond3A_167 = arith.constant 0 : i32
        %cond3A_168 = arith.cmpi ne, %convert_element_type3A_166, %cond3A_167 : i32
        scf.if %cond3A_168 {
          %dma_wait3A_181 = arith.constant 0 : i32
          %dma_wait3A_182 = arith.constant 0 : i32
          %dma_wait3A_183 = tpu.memref_slice %arg7[%select_n3A, %add3A_101, %dma_wait3A_181, %dma_wait3A_182] : memref<8x192x224x224xf32, #tpu.memory_space<hbm>> -> memref<1x1x28x224xf32, #tpu.memory_space<hbm>>
          %dma_wait3A_184 = tpu.memref_squeeze %dma_wait3A_183 : memref<1x1x28x224xf32, #tpu.memory_space<hbm>> -> memref<28x224xf32, #tpu.memory_space<hbm>>
          %dma_wait3A_185 = arith.constant 0 : i32
          %dma_wait3A_186 = arith.constant 0 : i32
          %dma_wait3A_187 = tpu.memref_slice %arg7[%select_n3A, %add3A_101, %dma_wait3A_185, %dma_wait3A_186] : memref<8x192x224x224xf32, #tpu.memory_space<hbm>> -> memref<1x1x28x224xf32, #tpu.memory_space<hbm>>
          %dma_wait3A_188 = tpu.memref_squeeze %dma_wait3A_187 : memref<1x1x28x224xf32, #tpu.memory_space<hbm>> -> memref<28x224xf32, #tpu.memory_space<hbm>>
          tpu.wait_dma2 semaphore(%arg19 : memref<!tpu.dma_semaphore, #tpu.memory_space<semaphore_mem>>) src(%arg11 : memref<28x224xf32, #tpu.memory_space<vmem>>) dst(%dma_wait3A_188 : memref<28x224xf32, #tpu.memory_space<hbm>>)
        } else {
        }
        %scan3A_169 = arith.constant 0 : i32
        %scan3A_170 = arith.constant 0 : i32
        %scan3A_171 = arith.constant 28 : i32
        %scan3A_172 = arith.addi %scan3A_170, %scan3A_171 : i32
        %scan3A_173 = arith.constant 1 : i32
        scf.for %scan3A_181 = %scan3A_170 to %scan3A_172 step %scan3A_173  : i32 {
          %add3A_182 = arith.addi %mul3A_160, %scan3A_181 : i32
          %get3A = arith.index_cast %add3A_182 : i32 to index
          %get3A_183 = arith.constant 0 : index
          %get3A_184 = tpu.vector_load %arg14[%get3A, %get3A_183] {strides = array<i32>} : memref<224x16xf32, #tpu.memory_space<vmem>>, vector<16xf32>,
          %get3A_185 = arith.index_cast %add3A_182 : i32 to index
          %get3A_186 = arith.constant 0 : index
          %get3A_187 = tpu.vector_load %arg15[%get3A_185, %get3A_186] {strides = array<i32>} : memref<224x16xf32, #tpu.memory_space<vmem>>, vector<16xf32>,
          %get3A_188 = arith.constant 0 : index
          %get3A_189 = tpu.vector_load %arg12[%get3A_188] {strides = array<i32>} : memref<224xf32, #tpu.memory_space<vmem>>, vector<16xf32>,
          %add3A_190 = arith.addf %get3A_189, %get3A_184 : vector<16xf32>
          %jit3A_191 = arith.constant 0.000000e+00 : f32
          %jit3A_192 = arith.constant 222.999985 : f32
          %max3A = vector.broadcast %jit3A_191 : f32 to vector<16xf32>
          %max3A_193 = arith.maximumf %max3A, %add3A_190 : vector<16xf32>
          %min3A = vector.broadcast %jit3A_192 : f32 to vector<16xf32>
          %min3A_194 = arith.minimumf %min3A, %max3A_193 : vector<16xf32>
          %get3A_195 = arith.constant 0 : index
          %get3A_196 = tpu.vector_load %arg13[%get3A_195] {strides = array<i32>} : memref<224xf32, #tpu.memory_space<vmem>>, vector<16xf32>,
          %add3A_197 = arith.addf %get3A_196, %get3A_187 : vector<16xf32>
          %jit3A_198 = arith.constant 0.000000e+00 : f32
          %jit3A_199 = arith.constant 222.999985 : f32
          %max3A_200 = vector.broadcast %jit3A_198 : f32 to vector<16xf32>
          %max3A_201 = arith.maximumf %max3A_200, %add3A_197 : vector<16xf32>
          %min3A_202 = vector.broadcast %jit3A_199 : f32 to vector<16xf32>
          %min3A_203 = arith.minimumf %min3A_202, %max3A_201 : vector<16xf32>
          %convert_element_type3A_204 = arith.fptosi %min3A_194 : vector<16xf32> to vector<16xi32>
          %convert_element_type3A_205 = arith.fptosi %min3A_203 : vector<16xf32> to vector<16xi32>
          %convert_element_type3A_206 = arith.sitofp %convert_element_type3A_204 : vector<16xi32> to vector<16xf32>
          %sub3A_207 = arith.subf %min3A_194, %convert_element_type3A_206 : vector<16xf32>
          %convert_element_type3A_208 = arith.sitofp %convert_element_type3A_205 : vector<16xi32> to vector<16xf32>
          %sub3A_209 = arith.subf %min3A_203, %convert_element_type3A_208 : vector<16xf32>
          %add3A_210 = arith.constant 1 : i32
          %add3A_211 = vector.broadcast %add3A_210 : i32 to vector<16xi32>
          %add3A_212 = arith.addi %convert_element_type3A_204, %add3A_211 : vector<16xi32>
          %add3A_213 = arith.constant 1 : i32
          %add3A_214 = vector.broadcast %add3A_213 : i32 to vector<16xi32>
          %add3A_215 = arith.addi %convert_element_type3A_205, %add3A_214 : vector<16xi32>
          %gather3A = tpu.vector_load_idx %arg9[%convert_element_type3A_205, %convert_element_type3A_204] : memref<224x225xf32, #tpu.memory_space<vmem>>[vector<16xi32>, vector<16xi32>], vector<16xf32>,
          %gather3A_216 = tpu.vector_load_idx %arg9[%convert_element_type3A_205, %add3A_212] : memref<224x225xf32, #tpu.memory_space<vmem>>[vector<16xi32>, vector<16xi32>], vector<16xf32>,
          %gather3A_217 = tpu.vector_load_idx %arg9[%add3A_215, %convert_element_type3A_204] : memref<224x225xf32, #tpu.memory_space<vmem>>[vector<16xi32>, vector<16xi32>], vector<16xf32>,
          %gather3A_218 = tpu.vector_load_idx %arg9[%add3A_215, %add3A_212] : memref<224x225xf32, #tpu.memory_space<vmem>>[vector<16xi32>, vector<16xi32>], vector<16xf32>,
          %sub3A_219 = arith.subf %gather3A_216, %gather3A : vector<16xf32>
          %mul3A_220 = arith.mulf %sub3A_207, %sub3A_219 : vector<16xf32>
          %add3A_221 = arith.addf %gather3A, %mul3A_220 : vector<16xf32>
          %sub3A_222 = arith.subf %gather3A_218, %gather3A_217 : vector<16xf32>
          %mul3A_223 = arith.mulf %sub3A_207, %sub3A_222 : vector<16xf32>
          %add3A_224 = arith.addf %gather3A_217, %mul3A_223 : vector<16xf32>
          %sub3A_225 = arith.subf %add3A_224, %add3A_221 : vector<16xf32>
          %mul3A_226 = arith.mulf %sub3A_209, %sub3A_225 : vector<16xf32>
          %add3A_227 = arith.addf %add3A_221, %mul3A_226 : vector<16xf32>
          %swap3A = arith.index_cast %scan3A_181 : i32 to index
          %swap3A_228 = arith.constant 0 : index
          %swap3A_229 = tpu.vector_load %arg11[%swap3A, %swap3A_228] {strides = array<i32>} : memref<28x224xf32, #tpu.memory_space<vmem>>, vector<16xf32>,
          tpu.vector_store %arg11[%swap3A, %swap3A_228], %add3A_227 {strides = array<i32>} : memref<28x224xf32, #tpu.memory_space<vmem>>, vector<16xf32>,
          %get3A_230 = arith.constant 16 : index
          %get3A_231 = tpu.vector_load %arg12[%get3A_230] {strides = array<i32>} : memref<224xf32, #tpu.memory_space<vmem>>, vector<16xf32>,
          %add3A_232 = arith.addf %get3A_231, %get3A_184 : vector<16xf32>
          %jit3A_233 = arith.constant 0.000000e+00 : f32
          %jit3A_234 = arith.constant 222.999985 : f32
          %max3A_235 = vector.broadcast %jit3A_233 : f32 to vector<16xf32>
          %max3A_236 = arith.maximumf %max3A_235, %add3A_232 : vector<16xf32>
          %min3A_237 = vector.broadcast %jit3A_234 : f32 to vector<16xf32>
          %min3A_238 = arith.minimumf %min3A_237, %max3A_236 : vector<16xf32>
          %get3A_239 = arith.constant 16 : index
          %get3A_240 = tpu.vector_load %arg13[%get3A_239] {strides = array<i32>} : memref<224xf32, #tpu.memory_space<vmem>>, vector<16xf32>,
          %add3A_241 = arith.addf %get3A_240, %get3A_187 : vector<16xf32>
          %jit3A_242 = arith.constant 0.000000e+00 : f32
          %jit3A_243 = arith.constant 222.999985 : f32
          %max3A_244 = vector.broadcast %jit3A_242 : f32 to vector<16xf32>
          %max3A_245 = arith.maximumf %max3A_244, %add3A_241 : vector<16xf32>
          %min3A_246 = vector.broadcast %jit3A_243 : f32 to vector<16xf32>
          %min3A_247 = arith.minimumf %min3A_246, %max3A_245 : vector<16xf32>
          %convert_element_type3A_248 = arith.fptosi %min3A_238 : vector<16xf32> to vector<16xi32>
          %convert_element_type3A_249 = arith.fptosi %min3A_247 : vector<16xf32> to vector<16xi32>
          %convert_element_type3A_250 = arith.sitofp %convert_element_type3A_248 : vector<16xi32> to vector<16xf32>
          %sub3A_251 = arith.subf %min3A_238, %convert_element_type3A_250 : vector<16xf32>
          %convert_element_type3A_252 = arith.sitofp %convert_element_type3A_249 : vector<16xi32> to vector<16xf32>
          %sub3A_253 = arith.subf %min3A_247, %convert_element_type3A_252 : vector<16xf32>
          %add3A_254 = arith.constant 1 : i32
          %add3A_255 = vector.broadcast %add3A_254 : i32 to vector<16xi32>
          %add3A_256 = arith.addi %convert_element_type3A_248, %add3A_255 : vector<16xi32>
          %add3A_257 = arith.constant 1 : i32
          %add3A_258 = vector.broadcast %add3A_257 : i32 to vector<16xi32>
          %add3A_259 = arith.addi %convert_element_type3A_249, %add3A_258 : vector<16xi32>
          %gather3A_260 = tpu.vector_load_idx %arg9[%convert_element_type3A_249, %convert_element_type3A_248] : memref<224x225xf32, #tpu.memory_space<vmem>>[vector<16xi32>, vector<16xi32>], vector<16xf32>,
          %gather3A_261 = tpu.vector_load_idx %arg9[%convert_element_type3A_249, %add3A_256] : memref<224x225xf32, #tpu.memory_space<vmem>>[vector<16xi32>, vector<16xi32>], vector<16xf32>,
          %gather3A_262 = tpu.vector_load_idx %arg9[%add3A_259, %convert_element_type3A_248] : memref<224x225xf32, #tpu.memory_space<vmem>>[vector<16xi32>, vector<16xi32>], vector<16xf32>,
          %gather3A_263 = tpu.vector_load_idx %arg9[%add3A_259, %add3A_256] : memref<224x225xf32, #tpu.memory_space<vmem>>[vector<16xi32>, vector<16xi32>], vector<16xf32>,
          %sub3A_264 = arith.subf %gather3A_261, %gather3A_260 : vector<16xf32>
          %mul3A_265 = arith.mulf %sub3A_251, %sub3A_264 : vector<16xf32>
          %add3A_266 = arith.addf %gather3A_260, %mul3A_265 : vector<16xf32>
          %sub3A_267 = arith.subf %gather3A_263, %gather3A_262 : vector<16xf32>
          %mul3A_268 = arith.mulf %sub3A_251, %sub3A_267 : vector<16xf32>
          %add3A_269 = arith.addf %gather3A_262, %mul3A_268 : vector<16xf32>
          %sub3A_270 = arith.subf %add3A_269, %add3A_266 : vector<16xf32>
          %mul3A_271 = arith.mulf %sub3A_253, %sub3A_270 : vector<16xf32>
          %add3A_272 = arith.addf %add3A_266, %mul3A_271 : vector<16xf32>
          %swap3A_273 = arith.index_cast %scan3A_181 : i32 to index
          %swap3A_274 = arith.constant 16 : index
          %swap3A_275 = tpu.vector_load %arg11[%swap3A_273, %swap3A_274] {strides = array<i32>} : memref<28x224xf32, #tpu.memory_space<vmem>>, vector<16xf32>,
          tpu.vector_store %arg11[%swap3A_273, %swap3A_274], %add3A_272 {strides = array<i32>} : memref<28x224xf32, #tpu.memory_space<vmem>>, vector<16xf32>,
          %get3A_276 = arith.constant 32 : index
          %get3A_277 = tpu.vector_load %arg12[%get3A_276] {strides = array<i32>} : memref<224xf32, #tpu.memory_space<vmem>>, vector<16xf32>,
          %add3A_278 = arith.addf %get3A_277, %get3A_184 : vector<16xf32>
          %jit3A_279 = arith.constant 0.000000e+00 : f32
          %jit3A_280 = arith.constant 222.999985 : f32
          %max3A_281 = vector.broadcast %jit3A_279 : f32 to vector<16xf32>
          %max3A_282 = arith.maximumf %max3A_281, %add3A_278 : vector<16xf32>
          %min3A_283 = vector.broadcast %jit3A_280 : f32 to vector<16xf32>
          %min3A_284 = arith.minimumf %min3A_283, %max3A_282 : vector<16xf32>
          %get3A_285 = arith.constant 32 : index
          %get3A_286 = tpu.vector_load %arg13[%get3A_285] {strides = array<i32>} : memref<224xf32, #tpu.memory_space<vmem>>, vector<16xf32>,
          %add3A_287 = arith.addf %get3A_286, %get3A_187 : vector<16xf32>
          %jit3A_288 = arith.constant 0.000000e+00 : f32
          %jit3A_289 = arith.constant 222.999985 : f32
          %max3A_290 = vector.broadcast %jit3A_288 : f32 to vector<16xf32>
          %max3A_291 = arith.maximumf %max3A_290, %add3A_287 : vector<16xf32>
          %min3A_292 = vector.broadcast %jit3A_289 : f32 to vector<16xf32>
          %min3A_293 = arith.minimumf %min3A_292, %max3A_291 : vector<16xf32>
          %convert_element_type3A_294 = arith.fptosi %min3A_284 : vector<16xf32> to vector<16xi32>
          %convert_element_type3A_295 = arith.fptosi %min3A_293 : vector<16xf32> to vector<16xi32>
          %convert_element_type3A_296 = arith.sitofp %convert_element_type3A_294 : vector<16xi32> to vector<16xf32>
          %sub3A_297 = arith.subf %min3A_284, %convert_element_type3A_296 : vector<16xf32>
          %convert_element_type3A_298 = arith.sitofp %convert_element_type3A_295 : vector<16xi32> to vector<16xf32>
          %sub3A_299 = arith.subf %min3A_293, %convert_element_type3A_298 : vector<16xf32>
          %add3A_300 = arith.constant 1 : i32
          %add3A_301 = vector.broadcast %add3A_300 : i32 to vector<16xi32>
          %add3A_302 = arith.addi %convert_element_type3A_294, %add3A_301 : vector<16xi32>
          %add3A_303 = arith.constant 1 : i32
          %add3A_304 = vector.broadcast %add3A_303 : i32 to vector<16xi32>
          %add3A_305 = arith.addi %convert_element_type3A_295, %add3A_304 : vector<16xi32>
          %gather3A_306 = tpu.vector_load_idx %arg9[%convert_element_type3A_295, %convert_element_type3A_294] : memref<224x225xf32, #tpu.memory_space<vmem>>[vector<16xi32>, vector<16xi32>], vector<16xf32>,
          %gather3A_307 = tpu.vector_load_idx %arg9[%convert_element_type3A_295, %add3A_302] : memref<224x225xf32, #tpu.memory_space<vmem>>[vector<16xi32>, vector<16xi32>], vector<16xf32>,
          %gather3A_308 = tpu.vector_load_idx %arg9[%add3A_305, %convert_element_type3A_294] : memref<224x225xf32, #tpu.memory_space<vmem>>[vector<16xi32>, vector<16xi32>], vector<16xf32>,
          %gather3A_309 = tpu.vector_load_idx %arg9[%add3A_305, %add3A_302] : memref<224x225xf32, #tpu.memory_space<vmem>>[vector<16xi32>, vector<16xi32>], vector<16xf32>,
          %sub3A_310 = arith.subf %gather3A_307, %gather3A_306 : vector<16xf32>
          %mul3A_311 = arith.mulf %sub3A_297, %sub3A_310 : vector<16xf32>
          %add3A_312 = arith.addf %gather3A_306, %mul3A_311 : vector<16xf32>
          %sub3A_313 = arith.subf %gather3A_309, %gather3A_308 : vector<16xf32>
          %mul3A_314 = arith.mulf %sub3A_297, %sub3A_313 : vector<16xf32>
          %add3A_315 = arith.addf %gather3A_308, %mul3A_314 : vector<16xf32>
          %sub3A_316 = arith.subf %add3A_315, %add3A_312 : vector<16xf32>
          %mul3A_317 = arith.mulf %sub3A_299, %sub3A_316 : vector<16xf32>
          %add3A_318 = arith.addf %add3A_312, %mul3A_317 : vector<16xf32>
          %swap3A_319 = arith.index_cast %scan3A_181 : i32 to index
          %swap3A_320 = arith.constant 32 : index
          %swap3A_321 = tpu.vector_load %arg11[%swap3A_319, %swap3A_320] {strides = array<i32>} : memref<28x224xf32, #tpu.memory_space<vmem>>, vector<16xf32>,
          tpu.vector_store %arg11[%swap3A_319, %swap3A_320], %add3A_318 {strides = array<i32>} : memref<28x224xf32, #tpu.memory_space<vmem>>, vector<16xf32>,
          %get3A_322 = arith.constant 48 : index
          %get3A_323 = tpu.vector_load %arg12[%get3A_322] {strides = array<i32>} : memref<224xf32, #tpu.memory_space<vmem>>, vector<16xf32>,
          %add3A_324 = arith.addf %get3A_323, %get3A_184 : vector<16xf32>
          %jit3A_325 = arith.constant 0.000000e+00 : f32
          %jit3A_326 = arith.constant 222.999985 : f32
          %max3A_327 = vector.broadcast %jit3A_325 : f32 to vector<16xf32>
          %max3A_328 = arith.maximumf %max3A_327, %add3A_324 : vector<16xf32>
          %min3A_329 = vector.broadcast %jit3A_326 : f32 to vector<16xf32>
          %min3A_330 = arith.minimumf %min3A_329, %max3A_328 : vector<16xf32>
          %get3A_331 = arith.constant 48 : index
          %get3A_332 = tpu.vector_load %arg13[%get3A_331] {strides = array<i32>} : memref<224xf32, #tpu.memory_space<vmem>>, vector<16xf32>,
          %add3A_333 = arith.addf %get3A_332, %get3A_187 : vector<16xf32>
          %jit3A_334 = arith.constant 0.000000e+00 : f32
          %jit3A_335 = arith.constant 222.999985 : f32
          %max3A_336 = vector.broadcast %jit3A_334 : f32 to vector<16xf32>
          %max3A_337 = arith.maximumf %max3A_336, %add3A_333 : vector<16xf32>
          %min3A_338 = vector.broadcast %jit3A_335 : f32 to vector<16xf32>
          %min3A_339 = arith.minimumf %min3A_338, %max3A_337 : vector<16xf32>
          %convert_element_type3A_340 = arith.fptosi %min3A_330 : vector<16xf32> to vector<16xi32>
          %convert_element_type3A_341 = arith.fptosi %min3A_339 : vector<16xf32> to vector<16xi32>
          %convert_element_type3A_342 = arith.sitofp %convert_element_type3A_340 : vector<16xi32> to vector<16xf32>
          %sub3A_343 = arith.subf %min3A_330, %convert_element_type3A_342 : vector<16xf32>
          %convert_element_type3A_344 = arith.sitofp %convert_element_type3A_341 : vector<16xi32> to vector<16xf32>
          %sub3A_345 = arith.subf %min3A_339, %convert_element_type3A_344 : vector<16xf32>
          %add3A_346 = arith.constant 1 : i32
          %add3A_347 = vector.broadcast %add3A_346 : i32 to vector<16xi32>
          %add3A_348 = arith.addi %convert_element_type3A_340, %add3A_347 : vector<16xi32>
          %add3A_349 = arith.constant 1 : i32
          %add3A_350 = vector.broadcast %add3A_349 : i32 to vector<16xi32>
          %add3A_351 = arith.addi %convert_element_type3A_341, %add3A_350 : vector<16xi32>
          %gather3A_352 = tpu.vector_load_idx %arg9[%convert_element_type3A_341, %convert_element_type3A_340] : memref<224x225xf32, #tpu.memory_space<vmem>>[vector<16xi32>, vector<16xi32>], vector<16xf32>,
          %gather3A_353 = tpu.vector_load_idx %arg9[%convert_element_type3A_341, %add3A_348] : memref<224x225xf32, #tpu.memory_space<vmem>>[vector<16xi32>, vector<16xi32>], vector<16xf32>,
          %gather3A_354 = tpu.vector_load_idx %arg9[%add3A_351, %convert_element_type3A_340] : memref<224x225xf32, #tpu.memory_space<vmem>>[vector<16xi32>, vector<16xi32>], vector<16xf32>,
          %gather3A_355 = tpu.vector_load_idx %arg9[%add3A_351, %add3A_348] : memref<224x225xf32, #tpu.memory_space<vmem>>[vector<16xi32>, vector<16xi32>], vector<16xf32>,
          %sub3A_356 = arith.subf %gather3A_353, %gather3A_352 : vector<16xf32>
          %mul3A_357 = arith.mulf %sub3A_343, %sub3A_356 : vector<16xf32>
          %add3A_358 = arith.addf %gather3A_352, %mul3A_357 : vector<16xf32>
          %sub3A_359 = arith.subf %gather3A_355, %gather3A_354 : vector<16xf32>
          %mul3A_360 = arith.mulf %sub3A_343, %sub3A_359 : vector<16xf32>
          %add3A_361 = arith.addf %gather3A_354, %mul3A_360 : vector<16xf32>
          %sub3A_362 = arith.subf %add3A_361, %add3A_358 : vector<16xf32>
          %mul3A_363 = arith.mulf %sub3A_345, %sub3A_362 : vector<16xf32>
          %add3A_364 = arith.addf %add3A_358, %mul3A_363 : vector<16xf32>
          %swap3A_365 = arith.index_cast %scan3A_181 : i32 to index
          %swap3A_366 = arith.constant 48 : index
          %swap3A_367 = tpu.vector_load %arg11[%swap3A_365, %swap3A_366] {strides = array<i32>} : memref<28x224xf32, #tpu.memory_space<vmem>>, vector<16xf32>,
          tpu.vector_store %arg11[%swap3A_365, %swap3A_366], %add3A_364 {strides = array<i32>} : memref<28x224xf32, #tpu.memory_space<vmem>>, vector<16xf32>,
          %get3A_368 = arith.constant 64 : index
          %get3A_369 = tpu.vector_load %arg12[%get3A_368] {strides = array<i32>} : memref<224xf32, #tpu.memory_space<vmem>>, vector<16xf32>,
          %add3A_370 = arith.addf %get3A_369, %get3A_184 : vector<16xf32>
          %jit3A_371 = arith.constant 0.000000e+00 : f32
          %jit3A_372 = arith.constant 222.999985 : f32
          %max3A_373 = vector.broadcast %jit3A_371 : f32 to vector<16xf32>
          %max3A_374 = arith.maximumf %max3A_373, %add3A_370 : vector<16xf32>
          %min3A_375 = vector.broadcast %jit3A_372 : f32 to vector<16xf32>
          %min3A_376 = arith.minimumf %min3A_375, %max3A_374 : vector<16xf32>
          %get3A_377 = arith.constant 64 : index
          %get3A_378 = tpu.vector_load %arg13[%get3A_377] {strides = array<i32>} : memref<224xf32, #tpu.memory_space<vmem>>, vector<16xf32>,
          %add3A_379 = arith.addf %get3A_378, %get3A_187 : vector<16xf32>
          %jit3A_380 = arith.constant 0.000000e+00 : f32
          %jit3A_381 = arith.constant 222.999985 : f32
          %max3A_382 = vector.broadcast %jit3A_380 : f32 to vector<16xf32>
          %max3A_383 = arith.maximumf %max3A_382, %add3A_379 : vector<16xf32>
          %min3A_384 = vector.broadcast %jit3A_381 : f32 to vector<16xf32>
          %min3A_385 = arith.minimumf %min3A_384, %max3A_383 : vector<16xf32>
          %convert_element_type3A_386 = arith.fptosi %min3A_376 : vector<16xf32> to vector<16xi32>
          %convert_element_type3A_387 = arith.fptosi %min3A_385 : vector<16xf32> to vector<16xi32>
          %convert_element_type3A_388 = arith.sitofp %convert_element_type3A_386 : vector<16xi32> to vector<16xf32>
          %sub3A_389 = arith.subf %min3A_376, %convert_element_type3A_388 : vector<16xf32>
          %convert_element_type3A_390 = arith.sitofp %convert_element_type3A_387 : vector<16xi32> to vector<16xf32>
          %sub3A_391 = arith.subf %min3A_385, %convert_element_type3A_390 : vector<16xf32>
          %add3A_392 = arith.constant 1 : i32
          %add3A_393 = vector.broadcast %add3A_392 : i32 to vector<16xi32>
          %add3A_394 = arith.addi %convert_element_type3A_386, %add3A_393 : vector<16xi32>
          %add3A_395 = arith.constant 1 : i32
          %add3A_396 = vector.broadcast %add3A_395 : i32 to vector<16xi32>
          %add3A_397 = arith.addi %convert_element_type3A_387, %add3A_396 : vector<16xi32>
          %gather3A_398 = tpu.vector_load_idx %arg9[%convert_element_type3A_387, %convert_element_type3A_386] : memref<224x225xf32, #tpu.memory_space<vmem>>[vector<16xi32>, vector<16xi32>], vector<16xf32>,
          %gather3A_399 = tpu.vector_load_idx %arg9[%convert_element_type3A_387, %add3A_394] : memref<224x225xf32, #tpu.memory_space<vmem>>[vector<16xi32>, vector<16xi32>], vector<16xf32>,
          %gather3A_400 = tpu.vector_load_idx %arg9[%add3A_397, %convert_element_type3A_386] : memref<224x225xf32, #tpu.memory_space<vmem>>[vector<16xi32>, vector<16xi32>], vector<16xf32>,
          %gather3A_401 = tpu.vector_load_idx %arg9[%add3A_397, %add3A_394] : memref<224x225xf32, #tpu.memory_space<vmem>>[vector<16xi32>, vector<16xi32>], vector<16xf32>,
          %sub3A_402 = arith.subf %gather3A_399, %gather3A_398 : vector<16xf32>
          %mul3A_403 = arith.mulf %sub3A_389, %sub3A_402 : vector<16xf32>
          %add3A_404 = arith.addf %gather3A_398, %mul3A_403 : vector<16xf32>
          %sub3A_405 = arith.subf %gather3A_401, %gather3A_400 : vector<16xf32>
          %mul3A_406 = arith.mulf %sub3A_389, %sub3A_405 : vector<16xf32>
          %add3A_407 = arith.addf %gather3A_400, %mul3A_406 : vector<16xf32>
          %sub3A_408 = arith.subf %add3A_407, %add3A_404 : vector<16xf32>
          %mul3A_409 = arith.mulf %sub3A_391, %sub3A_408 : vector<16xf32>
          %add3A_410 = arith.addf %add3A_404, %mul3A_409 : vector<16xf32>
          %swap3A_411 = arith.index_cast %scan3A_181 : i32 to index
          %swap3A_412 = arith.constant 64 : index
          %swap3A_413 = tpu.vector_load %arg11[%swap3A_411, %swap3A_412] {strides = array<i32>} : memref<28x224xf32, #tpu.memory_space<vmem>>, vector<16xf32>,
          tpu.vector_store %arg11[%swap3A_411, %swap3A_412], %add3A_410 {strides = array<i32>} : memref<28x224xf32, #tpu.memory_space<vmem>>, vector<16xf32>,
          %get3A_414 = arith.constant 80 : index
          %get3A_415 = tpu.vector_load %arg12[%get3A_414] {strides = array<i32>} : memref<224xf32, #tpu.memory_space<vmem>>, vector<16xf32>,
          %add3A_416 = arith.addf %get3A_415, %get3A_184 : vector<16xf32>
          %jit3A_417 = arith.constant 0.000000e+00 : f32
          %jit3A_418 = arith.constant 222.999985 : f32
          %max3A_419 = vector.broadcast %jit3A_417 : f32 to vector<16xf32>
          %max3A_420 = arith.maximumf %max3A_419, %add3A_416 : vector<16xf32>
          %min3A_421 = vector.broadcast %jit3A_418 : f32 to vector<16xf32>
          %min3A_422 = arith.minimumf %min3A_421, %max3A_420 : vector<16xf32>
          %get3A_423 = arith.constant 80 : index
          %get3A_424 = tpu.vector_load %arg13[%get3A_423] {strides = array<i32>} : memref<224xf32, #tpu.memory_space<vmem>>, vector<16xf32>,
          %add3A_425 = arith.addf %get3A_424, %get3A_187 : vector<16xf32>
          %jit3A_426 = arith.constant 0.000000e+00 : f32
          %jit3A_427 = arith.constant 222.999985 : f32
          %max3A_428 = vector.broadcast %jit3A_426 : f32 to vector<16xf32>
          %max3A_429 = arith.maximumf %max3A_428, %add3A_425 : vector<16xf32>
          %min3A_430 = vector.broadcast %jit3A_427 : f32 to vector<16xf32>
          %min3A_431 = arith.minimumf %min3A_430, %max3A_429 : vector<16xf32>
          %convert_element_type3A_432 = arith.fptosi %min3A_422 : vector<16xf32> to vector<16xi32>
          %convert_element_type3A_433 = arith.fptosi %min3A_431 : vector<16xf32> to vector<16xi32>
          %convert_element_type3A_434 = arith.sitofp %convert_element_type3A_432 : vector<16xi32> to vector<16xf32>
          %sub3A_435 = arith.subf %min3A_422, %convert_element_type3A_434 : vector<16xf32>
          %convert_element_type3A_436 = arith.sitofp %convert_element_type3A_433 : vector<16xi32> to vector<16xf32>
          %sub3A_437 = arith.subf %min3A_431, %convert_element_type3A_436 : vector<16xf32>
          %add3A_438 = arith.constant 1 : i32
          %add3A_439 = vector.broadcast %add3A_438 : i32 to vector<16xi32>
          %add3A_440 = arith.addi %convert_element_type3A_432, %add3A_439 : vector<16xi32>
          %add3A_441 = arith.constant 1 : i32
          %add3A_442 = vector.broadcast %add3A_441 : i32 to vector<16xi32>
          %add3A_443 = arith.addi %convert_element_type3A_433, %add3A_442 : vector<16xi32>
          %gather3A_444 = tpu.vector_load_idx %arg9[%convert_element_type3A_433, %convert_element_type3A_432] : memref<224x225xf32, #tpu.memory_space<vmem>>[vector<16xi32>, vector<16xi32>], vector<16xf32>,
          %gather3A_445 = tpu.vector_load_idx %arg9[%convert_element_type3A_433, %add3A_440] : memref<224x225xf32, #tpu.memory_space<vmem>>[vector<16xi32>, vector<16xi32>], vector<16xf32>,
          %gather3A_446 = tpu.vector_load_idx %arg9[%add3A_443, %convert_element_type3A_432] : memref<224x225xf32, #tpu.memory_space<vmem>>[vector<16xi32>, vector<16xi32>], vector<16xf32>,
          %gather3A_447 = tpu.vector_load_idx %arg9[%add3A_443, %add3A_440] : memref<224x225xf32, #tpu.memory_space<vmem>>[vector<16xi32>, vector<16xi32>], vector<16xf32>,
          %sub3A_448 = arith.subf %gather3A_445, %gather3A_444 : vector<16xf32>
          %mul3A_449 = arith.mulf %sub3A_435, %sub3A_448 : vector<16xf32>
          %add3A_450 = arith.addf %gather3A_444, %mul3A_449 : vector<16xf32>
          %sub3A_451 = arith.subf %gather3A_447, %gather3A_446 : vector<16xf32>
          %mul3A_452 = arith.mulf %sub3A_435, %sub3A_451 : vector<16xf32>
          %add3A_453 = arith.addf %gather3A_446, %mul3A_452 : vector<16xf32>
          %sub3A_454 = arith.subf %add3A_453, %add3A_450 : vector<16xf32>
          %mul3A_455 = arith.mulf %sub3A_437, %sub3A_454 : vector<16xf32>
          %add3A_456 = arith.addf %add3A_450, %mul3A_455 : vector<16xf32>
          %swap3A_457 = arith.index_cast %scan3A_181 : i32 to index
          %swap3A_458 = arith.constant 80 : index
          %swap3A_459 = tpu.vector_load %arg11[%swap3A_457, %swap3A_458] {strides = array<i32>} : memref<28x224xf32, #tpu.memory_space<vmem>>, vector<16xf32>,
          tpu.vector_store %arg11[%swap3A_457, %swap3A_458], %add3A_456 {strides = array<i32>} : memref<28x224xf32, #tpu.memory_space<vmem>>, vector<16xf32>,
          %get3A_460 = arith.constant 96 : index
          %get3A_461 = tpu.vector_load %arg12[%get3A_460] {strides = array<i32>} : memref<224xf32, #tpu.memory_space<vmem>>, vector<16xf32>,
          %add3A_462 = arith.addf %get3A_461, %get3A_184 : vector<16xf32>
          %jit3A_463 = arith.constant 0.000000e+00 : f32
          %jit3A_464 = arith.constant 222.999985 : f32
          %max3A_465 = vector.broadcast %jit3A_463 : f32 to vector<16xf32>
          %max3A_466 = arith.maximumf %max3A_465, %add3A_462 : vector<16xf32>
          %min3A_467 = vector.broadcast %jit3A_464 : f32 to vector<16xf32>
          %min3A_468 = arith.minimumf %min3A_467, %max3A_466 : vector<16xf32>
          %get3A_469 = arith.constant 96 : index
          %get3A_470 = tpu.vector_load %arg13[%get3A_469] {strides = array<i32>} : memref<224xf32, #tpu.memory_space<vmem>>, vector<16xf32>,
          %add3A_471 = arith.addf %get3A_470, %get3A_187 : vector<16xf32>
          %jit3A_472 = arith.constant 0.000000e+00 : f32
          %jit3A_473 = arith.constant 222.999985 : f32
          %max3A_474 = vector.broadcast %jit3A_472 : f32 to vector<16xf32>
          %max3A_475 = arith.maximumf %max3A_474, %add3A_471 : vector<16xf32>
          %min3A_476 = vector.broadcast %jit3A_473 : f32 to vector<16xf32>
          %min3A_477 = arith.minimumf %min3A_476, %max3A_475 : vector<16xf32>
          %convert_element_type3A_478 = arith.fptosi %min3A_468 : vector<16xf32> to vector<16xi32>
          %convert_element_type3A_479 = arith.fptosi %min3A_477 : vector<16xf32> to vector<16xi32>
          %convert_element_type3A_480 = arith.sitofp %convert_element_type3A_478 : vector<16xi32> to vector<16xf32>
          %sub3A_481 = arith.subf %min3A_468, %convert_element_type3A_480 : vector<16xf32>
          %convert_element_type3A_482 = arith.sitofp %convert_element_type3A_479 : vector<16xi32> to vector<16xf32>
          %sub3A_483 = arith.subf %min3A_477, %convert_element_type3A_482 : vector<16xf32>
          %add3A_484 = arith.constant 1 : i32
          %add3A_485 = vector.broadcast %add3A_484 : i32 to vector<16xi32>
          %add3A_486 = arith.addi %convert_element_type3A_478, %add3A_485 : vector<16xi32>
          %add3A_487 = arith.constant 1 : i32
          %add3A_488 = vector.broadcast %add3A_487 : i32 to vector<16xi32>
          %add3A_489 = arith.addi %convert_element_type3A_479, %add3A_488 : vector<16xi32>
          %gather3A_490 = tpu.vector_load_idx %arg9[%convert_element_type3A_479, %convert_element_type3A_478] : memref<224x225xf32, #tpu.memory_space<vmem>>[vector<16xi32>, vector<16xi32>], vector<16xf32>,
          %gather3A_491 = tpu.vector_load_idx %arg9[%convert_element_type3A_479, %add3A_486] : memref<224x225xf32, #tpu.memory_space<vmem>>[vector<16xi32>, vector<16xi32>], vector<16xf32>,
          %gather3A_492 = tpu.vector_load_idx %arg9[%add3A_489, %convert_element_type3A_478] : memref<224x225xf32, #tpu.memory_space<vmem>>[vector<16xi32>, vector<16xi32>], vector<16xf32>,
          %gather3A_493 = tpu.vector_load_idx %arg9[%add3A_489, %add3A_486] : memref<224x225xf32, #tpu.memory_space<vmem>>[vector<16xi32>, vector<16xi32>], vector<16xf32>,
          %sub3A_494 = arith.subf %gather3A_491, %gather3A_490 : vector<16xf32>
          %mul3A_495 = arith.mulf %sub3A_481, %sub3A_494 : vector<16xf32>
          %add3A_496 = arith.addf %gather3A_490, %mul3A_495 : vector<16xf32>
          %sub3A_497 = arith.subf %gather3A_493, %gather3A_492 : vector<16xf32>
          %mul3A_498 = arith.mulf %sub3A_481, %sub3A_497 : vector<16xf32>
          %add3A_499 = arith.addf %gather3A_492, %mul3A_498 : vector<16xf32>
          %sub3A_500 = arith.subf %add3A_499, %add3A_496 : vector<16xf32>
          %mul3A_501 = arith.mulf %sub3A_483, %sub3A_500 : vector<16xf32>
          %add3A_502 = arith.addf %add3A_496, %mul3A_501 : vector<16xf32>
          %swap3A_503 = arith.index_cast %scan3A_181 : i32 to index
          %swap3A_504 = arith.constant 96 : index
          %swap3A_505 = tpu.vector_load %arg11[%swap3A_503, %swap3A_504] {strides = array<i32>} : memref<28x224xf32, #tpu.memory_space<vmem>>, vector<16xf32>,
          tpu.vector_store %arg11[%swap3A_503, %swap3A_504], %add3A_502 {strides = array<i32>} : memref<28x224xf32, #tpu.memory_space<vmem>>, vector<16xf32>,
          %get3A_506 = arith.constant 112 : index
          %get3A_507 = tpu.vector_load %arg12[%get3A_506] {strides = array<i32>} : memref<224xf32, #tpu.memory_space<vmem>>, vector<16xf32>,
          %add3A_508 = arith.addf %get3A_507, %get3A_184 : vector<16xf32>
          %jit3A_509 = arith.constant 0.000000e+00 : f32
          %jit3A_510 = arith.constant 222.999985 : f32
          %max3A_511 = vector.broadcast %jit3A_509 : f32 to vector<16xf32>
          %max3A_512 = arith.maximumf %max3A_511, %add3A_508 : vector<16xf32>
          %min3A_513 = vector.broadcast %jit3A_510 : f32 to vector<16xf32>
          %min3A_514 = arith.minimumf %min3A_513, %max3A_512 : vector<16xf32>
          %get3A_515 = arith.constant 112 : index
          %get3A_516 = tpu.vector_load %arg13[%get3A_515] {strides = array<i32>} : memref<224xf32, #tpu.memory_space<vmem>>, vector<16xf32>,
          %add3A_517 = arith.addf %get3A_516, %get3A_187 : vector<16xf32>
          %jit3A_518 = arith.constant 0.000000e+00 : f32
          %jit3A_519 = arith.constant 222.999985 : f32
          %max3A_520 = vector.broadcast %jit3A_518 : f32 to vector<16xf32>
          %max3A_521 = arith.maximumf %max3A_520, %add3A_517 : vector<16xf32>
          %min3A_522 = vector.broadcast %jit3A_519 : f32 to vector<16xf32>
          %min3A_523 = arith.minimumf %min3A_522, %max3A_521 : vector<16xf32>
          %convert_element_type3A_524 = arith.fptosi %min3A_514 : vector<16xf32> to vector<16xi32>
          %convert_element_type3A_525 = arith.fptosi %min3A_523 : vector<16xf32> to vector<16xi32>
          %convert_element_type3A_526 = arith.sitofp %convert_element_type3A_524 : vector<16xi32> to vector<16xf32>
          %sub3A_527 = arith.subf %min3A_514, %convert_element_type3A_526 : vector<16xf32>
          %convert_element_type3A_528 = arith.sitofp %convert_element_type3A_525 : vector<16xi32> to vector<16xf32>
          %sub3A_529 = arith.subf %min3A_523, %convert_element_type3A_528 : vector<16xf32>
          %add3A_530 = arith.constant 1 : i32
          %add3A_531 = vector.broadcast %add3A_530 : i32 to vector<16xi32>
          %add3A_532 = arith.addi %convert_element_type3A_524, %add3A_531 : vector<16xi32>
          %add3A_533 = arith.constant 1 : i32
          %add3A_534 = vector.broadcast %add3A_533 : i32 to vector<16xi32>
          %add3A_535 = arith.addi %convert_element_type3A_525, %add3A_534 : vector<16xi32>
          %gather3A_536 = tpu.vector_load_idx %arg9[%convert_element_type3A_525, %convert_element_type3A_524] : memref<224x225xf32, #tpu.memory_space<vmem>>[vector<16xi32>, vector<16xi32>], vector<16xf32>,
          %gather3A_537 = tpu.vector_load_idx %arg9[%convert_element_type3A_525, %add3A_532] : memref<224x225xf32, #tpu.memory_space<vmem>>[vector<16xi32>, vector<16xi32>], vector<16xf32>,
          %gather3A_538 = tpu.vector_load_idx %arg9[%add3A_535, %convert_element_type3A_524] : memref<224x225xf32, #tpu.memory_space<vmem>>[vector<16xi32>, vector<16xi32>], vector<16xf32>,
          %gather3A_539 = tpu.vector_load_idx %arg9[%add3A_535, %add3A_532] : memref<224x225xf32, #tpu.memory_space<vmem>>[vector<16xi32>, vector<16xi32>], vector<16xf32>,
          %sub3A_540 = arith.subf %gather3A_537, %gather3A_536 : vector<16xf32>
          %mul3A_541 = arith.mulf %sub3A_527, %sub3A_540 : vector<16xf32>
          %add3A_542 = arith.addf %gather3A_536, %mul3A_541 : vector<16xf32>
          %sub3A_543 = arith.subf %gather3A_539, %gather3A_538 : vector<16xf32>
          %mul3A_544 = arith.mulf %sub3A_527, %sub3A_543 : vector<16xf32>
          %add3A_545 = arith.addf %gather3A_538, %mul3A_544 : vector<16xf32>
          %sub3A_546 = arith.subf %add3A_545, %add3A_542 : vector<16xf32>
          %mul3A_547 = arith.mulf %sub3A_529, %sub3A_546 : vector<16xf32>
          %add3A_548 = arith.addf %add3A_542, %mul3A_547 : vector<16xf32>
          %swap3A_549 = arith.index_cast %scan3A_181 : i32 to index
          %swap3A_550 = arith.constant 112 : index
          %swap3A_551 = tpu.vector_load %arg11[%swap3A_549, %swap3A_550] {strides = array<i32>} : memref<28x224xf32, #tpu.memory_space<vmem>>, vector<16xf32>,
          tpu.vector_store %arg11[%swap3A_549, %swap3A_550], %add3A_548 {strides = array<i32>} : memref<28x224xf32, #tpu.memory_space<vmem>>, vector<16xf32>,
          %get3A_552 = arith.constant 128 : index
          %get3A_553 = tpu.vector_load %arg12[%get3A_552] {strides = array<i32>} : memref<224xf32, #tpu.memory_space<vmem>>, vector<16xf32>,
          %add3A_554 = arith.addf %get3A_553, %get3A_184 : vector<16xf32>
          %jit3A_555 = arith.constant 0.000000e+00 : f32
          %jit3A_556 = arith.constant 222.999985 : f32
          %max3A_557 = vector.broadcast %jit3A_555 : f32 to vector<16xf32>
          %max3A_558 = arith.maximumf %max3A_557, %add3A_554 : vector<16xf32>
          %min3A_559 = vector.broadcast %jit3A_556 : f32 to vector<16xf32>
          %min3A_560 = arith.minimumf %min3A_559, %max3A_558 : vector<16xf32>
          %get3A_561 = arith.constant 128 : index
          %get3A_562 = tpu.vector_load %arg13[%get3A_561] {strides = array<i32>} : memref<224xf32, #tpu.memory_space<vmem>>, vector<16xf32>,
          %add3A_563 = arith.addf %get3A_562, %get3A_187 : vector<16xf32>
          %jit3A_564 = arith.constant 0.000000e+00 : f32
          %jit3A_565 = arith.constant 222.999985 : f32
          %max3A_566 = vector.broadcast %jit3A_564 : f32 to vector<16xf32>
          %max3A_567 = arith.maximumf %max3A_566, %add3A_563 : vector<16xf32>
          %min3A_568 = vector.broadcast %jit3A_565 : f32 to vector<16xf32>
          %min3A_569 = arith.minimumf %min3A_568, %max3A_567 : vector<16xf32>
          %convert_element_type3A_570 = arith.fptosi %min3A_560 : vector<16xf32> to vector<16xi32>
          %convert_element_type3A_571 = arith.fptosi %min3A_569 : vector<16xf32> to vector<16xi32>
          %convert_element_type3A_572 = arith.sitofp %convert_element_type3A_570 : vector<16xi32> to vector<16xf32>
          %sub3A_573 = arith.subf %min3A_560, %convert_element_type3A_572 : vector<16xf32>
          %convert_element_type3A_574 = arith.sitofp %convert_element_type3A_571 : vector<16xi32> to vector<16xf32>
          %sub3A_575 = arith.subf %min3A_569, %convert_element_type3A_574 : vector<16xf32>
          %add3A_576 = arith.constant 1 : i32
          %add3A_577 = vector.broadcast %add3A_576 : i32 to vector<16xi32>
          %add3A_578 = arith.addi %convert_element_type3A_570, %add3A_577 : vector<16xi32>
          %add3A_579 = arith.constant 1 : i32
          %add3A_580 = vector.broadcast %add3A_579 : i32 to vector<16xi32>
          %add3A_581 = arith.addi %convert_element_type3A_571, %add3A_580 : vector<16xi32>
          %gather3A_582 = tpu.vector_load_idx %arg9[%convert_element_type3A_571, %convert_element_type3A_570] : memref<224x225xf32, #tpu.memory_space<vmem>>[vector<16xi32>, vector<16xi32>], vector<16xf32>,
          %gather3A_583 = tpu.vector_load_idx %arg9[%convert_element_type3A_571, %add3A_578] : memref<224x225xf32, #tpu.memory_space<vmem>>[vector<16xi32>, vector<16xi32>], vector<16xf32>,
          %gather3A_584 = tpu.vector_load_idx %arg9[%add3A_581, %convert_element_type3A_570] : memref<224x225xf32, #tpu.memory_space<vmem>>[vector<16xi32>, vector<16xi32>], vector<16xf32>,
          %gather3A_585 = tpu.vector_load_idx %arg9[%add3A_581, %add3A_578] : memref<224x225xf32, #tpu.memory_space<vmem>>[vector<16xi32>, vector<16xi32>], vector<16xf32>,
          %sub3A_586 = arith.subf %gather3A_583, %gather3A_582 : vector<16xf32>
          %mul3A_587 = arith.mulf %sub3A_573, %sub3A_586 : vector<16xf32>
          %add3A_588 = arith.addf %gather3A_582, %mul3A_587 : vector<16xf32>
          %sub3A_589 = arith.subf %gather3A_585, %gather3A_584 : vector<16xf32>
          %mul3A_590 = arith.mulf %sub3A_573, %sub3A_589 : vector<16xf32>
          %add3A_591 = arith.addf %gather3A_584, %mul3A_590 : vector<16xf32>
          %sub3A_592 = arith.subf %add3A_591, %add3A_588 : vector<16xf32>
          %mul3A_593 = arith.mulf %sub3A_575, %sub3A_592 : vector<16xf32>
          %add3A_594 = arith.addf %add3A_588, %mul3A_593 : vector<16xf32>
          %swap3A_595 = arith.index_cast %scan3A_181 : i32 to index
          %swap3A_596 = arith.constant 128 : index
          %swap3A_597 = tpu.vector_load %arg11[%swap3A_595, %swap3A_596] {strides = array<i32>} : memref<28x224xf32, #tpu.memory_space<vmem>>, vector<16xf32>,
          tpu.vector_store %arg11[%swap3A_595, %swap3A_596], %add3A_594 {strides = array<i32>} : memref<28x224xf32, #tpu.memory_space<vmem>>, vector<16xf32>,
          %get3A_598 = arith.constant 144 : index
          %get3A_599 = tpu.vector_load %arg12[%get3A_598] {strides = array<i32>} : memref<224xf32, #tpu.memory_space<vmem>>, vector<16xf32>,
          %add3A_600 = arith.addf %get3A_599, %get3A_184 : vector<16xf32>
          %jit3A_601 = arith.constant 0.000000e+00 : f32
          %jit3A_602 = arith.constant 222.999985 : f32
          %max3A_603 = vector.broadcast %jit3A_601 : f32 to vector<16xf32>
          %max3A_604 = arith.maximumf %max3A_603, %add3A_600 : vector<16xf32>
          %min3A_605 = vector.broadcast %jit3A_602 : f32 to vector<16xf32>
          %min3A_606 = arith.minimumf %min3A_605, %max3A_604 : vector<16xf32>
          %get3A_607 = arith.constant 144 : index
          %get3A_608 = tpu.vector_load %arg13[%get3A_607] {strides = array<i32>} : memref<224xf32, #tpu.memory_space<vmem>>, vector<16xf32>,
          %add3A_609 = arith.addf %get3A_608, %get3A_187 : vector<16xf32>
          %jit3A_610 = arith.constant 0.000000e+00 : f32
          %jit3A_611 = arith.constant 222.999985 : f32
          %max3A_612 = vector.broadcast %jit3A_610 : f32 to vector<16xf32>
          %max3A_613 = arith.maximumf %max3A_612, %add3A_609 : vector<16xf32>
          %min3A_614 = vector.broadcast %jit3A_611 : f32 to vector<16xf32>
          %min3A_615 = arith.minimumf %min3A_614, %max3A_613 : vector<16xf32>
          %convert_element_type3A_616 = arith.fptosi %min3A_606 : vector<16xf32> to vector<16xi32>
          %convert_element_type3A_617 = arith.fptosi %min3A_615 : vector<16xf32> to vector<16xi32>
          %convert_element_type3A_618 = arith.sitofp %convert_element_type3A_616 : vector<16xi32> to vector<16xf32>
          %sub3A_619 = arith.subf %min3A_606, %convert_element_type3A_618 : vector<16xf32>
          %convert_element_type3A_620 = arith.sitofp %convert_element_type3A_617 : vector<16xi32> to vector<16xf32>
          %sub3A_621 = arith.subf %min3A_615, %convert_element_type3A_620 : vector<16xf32>
          %add3A_622 = arith.constant 1 : i32
          %add3A_623 = vector.broadcast %add3A_622 : i32 to vector<16xi32>
          %add3A_624 = arith.addi %convert_element_type3A_616, %add3A_623 : vector<16xi32>
          %add3A_625 = arith.constant 1 : i32
          %add3A_626 = vector.broadcast %add3A_625 : i32 to vector<16xi32>
          %add3A_627 = arith.addi %convert_element_type3A_617, %add3A_626 : vector<16xi32>
          %gather3A_628 = tpu.vector_load_idx %arg9[%convert_element_type3A_617, %convert_element_type3A_616] : memref<224x225xf32, #tpu.memory_space<vmem>>[vector<16xi32>, vector<16xi32>], vector<16xf32>,
          %gather3A_629 = tpu.vector_load_idx %arg9[%convert_element_type3A_617, %add3A_624] : memref<224x225xf32, #tpu.memory_space<vmem>>[vector<16xi32>, vector<16xi32>], vector<16xf32>,
          %gather3A_630 = tpu.vector_load_idx %arg9[%add3A_627, %convert_element_type3A_616] : memref<224x225xf32, #tpu.memory_space<vmem>>[vector<16xi32>, vector<16xi32>], vector<16xf32>,
          %gather3A_631 = tpu.vector_load_idx %arg9[%add3A_627, %add3A_624] : memref<224x225xf32, #tpu.memory_space<vmem>>[vector<16xi32>, vector<16xi32>], vector<16xf32>,
          %sub3A_632 = arith.subf %gather3A_629, %gather3A_628 : vector<16xf32>
          %mul3A_633 = arith.mulf %sub3A_619, %sub3A_632 : vector<16xf32>
          %add3A_634 = arith.addf %gather3A_628, %mul3A_633 : vector<16xf32>
          %sub3A_635 = arith.subf %gather3A_631, %gather3A_630 : vector<16xf32>
          %mul3A_636 = arith.mulf %sub3A_619, %sub3A_635 : vector<16xf32>
          %add3A_637 = arith.addf %gather3A_630, %mul3A_636 : vector<16xf32>
          %sub3A_638 = arith.subf %add3A_637, %add3A_634 : vector<16xf32>
          %mul3A_639 = arith.mulf %sub3A_621, %sub3A_638 : vector<16xf32>
          %add3A_640 = arith.addf %add3A_634, %mul3A_639 : vector<16xf32>
          %swap3A_641 = arith.index_cast %scan3A_181 : i32 to index
          %swap3A_642 = arith.constant 144 : index
          %swap3A_643 = tpu.vector_load %arg11[%swap3A_641, %swap3A_642] {strides = array<i32>} : memref<28x224xf32, #tpu.memory_space<vmem>>, vector<16xf32>,
          tpu.vector_store %arg11[%swap3A_641, %swap3A_642], %add3A_640 {strides = array<i32>} : memref<28x224xf32, #tpu.memory_space<vmem>>, vector<16xf32>,
          %get3A_644 = arith.constant 160 : index
          %get3A_645 = tpu.vector_load %arg12[%get3A_644] {strides = array<i32>} : memref<224xf32, #tpu.memory_space<vmem>>, vector<16xf32>,
          %add3A_646 = arith.addf %get3A_645, %get3A_184 : vector<16xf32>
          %jit3A_647 = arith.constant 0.000000e+00 : f32
          %jit3A_648 = arith.constant 222.999985 : f32
          %max3A_649 = vector.broadcast %jit3A_647 : f32 to vector<16xf32>
          %max3A_650 = arith.maximumf %max3A_649, %add3A_646 : vector<16xf32>
          %min3A_651 = vector.broadcast %jit3A_648 : f32 to vector<16xf32>
          %min3A_652 = arith.minimumf %min3A_651, %max3A_650 : vector<16xf32>
          %get3A_653 = arith.constant 160 : index
          %get3A_654 = tpu.vector_load %arg13[%get3A_653] {strides = array<i32>} : memref<224xf32, #tpu.memory_space<vmem>>, vector<16xf32>,
          %add3A_655 = arith.addf %get3A_654, %get3A_187 : vector<16xf32>
          %jit3A_656 = arith.constant 0.000000e+00 : f32
          %jit3A_657 = arith.constant 222.999985 : f32
          %max3A_658 = vector.broadcast %jit3A_656 : f32 to vector<16xf32>
          %max3A_659 = arith.maximumf %max3A_658, %add3A_655 : vector<16xf32>
          %min3A_660 = vector.broadcast %jit3A_657 : f32 to vector<16xf32>
          %min3A_661 = arith.minimumf %min3A_660, %max3A_659 : vector<16xf32>
          %convert_element_type3A_662 = arith.fptosi %min3A_652 : vector<16xf32> to vector<16xi32>
          %convert_element_type3A_663 = arith.fptosi %min3A_661 : vector<16xf32> to vector<16xi32>
          %convert_element_type3A_664 = arith.sitofp %convert_element_type3A_662 : vector<16xi32> to vector<16xf32>
          %sub3A_665 = arith.subf %min3A_652, %convert_element_type3A_664 : vector<16xf32>
          %convert_element_type3A_666 = arith.sitofp %convert_element_type3A_663 : vector<16xi32> to vector<16xf32>
          %sub3A_667 = arith.subf %min3A_661, %convert_element_type3A_666 : vector<16xf32>
          %add3A_668 = arith.constant 1 : i32
          %add3A_669 = vector.broadcast %add3A_668 : i32 to vector<16xi32>
          %add3A_670 = arith.addi %convert_element_type3A_662, %add3A_669 : vector<16xi32>
          %add3A_671 = arith.constant 1 : i32
          %add3A_672 = vector.broadcast %add3A_671 : i32 to vector<16xi32>
          %add3A_673 = arith.addi %convert_element_type3A_663, %add3A_672 : vector<16xi32>
          %gather3A_674 = tpu.vector_load_idx %arg9[%convert_element_type3A_663, %convert_element_type3A_662] : memref<224x225xf32, #tpu.memory_space<vmem>>[vector<16xi32>, vector<16xi32>], vector<16xf32>,
          %gather3A_675 = tpu.vector_load_idx %arg9[%convert_element_type3A_663, %add3A_670] : memref<224x225xf32, #tpu.memory_space<vmem>>[vector<16xi32>, vector<16xi32>], vector<16xf32>,
          %gather3A_676 = tpu.vector_load_idx %arg9[%add3A_673, %convert_element_type3A_662] : memref<224x225xf32, #tpu.memory_space<vmem>>[vector<16xi32>, vector<16xi32>], vector<16xf32>,
          %gather3A_677 = tpu.vector_load_idx %arg9[%add3A_673, %add3A_670] : memref<224x225xf32, #tpu.memory_space<vmem>>[vector<16xi32>, vector<16xi32>], vector<16xf32>,
          %sub3A_678 = arith.subf %gather3A_675, %gather3A_674 : vector<16xf32>
          %mul3A_679 = arith.mulf %sub3A_665, %sub3A_678 : vector<16xf32>
          %add3A_680 = arith.addf %gather3A_674, %mul3A_679 : vector<16xf32>
          %sub3A_681 = arith.subf %gather3A_677, %gather3A_676 : vector<16xf32>
          %mul3A_682 = arith.mulf %sub3A_665, %sub3A_681 : vector<16xf32>
          %add3A_683 = arith.addf %gather3A_676, %mul3A_682 : vector<16xf32>
          %sub3A_684 = arith.subf %add3A_683, %add3A_680 : vector<16xf32>
          %mul3A_685 = arith.mulf %sub3A_667, %sub3A_684 : vector<16xf32>
          %add3A_686 = arith.addf %add3A_680, %mul3A_685 : vector<16xf32>
          %swap3A_687 = arith.index_cast %scan3A_181 : i32 to index
          %swap3A_688 = arith.constant 160 : index
          %swap3A_689 = tpu.vector_load %arg11[%swap3A_687, %swap3A_688] {strides = array<i32>} : memref<28x224xf32, #tpu.memory_space<vmem>>, vector<16xf32>,
          tpu.vector_store %arg11[%swap3A_687, %swap3A_688], %add3A_686 {strides = array<i32>} : memref<28x224xf32, #tpu.memory_space<vmem>>, vector<16xf32>,
          %get3A_690 = arith.constant 176 : index
          %get3A_691 = tpu.vector_load %arg12[%get3A_690] {strides = array<i32>} : memref<224xf32, #tpu.memory_space<vmem>>, vector<16xf32>,
          %add3A_692 = arith.addf %get3A_691, %get3A_184 : vector<16xf32>
          %jit3A_693 = arith.constant 0.000000e+00 : f32
          %jit3A_694 = arith.constant 222.999985 : f32
          %max3A_695 = vector.broadcast %jit3A_693 : f32 to vector<16xf32>
          %max3A_696 = arith.maximumf %max3A_695, %add3A_692 : vector<16xf32>
          %min3A_697 = vector.broadcast %jit3A_694 : f32 to vector<16xf32>
          %min3A_698 = arith.minimumf %min3A_697, %max3A_696 : vector<16xf32>
          %get3A_699 = arith.constant 176 : index
          %get3A_700 = tpu.vector_load %arg13[%get3A_699] {strides = array<i32>} : memref<224xf32, #tpu.memory_space<vmem>>, vector<16xf32>,
          %add3A_701 = arith.addf %get3A_700, %get3A_187 : vector<16xf32>
          %jit3A_702 = arith.constant 0.000000e+00 : f32
          %jit3A_703 = arith.constant 222.999985 : f32
          %max3A_704 = vector.broadcast %jit3A_702 : f32 to vector<16xf32>
          %max3A_705 = arith.maximumf %max3A_704, %add3A_701 : vector<16xf32>
          %min3A_706 = vector.broadcast %jit3A_703 : f32 to vector<16xf32>
          %min3A_707 = arith.minimumf %min3A_706, %max3A_705 : vector<16xf32>
          %convert_element_type3A_708 = arith.fptosi %min3A_698 : vector<16xf32> to vector<16xi32>
          %convert_element_type3A_709 = arith.fptosi %min3A_707 : vector<16xf32> to vector<16xi32>
          %convert_element_type3A_710 = arith.sitofp %convert_element_type3A_708 : vector<16xi32> to vector<16xf32>
          %sub3A_711 = arith.subf %min3A_698, %convert_element_type3A_710 : vector<16xf32>
          %convert_element_type3A_712 = arith.sitofp %convert_element_type3A_709 : vector<16xi32> to vector<16xf32>
          %sub3A_713 = arith.subf %min3A_707, %convert_element_type3A_712 : vector<16xf32>
          %add3A_714 = arith.constant 1 : i32
          %add3A_715 = vector.broadcast %add3A_714 : i32 to vector<16xi32>
          %add3A_716 = arith.addi %convert_element_type3A_708, %add3A_715 : vector<16xi32>
          %add3A_717 = arith.constant 1 : i32
          %add3A_718 = vector.broadcast %add3A_717 : i32 to vector<16xi32>
          %add3A_719 = arith.addi %convert_element_type3A_709, %add3A_718 : vector<16xi32>
          %gather3A_720 = tpu.vector_load_idx %arg9[%convert_element_type3A_709, %convert_element_type3A_708] : memref<224x225xf32, #tpu.memory_space<vmem>>[vector<16xi32>, vector<16xi32>], vector<16xf32>,
          %gather3A_721 = tpu.vector_load_idx %arg9[%convert_element_type3A_709, %add3A_716] : memref<224x225xf32, #tpu.memory_space<vmem>>[vector<16xi32>, vector<16xi32>], vector<16xf32>,
          %gather3A_722 = tpu.vector_load_idx %arg9[%add3A_719, %convert_element_type3A_708] : memref<224x225xf32, #tpu.memory_space<vmem>>[vector<16xi32>, vector<16xi32>], vector<16xf32>,
          %gather3A_723 = tpu.vector_load_idx %arg9[%add3A_719, %add3A_716] : memref<224x225xf32, #tpu.memory_space<vmem>>[vector<16xi32>, vector<16xi32>], vector<16xf32>,
          %sub3A_724 = arith.subf %gather3A_721, %gather3A_720 : vector<16xf32>
          %mul3A_725 = arith.mulf %sub3A_711, %sub3A_724 : vector<16xf32>
          %add3A_726 = arith.addf %gather3A_720, %mul3A_725 : vector<16xf32>
          %sub3A_727 = arith.subf %gather3A_723, %gather3A_722 : vector<16xf32>
          %mul3A_728 = arith.mulf %sub3A_711, %sub3A_727 : vector<16xf32>
          %add3A_729 = arith.addf %gather3A_722, %mul3A_728 : vector<16xf32>
          %sub3A_730 = arith.subf %add3A_729, %add3A_726 : vector<16xf32>
          %mul3A_731 = arith.mulf %sub3A_713, %sub3A_730 : vector<16xf32>
          %add3A_732 = arith.addf %add3A_726, %mul3A_731 : vector<16xf32>
          %swap3A_733 = arith.index_cast %scan3A_181 : i32 to index
          %swap3A_734 = arith.constant 176 : index
          %swap3A_735 = tpu.vector_load %arg11[%swap3A_733, %swap3A_734] {strides = array<i32>} : memref<28x224xf32, #tpu.memory_space<vmem>>, vector<16xf32>,
          tpu.vector_store %arg11[%swap3A_733, %swap3A_734], %add3A_732 {strides = array<i32>} : memref<28x224xf32, #tpu.memory_space<vmem>>, vector<16xf32>,
          %get3A_736 = arith.constant 192 : index
          %get3A_737 = tpu.vector_load %arg12[%get3A_736] {strides = array<i32>} : memref<224xf32, #tpu.memory_space<vmem>>, vector<16xf32>,
          %add3A_738 = arith.addf %get3A_737, %get3A_184 : vector<16xf32>
          %jit3A_739 = arith.constant 0.000000e+00 : f32
          %jit3A_740 = arith.constant 222.999985 : f32
          %max3A_741 = vector.broadcast %jit3A_739 : f32 to vector<16xf32>
          %max3A_742 = arith.maximumf %max3A_741, %add3A_738 : vector<16xf32>
          %min3A_743 = vector.broadcast %jit3A_740 : f32 to vector<16xf32>
          %min3A_744 = arith.minimumf %min3A_743, %max3A_742 : vector<16xf32>
          %get3A_745 = arith.constant 192 : index
          %get3A_746 = tpu.vector_load %arg13[%get3A_745] {strides = array<i32>} : memref<224xf32, #tpu.memory_space<vmem>>, vector<16xf32>,
          %add3A_747 = arith.addf %get3A_746, %get3A_187 : vector<16xf32>
          %jit3A_748 = arith.constant 0.000000e+00 : f32
          %jit3A_749 = arith.constant 222.999985 : f32
          %max3A_750 = vector.broadcast %jit3A_748 : f32 to vector<16xf32>
          %max3A_751 = arith.maximumf %max3A_750, %add3A_747 : vector<16xf32>
          %min3A_752 = vector.broadcast %jit3A_749 : f32 to vector<16xf32>
          %min3A_753 = arith.minimumf %min3A_752, %max3A_751 : vector<16xf32>
          %convert_element_type3A_754 = arith.fptosi %min3A_744 : vector<16xf32> to vector<16xi32>
          %convert_element_type3A_755 = arith.fptosi %min3A_753 : vector<16xf32> to vector<16xi32>
          %convert_element_type3A_756 = arith.sitofp %convert_element_type3A_754 : vector<16xi32> to vector<16xf32>
          %sub3A_757 = arith.subf %min3A_744, %convert_element_type3A_756 : vector<16xf32>
          %convert_element_type3A_758 = arith.sitofp %convert_element_type3A_755 : vector<16xi32> to vector<16xf32>
          %sub3A_759 = arith.subf %min3A_753, %convert_element_type3A_758 : vector<16xf32>
          %add3A_760 = arith.constant 1 : i32
          %add3A_761 = vector.broadcast %add3A_760 : i32 to vector<16xi32>
          %add3A_762 = arith.addi %convert_element_type3A_754, %add3A_761 : vector<16xi32>
          %add3A_763 = arith.constant 1 : i32
          %add3A_764 = vector.broadcast %add3A_763 : i32 to vector<16xi32>
          %add3A_765 = arith.addi %convert_element_type3A_755, %add3A_764 : vector<16xi32>
          %gather3A_766 = tpu.vector_load_idx %arg9[%convert_element_type3A_755, %convert_element_type3A_754] : memref<224x225xf32, #tpu.memory_space<vmem>>[vector<16xi32>, vector<16xi32>], vector<16xf32>,
          %gather3A_767 = tpu.vector_load_idx %arg9[%convert_element_type3A_755, %add3A_762] : memref<224x225xf32, #tpu.memory_space<vmem>>[vector<16xi32>, vector<16xi32>], vector<16xf32>,
          %gather3A_768 = tpu.vector_load_idx %arg9[%add3A_765, %convert_element_type3A_754] : memref<224x225xf32, #tpu.memory_space<vmem>>[vector<16xi32>, vector<16xi32>], vector<16xf32>,
          %gather3A_769 = tpu.vector_load_idx %arg9[%add3A_765, %add3A_762] : memref<224x225xf32, #tpu.memory_space<vmem>>[vector<16xi32>, vector<16xi32>], vector<16xf32>,
          %sub3A_770 = arith.subf %gather3A_767, %gather3A_766 : vector<16xf32>
          %mul3A_771 = arith.mulf %sub3A_757, %sub3A_770 : vector<16xf32>
          %add3A_772 = arith.addf %gather3A_766, %mul3A_771 : vector<16xf32>
          %sub3A_773 = arith.subf %gather3A_769, %gather3A_768 : vector<16xf32>
          %mul3A_774 = arith.mulf %sub3A_757, %sub3A_773 : vector<16xf32>
          %add3A_775 = arith.addf %gather3A_768, %mul3A_774 : vector<16xf32>
          %sub3A_776 = arith.subf %add3A_775, %add3A_772 : vector<16xf32>
          %mul3A_777 = arith.mulf %sub3A_759, %sub3A_776 : vector<16xf32>
          %add3A_778 = arith.addf %add3A_772, %mul3A_777 : vector<16xf32>
          %swap3A_779 = arith.index_cast %scan3A_181 : i32 to index
          %swap3A_780 = arith.constant 192 : index
          %swap3A_781 = tpu.vector_load %arg11[%swap3A_779, %swap3A_780] {strides = array<i32>} : memref<28x224xf32, #tpu.memory_space<vmem>>, vector<16xf32>,
          tpu.vector_store %arg11[%swap3A_779, %swap3A_780], %add3A_778 {strides = array<i32>} : memref<28x224xf32, #tpu.memory_space<vmem>>, vector<16xf32>,
          %get3A_782 = arith.constant 208 : index
          %get3A_783 = tpu.vector_load %arg12[%get3A_782] {strides = array<i32>} : memref<224xf32, #tpu.memory_space<vmem>>, vector<16xf32>,
          %add3A_784 = arith.addf %get3A_783, %get3A_184 : vector<16xf32>
          %jit3A_785 = arith.constant 0.000000e+00 : f32
          %jit3A_786 = arith.constant 222.999985 : f32
          %max3A_787 = vector.broadcast %jit3A_785 : f32 to vector<16xf32>
          %max3A_788 = arith.maximumf %max3A_787, %add3A_784 : vector<16xf32>
          %min3A_789 = vector.broadcast %jit3A_786 : f32 to vector<16xf32>
          %min3A_790 = arith.minimumf %min3A_789, %max3A_788 : vector<16xf32>
          %get3A_791 = arith.constant 208 : index
          %get3A_792 = tpu.vector_load %arg13[%get3A_791] {strides = array<i32>} : memref<224xf32, #tpu.memory_space<vmem>>, vector<16xf32>,
          %add3A_793 = arith.addf %get3A_792, %get3A_187 : vector<16xf32>
          %jit3A_794 = arith.constant 0.000000e+00 : f32
          %jit3A_795 = arith.constant 222.999985 : f32
          %max3A_796 = vector.broadcast %jit3A_794 : f32 to vector<16xf32>
          %max3A_797 = arith.maximumf %max3A_796, %add3A_793 : vector<16xf32>
          %min3A_798 = vector.broadcast %jit3A_795 : f32 to vector<16xf32>
          %min3A_799 = arith.minimumf %min3A_798, %max3A_797 : vector<16xf32>
          %convert_element_type3A_800 = arith.fptosi %min3A_790 : vector<16xf32> to vector<16xi32>
          %convert_element_type3A_801 = arith.fptosi %min3A_799 : vector<16xf32> to vector<16xi32>
          %convert_element_type3A_802 = arith.sitofp %convert_element_type3A_800 : vector<16xi32> to vector<16xf32>
          %sub3A_803 = arith.subf %min3A_790, %convert_element_type3A_802 : vector<16xf32>
          %convert_element_type3A_804 = arith.sitofp %convert_element_type3A_801 : vector<16xi32> to vector<16xf32>
          %sub3A_805 = arith.subf %min3A_799, %convert_element_type3A_804 : vector<16xf32>
          %add3A_806 = arith.constant 1 : i32
          %add3A_807 = vector.broadcast %add3A_806 : i32 to vector<16xi32>
          %add3A_808 = arith.addi %convert_element_type3A_800, %add3A_807 : vector<16xi32>
          %add3A_809 = arith.constant 1 : i32
          %add3A_810 = vector.broadcast %add3A_809 : i32 to vector<16xi32>
          %add3A_811 = arith.addi %convert_element_type3A_801, %add3A_810 : vector<16xi32>
          %gather3A_812 = tpu.vector_load_idx %arg9[%convert_element_type3A_801, %convert_element_type3A_800] : memref<224x225xf32, #tpu.memory_space<vmem>>[vector<16xi32>, vector<16xi32>], vector<16xf32>,
          %gather3A_813 = tpu.vector_load_idx %arg9[%convert_element_type3A_801, %add3A_808] : memref<224x225xf32, #tpu.memory_space<vmem>>[vector<16xi32>, vector<16xi32>], vector<16xf32>,
          %gather3A_814 = tpu.vector_load_idx %arg9[%add3A_811, %convert_element_type3A_800] : memref<224x225xf32, #tpu.memory_space<vmem>>[vector<16xi32>, vector<16xi32>], vector<16xf32>,
          %gather3A_815 = tpu.vector_load_idx %arg9[%add3A_811, %add3A_808] : memref<224x225xf32, #tpu.memory_space<vmem>>[vector<16xi32>, vector<16xi32>], vector<16xf32>,
          %sub3A_816 = arith.subf %gather3A_813, %gather3A_812 : vector<16xf32>
          %mul3A_817 = arith.mulf %sub3A_803, %sub3A_816 : vector<16xf32>
          %add3A_818 = arith.addf %gather3A_812, %mul3A_817 : vector<16xf32>
          %sub3A_819 = arith.subf %gather3A_815, %gather3A_814 : vector<16xf32>
          %mul3A_820 = arith.mulf %sub3A_803, %sub3A_819 : vector<16xf32>
          %add3A_821 = arith.addf %gather3A_814, %mul3A_820 : vector<16xf32>
          %sub3A_822 = arith.subf %add3A_821, %add3A_818 : vector<16xf32>
          %mul3A_823 = arith.mulf %sub3A_805, %sub3A_822 : vector<16xf32>
          %add3A_824 = arith.addf %add3A_818, %mul3A_823 : vector<16xf32>
          %swap3A_825 = arith.index_cast %scan3A_181 : i32 to index
          %swap3A_826 = arith.constant 208 : index
          %swap3A_827 = tpu.vector_load %arg11[%swap3A_825, %swap3A_826] {strides = array<i32>} : memref<28x224xf32, #tpu.memory_space<vmem>>, vector<16xf32>,
          tpu.vector_store %arg11[%swap3A_825, %swap3A_826], %add3A_824 {strides = array<i32>} : memref<28x224xf32, #tpu.memory_space<vmem>>, vector<16xf32>,
        }
        %scan3A_174 = arith.constant 28 : i32
        %dma_start3A_175 = arith.constant 0 : i32
        %dma_start3A_176 = tpu.memref_slice %arg7[%select_n3A, %add3A_101, %mul3A_160, %dma_start3A_175] : memref<8x192x224x224xf32, #tpu.memory_space<hbm>> -> memref<1x1x28x224xf32, #tpu.memory_space<hbm>>
        %dma_start3A_177 = tpu.memref_squeeze %dma_start3A_176 : memref<1x1x28x224xf32, #tpu.memory_space<hbm>> -> memref<28x224xf32, #tpu.memory_space<hbm>>
        %dma_start3A_178 = arith.constant 0 : i32
        %dma_start3A_179 = tpu.memref_slice %arg7[%select_n3A, %add3A_101, %mul3A_160, %dma_start3A_178] : memref<8x192x224x224xf32, #tpu.memory_space<hbm>> -> memref<1x1x28x224xf32, #tpu.memory_space<hbm>>
        %dma_start3A_180 = tpu.memref_squeeze %dma_start3A_179 : memref<1x1x28x224xf32, #tpu.memory_space<hbm>> -> memref<28x224xf32, #tpu.memory_space<hbm>>
        tpu.enqueue_dma source(%arg11 : memref<28x224xf32, #tpu.memory_space<vmem>>) target(%dma_start3A_180 : memref<28x224xf32, #tpu.memory_space<hbm>>) target_semaphore(%arg19 : memref<!tpu.dma_semaphore, #tpu.memory_space<semaphore_mem>>)
      }
      %scan3A_128 = arith.constant 4 : i32
    }
    %scan3A_50 = arith.constant 24 : i32
    %dma_wait3A = arith.constant 0 : i32
    %dma_wait3A_51 = arith.constant 0 : i32
    %dma_wait3A_52 = tpu.memref_slice %arg7[%select_n3A, %mul3A_32, %dma_wait3A, %dma_wait3A_51] : memref<8x192x224x224xf32, #tpu.memory_space<hbm>> -> memref<1x1x28x224xf32, #tpu.memory_space<hbm>>
    %dma_wait3A_53 = tpu.memref_squeeze %dma_wait3A_52 : memref<1x1x28x224xf32, #tpu.memory_space<hbm>> -> memref<28x224xf32, #tpu.memory_space<hbm>>
    %dma_wait3A_54 = arith.constant 0 : i32
    %dma_wait3A_55 = arith.constant 0 : i32
    %dma_wait3A_56 = tpu.memref_slice %arg7[%select_n3A, %mul3A_32, %dma_wait3A_54, %dma_wait3A_55] : memref<8x192x224x224xf32, #tpu.memory_space<hbm>> -> memref<1x1x28x224xf32, #tpu.memory_space<hbm>>
    %dma_wait3A_57 = tpu.memref_squeeze %dma_wait3A_56 : memref<1x1x28x224xf32, #tpu.memory_space<hbm>> -> memref<28x224xf32, #tpu.memory_space<hbm>>
    tpu.wait_dma2 semaphore(%arg18 : memref<!tpu.dma_semaphore, #tpu.memory_space<semaphore_mem>>) src(%arg10 : memref<28x224xf32, #tpu.memory_space<vmem>>) dst(%dma_wait3A_57 : memref<28x224xf32, #tpu.memory_space<hbm>>)
    %dma_wait3A_58 = arith.constant 0 : i32
    %dma_wait3A_59 = arith.constant 0 : i32
    %dma_wait3A_60 = tpu.memref_slice %arg7[%select_n3A, %mul3A_32, %dma_wait3A_58, %dma_wait3A_59] : memref<8x192x224x224xf32, #tpu.memory_space<hbm>> -> memref<1x1x28x224xf32, #tpu.memory_space<hbm>>
    %dma_wait3A_61 = tpu.memref_squeeze %dma_wait3A_60 : memref<1x1x28x224xf32, #tpu.memory_space<hbm>> -> memref<28x224xf32, #tpu.memory_space<hbm>>
    %dma_wait3A_62 = arith.constant 0 : i32
    %dma_wait3A_63 = arith.constant 0 : i32
    %dma_wait3A_64 = tpu.memref_slice %arg7[%select_n3A, %mul3A_32, %dma_wait3A_62, %dma_wait3A_63] : memref<8x192x224x224xf32, #tpu.memory_space<hbm>> -> memref<1x1x28x224xf32, #tpu.memory_space<hbm>>
    %dma_wait3A_65 = tpu.memref_squeeze %dma_wait3A_64 : memref<1x1x28x224xf32, #tpu.memory_space<hbm>> -> memref<28x224xf32, #tpu.memory_space<hbm>>
    tpu.wait_dma2 semaphore(%arg19 : memref<!tpu.dma_semaphore, #tpu.memory_space<semaphore_mem>>) src(%arg11 : memref<28x224xf32, #tpu.memory_space<vmem>>) dst(%dma_wait3A_65 : memref<28x224xf32, #tpu.memory_space<hbm>>)
    return
  }
}

</mosaic_0001>

<sc_bundles>
// kernel: kernel.3.cloned.1.call-start
scs
__scs_entry_jumppad:
0x0: {  	(pc) =	sbr.rel $0x88, $3  }
0x1: {  	(tag) =	ssettag $0x0;
	lr =	simm.s32 $0x1  }
0x2: {  	[smem:$0x3F9F] =	sst lr;
	_ =	strace $0xD0000000  }
0x3: {  	_ = 	snop  }
0x4: {  	_ = 	snop  }
0x5: {  	_ = 	snop  }
0x6: {  	_ = 	snop  }
0x7: {  	_ = 	snop  }
__scs_overlays_trampoline_lowered:
0x8: {  	[smem:$0x3FAE] =	sst s0  }
0x9: {  	[smem:$0x3FAF] =	sst s1  }
0xa: {  	[smem:$0x3FB0] =	sst s2  }
0xb: {  	[smem:$0x3FB1] =	sst s3  }
0xc: {  	[smem:$0x3FB2] =	sst s4  }
0xd: {  	[smem:$0x3FB3] =	sst s5  }
0xe: {  	[smem:$0x3FB4] =	sst s6  }
0xf: {  	[smem:$0x3FB5] =	sst s7  }
0x10: {  	[smem:$0x3FB6] =	sst s8  }
0x11: {  	[smem:$0x3FB7] =	sst s9;
	s0 =	simm.s32 @!p0 $0x0  }
0x12: {  	s1 =	sld [smem:$0x3F9D];
	s0 =	simm.s32 @p0 $0x1  }
0x13: {  	[smem:$0x3FB8] =	sst s0;
	s0 =	simm.s32 @!p1 $0x0  }
0x14: {  	s2 =	sld [smem:$0x3F9C];
	s0 =	simm.s32 @p1 $0x1  }
0x15: {  	[smem:$0x3FB9] =	sst s0;
	s0 =	simm.s32 @!p2 $0x0  }
0x16: {  	s3 =	sld [smem:$0x3FDB];
	s0 =	simm.s32 @p2 $0x1  }
0x17: {  	s4 =	simm.s32 $0x1BF5;
	[smem:$0x3FBB] =	sst s0  }
0x18: {  	s0 =	sld [smem:$0x3F9E];
	_ =	swait.ge [sflag:s4], $0x0  }
0x19: {  	s7 =	sld [smem:$0x3F9F]  }
0x1a: {  	s8 =	sadd.s32 $0xFFFFE003, lr  }
0x1b: {  	s9 =	sadd.s32 $0xFFFFFEF7, lr;
	s5 =	simm.s32 $0xFFFFFFFF;
	p2 =	slt.u32 s8, $0xFFFFF086  }
0x1c: {  	p1 =	slt.u32 s9, $0xF7A;
	s5 =	simm.s32 @!p2 $0x0  }
0x1d: {  	s5 =	simm.s32 @p1 $0x1;
	p0 =	seq.s32 s7, s2  }
0x1e: {  	s7 =	smul.u32 @!p0 $0xF7A, s2;
	p2 =	seq.s32 @!p0 s5, $0x0  }
0x1f: {  	s9 =	smul.u32 $0xF7A, s1;
	s8 =	simm.s32 @!p0 $0x1BF5;
	p2 =	por !p2, p0  }
0x20: {  	[sflag:s8] =	ssyncset.s32 @!p0 $0xFFFFF086;
	s6 =	sadd.s32 @!p0 s3, s7;
	s7 =	simm.s32 @!p0 $0x108  }
0x21: {  	s3 =	sadd.s32 s3, s9;
	s6 =	sadd.s32 @!p0 $0x88, s6;
	s7 =	simm.s32 @p2 $0x1082  }
0x22: {  	[simem:s7], [sflag:s8] =	dma.local @!p0 [hbm:s6], $0xF7A  }
0x23: {  	s9 =	sor.u32 $0xD0000000, s2;
	s6 =	simm.s32 $0x108;
	_ =	swait.ge @!p0 [sflag:s8], $0x0  }
0x24: {  	s3 =	sadd.s32 $0x88, s3;
	s6 =	simm.s32 @!p1 $0x1082;
	[sflag:s4] =	ssyncset.s32 $0xFFFFF086  }
0x25: {  	[simem:s6], [sflag:s4] =	dma.local [hbm:s3], $0xF7A  }
0x26: {  	[smem:$0x3F9F] =	sst s1;
	(tag) =	ssettag s2;
	_ =	strace s9  }
0x27: {  	s1 =	sld [smem:$0x3FAF]  }
0x28: {  	s2 =	sld [smem:$0x3FB0]  }
0x29: {  	s4 =	sld [smem:$0x3FB2]  }
0x2a: {  	p0 =	seq.s32 s5, $0x0;
	s5 =	sld [smem:$0x3FB3]  }
0x2b: {  	s6 =	sld [smem:$0x3FB4]  }
0x2c: {  	s7 =	sld [smem:$0x3FB5]  }
0x2d: {  	s3 =	simm.s32 $0x108;
	s8 =	sld [smem:$0x3FB6]  }
0x2e: {  	s3 =	simm.s32 @!p0 $0x1082;
	s9 =	sld [smem:$0x3FB7]  }
0x2f: {  	lr =	sadd.s32 s0, s3;
	s0 =	sld [smem:$0x3FAE]  }
0x30: {  	s3 =	sld [smem:$0x3FB1]  }
0x31: {  	[smem:$0x3FBA] =	sst s10  }
0x32: {  	s10 =	sld [smem:$0x3FB8];
	_ =	sdelay $0x3  }
0x33: {  	p0 =	seq.s32 s10, $0x1;
	s10 =	sld [smem:$0x3FBA];
	_ =	sdelay $0x3  }
0x34: {  	[smem:$0x3FBA] =	sst s10  }
0x35: {  	s10 =	sld [smem:$0x3FB9];
	_ =	sdelay $0x3  }
0x36: {  	p1 =	seq.s32 s10, $0x1;
	s10 =	sld [smem:$0x3FBA];
	_ =	sdelay $0x3  }
0x37: {  	[smem:$0x3FBA] =	sst s10  }
0x38: {  	s10 =	sld [smem:$0x3FBB]  }
0x39: {  	_ = 	snop;
	(pc) =	sbr.ind lr, $3  }
0x3a: {  	_ = 	snop  }
0x3b: {  	_ = 	snop  }
0x3c: {  	p2 =	seq.s32 s10, $0x1;
	s10 =	sld [smem:$0x3FBA]  }
0x3d: {  	_ =	shalt  }
0x3e: {  	_ =	shalt  }
0x3f: {  	_ =	shalt  }
0x40: {  	_ =	shalt  }
0x41: {  	_ =	shalt  }
0x42: {  	_ =	shalt  }
0x43: {  	_ =	shalt  }
0x44: {  	_ =	shalt  }
0x45: {  	_ =	shalt  }
0x46: {  	_ =	shalt  }
0x47: {  	_ =	shalt  }
0x48: {  	_ =	shalt  }
0x49: {  	_ =	shalt  }
0x4a: {  	_ =	shalt  }
0x4b: {  	_ =	shalt  }
0x4c: {  	_ =	shalt  }
0x4d: {  	_ =	shalt  }
0x4e: {  	_ =	shalt  }
0x4f: {  	_ =	shalt  }
0x50: {  	_ =	shalt  }
0x51: {  	_ =	shalt  }
0x52: {  	_ =	shalt  }
0x53: {  	_ =	shalt  }
0x54: {  	_ =	shalt  }
0x55: {  	_ =	shalt  }
0x56: {  	_ =	shalt  }
0x57: {  	_ =	shalt  }
0x58: {  	_ =	shalt  }
0x59: {  	_ =	shalt  }
0x5a: {  	_ =	shalt  }
0x5b: {  	_ =	shalt  }
0x5c: {  	_ =	shalt  }
0x5d: {  	_ =	shalt  }
0x5e: {  	_ =	shalt  }
0x5f: {  	_ =	shalt  }
0x60: {  	_ =	shalt  }
0x61: {  	_ =	shalt  }
0x62: {  	_ =	shalt  }
0x63: {  	_ =	shalt  }
0x64: {  	_ =	shalt  }
0x65: {  	_ =	shalt  }
0x66: {  	_ =	shalt  }
0x67: {  	_ =	shalt  }
0x68: {  	_ =	shalt  }
0x69: {  	_ =	shalt  }
0x6a: {  	_ =	shalt  }
0x6b: {  	_ =	shalt  }
0x6c: {  	_ =	shalt  }
0x6d: {  	_ =	shalt  }
0x6e: {  	_ =	shalt  }
0x6f: {  	_ =	shalt  }
0x70: {  	_ =	shalt  }
0x71: {  	_ =	shalt  }
0x72: {  	_ =	shalt  }
0x73: {  	_ =	shalt  }
0x74: {  	_ =	shalt  }
0x75: {  	_ =	shalt  }
0x76: {  	_ =	shalt  }
0x77: {  	_ =	shalt  }
0x78: {  	_ =	shalt  }
0x79: {  	_ =	shalt  }
0x7a: {  	_ =	shalt  }
0x7b: {  	_ =	shalt  }
0x7c: {  	_ =	shalt  }
0x7d: {  	_ =	shalt  }
0x7e: {  	_ =	shalt  }
0x7f: {  	_ =	shalt  }
0x80: {  	_ =	shalt  }
0x81: {  	_ =	shalt  }
0x82: {  	_ =	shalt  }
0x83: {  	_ =	shalt  }
0x84: {  	_ =	shalt  }
0x85: {  	_ =	shalt  }
0x86: {  	_ =	shalt  }
0x87: {  	_ =	shalt  }
.Lfunc_end0:
.L_simem_size_0:
called_computation_lowered:
.L_overlay_start_0:
0x88: {  	s2 =	sld [smem:$0x3FD9]  }
0x89: {  	s3 =	sld [smem:$0x3FFE];
	_ =	sdelay $0x1  }
0x8a: {  	s1 =	srdreg.scid  }
0x8b: {  	s0 =	sand.u32 $0x1, s1  }
0x8c: {  	s17 =	sshll.u32 s0, $0xA;
	s2 =	sadd.s32 s3, s2  }
0x8d: {  	s2 =	sadd.s32 s2, s17  }
0x8e: {  	[smem:$0x3FC6] =	sst s2  }
0x8f: {  	_ = 	snop  }
0x90: {  	s2 =	sld [smem:$0x3FD0];
	(tm) =	ssettm $0x1  }
0x91: {  	s18 =	sld [smem:$0x3FFB];
	_ =	sdelay $0x3  }
0x92: {  	_ =	strace s18  }
0x93: {  	s3 =	sld [smem:$0x3FFC];
	_ =	sdelay $0x3  }
0x94: {  	_ =	strace s3  }
0x95: {  	s3 =	sld [smem:$0x3FFD];
	_ =	sdelay $0x3  }
0x96: {  	_ =	strace s3  }
0x97: {  	_ =	strace $0x8FFFFFFF  }
0x98: {  	s19 =	sld [smem:$0x3FDB];
	_ =	sdelay $0x1  }
0x99: {  	s4 =	simm.s32 $_scs_section_size  }
0x9a: {  	s5 =	simm.s32 $_size__tile_overlayer_lowered;
	s6 =	simm.s32 $_tile_overlayer_lowered  }
0x9b: {  	s22 =	simm.s32 $0x1BFF;
	s21 =	sshll.u32 s6, $0x1;
	s3 =	sadd.s32 s4, s19  }
0x9c: {  	s7 =	simm.s32 $0x0;
	s20 =	sshll.u32 s5, $0x1;
	s5 =	sadd.s32 s21, s3  }
0x9d: {  	[timem:s7], [sflag:s22] =	dma.local [hbm:s5], s20  }
0x9e: {  	_ =	swait.ge [sflag:s22], s20  }
0x9f: {  	s4 =	ssub.s32 $0x0, s20;
	[sflag:s22] =	ssyncset.done $0x0  }
0xa0: {  	[sflag:s22] =	ssyncadd.s32 s4;
	_ =	sdelay $0x1  }
0xa1: {  	s23 =	simm.s32 $0x1B8B  }
0xa2: {  	_ =	swait.ge [sflag:s23], $0x1  }
0xa3: {  	[sflag:s23] =	ssyncset.done $0x0  }
0xa4: {  	s25 =	simm.s32 $0x1B8E;
	s24 =	sld [smem:$0x3FFE];
	[sflag:s23] =	ssyncadd.s32 $0xFFFFFFFF  }
0xa5: {  	s26 =	simm.s32 $execute0_lowered;
	[smem:$0x3FD2] =	sst s25  }
0xa6: {  	s5 =	sshll.u32 s26, $0x1;
	_ =	strace $0x80000046;
	[dreg:$0x1] =	wrdreg $0xFFFFFFFF  }
0xa7: {  	s28 =	simm.s32 $_size_execute0_lowered;
	s3 =	sadd.s32 s3, s5;
	[dreg:$0x0] =	wrdreg $0x0  }
0xa8: {  	s5 =	sshll.u32 s28, $0x1;
	[dreg:$0x2] =	wrdreg s3  }
0xa9: {  	[dreg:$0x3] =	wrdreg s5  }
0xaa: {  	[dreg:$0x4] =	wrdreg $0xC0  }
0xab: {  	_ =	task [dreg:s7], $0x5FFFF  }
0xac: {  	[dreg:$0x1] =	wrdreg $0xFFFFFFFF  }
0xad: {  	[dreg:$0x0] =	wrdreg $0x60  }
0xae: {  	[dreg:$0x2] =	wrdreg s2  }
0xaf: {  	[dreg:$0x3] =	wrdreg s24  }
0xb0: {  	[dreg:$0x4] =	wrdreg $0x9  }
0xb1: {  	_ =	task.clear_ibuf [dreg:s7], $0x5FFFF;
	_ =	strace $0x90000046  }
0xb2: {  	s29 =	simm.s32 $0x9;
	_ =	strace $0x80000048  }
0xb3: {  	_ =	swait.ge [sflag:s29], $0x1  }
0xb4: {  	[sflag:s29] =	ssyncadd.s32 $0xFFFFFFFF  }
0xb5: {  	_ =	strace $0x90000048  }
0xb6: {  	_ =	sfence  }
0xb7: {  	s30 =	sld [smem:$0x0];
	_ =	sdelay $0x2  }
0xb8: {  	s31 =	sshll.u32 s1, $0xD;
	s1 =	sshrl.u32 s1, $0x2  }
0xb9: {  	s3 =	sand.u32 $0x4000, s31;
	s1 =	sadd.s32 s1, s30  }
0xba: {  	s0 =	sor.u32 s3, s0;
	s1 =	sshll.u32 s1, $0x11  }
0xbb: {  	s0 =	sor.u32 s1, s0  }
0xbc: {  	s0 =	sadd.s32 $0x8F2B, s0  }
0xbd: {  	[sflag:s0] =	ssyncadd.remote.s32 $0x1  }
0xbe: {  	_ =	sfence.sel $0xFFFF  }
0xbf: {  	[dreg:$0x0] =	wrdreg $0xFFFFFFFF;
	(pc) =	sbr.abs _section_cstart, $3  }
0xc0: {  	[dreg:$0x1] =	wrdreg $0xFFFFFFFF  }
0xc1: {  	_ =	task.clear_ibuf [dreg:s7], $0x2FFFF;
	_ =	strace $0x9FFFFFFF  }
0xc2: {  	(tm) =	ssettm $0x7FFFFFFF  }
0xc3: {  	_ =	shalt  }
tec
execute0_lowered:
.L_overlay_start_1:
0x0: {  	(tag) =	ssettag $0x1  }
0x1: {  	s1 =	rddreg [dreg:$0x0]  }
0x2: {  	s0 =	rddreg [dreg:$0x1]  }
0x3: {  	s3 =	simm.s32 $0x0;
	s6 =	stileid.u32;
	s4 =	srdreg.scid  }
0x4: {  	s16 =	simm.s32 $0x5;
	s20 =	simm.s32 $0x1;
	s21 =	simm.s32 $0x19600  }
0x5: {  	s22 =	simm.s32 $0x1AE80;
	s23 =	simm.s32 $0x2;
	s28 =	simm.s32 $0x0  }
0x6: {  	[smem:$0x7FF] =	sst s3;
	s2 =	sshrl.u32 s6, $0x1;
	s6 =	sshll.u32 s6, $0x1  }
0x7: {  	s4 =	sand.u32 $0x1, s4;
	_ =	strace $0x80000047;
	s5 =	smul.u32 $0x1C, s2  }
0x8: {  	s7 =	smul.u32 $0x1C0, s2;
	s6 =	sand.u32 $0x2, s6;
	s8 =	ssub.s32 $0x2, s4  }
0x9: {  	s6 =	sor.u32 s4, s6;
	s4 =	smul.u32 $0x930000, s2;
	s9 =	sshrl.u32 s8, $0x1  }
0xa: {  	s24 =	sadd.s32 s5, s0;
	s10 =	smul.u32 $0x24C000, s6;
	s7 =	sadd.s32 s7, s0  }
0xb: {  	s5 =	sadd.s32 $0x2800, s0;
	s25 =	ssub.s32 s8, s9;
	s26 =	sadd.s32 $0xA00, s24  }
0xc: {  	s6 =	smul.u32 $0x30, s6;
	s2 =	sadd.s32 $0x800, s24;
	[dreg:$0x3] =	wrdreg s26  }
0xd: {  	s30 =	sadd.s32 $0x1A00, s7;
	s7 =	sadd.s32 $0xC00, s7;
	[dreg:$0x4] =	wrdreg s2  }
0xe: {  	s0 =	smax.u32 s25, $0x1;
	s24 =	simm.s32 $0x3;
	[dreg:$0x5] =	wrdreg s30  }
0xf: {  	s25 =	simm.s32 $0xCB00;
	s29 =	sadd.s32 s4, s10;
	[dreg:$0x6] =	wrdreg s7  }
0x10: {  	s12 =	sor.u32 $0x1, s6;
	s13 =	sor.u32 $0x2, s6;
	s31 =	sshrl.u32 s29, $0x3  }
0x11: {  	[dreg:$0x7] =	wrdreg s0;
	s26 =	simm.s32 $0x4;
	s11 =	sadd.s32 s1, s31  }
.LBB2_1:
0x12: {  	s0 =	rddreg [dreg:$0x3];
	s2 =	simm.s32 $0x1C700  }
0x13: {  	[tilespmem:s2], [sflag:$0x5] =	stream.linear.gather [hbm4b:s0+s3], $0xE0, $0x38;
	[tilespmem:$0x1E4C0] =	vst v63  }
0x14: {  	_ =	swait.ge [sflag:s16], $0xE0  }
0x15: {  	[sflag:s16] =	ssyncset.done $0x0  }
0x16: {  	s17 =	simm.s32 $0x1C7E0;
	s15 =	rddreg [dreg:$0x4];
	[sflag:s16] =	ssyncadd.s32 $0xFFFFFF20  }
0x17: {  	[tilespmem:s17], [sflag:$0x5] =	stream.linear.gather [hbm4b:s15+s3], $0xE0, $0x38;
	[tilespmem:$0x1E4C0] =	vst v63  }
0x18: {  	_ =	swait.ge [sflag:s16], $0xE0  }
0x19: {  	[sflag:s16] =	ssyncset.done $0x0  }
0x1a: {  	s19 =	simm.s32 $0x1C8C0;
	s18 =	rddreg [dreg:$0x5];
	[sflag:s16] =	ssyncadd.s32 $0xFFFFFF20  }
0x1b: {  	[tilespmem:s19], [sflag:$0x5] =	stream.linear.gather [hbm4b:s18+s3], $0xE00, $0x38;
	[tilespmem:$0x1E4C0] =	vst v63  }
0x1c: {  	_ =	swait.ge [sflag:s16], $0xE00  }
0x1d: {  	[sflag:s16] =	ssyncset.done $0x0  }
0x1e: {  	s30 =	simm.s32 $0x1D6C0;
	s29 =	rddreg [dreg:$0x6];
	[sflag:s16] =	ssyncadd.s32 $0xFFFFF200  }
0x1f: {  	[tilespmem:s30], [sflag:$0x5] =	stream.linear.gather [hbm4b:s29+s3], $0xE00, $0x38;
	[tilespmem:$0x1E4C0] =	vst v63  }
0x20: {  	_ =	swait.ge [sflag:s16], $0xE00  }
0x21: {  	s31 =	sadd.s32 $0x0, s11;
	[sflag:s16] =	ssyncset.done $0x0  }
0x22: {  	s0 =	simm.s32 $0x1C;
	s2 =	simm.s32 $0x0;
	[sflag:s16] =	ssyncadd.s32 $0xFFFFF200  }
0x23: {  	[tilespmem:s3], [sflag:$0x1] =	stream.linear.gather [hbm4b:s31+s3], $0xE0, $0x38;
	[tilespmem:$0x1E4C0] =	vst v63  }
.LBB2_2:
0x24: {  	p0 =	sne.s32 s0, $0x1864  }
.Ltmp0:
0x25: {  	_ = 	snop;
	(pc) =	sbr.rel @p0 .LBB2_2-.Ltmp0, $4  }
0x26: {  	_ = 	snop  }
0x27: {  	s7 =	sadd.s32 s0, s11;
	s2 =	sadd.s32 $0xE8, s2  }
0x28: {  	s29 =	simm.s32 $0x0;
	s0 =	sadd.s32 $0x1C, s0  }
0x29: {  	[tilespmem:s2], [sflag:$0x1] =	stream.linear.gather [hbm4b:s7+s29], $0xE0, $0x38;
	[tilespmem:$0x1E4C0] =	vst v63  }
.LBB2_3:
0x2a: {  	s31 =	sshll.u32 s29, $0x1  }
0x2b: {  	s0 =	sadd.s32 s31, s12  }
0x2c: {  	s0 =	smul.u32 $0xC400, s0;
	_ =	sdelay $0x1  }
0x2d: {  	s30 =	sadd.s32 s4, s0  }
0x2e: {  	s0 =	sshrl.u32 s30, $0x3  }
0x2f: {  	s2 =	simm.s32 $0xCB00;
	s0 =	sadd.s32 s1, s0  }
0x30: {  	s7 =	simm.s32 $0x1C;
	s8 =	simm.s32 $0xCBE8;
	s9 =	sadd.s32 $0x0, s0  }
.LBB2_4:
0x31: {  	[tilespmem:s2], [sflag:$0x2] =	stream.linear.gather [hbm4b:s9+s3], $0xE0, $0x38;
	[tilespmem:$0x1E4C0] =	vst v63  }
0x32: {  	s9 =	smov.u32 s7;
	s2 =	smov.u32 s8;
	p0 =	sne.s32 s7, $0x1864  }
.Ltmp1:
0x33: {  	s7 =	sadd.s32 $0x1C, s7;
	(pc) =	sbr.rel @p0 .LBB2_4-.Ltmp1, $2  }
0x34: {  	_ =	sdelay $0x2  }
0x35: {  	s8 =	sadd.s32 $0xE8, s8;
	s9 =	sadd.s32 s9, s0  }
0x36: {  	[tilespmem:s2], [sflag:$0x2] =	stream.linear.gather [hbm4b:s9+s3], $0xE0, $0x38;
	[tilespmem:$0x1E4C0] =	vst v63  }
0x37: {  	s0 =	sadd.s32 s6, s31;
	s15 =	simm.s32 $0x0;
	s17 =	simm.s32 $0x1C8C0  }
0x38: {  	s18 =	simm.s32 $0x1D6C0;
	_ =	swait.ge [sflag:s20], $0xC400;
	s19 =	smul.u32 $0xC400, s0  }
0x39: {  	s7 =	simm.s32 $0x1D880;
	s0 =	sshll.u32 s29, $0x4;
	[sflag:s20] =	ssyncset.done $0x0  }
0x3a: {  	[sflag:s20] =	ssyncadd.s32 $0xFFFF3C00;
	s2 =	sadd.s32 s4, s19;
	s19 =	simm.s32 $0x1CA80  }
.LBB2_6:
0x3b: {  	s8 =	sor.u32 s29, s15  }
0x3c: {  	p0 =	seq.s32 s8, $0x0  }
0x3d: {  	s9 =	simm.s32 @!p0 $0x3  }
0x3e: {  	v1 =	vmov s18;
	_ =	swait.ge @!p0 [sflag:s9], $0x1880  }
0x3f: {  	v0 =	vmov s17;
	s10 =	simm.s32 $0x0;
	[sflag:s9] =	ssyncset.done @!p0 $0x0  }
0x40: {  	s8 =	sshll.u32 s15, $0x1;
	[sflag:s9] =	ssyncadd.s32 @!p0 $0xFFFFE780;
	s9 =	simm.s32 $0x19670  }
.LBB2_7:
0x41: {  	v4 =	vld [tilespmem:$0x1C7E0]  }
0x42: {  	s14 =	sshra.s32 s10, $0x2;
	v5 =	vld [tilespmem:$0x1C700]  }
0x43: {  	v3 =	vld.idx.msk [tilespmem:v1+s14+$0x0 ss:$0x1], $0xffff  }
0x44: {  	v2 =	vld.idx.msk [tilespmem:v0+s14+$0x0 ss:$0x1], $0xffff;
	_ =	sdelay $0x3  }
0x45: {  	v4 =	vadd.f32 v4, v3  }
0x46: {  	v5 =	vadd.f32 v5, v2  }
0x47: {  	v4 =	vmax.f32 v4, $0.0e+00  }
0x48: {  	v5 =	vmax.f32 v5, $0.0e+00;
	v4 =	vmin.f32 v4, $2.229999850e+02  }
0x49: {  	v5 =	vmin.f32 v5, $2.229999850e+02;
	v6 =	vtrunc.f32 v4  }
0x4a: {  	v7 =	vtrunc.f32 v5;
	v6 =	vcvt.f32.s32 v6  }
0x4b: {  	v7 =	vcvt.f32.s32 v7  }
0x4c: {  	v8 =	vmul.u32 $0xE8, v6  }
0x4d: {  	v9 =	vand.u32 $0xFFFFFFF8, v7;
	v10 =	vadd.s32 $0x1, v7;
	v11 =	vand.u32 $0x7, v7  }
0x4e: {  	v13 =	vand.u32 $0xFFFFFFF8, v10;
	v10 =	vand.u32 $0x7, v10;
	v12 =	vadd.s32 v9, v8  }
0x4f: {  	v14 =	vadd.s32 v13, v8;
	v8 =	vadd.s32 $0xE8, v8;
	v12 =	vor.u32 v11, v12  }
0x50: {  	v14 =	vor.u32 v10, v14;
	v9 =	vadd.s32 v9, v8  }
0x51: {  	v8 =	vadd.s32 v13, v8;
	v9 =	vor.u32 v11, v9  }
0x52: {  	v8 =	vor.u32 v10, v8;
	_ =	sdelay $0x1  }
0x53: {  	v38 =	vld.idx.msk [tilespmem:v12+s3+$0x0], $0xffff  }
0x54: {  	v39 =	vld.idx.msk [tilespmem:v14+s3+$0x0], $0xffff  }
0x55: {  	v9 =	vld.idx.msk [tilespmem:v9+s3+$0x0], $0xffff  }
0x56: {  	v8 =	vld.idx.msk [tilespmem:v8+s3+$0x0], $0xffff;
	_ =	sdelay $0x1  }
0x57: {  	v7 =	vcvt.s32.f32 v7;
	_ =	sdelay $0x1  }
0x58: {  	v5 =	vsub.f32 v5, v7  }
0x59: {  	v40 =	vsub.f32 v39, v38;
	v8 =	vsub.f32 v8, v9;
	_ =	sdelay $0x1  }
0x5a: {  	v7 =	vmul.f32 v5, v40;
	v5 =	vmul.f32 v8, v5;
	_ =	sdelay $0x1  }
0x5b: {  	v6 =	vcvt.s32.f32 v6;
	v7 =	vadd.f32 v7, v38;
	v5 =	vadd.f32 v5, v9;
	_ =	sdelay $0x1  }
0x5c: {  	v4 =	vsub.f32 v4, v6;
	v5 =	vsub.f32 v5, v7;
	_ =	sdelay $0x1  }
0x5d: {  	v4 =	vmul.f32 v5, v4;
	_ =	sdelay $0x1  }
0x5e: {  	v4 =	vadd.f32 v4, v7;
	_ =	sdelay $0x1  }
0x5f: {  	[tilespmem:s9+$0xFFFFFF90] =	vst v4  }
0x60: {  	v4 =	vld [tilespmem:$0x1C7F0]  }
0x61: {  	v41 =	vld [tilespmem:$0x1C710];
	_ =	sdelay $0x3  }
0x62: {  	v4 =	vadd.f32 v4, v3  }
0x63: {  	v5 =	vadd.f32 v41, v2  }
0x64: {  	v4 =	vmax.f32 v4, $0.0e+00  }
0x65: {  	v5 =	vmax.f32 v5, $0.0e+00;
	v4 =	vmin.f32 v4, $2.229999850e+02  }
0x66: {  	v5 =	vmin.f32 v5, $2.229999850e+02;
	v42 =	vtrunc.f32 v4  }
0x67: {  	v43 =	vtrunc.f32 v5;
	v6 =	vcvt.f32.s32 v42  }
0x68: {  	v7 =	vcvt.f32.s32 v43  }
0x69: {  	v44 =	vmul.u32 $0xE8, v6  }
0x6a: {  	v45 =	vand.u32 $0xFFFFFFF8, v7;
	v46 =	vadd.s32 $0x1, v7;
	v47 =	vand.u32 $0x7, v7  }
0x6b: {  	v49 =	vand.u32 $0xFFFFFFF8, v46;
	v10 =	vand.u32 $0x7, v46;
	v48 =	vadd.s32 v45, v44  }
0x6c: {  	v50 =	vadd.s32 v49, v44;
	v8 =	vadd.s32 $0xE8, v44;
	v12 =	vor.u32 v47, v48  }
0x6d: {  	v14 =	vor.u32 v10, v50;
	v9 =	vadd.s32 v45, v8  }
0x6e: {  	v8 =	vadd.s32 v49, v8;
	v9 =	vor.u32 v47, v9  }
0x6f: {  	v8 =	vor.u32 v10, v8;
	_ =	sdelay $0x1  }
0x70: {  	v51 =	vld.idx.msk [tilespmem:v12+s3+$0x0], $0xffff  }
0x71: {  	v52 =	vld.idx.msk [tilespmem:v14+s3+$0x0], $0xffff  }
0x72: {  	v9 =	vld.idx.msk [tilespmem:v9+s3+$0x0], $0xffff  }
0x73: {  	v8 =	vld.idx.msk [tilespmem:v8+s3+$0x0], $0xffff;
	_ =	sdelay $0x1  }
0x74: {  	v7 =	vcvt.s32.f32 v7;
	_ =	sdelay $0x1  }
0x75: {  	v5 =	vsub.f32 v5, v7  }
0x76: {  	v53 =	vsub.f32 v52, v51;
	v8 =	vsub.f32 v8, v9;
	_ =	sdelay $0x1  }
0x77: {  	v7 =	vmul.f32 v5, v53;
	v5 =	vmul.f32 v8, v5;
	_ =	sdelay $0x1  }
0x78: {  	v6 =	vcvt.s32.f32 v6;
	v7 =	vadd.f32 v7, v51;
	v5 =	vadd.f32 v5, v9;
	_ =	sdelay $0x1  }
0x79: {  	v4 =	vsub.f32 v4, v6;
	v5 =	vsub.f32 v5, v7;
	_ =	sdelay $0x1  }
0x7a: {  	v4 =	vmul.f32 v5, v4;
	_ =	sdelay $0x1  }
0x7b: {  	v4 =	vadd.f32 v4, v7;
	_ =	sdelay $0x1  }
0x7c: {  	[tilespmem:s9+$0xFFFFFFA0] =	vst v4  }
0x7d: {  	v4 =	vld [tilespmem:$0x1C800]  }
0x7e: {  	v54 =	vld [tilespmem:$0x1C720];
	_ =	sdelay $0x3  }
0x7f: {  	v4 =	vadd.f32 v4, v3  }
0x80: {  	v5 =	vadd.f32 v54, v2  }
0x81: {  	v4 =	vmax.f32 v4, $0.0e+00  }
0x82: {  	v5 =	vmax.f32 v5, $0.0e+00;
	v4 =	vmin.f32 v4, $2.229999850e+02  }
0x83: {  	v5 =	vmin.f32 v5, $2.229999850e+02;
	v55 =	vtrunc.f32 v4  }
0x84: {  	v56 =	vtrunc.f32 v5;
	v6 =	vcvt.f32.s32 v55  }
0x85: {  	v7 =	vcvt.f32.s32 v56  }
0x86: {  	v57 =	vmul.u32 $0xE8, v6  }
0x87: {  	v58 =	vand.u32 $0xFFFFFFF8, v7;
	v59 =	vadd.s32 $0x1, v7;
	v60 =	vand.u32 $0x7, v7  }
0x88: {  	v62 =	vand.u32 $0xFFFFFFF8, v59;
	v10 =	vand.u32 $0x7, v59;
	v61 =	vadd.s32 v58, v57  }
0x89: {  	v63 =	vadd.s32 v62, v57;
	v8 =	vadd.s32 $0xE8, v57;
	v12 =	vor.u32 v60, v61  }
0x8a: {  	v14 =	vor.u32 v10, v63;
	v9 =	vadd.s32 v58, v8  }
0x8b: {  	v8 =	vadd.s32 v62, v8;
	v9 =	vor.u32 v60, v9  }
0x8c: {  	v8 =	vor.u32 v10, v8;
	_ =	sdelay $0x1  }
0x8d: {  	v13 =	vld.idx.msk [tilespmem:v12+s3+$0x0], $0xffff  }
0x8e: {  	v15 =	vld.idx.msk [tilespmem:v14+s3+$0x0], $0xffff  }
0x8f: {  	v9 =	vld.idx.msk [tilespmem:v9+s3+$0x0], $0xffff  }
0x90: {  	v8 =	vld.idx.msk [tilespmem:v8+s3+$0x0], $0xffff;
	_ =	sdelay $0x1  }
0x91: {  	v7 =	vcvt.s32.f32 v7;
	_ =	sdelay $0x1  }
0x92: {  	v5 =	vsub.f32 v5, v7  }
0x93: {  	v16 =	vsub.f32 v15, v13;
	v8 =	vsub.f32 v8, v9;
	_ =	sdelay $0x1  }
0x94: {  	v7 =	vmul.f32 v5, v16;
	v5 =	vmul.f32 v8, v5;
	_ =	sdelay $0x1  }
0x95: {  	v6 =	vcvt.s32.f32 v6;
	v7 =	vadd.f32 v7, v13;
	v5 =	vadd.f32 v5, v9;
	_ =	sdelay $0x1  }
0x96: {  	v4 =	vsub.f32 v4, v6;
	v5 =	vsub.f32 v5, v7;
	_ =	sdelay $0x1  }
0x97: {  	v4 =	vmul.f32 v5, v4;
	_ =	sdelay $0x1  }
0x98: {  	v4 =	vadd.f32 v4, v7;
	_ =	sdelay $0x1  }
0x99: {  	[tilespmem:s9+$0xFFFFFFB0] =	vst v4  }
0x9a: {  	v4 =	vld [tilespmem:$0x1C810]  }
0x9b: {  	v17 =	vld [tilespmem:$0x1C730];
	_ =	sdelay $0x3  }
0x9c: {  	v4 =	vadd.f32 v4, v3  }
0x9d: {  	v5 =	vadd.f32 v17, v2  }
0x9e: {  	v4 =	vmax.f32 v4, $0.0e+00  }
0x9f: {  	v5 =	vmax.f32 v5, $0.0e+00;
	v4 =	vmin.f32 v4, $2.229999850e+02  }
0xa0: {  	v5 =	vmin.f32 v5, $2.229999850e+02;
	v18 =	vtrunc.f32 v4  }
0xa1: {  	v19 =	vtrunc.f32 v5;
	v6 =	vcvt.f32.s32 v18  }
0xa2: {  	v7 =	vcvt.f32.s32 v19  }
0xa3: {  	v20 =	vmul.u32 $0xE8, v6  }
0xa4: {  	v21 =	vand.u32 $0xFFFFFFF8, v7;
	v22 =	vadd.s32 $0x1, v7;
	v23 =	vand.u32 $0x7, v7  }
0xa5: {  	v25 =	vand.u32 $0xFFFFFFF8, v22;
	v10 =	vand.u32 $0x7, v22;
	v24 =	vadd.s32 v21, v20  }
0xa6: {  	v26 =	vadd.s32 v25, v20;
	v8 =	vadd.s32 $0xE8, v20;
	v12 =	vor.u32 v23, v24  }
0xa7: {  	v14 =	vor.u32 v10, v26;
	v9 =	vadd.s32 v21, v8  }
0xa8: {  	v8 =	vadd.s32 v25, v8;
	v9 =	vor.u32 v23, v9  }
0xa9: {  	v8 =	vor.u32 v10, v8;
	_ =	sdelay $0x1  }
0xaa: {  	v27 =	vld.idx.msk [tilespmem:v12+s3+$0x0], $0xffff  }
0xab: {  	v28 =	vld.idx.msk [tilespmem:v14+s3+$0x0], $0xffff  }
0xac: {  	v9 =	vld.idx.msk [tilespmem:v9+s3+$0x0], $0xffff  }
0xad: {  	v8 =	vld.idx.msk [tilespmem:v8+s3+$0x0], $0xffff;
	_ =	sdelay $0x1  }
0xae: {  	v7 =	vcvt.s32.f32 v7;
	_ =	sdelay $0x1  }
0xaf: {  	v5 =	vsub.f32 v5, v7  }
0xb0: {  	v29 =	vsub.f32 v28, v27;
	v8 =	vsub.f32 v8, v9;
	_ =	sdelay $0x1  }
0xb1: {  	v7 =	vmul.f32 v5, v29;
	v5 =	vmul.f32 v8, v5;
	_ =	sdelay $0x1  }
0xb2: {  	v6 =	vcvt.s32.f32 v6;
	v7 =	vadd.f32 v7, v27;
	v5 =	vadd.f32 v5, v9;
	_ =	sdelay $0x1  }
0xb3: {  	v4 =	vsub.f32 v4, v6;
	v5 =	vsub.f32 v5, v7;
	_ =	sdelay $0x1  }
0xb4: {  	v4 =	vmul.f32 v5, v4;
	_ =	sdelay $0x1  }
0xb5: {  	v4 =	vadd.f32 v4, v7;
	_ =	sdelay $0x1  }
0xb6: {  	[tilespmem:s9+$0xFFFFFFC0] =	vst v4  }
0xb7: {  	v4 =	vld [tilespmem:$0x1C820]  }
0xb8: {  	v30 =	vld [tilespmem:$0x1C740];
	_ =	sdelay $0x3  }
0xb9: {  	v4 =	vadd.f32 v4, v3  }
0xba: {  	v5 =	vadd.f32 v30, v2  }
0xbb: {  	v4 =	vmax.f32 v4, $0.0e+00  }
0xbc: {  	v5 =	vmax.f32 v5, $0.0e+00;
	v4 =	vmin.f32 v4, $2.229999850e+02  }
0xbd: {  	v5 =	vmin.f32 v5, $2.229999850e+02;
	v31 =	vtrunc.f32 v4  }
0xbe: {  	v32 =	vtrunc.f32 v5;
	v6 =	vcvt.f32.s32 v31  }
0xbf: {  	v7 =	vcvt.f32.s32 v32  }
0xc0: {  	v33 =	vmul.u32 $0xE8, v6  }
0xc1: {  	v34 =	vand.u32 $0xFFFFFFF8, v7;
	v35 =	vadd.s32 $0x1, v7;
	v36 =	vand.u32 $0x7, v7  }
0xc2: {  	v38 =	vand.u32 $0xFFFFFFF8, v35;
	v10 =	vand.u32 $0x7, v35;
	v37 =	vadd.s32 v34, v33  }
0xc3: {  	v39 =	vadd.s32 v38, v33;
	v8 =	vadd.s32 $0xE8, v33;
	v12 =	vor.u32 v36, v37  }
0xc4: {  	v14 =	vor.u32 v10, v39;
	v9 =	vadd.s32 v34, v8  }
0xc5: {  	v8 =	vadd.s32 v38, v8;
	v9 =	vor.u32 v36, v9  }
0xc6: {  	v8 =	vor.u32 v10, v8;
	_ =	sdelay $0x1  }
0xc7: {  	v40 =	vld.idx.msk [tilespmem:v12+s3+$0x0], $0xffff  }
0xc8: {  	v41 =	vld.idx.msk [tilespmem:v14+s3+$0x0], $0xffff  }
0xc9: {  	v9 =	vld.idx.msk [tilespmem:v9+s3+$0x0], $0xffff  }
0xca: {  	v8 =	vld.idx.msk [tilespmem:v8+s3+$0x0], $0xffff;
	_ =	sdelay $0x1  }
0xcb: {  	v7 =	vcvt.s32.f32 v7;
	_ =	sdelay $0x1  }
0xcc: {  	v5 =	vsub.f32 v5, v7  }
0xcd: {  	v42 =	vsub.f32 v41, v40;
	v8 =	vsub.f32 v8, v9;
	_ =	sdelay $0x1  }
0xce: {  	v7 =	vmul.f32 v5, v42;
	v5 =	vmul.f32 v8, v5;
	_ =	sdelay $0x1  }
0xcf: {  	v6 =	vcvt.s32.f32 v6;
	v7 =	vadd.f32 v7, v40;
	v5 =	vadd.f32 v5, v9;
	_ =	sdelay $0x1  }
0xd0: {  	v4 =	vsub.f32 v4, v6;
	v5 =	vsub.f32 v5, v7;
	_ =	sdelay $0x1  }
0xd1: {  	v4 =	vmul.f32 v5, v4;
	_ =	sdelay $0x1  }
0xd2: {  	v4 =	vadd.f32 v4, v7;
	_ =	sdelay $0x1  }
0xd3: {  	[tilespmem:s9+$0xFFFFFFD0] =	vst v4  }
0xd4: {  	v4 =	vld [tilespmem:$0x1C830]  }
0xd5: {  	v43 =	vld [tilespmem:$0x1C750];
	_ =	sdelay $0x3  }
0xd6: {  	v4 =	vadd.f32 v4, v3  }
0xd7: {  	v5 =	vadd.f32 v43, v2  }
0xd8: {  	v4 =	vmax.f32 v4, $0.0e+00  }
0xd9: {  	v5 =	vmax.f32 v5, $0.0e+00;
	v4 =	vmin.f32 v4, $2.229999850e+02  }
0xda: {  	v5 =	vmin.f32 v5, $2.229999850e+02;
	v44 =	vtrunc.f32 v4  }
0xdb: {  	v45 =	vtrunc.f32 v5;
	v6 =	vcvt.f32.s32 v44  }
0xdc: {  	v7 =	vcvt.f32.s32 v45  }
0xdd: {  	v46 =	vmul.u32 $0xE8, v6  }
0xde: {  	v47 =	vand.u32 $0xFFFFFFF8, v7;
	v48 =	vadd.s32 $0x1, v7;
	v49 =	vand.u32 $0x7, v7  }
0xdf: {  	v51 =	vand.u32 $0xFFFFFFF8, v48;
	v10 =	vand.u32 $0x7, v48;
	v50 =	vadd.s32 v47, v46  }
0xe0: {  	v52 =	vadd.s32 v51, v46;
	v8 =	vadd.s32 $0xE8, v46;
	v12 =	vor.u32 v49, v50  }
0xe1: {  	v14 =	vor.u32 v10, v52;
	v9 =	vadd.s32 v47, v8  }
0xe2: {  	v8 =	vadd.s32 v51, v8;
	v9 =	vor.u32 v49, v9  }
0xe3: {  	v8 =	vor.u32 v10, v8;
	_ =	sdelay $0x1  }
0xe4: {  	v53 =	vld.idx.msk [tilespmem:v12+s3+$0x0], $0xffff  }
0xe5: {  	v54 =	vld.idx.msk [tilespmem:v14+s3+$0x0], $0xffff  }
0xe6: {  	v9 =	vld.idx.msk [tilespmem:v9+s3+$0x0], $0xffff  }
0xe7: {  	v8 =	vld.idx.msk [tilespmem:v8+s3+$0x0], $0xffff;
	_ =	sdelay $0x1  }
0xe8: {  	v7 =	vcvt.s32.f32 v7;
	_ =	sdelay $0x1  }
0xe9: {  	v5 =	vsub.f32 v5, v7  }
0xea: {  	v55 =	vsub.f32 v54, v53;
	v8 =	vsub.f32 v8, v9;
	_ =	sdelay $0x1  }
0xeb: {  	v7 =	vmul.f32 v5, v55;
	v5 =	vmul.f32 v8, v5;
	_ =	sdelay $0x1  }
0xec: {  	v6 =	vcvt.s32.f32 v6;
	v7 =	vadd.f32 v7, v53;
	v5 =	vadd.f32 v5, v9;
	_ =	sdelay $0x1  }
0xed: {  	v4 =	vsub.f32 v4, v6;
	v5 =	vsub.f32 v5, v7;
	_ =	sdelay $0x1  }
0xee: {  	v4 =	vmul.f32 v5, v4;
	_ =	sdelay $0x1  }
0xef: {  	v4 =	vadd.f32 v4, v7;
	_ =	sdelay $0x1  }
0xf0: {  	[tilespmem:s9+$0xFFFFFFE0] =	vst v4  }
0xf1: {  	v4 =	vld [tilespmem:$0x1C840]  }
0xf2: {  	v56 =	vld [tilespmem:$0x1C760];
	_ =	sdelay $0x3  }
0xf3: {  	v4 =	vadd.f32 v4, v3  }
0xf4: {  	v5 =	vadd.f32 v56, v2  }
0xf5: {  	v4 =	vmax.f32 v4, $0.0e+00  }
0xf6: {  	v5 =	vmax.f32 v5, $0.0e+00;
	v4 =	vmin.f32 v4, $2.229999850e+02  }
0xf7: {  	v5 =	vmin.f32 v5, $2.229999850e+02;
	v57 =	vtrunc.f32 v4  }
0xf8: {  	v58 =	vtrunc.f32 v5;
	v6 =	vcvt.f32.s32 v57  }
0xf9: {  	v7 =	vcvt.f32.s32 v58  }
0xfa: {  	v59 =	vmul.u32 $0xE8, v6  }
0xfb: {  	v60 =	vand.u32 $0xFFFFFFF8, v7;
	v61 =	vadd.s32 $0x1, v7;
	v62 =	vand.u32 $0x7, v7  }
0xfc: {  	v16 =	vand.u32 $0xFFFFFFF8, v61;
	v10 =	vand.u32 $0x7, v61;
	v63 =	vadd.s32 v60, v59  }
0xfd: {  	v17 =	vadd.s32 v16, v59;
	v8 =	vadd.s32 $0xE8, v59;
	v12 =	vor.u32 v62, v63  }
0xfe: {  	v14 =	vor.u32 v10, v17;
	v9 =	vadd.s32 v60, v8  }
0xff: {  	v8 =	vadd.s32 v16, v8;
	v9 =	vor.u32 v62, v9  }
0x100: {  	v8 =	vor.u32 v10, v8;
	_ =	sdelay $0x1  }
0x101: {  	v18 =	vld.idx.msk [tilespmem:v12+s3+$0x0], $0xffff  }
0x102: {  	v19 =	vld.idx.msk [tilespmem:v14+s3+$0x0], $0xffff  }
0x103: {  	v9 =	vld.idx.msk [tilespmem:v9+s3+$0x0], $0xffff  }
0x104: {  	v8 =	vld.idx.msk [tilespmem:v8+s3+$0x0], $0xffff;
	_ =	sdelay $0x1  }
0x105: {  	v7 =	vcvt.s32.f32 v7;
	_ =	sdelay $0x1  }
0x106: {  	v5 =	vsub.f32 v5, v7  }
0x107: {  	v20 =	vsub.f32 v19, v18;
	v8 =	vsub.f32 v8, v9;
	_ =	sdelay $0x1  }
0x108: {  	v7 =	vmul.f32 v5, v20;
	v5 =	vmul.f32 v8, v5;
	_ =	sdelay $0x1  }
0x109: {  	v6 =	vcvt.s32.f32 v6;
	v7 =	vadd.f32 v7, v18;
	v5 =	vadd.f32 v5, v9;
	_ =	sdelay $0x1  }
0x10a: {  	v4 =	vsub.f32 v4, v6;
	v5 =	vsub.f32 v5, v7;
	_ =	sdelay $0x1  }
0x10b: {  	v4 =	vmul.f32 v5, v4;
	_ =	sdelay $0x1  }
0x10c: {  	v4 =	vadd.f32 v4, v7;
	_ =	sdelay $0x1  }
0x10d: {  	[tilespmem:s9+$0xFFFFFFF0] =	vst v4  }
0x10e: {  	v4 =	vld [tilespmem:$0x1C850]  }
0x10f: {  	v21 =	vld [tilespmem:$0x1C770];
	_ =	sdelay $0x3  }
0x110: {  	v4 =	vadd.f32 v4, v3  }
0x111: {  	v5 =	vadd.f32 v21, v2  }
0x112: {  	v4 =	vmax.f32 v4, $0.0e+00  }
0x113: {  	v5 =	vmax.f32 v5, $0.0e+00;
	v4 =	vmin.f32 v4, $2.229999850e+02  }
0x114: {  	v5 =	vmin.f32 v5, $2.229999850e+02;
	v22 =	vtrunc.f32 v4  }
0x115: {  	v23 =	vtrunc.f32 v5;
	v6 =	vcvt.f32.s32 v22  }
0x116: {  	v7 =	vcvt.f32.s32 v23  }
0x117: {  	v24 =	vmul.u32 $0xE8, v6  }
0x118: {  	v25 =	vand.u32 $0xFFFFFFF8, v7;
	v26 =	vadd.s32 $0x1, v7;
	v27 =	vand.u32 $0x7, v7  }
0x119: {  	v29 =	vand.u32 $0xFFFFFFF8, v26;
	v10 =	vand.u32 $0x7, v26;
	v28 =	vadd.s32 v25, v24  }
0x11a: {  	v30 =	vadd.s32 v29, v24;
	v8 =	vadd.s32 $0xE8, v24;
	v12 =	vor.u32 v27, v28  }
0x11b: {  	v14 =	vor.u32 v10, v30;
	v9 =	vadd.s32 v25, v8  }
0x11c: {  	v8 =	vadd.s32 v29, v8;
	v9 =	vor.u32 v27, v9  }
0x11d: {  	v8 =	vor.u32 v10, v8;
	_ =	sdelay $0x1  }
0x11e: {  	v31 =	vld.idx.msk [tilespmem:v12+s3+$0x0], $0xffff  }
0x11f: {  	v32 =	vld.idx.msk [tilespmem:v14+s3+$0x0], $0xffff  }
0x120: {  	v9 =	vld.idx.msk [tilespmem:v9+s3+$0x0], $0xffff  }
0x121: {  	v8 =	vld.idx.msk [tilespmem:v8+s3+$0x0], $0xffff;
	_ =	sdelay $0x1  }
0x122: {  	v7 =	vcvt.s32.f32 v7;
	_ =	sdelay $0x1  }
0x123: {  	v5 =	vsub.f32 v5, v7  }
0x124: {  	v33 =	vsub.f32 v32, v31;
	v8 =	vsub.f32 v8, v9;
	_ =	sdelay $0x1  }
0x125: {  	v7 =	vmul.f32 v5, v33;
	v5 =	vmul.f32 v8, v5;
	_ =	sdelay $0x1  }
0x126: {  	v6 =	vcvt.s32.f32 v6;
	v7 =	vadd.f32 v7, v31;
	v5 =	vadd.f32 v5, v9;
	_ =	sdelay $0x1  }
0x127: {  	v4 =	vsub.f32 v4, v6;
	v5 =	vsub.f32 v5, v7;
	_ =	sdelay $0x1  }
0x128: {  	v4 =	vmul.f32 v5, v4;
	_ =	sdelay $0x1  }
0x129: {  	v4 =	vadd.f32 v4, v7;
	_ =	sdelay $0x1  }
0x12a: {  	[tilespmem:s9+$0x0] =	vst v4  }
0x12b: {  	v4 =	vld [tilespmem:$0x1C860]  }
0x12c: {  	v34 =	vld [tilespmem:$0x1C780];
	_ =	sdelay $0x3  }
0x12d: {  	v4 =	vadd.f32 v4, v3  }
0x12e: {  	v5 =	vadd.f32 v34, v2  }
0x12f: {  	v4 =	vmax.f32 v4, $0.0e+00  }
0x130: {  	v5 =	vmax.f32 v5, $0.0e+00;
	v4 =	vmin.f32 v4, $2.229999850e+02  }
0x131: {  	v5 =	vmin.f32 v5, $2.229999850e+02;
	v35 =	vtrunc.f32 v4  }
0x132: {  	v36 =	vtrunc.f32 v5;
	v6 =	vcvt.f32.s32 v35  }
0x133: {  	v7 =	vcvt.f32.s32 v36  }
0x134: {  	v37 =	vmul.u32 $0xE8, v6  }
0x135: {  	v38 =	vand.u32 $0xFFFFFFF8, v7;
	v39 =	vadd.s32 $0x1, v7;
	v40 =	vand.u32 $0x7, v7  }
0x136: {  	v42 =	vand.u32 $0xFFFFFFF8, v39;
	v10 =	vand.u32 $0x7, v39;
	v41 =	vadd.s32 v38, v37  }
0x137: {  	v43 =	vadd.s32 v42, v37;
	v8 =	vadd.s32 $0xE8, v37;
	v12 =	vor.u32 v40, v41  }
0x138: {  	v14 =	vor.u32 v10, v43;
	v9 =	vadd.s32 v38, v8  }
0x139: {  	v8 =	vadd.s32 v42, v8;
	v9 =	vor.u32 v40, v9  }
0x13a: {  	v8 =	vor.u32 v10, v8;
	_ =	sdelay $0x1  }
0x13b: {  	v44 =	vld.idx.msk [tilespmem:v12+s3+$0x0], $0xffff  }
0x13c: {  	v45 =	vld.idx.msk [tilespmem:v14+s3+$0x0], $0xffff  }
0x13d: {  	v9 =	vld.idx.msk [tilespmem:v9+s3+$0x0], $0xffff  }
0x13e: {  	v8 =	vld.idx.msk [tilespmem:v8+s3+$0x0], $0xffff;
	_ =	sdelay $0x1  }
0x13f: {  	v7 =	vcvt.s32.f32 v7;
	_ =	sdelay $0x1  }
0x140: {  	v5 =	vsub.f32 v5, v7  }
0x141: {  	v46 =	vsub.f32 v45, v44;
	v8 =	vsub.f32 v8, v9;
	_ =	sdelay $0x1  }
0x142: {  	v7 =	vmul.f32 v5, v46;
	v5 =	vmul.f32 v8, v5;
	_ =	sdelay $0x1  }
0x143: {  	v6 =	vcvt.s32.f32 v6;
	v7 =	vadd.f32 v7, v44;
	v5 =	vadd.f32 v5, v9;
	_ =	sdelay $0x1  }
0x144: {  	v4 =	vsub.f32 v4, v6;
	v5 =	vsub.f32 v5, v7;
	_ =	sdelay $0x1  }
0x145: {  	v4 =	vmul.f32 v5, v4;
	_ =	sdelay $0x1  }
0x146: {  	v4 =	vadd.f32 v4, v7;
	_ =	sdelay $0x1  }
0x147: {  	[tilespmem:s9+$0x10] =	vst v4  }
0x148: {  	v4 =	vld [tilespmem:$0x1C870]  }
0x149: {  	v47 =	vld [tilespmem:$0x1C790];
	_ =	sdelay $0x3  }
0x14a: {  	v4 =	vadd.f32 v4, v3  }
0x14b: {  	v5 =	vadd.f32 v47, v2  }
0x14c: {  	v4 =	vmax.f32 v4, $0.0e+00  }
0x14d: {  	v5 =	vmax.f32 v5, $0.0e+00;
	v4 =	vmin.f32 v4, $2.229999850e+02  }
0x14e: {  	v5 =	vmin.f32 v5, $2.229999850e+02;
	v48 =	vtrunc.f32 v4  }
0x14f: {  	v49 =	vtrunc.f32 v5;
	v6 =	vcvt.f32.s32 v48  }
0x150: {  	v7 =	vcvt.f32.s32 v49  }
0x151: {  	v50 =	vmul.u32 $0xE8, v6  }
0x152: {  	v51 =	vand.u32 $0xFFFFFFF8, v7;
	v52 =	vadd.s32 $0x1, v7;
	v53 =	vand.u32 $0x7, v7  }
0x153: {  	v55 =	vand.u32 $0xFFFFFFF8, v52;
	v10 =	vand.u32 $0x7, v52;
	v54 =	vadd.s32 v51, v50  }
0x154: {  	v56 =	vadd.s32 v55, v50;
	v8 =	vadd.s32 $0xE8, v50;
	v12 =	vor.u32 v53, v54  }
0x155: {  	v14 =	vor.u32 v10, v56;
	v9 =	vadd.s32 v51, v8  }
0x156: {  	v8 =	vadd.s32 v55, v8;
	v9 =	vor.u32 v53, v9  }
0x157: {  	v8 =	vor.u32 v10, v8;
	_ =	sdelay $0x1  }
0x158: {  	v57 =	vld.idx.msk [tilespmem:v12+s3+$0x0], $0xffff  }
0x159: {  	v58 =	vld.idx.msk [tilespmem:v14+s3+$0x0], $0xffff  }
0x15a: {  	v9 =	vld.idx.msk [tilespmem:v9+s3+$0x0], $0xffff  }
0x15b: {  	v8 =	vld.idx.msk [tilespmem:v8+s3+$0x0], $0xffff;
	_ =	sdelay $0x1  }
0x15c: {  	v7 =	vcvt.s32.f32 v7;
	_ =	sdelay $0x1  }
0x15d: {  	v5 =	vsub.f32 v5, v7  }
0x15e: {  	v59 =	vsub.f32 v58, v57;
	v8 =	vsub.f32 v8, v9;
	_ =	sdelay $0x1  }
0x15f: {  	v7 =	vmul.f32 v5, v59;
	v5 =	vmul.f32 v8, v5;
	_ =	sdelay $0x1  }
0x160: {  	v6 =	vcvt.s32.f32 v6;
	v7 =	vadd.f32 v7, v57;
	v5 =	vadd.f32 v5, v9;
	_ =	sdelay $0x1  }
0x161: {  	v4 =	vsub.f32 v4, v6;
	v5 =	vsub.f32 v5, v7;
	_ =	sdelay $0x1  }
0x162: {  	v4 =	vmul.f32 v5, v4;
	_ =	sdelay $0x1  }
0x163: {  	v4 =	vadd.f32 v4, v7;
	_ =	sdelay $0x1  }
0x164: {  	[tilespmem:s9+$0x20] =	vst v4  }
0x165: {  	v4 =	vld [tilespmem:$0x1C880]  }
0x166: {  	v60 =	vld [tilespmem:$0x1C7A0];
	_ =	sdelay $0x3  }
0x167: {  	v4 =	vadd.f32 v4, v3  }
0x168: {  	v5 =	vadd.f32 v60, v2  }
0x169: {  	v4 =	vmax.f32 v4, $0.0e+00  }
0x16a: {  	v5 =	vmax.f32 v5, $0.0e+00;
	v4 =	vmin.f32 v4, $2.229999850e+02  }
0x16b: {  	v5 =	vmin.f32 v5, $2.229999850e+02;
	v61 =	vtrunc.f32 v4  }
0x16c: {  	v62 =	vtrunc.f32 v5;
	v6 =	vcvt.f32.s32 v61  }
0x16d: {  	v7 =	vcvt.f32.s32 v62  }
0x16e: {  	v63 =	vmul.u32 $0xE8, v6  }
0x16f: {  	v16 =	vand.u32 $0xFFFFFFF8, v7;
	v17 =	vadd.s32 $0x1, v7;
	v18 =	vand.u32 $0x7, v7  }
0x170: {  	v20 =	vand.u32 $0xFFFFFFF8, v17;
	v10 =	vand.u32 $0x7, v17;
	v19 =	vadd.s32 v16, v63  }
0x171: {  	v21 =	vadd.s32 v20, v63;
	v8 =	vadd.s32 $0xE8, v63;
	v12 =	vor.u32 v18, v19  }
0x172: {  	v14 =	vor.u32 v10, v21;
	v9 =	vadd.s32 v16, v8  }
0x173: {  	v8 =	vadd.s32 v20, v8;
	v9 =	vor.u32 v18, v9  }
0x174: {  	v8 =	vor.u32 v10, v8;
	_ =	sdelay $0x1  }
0x175: {  	v22 =	vld.idx.msk [tilespmem:v12+s3+$0x0], $0xffff  }
0x176: {  	v23 =	vld.idx.msk [tilespmem:v14+s3+$0x0], $0xffff  }
0x177: {  	v9 =	vld.idx.msk [tilespmem:v9+s3+$0x0], $0xffff  }
0x178: {  	v8 =	vld.idx.msk [tilespmem:v8+s3+$0x0], $0xffff;
	_ =	sdelay $0x1  }
0x179: {  	v7 =	vcvt.s32.f32 v7;
	_ =	sdelay $0x1  }
0x17a: {  	v5 =	vsub.f32 v5, v7  }
0x17b: {  	v24 =	vsub.f32 v23, v22;
	v8 =	vsub.f32 v8, v9;
	_ =	sdelay $0x1  }
0x17c: {  	v7 =	vmul.f32 v5, v24;
	v5 =	vmul.f32 v8, v5;
	_ =	sdelay $0x1  }
0x17d: {  	v6 =	vcvt.s32.f32 v6;
	v7 =	vadd.f32 v7, v22;
	v5 =	vadd.f32 v5, v9;
	_ =	sdelay $0x1  }
0x17e: {  	v4 =	vsub.f32 v4, v6;
	v5 =	vsub.f32 v5, v7;
	_ =	sdelay $0x1  }
0x17f: {  	v4 =	vmul.f32 v5, v4;
	_ =	sdelay $0x1  }
0x180: {  	v4 =	vadd.f32 v4, v7;
	_ =	sdelay $0x1  }
0x181: {  	[tilespmem:s9+$0x30] =	vst v4  }
0x182: {  	v4 =	vld [tilespmem:$0x1C890]  }
0x183: {  	v25 =	vld [tilespmem:$0x1C7B0];
	_ =	sdelay $0x3  }
0x184: {  	v4 =	vadd.f32 v4, v3  }
0x185: {  	v5 =	vadd.f32 v25, v2  }
0x186: {  	v4 =	vmax.f32 v4, $0.0e+00  }
0x187: {  	v5 =	vmax.f32 v5, $0.0e+00;
	v4 =	vmin.f32 v4, $2.229999850e+02  }
0x188: {  	v5 =	vmin.f32 v5, $2.229999850e+02;
	v26 =	vtrunc.f32 v4  }
0x189: {  	v27 =	vtrunc.f32 v5;
	v6 =	vcvt.f32.s32 v26  }
0x18a: {  	v7 =	vcvt.f32.s32 v27  }
0x18b: {  	v28 =	vmul.u32 $0xE8, v6  }
0x18c: {  	v29 =	vand.u32 $0xFFFFFFF8, v7;
	v30 =	vadd.s32 $0x1, v7;
	v31 =	vand.u32 $0x7, v7  }
0x18d: {  	v33 =	vand.u32 $0xFFFFFFF8, v30;
	v10 =	vand.u32 $0x7, v30;
	v32 =	vadd.s32 v29, v28  }
0x18e: {  	v34 =	vadd.s32 v33, v28;
	v8 =	vadd.s32 $0xE8, v28;
	v12 =	vor.u32 v31, v32  }
0x18f: {  	v14 =	vor.u32 v10, v34;
	v9 =	vadd.s32 v29, v8  }
0x190: {  	v8 =	vadd.s32 v33, v8;
	v9 =	vor.u32 v31, v9  }
0x191: {  	v8 =	vor.u32 v10, v8;
	_ =	sdelay $0x1  }
0x192: {  	v35 =	vld.idx.msk [tilespmem:v12+s3+$0x0], $0xffff  }
0x193: {  	v36 =	vld.idx.msk [tilespmem:v14+s3+$0x0], $0xffff  }
0x194: {  	v9 =	vld.idx.msk [tilespmem:v9+s3+$0x0], $0xffff  }
0x195: {  	v8 =	vld.idx.msk [tilespmem:v8+s3+$0x0], $0xffff;
	_ =	sdelay $0x1  }
0x196: {  	v7 =	vcvt.s32.f32 v7;
	_ =	sdelay $0x1  }
0x197: {  	v5 =	vsub.f32 v5, v7  }
0x198: {  	v37 =	vsub.f32 v36, v35;
	v8 =	vsub.f32 v8, v9;
	_ =	sdelay $0x1  }
0x199: {  	v7 =	vmul.f32 v5, v37;
	v5 =	vmul.f32 v8, v5;
	_ =	sdelay $0x1  }
0x19a: {  	v6 =	vcvt.s32.f32 v6;
	v7 =	vadd.f32 v7, v35;
	v5 =	vadd.f32 v5, v9;
	_ =	sdelay $0x1  }
0x19b: {  	v4 =	vsub.f32 v4, v6;
	v5 =	vsub.f32 v5, v7;
	_ =	sdelay $0x1  }
0x19c: {  	v4 =	vmul.f32 v5, v4;
	_ =	sdelay $0x1  }
0x19d: {  	v4 =	vadd.f32 v4, v7;
	_ =	sdelay $0x1  }
0x19e: {  	[tilespmem:s9+$0x40] =	vst v4  }
0x19f: {  	v4 =	vld [tilespmem:$0x1C8A0]  }
0x1a0: {  	v38 =	vld [tilespmem:$0x1C7C0];
	_ =	sdelay $0x3  }
0x1a1: {  	v4 =	vadd.f32 v4, v3  }
0x1a2: {  	v5 =	vadd.f32 v38, v2  }
0x1a3: {  	v4 =	vmax.f32 v4, $0.0e+00  }
0x1a4: {  	v5 =	vmax.f32 v5, $0.0e+00;
	v4 =	vmin.f32 v4, $2.229999850e+02  }
0x1a5: {  	v5 =	vmin.f32 v5, $2.229999850e+02;
	v39 =	vtrunc.f32 v4  }
0x1a6: {  	v40 =	vtrunc.f32 v5;
	v6 =	vcvt.f32.s32 v39  }
0x1a7: {  	v7 =	vcvt.f32.s32 v40  }
0x1a8: {  	v41 =	vmul.u32 $0xE8, v6  }
0x1a9: {  	v42 =	vand.u32 $0xFFFFFFF8, v7;
	v43 =	vadd.s32 $0x1, v7;
	v44 =	vand.u32 $0x7, v7  }
0x1aa: {  	v46 =	vand.u32 $0xFFFFFFF8, v43;
	v10 =	vand.u32 $0x7, v43;
	v45 =	vadd.s32 v42, v41  }
0x1ab: {  	v47 =	vadd.s32 v46, v41;
	v8 =	vadd.s32 $0xE8, v41;
	v12 =	vor.u32 v44, v45  }
0x1ac: {  	v14 =	vor.u32 v10, v47;
	v9 =	vadd.s32 v42, v8  }
0x1ad: {  	v8 =	vadd.s32 v46, v8;
	v9 =	vor.u32 v44, v9  }
0x1ae: {  	v8 =	vor.u32 v10, v8;
	_ =	sdelay $0x1  }
0x1af: {  	v48 =	vld.idx.msk [tilespmem:v12+s3+$0x0], $0xffff  }
0x1b0: {  	v49 =	vld.idx.msk [tilespmem:v14+s3+$0x0], $0xffff  }
0x1b1: {  	v9 =	vld.idx.msk [tilespmem:v9+s3+$0x0], $0xffff  }
0x1b2: {  	v8 =	vld.idx.msk [tilespmem:v8+s3+$0x0], $0xffff;
	_ =	sdelay $0x1  }
0x1b3: {  	v7 =	vcvt.s32.f32 v7;
	_ =	sdelay $0x1  }
0x1b4: {  	v5 =	vsub.f32 v5, v7  }
0x1b5: {  	v50 =	vsub.f32 v49, v48;
	v8 =	vsub.f32 v8, v9;
	_ =	sdelay $0x1  }
0x1b6: {  	v7 =	vmul.f32 v5, v50;
	v5 =	vmul.f32 v8, v5;
	_ =	sdelay $0x1  }
0x1b7: {  	v6 =	vcvt.s32.f32 v6;
	v7 =	vadd.f32 v7, v48;
	v5 =	vadd.f32 v5, v9;
	_ =	sdelay $0x1  }
0x1b8: {  	v4 =	vsub.f32 v4, v6;
	v5 =	vsub.f32 v5, v7;
	_ =	sdelay $0x1  }
0x1b9: {  	v4 =	vmul.f32 v5, v4;
	_ =	sdelay $0x1  }
0x1ba: {  	v4 =	vadd.f32 v4, v7;
	_ =	sdelay $0x1  }
0x1bb: {  	[tilespmem:s9+$0x50] =	vst v4  }
0x1bc: {  	v4 =	vld [tilespmem:$0x1C8B0]  }
0x1bd: {  	v51 =	vld [tilespmem:$0x1C7D0];
	_ =	sdelay $0x3  }
0x1be: {  	v3 =	vadd.f32 v4, v3  }
0x1bf: {  	v2 =	vadd.f32 v51, v2  }
0x1c0: {  	v3 =	vmax.f32 v3, $0.0e+00  }
0x1c1: {  	v2 =	vmax.f32 v2, $0.0e+00;
	v3 =	vmin.f32 v3, $2.229999850e+02  }
0x1c2: {  	v2 =	vmin.f32 v2, $2.229999850e+02;
	v52 =	vtrunc.f32 v3  }
0x1c3: {  	v53 =	vtrunc.f32 v2;
	v4 =	vcvt.f32.s32 v52  }
0x1c4: {  	v5 =	vcvt.f32.s32 v53  }
0x1c5: {  	v54 =	vmul.u32 $0xE8, v4  }
0x1c6: {  	v55 =	vand.u32 $0xFFFFFFF8, v5;
	v56 =	vadd.s32 $0x1, v5;
	v57 =	vand.u32 $0x7, v5  }
0x1c7: {  	v59 =	vand.u32 $0xFFFFFFF8, v56;
	v8 =	vand.u32 $0x7, v56;
	v58 =	vadd.s32 v55, v54  }
0x1c8: {  	v60 =	vadd.s32 v59, v54;
	v6 =	vadd.s32 $0xE8, v54;
	v10 =	vor.u32 v57, v58  }
0x1c9: {  	v12 =	vor.u32 v8, v60;
	v7 =	vadd.s32 v55, v6  }
0x1ca: {  	v6 =	vadd.s32 v59, v6;
	v7 =	vor.u32 v57, v7  }
0x1cb: {  	v6 =	vor.u32 v8, v6;
	_ =	sdelay $0x1  }
0x1cc: {  	v61 =	vld.idx.msk [tilespmem:v10+s3+$0x0], $0xffff  }
0x1cd: {  	v62 =	vld.idx.msk [tilespmem:v12+s3+$0x0], $0xffff  }
0x1ce: {  	v7 =	vld.idx.msk [tilespmem:v7+s3+$0x0], $0xffff  }
0x1cf: {  	v6 =	vld.idx.msk [tilespmem:v6+s3+$0x0], $0xffff;
	_ =	sdelay $0x1  }
0x1d0: {  	v5 =	vcvt.s32.f32 v5;
	_ =	sdelay $0x1  }
0x1d1: {  	v2 =	vsub.f32 v2, v5  }
0x1d2: {  	v63 =	vsub.f32 v62, v61;
	v6 =	vsub.f32 v6, v7;
	_ =	sdelay $0x1  }
0x1d3: {  	v5 =	vmul.f32 v2, v63;
	v2 =	vmul.f32 v6, v2;
	_ =	sdelay $0x1  }
0x1d4: {  	v4 =	vcvt.s32.f32 v4;
	v5 =	vadd.f32 v5, v61;
	v2 =	vadd.f32 v2, v7;
	_ =	sdelay $0x1  }
0x1d5: {  	v3 =	vsub.f32 v3, v4;
	v2 =	vsub.f32 v2, v5  }
0x1d6: {  	p0 =	sne.s32 s10, $0x6C0  }
.Ltmp2:
0x1d7: {  	v2 =	vmul.f32 v2, v3;
	(pc) =	sbr.rel @p0 .LBB2_7-.Ltmp2, $3  }
0x1d8: {  	_ = 	snop  }
0x1d9: {  	v2 =	vadd.f32 v2, v5;
	_ =	sdelay $0x1  }
0x1da: {  	s10 =	sadd.s32 $0x40, s10;
	[tilespmem:s9+$0x60] =	vst v2;
	s9 =	sadd.s32 $0xE0, s9  }
0x1db: {  	s9 =	smul.u32 $0x3100, s15;
	_ =	sdelay $0x1  }
0x1dc: {  	s8 =	sor.u32 $0x1, s8;
	s9 =	sadd.s32 s2, s9  }
0x1dd: {  	s14 =	sadd.s32 s0, s8;
	s9 =	sshrl.u32 s9, $0x3  }
0x1de: {  	p0 =	seq.s32 s14, $0x1;
	s9 =	sadd.s32 s5, s9  }
0x1df: {  	[hbm4b:s9+s3] =	stream.linear.scatter [tilespmem:s21], [sflag:$0x3], $0x1880, $0x38;
	[tilespmem:$0x1E4C0] =	vst v63  }
0x1e0: {  	s9 =	simm.s32 @!p0 $0x4  }
0x1e1: {  	v1 =	vmov s7;
	_ =	swait.ge @!p0 [sflag:s9], $0x1880  }
0x1e2: {  	v0 =	vmov s19;
	[sflag:s9] =	ssyncset.done @!p0 $0x0  }
0x1e3: {  	s10 =	simm.s32 $0x1AEF0;
	[sflag:s9] =	ssyncadd.s32 @!p0 $0xFFFFE780;
	s9 =	simm.s32 $0x0  }
.LBB2_9:
0x1e4: {  	v4 =	vld [tilespmem:$0x1C7E0]  }
0x1e5: {  	s14 =	sshra.s32 s9, $0x2;
	v5 =	vld [tilespmem:$0x1C700]  }
0x1e6: {  	v3 =	vld.idx.msk [tilespmem:v1+s14+$0x0 ss:$0x1], $0xffff  }
0x1e7: {  	v2 =	vld.idx.msk [tilespmem:v0+s14+$0x0 ss:$0x1], $0xffff;
	_ =	sdelay $0x3  }
0x1e8: {  	v4 =	vadd.f32 v4, v3  }
0x1e9: {  	v5 =	vadd.f32 v5, v2  }
0x1ea: {  	v4 =	vmax.f32 v4, $0.0e+00  }
0x1eb: {  	v5 =	vmax.f32 v5, $0.0e+00;
	v4 =	vmin.f32 v4, $2.229999850e+02  }
0x1ec: {  	v5 =	vmin.f32 v5, $2.229999850e+02;
	v6 =	vtrunc.f32 v4  }
0x1ed: {  	v7 =	vtrunc.f32 v5;
	v6 =	vcvt.f32.s32 v6  }
0x1ee: {  	v7 =	vcvt.f32.s32 v7  }
0x1ef: {  	v8 =	vmul.u32 $0xE8, v6  }
0x1f0: {  	v9 =	vand.u32 $0xFFFFFFF8, v7;
	v10 =	vadd.s32 $0x1, v7;
	v11 =	vand.u32 $0x7, v7  }
0x1f1: {  	v13 =	vand.u32 $0xFFFFFFF8, v10;
	v10 =	vand.u32 $0x7, v10;
	v12 =	vadd.s32 v9, v8  }
0x1f2: {  	v14 =	vadd.s32 v13, v8;
	v8 =	vadd.s32 $0xE8, v8;
	v12 =	vor.u32 v11, v12  }
0x1f3: {  	v14 =	vor.u32 v10, v14;
	v9 =	vadd.s32 v9, v8  }
0x1f4: {  	v8 =	vadd.s32 v13, v8;
	v9 =	vor.u32 v11, v9  }
0x1f5: {  	v8 =	vor.u32 v10, v8;
	_ =	sdelay $0x1  }
0x1f6: {  	v38 =	vld.idx.msk [tilespmem:v12+s3+$0x0], $0xffff  }
0x1f7: {  	v39 =	vld.idx.msk [tilespmem:v14+s3+$0x0], $0xffff  }
0x1f8: {  	v9 =	vld.idx.msk [tilespmem:v9+s3+$0x0], $0xffff  }
0x1f9: {  	v8 =	vld.idx.msk [tilespmem:v8+s3+$0x0], $0xffff;
	_ =	sdelay $0x1  }
0x1fa: {  	v7 =	vcvt.s32.f32 v7;
	_ =	sdelay $0x1  }
0x1fb: {  	v5 =	vsub.f32 v5, v7  }
0x1fc: {  	v40 =	vsub.f32 v39, v38;
	v8 =	vsub.f32 v8, v9;
	_ =	sdelay $0x1  }
0x1fd: {  	v7 =	vmul.f32 v5, v40;
	v5 =	vmul.f32 v8, v5;
	_ =	sdelay $0x1  }
0x1fe: {  	v6 =	vcvt.s32.f32 v6;
	v7 =	vadd.f32 v7, v38;
	v5 =	vadd.f32 v5, v9;
	_ =	sdelay $0x1  }
0x1ff: {  	v4 =	vsub.f32 v4, v6;
	v5 =	vsub.f32 v5, v7;
	_ =	sdelay $0x1  }
0x200: {  	v4 =	vmul.f32 v5, v4;
	_ =	sdelay $0x1  }
0x201: {  	v4 =	vadd.f32 v4, v7;
	_ =	sdelay $0x1  }
0x202: {  	[tilespmem:s10+$0xFFFFFF90] =	vst v4  }
0x203: {  	v4 =	vld [tilespmem:$0x1C7F0]  }
0x204: {  	v41 =	vld [tilespmem:$0x1C710];
	_ =	sdelay $0x3  }
0x205: {  	v4 =	vadd.f32 v4, v3  }
0x206: {  	v5 =	vadd.f32 v41, v2  }
0x207: {  	v4 =	vmax.f32 v4, $0.0e+00  }
0x208: {  	v5 =	vmax.f32 v5, $0.0e+00;
	v4 =	vmin.f32 v4, $2.229999850e+02  }
0x209: {  	v5 =	vmin.f32 v5, $2.229999850e+02;
	v42 =	vtrunc.f32 v4  }
0x20a: {  	v43 =	vtrunc.f32 v5;
	v6 =	vcvt.f32.s32 v42  }
0x20b: {  	v7 =	vcvt.f32.s32 v43  }
0x20c: {  	v44 =	vmul.u32 $0xE8, v6  }
0x20d: {  	v45 =	vand.u32 $0xFFFFFFF8, v7;
	v46 =	vadd.s32 $0x1, v7;
	v47 =	vand.u32 $0x7, v7  }
0x20e: {  	v49 =	vand.u32 $0xFFFFFFF8, v46;
	v10 =	vand.u32 $0x7, v46;
	v48 =	vadd.s32 v45, v44  }
0x20f: {  	v50 =	vadd.s32 v49, v44;
	v8 =	vadd.s32 $0xE8, v44;
	v12 =	vor.u32 v47, v48  }
0x210: {  	v14 =	vor.u32 v10, v50;
	v9 =	vadd.s32 v45, v8  }
0x211: {  	v8 =	vadd.s32 v49, v8;
	v9 =	vor.u32 v47, v9  }
0x212: {  	v8 =	vor.u32 v10, v8;
	_ =	sdelay $0x1  }
0x213: {  	v51 =	vld.idx.msk [tilespmem:v12+s3+$0x0], $0xffff  }
0x214: {  	v52 =	vld.idx.msk [tilespmem:v14+s3+$0x0], $0xffff  }
0x215: {  	v9 =	vld.idx.msk [tilespmem:v9+s3+$0x0], $0xffff  }
0x216: {  	v8 =	vld.idx.msk [tilespmem:v8+s3+$0x0], $0xffff;
	_ =	sdelay $0x1  }
0x217: {  	v7 =	vcvt.s32.f32 v7;
	_ =	sdelay $0x1  }
0x218: {  	v5 =	vsub.f32 v5, v7  }
0x219: {  	v53 =	vsub.f32 v52, v51;
	v8 =	vsub.f32 v8, v9;
	_ =	sdelay $0x1  }
0x21a: {  	v7 =	vmul.f32 v5, v53;
	v5 =	vmul.f32 v8, v5;
	_ =	sdelay $0x1  }
0x21b: {  	v6 =	vcvt.s32.f32 v6;
	v7 =	vadd.f32 v7, v51;
	v5 =	vadd.f32 v5, v9;
	_ =	sdelay $0x1  }
0x21c: {  	v4 =	vsub.f32 v4, v6;
	v5 =	vsub.f32 v5, v7;
	_ =	sdelay $0x1  }
0x21d: {  	v4 =	vmul.f32 v5, v4;
	_ =	sdelay $0x1  }
0x21e: {  	v4 =	vadd.f32 v4, v7;
	_ =	sdelay $0x1  }
0x21f: {  	[tilespmem:s10+$0xFFFFFFA0] =	vst v4  }
0x220: {  	v4 =	vld [tilespmem:$0x1C800]  }
0x221: {  	v54 =	vld [tilespmem:$0x1C720];
	_ =	sdelay $0x3  }
0x222: {  	v4 =	vadd.f32 v4, v3  }
0x223: {  	v5 =	vadd.f32 v54, v2  }
0x224: {  	v4 =	vmax.f32 v4, $0.0e+00  }
0x225: {  	v5 =	vmax.f32 v5, $0.0e+00;
	v4 =	vmin.f32 v4, $2.229999850e+02  }
0x226: {  	v5 =	vmin.f32 v5, $2.229999850e+02;
	v55 =	vtrunc.f32 v4  }
0x227: {  	v56 =	vtrunc.f32 v5;
	v6 =	vcvt.f32.s32 v55  }
0x228: {  	v7 =	vcvt.f32.s32 v56  }
0x229: {  	v57 =	vmul.u32 $0xE8, v6  }
0x22a: {  	v58 =	vand.u32 $0xFFFFFFF8, v7;
	v59 =	vadd.s32 $0x1, v7;
	v60 =	vand.u32 $0x7, v7  }
0x22b: {  	v62 =	vand.u32 $0xFFFFFFF8, v59;
	v10 =	vand.u32 $0x7, v59;
	v61 =	vadd.s32 v58, v57  }
0x22c: {  	v63 =	vadd.s32 v62, v57;
	v8 =	vadd.s32 $0xE8, v57;
	v12 =	vor.u32 v60, v61  }
0x22d: {  	v14 =	vor.u32 v10, v63;
	v9 =	vadd.s32 v58, v8  }
0x22e: {  	v8 =	vadd.s32 v62, v8;
	v9 =	vor.u32 v60, v9  }
0x22f: {  	v8 =	vor.u32 v10, v8;
	_ =	sdelay $0x1  }
0x230: {  	v13 =	vld.idx.msk [tilespmem:v12+s3+$0x0], $0xffff  }
0x231: {  	v15 =	vld.idx.msk [tilespmem:v14+s3+$0x0], $0xffff  }
0x232: {  	v9 =	vld.idx.msk [tilespmem:v9+s3+$0x0], $0xffff  }
0x233: {  	v8 =	vld.idx.msk [tilespmem:v8+s3+$0x0], $0xffff;
	_ =	sdelay $0x1  }
0x234: {  	v7 =	vcvt.s32.f32 v7;
	_ =	sdelay $0x1  }
0x235: {  	v5 =	vsub.f32 v5, v7  }
0x236: {  	v16 =	vsub.f32 v15, v13;
	v8 =	vsub.f32 v8, v9;
	_ =	sdelay $0x1  }
0x237: {  	v7 =	vmul.f32 v5, v16;
	v5 =	vmul.f32 v8, v5;
	_ =	sdelay $0x1  }
0x238: {  	v6 =	vcvt.s32.f32 v6;
	v7 =	vadd.f32 v7, v13;
	v5 =	vadd.f32 v5, v9;
	_ =	sdelay $0x1  }
0x239: {  	v4 =	vsub.f32 v4, v6;
	v5 =	vsub.f32 v5, v7;
	_ =	sdelay $0x1  }
0x23a: {  	v4 =	vmul.f32 v5, v4;
	_ =	sdelay $0x1  }
0x23b: {  	v4 =	vadd.f32 v4, v7;
	_ =	sdelay $0x1  }
0x23c: {  	[tilespmem:s10+$0xFFFFFFB0] =	vst v4  }
0x23d: {  	v4 =	vld [tilespmem:$0x1C810]  }
0x23e: {  	v17 =	vld [tilespmem:$0x1C730];
	_ =	sdelay $0x3  }
0x23f: {  	v4 =	vadd.f32 v4, v3  }
0x240: {  	v5 =	vadd.f32 v17, v2  }
0x241: {  	v4 =	vmax.f32 v4, $0.0e+00  }
0x242: {  	v5 =	vmax.f32 v5, $0.0e+00;
	v4 =	vmin.f32 v4, $2.229999850e+02  }
0x243: {  	v5 =	vmin.f32 v5, $2.229999850e+02;
	v18 =	vtrunc.f32 v4  }
0x244: {  	v19 =	vtrunc.f32 v5;
	v6 =	vcvt.f32.s32 v18  }
0x245: {  	v7 =	vcvt.f32.s32 v19  }
0x246: {  	v20 =	vmul.u32 $0xE8, v6  }
0x247: {  	v21 =	vand.u32 $0xFFFFFFF8, v7;
	v22 =	vadd.s32 $0x1, v7;
	v23 =	vand.u32 $0x7, v7  }
0x248: {  	v25 =	vand.u32 $0xFFFFFFF8, v22;
	v10 =	vand.u32 $0x7, v22;
	v24 =	vadd.s32 v21, v20  }
0x249: {  	v26 =	vadd.s32 v25, v20;
	v8 =	vadd.s32 $0xE8, v20;
	v12 =	vor.u32 v23, v24  }
0x24a: {  	v14 =	vor.u32 v10, v26;
	v9 =	vadd.s32 v21, v8  }
0x24b: {  	v8 =	vadd.s32 v25, v8;
	v9 =	vor.u32 v23, v9  }
0x24c: {  	v8 =	vor.u32 v10, v8;
	_ =	sdelay $0x1  }
0x24d: {  	v27 =	vld.idx.msk [tilespmem:v12+s3+$0x0], $0xffff  }
0x24e: {  	v28 =	vld.idx.msk [tilespmem:v14+s3+$0x0], $0xffff  }
0x24f: {  	v9 =	vld.idx.msk [tilespmem:v9+s3+$0x0], $0xffff  }
0x250: {  	v8 =	vld.idx.msk [tilespmem:v8+s3+$0x0], $0xffff;
	_ =	sdelay $0x1  }
0x251: {  	v7 =	vcvt.s32.f32 v7;
	_ =	sdelay $0x1  }
0x252: {  	v5 =	vsub.f32 v5, v7  }
0x253: {  	v29 =	vsub.f32 v28, v27;
	v8 =	vsub.f32 v8, v9;
	_ =	sdelay $0x1  }
0x254: {  	v7 =	vmul.f32 v5, v29;
	v5 =	vmul.f32 v8, v5;
	_ =	sdelay $0x1  }
0x255: {  	v6 =	vcvt.s32.f32 v6;
	v7 =	vadd.f32 v7, v27;
	v5 =	vadd.f32 v5, v9;
	_ =	sdelay $0x1  }
0x256: {  	v4 =	vsub.f32 v4, v6;
	v5 =	vsub.f32 v5, v7;
	_ =	sdelay $0x1  }
0x257: {  	v4 =	vmul.f32 v5, v4;
	_ =	sdelay $0x1  }
0x258: {  	v4 =	vadd.f32 v4, v7;
	_ =	sdelay $0x1  }
0x259: {  	[tilespmem:s10+$0xFFFFFFC0] =	vst v4  }
0x25a: {  	v4 =	vld [tilespmem:$0x1C820]  }
0x25b: {  	v30 =	vld [tilespmem:$0x1C740];
	_ =	sdelay $0x3  }
0x25c: {  	v4 =	vadd.f32 v4, v3  }
0x25d: {  	v5 =	vadd.f32 v30, v2  }
0x25e: {  	v4 =	vmax.f32 v4, $0.0e+00  }
0x25f: {  	v5 =	vmax.f32 v5, $0.0e+00;
	v4 =	vmin.f32 v4, $2.229999850e+02  }
0x260: {  	v5 =	vmin.f32 v5, $2.229999850e+02;
	v31 =	vtrunc.f32 v4  }
0x261: {  	v32 =	vtrunc.f32 v5;
	v6 =	vcvt.f32.s32 v31  }
0x262: {  	v7 =	vcvt.f32.s32 v32  }
0x263: {  	v33 =	vmul.u32 $0xE8, v6  }
0x264: {  	v34 =	vand.u32 $0xFFFFFFF8, v7;
	v35 =	vadd.s32 $0x1, v7;
	v36 =	vand.u32 $0x7, v7  }
0x265: {  	v38 =	vand.u32 $0xFFFFFFF8, v35;
	v10 =	vand.u32 $0x7, v35;
	v37 =	vadd.s32 v34, v33  }
0x266: {  	v39 =	vadd.s32 v38, v33;
	v8 =	vadd.s32 $0xE8, v33;
	v12 =	vor.u32 v36, v37  }
0x267: {  	v14 =	vor.u32 v10, v39;
	v9 =	vadd.s32 v34, v8  }
0x268: {  	v8 =	vadd.s32 v38, v8;
	v9 =	vor.u32 v36, v9  }
0x269: {  	v8 =	vor.u32 v10, v8;
	_ =	sdelay $0x1  }
0x26a: {  	v40 =	vld.idx.msk [tilespmem:v12+s3+$0x0], $0xffff  }
0x26b: {  	v41 =	vld.idx.msk [tilespmem:v14+s3+$0x0], $0xffff  }
0x26c: {  	v9 =	vld.idx.msk [tilespmem:v9+s3+$0x0], $0xffff  }
0x26d: {  	v8 =	vld.idx.msk [tilespmem:v8+s3+$0x0], $0xffff;
	_ =	sdelay $0x1  }
0x26e: {  	v7 =	vcvt.s32.f32 v7;
	_ =	sdelay $0x1  }
0x26f: {  	v5 =	vsub.f32 v5, v7  }
0x270: {  	v42 =	vsub.f32 v41, v40;
	v8 =	vsub.f32 v8, v9;
	_ =	sdelay $0x1  }
0x271: {  	v7 =	vmul.f32 v5, v42;
	v5 =	vmul.f32 v8, v5;
	_ =	sdelay $0x1  }
0x272: {  	v6 =	vcvt.s32.f32 v6;
	v7 =	vadd.f32 v7, v40;
	v5 =	vadd.f32 v5, v9;
	_ =	sdelay $0x1  }
0x273: {  	v4 =	vsub.f32 v4, v6;
	v5 =	vsub.f32 v5, v7;
	_ =	sdelay $0x1  }
0x274: {  	v4 =	vmul.f32 v5, v4;
	_ =	sdelay $0x1  }
0x275: {  	v4 =	vadd.f32 v4, v7;
	_ =	sdelay $0x1  }
0x276: {  	[tilespmem:s10+$0xFFFFFFD0] =	vst v4  }
0x277: {  	v4 =	vld [tilespmem:$0x1C830]  }
0x278: {  	v43 =	vld [tilespmem:$0x1C750];
	_ =	sdelay $0x3  }
0x279: {  	v4 =	vadd.f32 v4, v3  }
0x27a: {  	v5 =	vadd.f32 v43, v2  }
0x27b: {  	v4 =	vmax.f32 v4, $0.0e+00  }
0x27c: {  	v5 =	vmax.f32 v5, $0.0e+00;
	v4 =	vmin.f32 v4, $2.229999850e+02  }
0x27d: {  	v5 =	vmin.f32 v5, $2.229999850e+02;
	v44 =	vtrunc.f32 v4  }
0x27e: {  	v45 =	vtrunc.f32 v5;
	v6 =	vcvt.f32.s32 v44  }
0x27f: {  	v7 =	vcvt.f32.s32 v45  }
0x280: {  	v46 =	vmul.u32 $0xE8, v6  }
0x281: {  	v47 =	vand.u32 $0xFFFFFFF8, v7;
	v48 =	vadd.s32 $0x1, v7;
	v49 =	vand.u32 $0x7, v7  }
0x282: {  	v51 =	vand.u32 $0xFFFFFFF8, v48;
	v10 =	vand.u32 $0x7, v48;
	v50 =	vadd.s32 v47, v46  }
0x283: {  	v52 =	vadd.s32 v51, v46;
	v8 =	vadd.s32 $0xE8, v46;
	v12 =	vor.u32 v49, v50  }
0x284: {  	v14 =	vor.u32 v10, v52;
	v9 =	vadd.s32 v47, v8  }
0x285: {  	v8 =	vadd.s32 v51, v8;
	v9 =	vor.u32 v49, v9  }
0x286: {  	v8 =	vor.u32 v10, v8;
	_ =	sdelay $0x1  }
0x287: {  	v53 =	vld.idx.msk [tilespmem:v12+s3+$0x0], $0xffff  }
0x288: {  	v54 =	vld.idx.msk [tilespmem:v14+s3+$0x0], $0xffff  }
0x289: {  	v9 =	vld.idx.msk [tilespmem:v9+s3+$0x0], $0xffff  }
0x28a: {  	v8 =	vld.idx.msk [tilespmem:v8+s3+$0x0], $0xffff;
	_ =	sdelay $0x1  }
0x28b: {  	v7 =	vcvt.s32.f32 v7;
	_ =	sdelay $0x1  }
0x28c: {  	v5 =	vsub.f32 v5, v7  }
0x28d: {  	v55 =	vsub.f32 v54, v53;
	v8 =	vsub.f32 v8, v9;
	_ =	sdelay $0x1  }
0x28e: {  	v7 =	vmul.f32 v5, v55;
	v5 =	vmul.f32 v8, v5;
	_ =	sdelay $0x1  }
0x28f: {  	v6 =	vcvt.s32.f32 v6;
	v7 =	vadd.f32 v7, v53;
	v5 =	vadd.f32 v5, v9;
	_ =	sdelay $0x1  }
0x290: {  	v4 =	vsub.f32 v4, v6;
	v5 =	vsub.f32 v5, v7;
	_ =	sdelay $0x1  }
0x291: {  	v4 =	vmul.f32 v5, v4;
	_ =	sdelay $0x1  }
0x292: {  	v4 =	vadd.f32 v4, v7;
	_ =	sdelay $0x1  }
0x293: {  	[tilespmem:s10+$0xFFFFFFE0] =	vst v4  }
0x294: {  	v4 =	vld [tilespmem:$0x1C840]  }
0x295: {  	v56 =	vld [tilespmem:$0x1C760];
	_ =	sdelay $0x3  }
0x296: {  	v4 =	vadd.f32 v4, v3  }
0x297: {  	v5 =	vadd.f32 v56, v2  }
0x298: {  	v4 =	vmax.f32 v4, $0.0e+00  }
0x299: {  	v5 =	vmax.f32 v5, $0.0e+00;
	v4 =	vmin.f32 v4, $2.229999850e+02  }
0x29a: {  	v5 =	vmin.f32 v5, $2.229999850e+02;
	v57 =	vtrunc.f32 v4  }
0x29b: {  	v58 =	vtrunc.f32 v5;
	v6 =	vcvt.f32.s32 v57  }
0x29c: {  	v7 =	vcvt.f32.s32 v58  }
0x29d: {  	v59 =	vmul.u32 $0xE8, v6  }
0x29e: {  	v60 =	vand.u32 $0xFFFFFFF8, v7;
	v61 =	vadd.s32 $0x1, v7;
	v62 =	vand.u32 $0x7, v7  }
0x29f: {  	v16 =	vand.u32 $0xFFFFFFF8, v61;
	v10 =	vand.u32 $0x7, v61;
	v63 =	vadd.s32 v60, v59  }
0x2a0: {  	v17 =	vadd.s32 v16, v59;
	v8 =	vadd.s32 $0xE8, v59;
	v12 =	vor.u32 v62, v63  }
0x2a1: {  	v14 =	vor.u32 v10, v17;
	v9 =	vadd.s32 v60, v8  }
0x2a2: {  	v8 =	vadd.s32 v16, v8;
	v9 =	vor.u32 v62, v9  }
0x2a3: {  	v8 =	vor.u32 v10, v8;
	_ =	sdelay $0x1  }
0x2a4: {  	v18 =	vld.idx.msk [tilespmem:v12+s3+$0x0], $0xffff  }
0x2a5: {  	v19 =	vld.idx.msk [tilespmem:v14+s3+$0x0], $0xffff  }
0x2a6: {  	v9 =	vld.idx.msk [tilespmem:v9+s3+$0x0], $0xffff  }
0x2a7: {  	v8 =	vld.idx.msk [tilespmem:v8+s3+$0x0], $0xffff;
	_ =	sdelay $0x1  }
0x2a8: {  	v7 =	vcvt.s32.f32 v7;
	_ =	sdelay $0x1  }
0x2a9: {  	v5 =	vsub.f32 v5, v7  }
0x2aa: {  	v20 =	vsub.f32 v19, v18;
	v8 =	vsub.f32 v8, v9;
	_ =	sdelay $0x1  }
0x2ab: {  	v7 =	vmul.f32 v5, v20;
	v5 =	vmul.f32 v8, v5;
	_ =	sdelay $0x1  }
0x2ac: {  	v6 =	vcvt.s32.f32 v6;
	v7 =	vadd.f32 v7, v18;
	v5 =	vadd.f32 v5, v9;
	_ =	sdelay $0x1  }
0x2ad: {  	v4 =	vsub.f32 v4, v6;
	v5 =	vsub.f32 v5, v7;
	_ =	sdelay $0x1  }
0x2ae: {  	v4 =	vmul.f32 v5, v4;
	_ =	sdelay $0x1  }
0x2af: {  	v4 =	vadd.f32 v4, v7;
	_ =	sdelay $0x1  }
0x2b0: {  	[tilespmem:s10+$0xFFFFFFF0] =	vst v4  }
0x2b1: {  	v4 =	vld [tilespmem:$0x1C850]  }
0x2b2: {  	v21 =	vld [tilespmem:$0x1C770];
	_ =	sdelay $0x3  }
0x2b3: {  	v4 =	vadd.f32 v4, v3  }
0x2b4: {  	v5 =	vadd.f32 v21, v2  }
0x2b5: {  	v4 =	vmax.f32 v4, $0.0e+00  }
0x2b6: {  	v5 =	vmax.f32 v5, $0.0e+00;
	v4 =	vmin.f32 v4, $2.229999850e+02  }
0x2b7: {  	v5 =	vmin.f32 v5, $2.229999850e+02;
	v22 =	vtrunc.f32 v4  }
0x2b8: {  	v23 =	vtrunc.f32 v5;
	v6 =	vcvt.f32.s32 v22  }
0x2b9: {  	v7 =	vcvt.f32.s32 v23  }
0x2ba: {  	v24 =	vmul.u32 $0xE8, v6  }
0x2bb: {  	v25 =	vand.u32 $0xFFFFFFF8, v7;
	v26 =	vadd.s32 $0x1, v7;
	v27 =	vand.u32 $0x7, v7  }
0x2bc: {  	v29 =	vand.u32 $0xFFFFFFF8, v26;
	v10 =	vand.u32 $0x7, v26;
	v28 =	vadd.s32 v25, v24  }
0x2bd: {  	v30 =	vadd.s32 v29, v24;
	v8 =	vadd.s32 $0xE8, v24;
	v12 =	vor.u32 v27, v28  }
0x2be: {  	v14 =	vor.u32 v10, v30;
	v9 =	vadd.s32 v25, v8  }
0x2bf: {  	v8 =	vadd.s32 v29, v8;
	v9 =	vor.u32 v27, v9  }
0x2c0: {  	v8 =	vor.u32 v10, v8;
	_ =	sdelay $0x1  }
0x2c1: {  	v31 =	vld.idx.msk [tilespmem:v12+s3+$0x0], $0xffff  }
0x2c2: {  	v32 =	vld.idx.msk [tilespmem:v14+s3+$0x0], $0xffff  }
0x2c3: {  	v9 =	vld.idx.msk [tilespmem:v9+s3+$0x0], $0xffff  }
0x2c4: {  	v8 =	vld.idx.msk [tilespmem:v8+s3+$0x0], $0xffff;
	_ =	sdelay $0x1  }
0x2c5: {  	v7 =	vcvt.s32.f32 v7;
	_ =	sdelay $0x1  }
0x2c6: {  	v5 =	vsub.f32 v5, v7  }
0x2c7: {  	v33 =	vsub.f32 v32, v31;
	v8 =	vsub.f32 v8, v9;
	_ =	sdelay $0x1  }
0x2c8: {  	v7 =	vmul.f32 v5, v33;
	v5 =	vmul.f32 v8, v5;
	_ =	sdelay $0x1  }
0x2c9: {  	v6 =	vcvt.s32.f32 v6;
	v7 =	vadd.f32 v7, v31;
	v5 =	vadd.f32 v5, v9;
	_ =	sdelay $0x1  }
0x2ca: {  	v4 =	vsub.f32 v4, v6;
	v5 =	vsub.f32 v5, v7;
	_ =	sdelay $0x1  }
0x2cb: {  	v4 =	vmul.f32 v5, v4;
	_ =	sdelay $0x1  }
0x2cc: {  	v4 =	vadd.f32 v4, v7;
	_ =	sdelay $0x1  }
0x2cd: {  	[tilespmem:s10+$0x0] =	vst v4  }
0x2ce: {  	v4 =	vld [tilespmem:$0x1C860]  }
0x2cf: {  	v34 =	vld [tilespmem:$0x1C780];
	_ =	sdelay $0x3  }
0x2d0: {  	v4 =	vadd.f32 v4, v3  }
0x2d1: {  	v5 =	vadd.f32 v34, v2  }
0x2d2: {  	v4 =	vmax.f32 v4, $0.0e+00  }
0x2d3: {  	v5 =	vmax.f32 v5, $0.0e+00;
	v4 =	vmin.f32 v4, $2.229999850e+02  }
0x2d4: {  	v5 =	vmin.f32 v5, $2.229999850e+02;
	v35 =	vtrunc.f32 v4  }
0x2d5: {  	v36 =	vtrunc.f32 v5;
	v6 =	vcvt.f32.s32 v35  }
0x2d6: {  	v7 =	vcvt.f32.s32 v36  }
0x2d7: {  	v37 =	vmul.u32 $0xE8, v6  }
0x2d8: {  	v38 =	vand.u32 $0xFFFFFFF8, v7;
	v39 =	vadd.s32 $0x1, v7;
	v40 =	vand.u32 $0x7, v7  }
0x2d9: {  	v42 =	vand.u32 $0xFFFFFFF8, v39;
	v10 =	vand.u32 $0x7, v39;
	v41 =	vadd.s32 v38, v37  }
0x2da: {  	v43 =	vadd.s32 v42, v37;
	v8 =	vadd.s32 $0xE8, v37;
	v12 =	vor.u32 v40, v41  }
0x2db: {  	v14 =	vor.u32 v10, v43;
	v9 =	vadd.s32 v38, v8  }
0x2dc: {  	v8 =	vadd.s32 v42, v8;
	v9 =	vor.u32 v40, v9  }
0x2dd: {  	v8 =	vor.u32 v10, v8;
	_ =	sdelay $0x1  }
0x2de: {  	v44 =	vld.idx.msk [tilespmem:v12+s3+$0x0], $0xffff  }
0x2df: {  	v45 =	vld.idx.msk [tilespmem:v14+s3+$0x0], $0xffff  }
0x2e0: {  	v9 =	vld.idx.msk [tilespmem:v9+s3+$0x0], $0xffff  }
0x2e1: {  	v8 =	vld.idx.msk [tilespmem:v8+s3+$0x0], $0xffff;
	_ =	sdelay $0x1  }
0x2e2: {  	v7 =	vcvt.s32.f32 v7;
	_ =	sdelay $0x1  }
0x2e3: {  	v5 =	vsub.f32 v5, v7  }
0x2e4: {  	v46 =	vsub.f32 v45, v44;
	v8 =	vsub.f32 v8, v9;
	_ =	sdelay $0x1  }
0x2e5: {  	v7 =	vmul.f32 v5, v46;
	v5 =	vmul.f32 v8, v5;
	_ =	sdelay $0x1  }
0x2e6: {  	v6 =	vcvt.s32.f32 v6;
	v7 =	vadd.f32 v7, v44;
	v5 =	vadd.f32 v5, v9;
	_ =	sdelay $0x1  }
0x2e7: {  	v4 =	vsub.f32 v4, v6;
	v5 =	vsub.f32 v5, v7;
	_ =	sdelay $0x1  }
0x2e8: {  	v4 =	vmul.f32 v5, v4;
	_ =	sdelay $0x1  }
0x2e9: {  	v4 =	vadd.f32 v4, v7;
	_ =	sdelay $0x1  }
0x2ea: {  	[tilespmem:s10+$0x10] =	vst v4  }
0x2eb: {  	v4 =	vld [tilespmem:$0x1C870]  }
0x2ec: {  	v47 =	vld [tilespmem:$0x1C790];
	_ =	sdelay $0x3  }
0x2ed: {  	v4 =	vadd.f32 v4, v3  }
0x2ee: {  	v5 =	vadd.f32 v47, v2  }
0x2ef: {  	v4 =	vmax.f32 v4, $0.0e+00  }
0x2f0: {  	v5 =	vmax.f32 v5, $0.0e+00;
	v4 =	vmin.f32 v4, $2.229999850e+02  }
0x2f1: {  	v5 =	vmin.f32 v5, $2.229999850e+02;
	v48 =	vtrunc.f32 v4  }
0x2f2: {  	v49 =	vtrunc.f32 v5;
	v6 =	vcvt.f32.s32 v48  }
0x2f3: {  	v7 =	vcvt.f32.s32 v49  }
0x2f4: {  	v50 =	vmul.u32 $0xE8, v6  }
0x2f5: {  	v51 =	vand.u32 $0xFFFFFFF8, v7;
	v52 =	vadd.s32 $0x1, v7;
	v53 =	vand.u32 $0x7, v7  }
0x2f6: {  	v55 =	vand.u32 $0xFFFFFFF8, v52;
	v10 =	vand.u32 $0x7, v52;
	v54 =	vadd.s32 v51, v50  }
0x2f7: {  	v56 =	vadd.s32 v55, v50;
	v8 =	vadd.s32 $0xE8, v50;
	v12 =	vor.u32 v53, v54  }
0x2f8: {  	v14 =	vor.u32 v10, v56;
	v9 =	vadd.s32 v51, v8  }
0x2f9: {  	v8 =	vadd.s32 v55, v8;
	v9 =	vor.u32 v53, v9  }
0x2fa: {  	v8 =	vor.u32 v10, v8;
	_ =	sdelay $0x1  }
0x2fb: {  	v57 =	vld.idx.msk [tilespmem:v12+s3+$0x0], $0xffff  }
0x2fc: {  	v58 =	vld.idx.msk [tilespmem:v14+s3+$0x0], $0xffff  }
0x2fd: {  	v9 =	vld.idx.msk [tilespmem:v9+s3+$0x0], $0xffff  }
0x2fe: {  	v8 =	vld.idx.msk [tilespmem:v8+s3+$0x0], $0xffff;
	_ =	sdelay $0x1  }
0x2ff: {  	v7 =	vcvt.s32.f32 v7;
	_ =	sdelay $0x1  }
0x300: {  	v5 =	vsub.f32 v5, v7  }
0x301: {  	v59 =	vsub.f32 v58, v57;
	v8 =	vsub.f32 v8, v9;
	_ =	sdelay $0x1  }
0x302: {  	v7 =	vmul.f32 v5, v59;
	v5 =	vmul.f32 v8, v5;
	_ =	sdelay $0x1  }
0x303: {  	v6 =	vcvt.s32.f32 v6;
	v7 =	vadd.f32 v7, v57;
	v5 =	vadd.f32 v5, v9;
	_ =	sdelay $0x1  }
0x304: {  	v4 =	vsub.f32 v4, v6;
	v5 =	vsub.f32 v5, v7;
	_ =	sdelay $0x1  }
0x305: {  	v4 =	vmul.f32 v5, v4;
	_ =	sdelay $0x1  }
0x306: {  	v4 =	vadd.f32 v4, v7;
	_ =	sdelay $0x1  }
0x307: {  	[tilespmem:s10+$0x20] =	vst v4  }
0x308: {  	v4 =	vld [tilespmem:$0x1C880]  }
0x309: {  	v60 =	vld [tilespmem:$0x1C7A0];
	_ =	sdelay $0x3  }
0x30a: {  	v4 =	vadd.f32 v4, v3  }
0x30b: {  	v5 =	vadd.f32 v60, v2  }
0x30c: {  	v4 =	vmax.f32 v4, $0.0e+00  }
0x30d: {  	v5 =	vmax.f32 v5, $0.0e+00;
	v4 =	vmin.f32 v4, $2.229999850e+02  }
0x30e: {  	v5 =	vmin.f32 v5, $2.229999850e+02;
	v61 =	vtrunc.f32 v4  }
0x30f: {  	v62 =	vtrunc.f32 v5;
	v6 =	vcvt.f32.s32 v61  }
0x310: {  	v7 =	vcvt.f32.s32 v62  }
0x311: {  	v63 =	vmul.u32 $0xE8, v6  }
0x312: {  	v16 =	vand.u32 $0xFFFFFFF8, v7;
	v17 =	vadd.s32 $0x1, v7;
	v18 =	vand.u32 $0x7, v7  }
0x313: {  	v20 =	vand.u32 $0xFFFFFFF8, v17;
	v10 =	vand.u32 $0x7, v17;
	v19 =	vadd.s32 v16, v63  }
0x314: {  	v21 =	vadd.s32 v20, v63;
	v8 =	vadd.s32 $0xE8, v63;
	v12 =	vor.u32 v18, v19  }
0x315: {  	v14 =	vor.u32 v10, v21;
	v9 =	vadd.s32 v16, v8  }
0x316: {  	v8 =	vadd.s32 v20, v8;
	v9 =	vor.u32 v18, v9  }
0x317: {  	v8 =	vor.u32 v10, v8;
	_ =	sdelay $0x1  }
0x318: {  	v22 =	vld.idx.msk [tilespmem:v12+s3+$0x0], $0xffff  }
0x319: {  	v23 =	vld.idx.msk [tilespmem:v14+s3+$0x0], $0xffff  }
0x31a: {  	v9 =	vld.idx.msk [tilespmem:v9+s3+$0x0], $0xffff  }
0x31b: {  	v8 =	vld.idx.msk [tilespmem:v8+s3+$0x0], $0xffff;
	_ =	sdelay $0x1  }
0x31c: {  	v7 =	vcvt.s32.f32 v7;
	_ =	sdelay $0x1  }
0x31d: {  	v5 =	vsub.f32 v5, v7  }
0x31e: {  	v24 =	vsub.f32 v23, v22;
	v8 =	vsub.f32 v8, v9;
	_ =	sdelay $0x1  }
0x31f: {  	v7 =	vmul.f32 v5, v24;
	v5 =	vmul.f32 v8, v5;
	_ =	sdelay $0x1  }
0x320: {  	v6 =	vcvt.s32.f32 v6;
	v7 =	vadd.f32 v7, v22;
	v5 =	vadd.f32 v5, v9;
	_ =	sdelay $0x1  }
0x321: {  	v4 =	vsub.f32 v4, v6;
	v5 =	vsub.f32 v5, v7;
	_ =	sdelay $0x1  }
0x322: {  	v4 =	vmul.f32 v5, v4;
	_ =	sdelay $0x1  }
0x323: {  	v4 =	vadd.f32 v4, v7;
	_ =	sdelay $0x1  }
0x324: {  	[tilespmem:s10+$0x30] =	vst v4  }
0x325: {  	v4 =	vld [tilespmem:$0x1C890]  }
0x326: {  	v25 =	vld [tilespmem:$0x1C7B0];
	_ =	sdelay $0x3  }
0x327: {  	v4 =	vadd.f32 v4, v3  }
0x328: {  	v5 =	vadd.f32 v25, v2  }
0x329: {  	v4 =	vmax.f32 v4, $0.0e+00  }
0x32a: {  	v5 =	vmax.f32 v5, $0.0e+00;
	v4 =	vmin.f32 v4, $2.229999850e+02  }
0x32b: {  	v5 =	vmin.f32 v5, $2.229999850e+02;
	v26 =	vtrunc.f32 v4  }
0x32c: {  	v27 =	vtrunc.f32 v5;
	v6 =	vcvt.f32.s32 v26  }
0x32d: {  	v7 =	vcvt.f32.s32 v27  }
0x32e: {  	v28 =	vmul.u32 $0xE8, v6  }
0x32f: {  	v29 =	vand.u32 $0xFFFFFFF8, v7;
	v30 =	vadd.s32 $0x1, v7;
	v31 =	vand.u32 $0x7, v7  }
0x330: {  	v33 =	vand.u32 $0xFFFFFFF8, v30;
	v10 =	vand.u32 $0x7, v30;
	v32 =	vadd.s32 v29, v28  }
0x331: {  	v34 =	vadd.s32 v33, v28;
	v8 =	vadd.s32 $0xE8, v28;
	v12 =	vor.u32 v31, v32  }
0x332: {  	v14 =	vor.u32 v10, v34;
	v9 =	vadd.s32 v29, v8  }
0x333: {  	v8 =	vadd.s32 v33, v8;
	v9 =	vor.u32 v31, v9  }
0x334: {  	v8 =	vor.u32 v10, v8;
	_ =	sdelay $0x1  }
0x335: {  	v35 =	vld.idx.msk [tilespmem:v12+s3+$0x0], $0xffff  }
0x336: {  	v36 =	vld.idx.msk [tilespmem:v14+s3+$0x0], $0xffff  }
0x337: {  	v9 =	vld.idx.msk [tilespmem:v9+s3+$0x0], $0xffff  }
0x338: {  	v8 =	vld.idx.msk [tilespmem:v8+s3+$0x0], $0xffff;
	_ =	sdelay $0x1  }
0x339: {  	v7 =	vcvt.s32.f32 v7;
	_ =	sdelay $0x1  }
0x33a: {  	v5 =	vsub.f32 v5, v7  }
0x33b: {  	v37 =	vsub.f32 v36, v35;
	v8 =	vsub.f32 v8, v9;
	_ =	sdelay $0x1  }
0x33c: {  	v7 =	vmul.f32 v5, v37;
	v5 =	vmul.f32 v8, v5;
	_ =	sdelay $0x1  }
0x33d: {  	v6 =	vcvt.s32.f32 v6;
	v7 =	vadd.f32 v7, v35;
	v5 =	vadd.f32 v5, v9;
	_ =	sdelay $0x1  }
0x33e: {  	v4 =	vsub.f32 v4, v6;
	v5 =	vsub.f32 v5, v7;
	_ =	sdelay $0x1  }
0x33f: {  	v4 =	vmul.f32 v5, v4;
	_ =	sdelay $0x1  }
0x340: {  	v4 =	vadd.f32 v4, v7;
	_ =	sdelay $0x1  }
0x341: {  	[tilespmem:s10+$0x40] =	vst v4  }
0x342: {  	v4 =	vld [tilespmem:$0x1C8A0]  }
0x343: {  	v38 =	vld [tilespmem:$0x1C7C0];
	_ =	sdelay $0x3  }
0x344: {  	v4 =	vadd.f32 v4, v3  }
0x345: {  	v5 =	vadd.f32 v38, v2  }
0x346: {  	v4 =	vmax.f32 v4, $0.0e+00  }
0x347: {  	v5 =	vmax.f32 v5, $0.0e+00;
	v4 =	vmin.f32 v4, $2.229999850e+02  }
0x348: {  	v5 =	vmin.f32 v5, $2.229999850e+02;
	v39 =	vtrunc.f32 v4  }
0x349: {  	v40 =	vtrunc.f32 v5;
	v6 =	vcvt.f32.s32 v39  }
0x34a: {  	v7 =	vcvt.f32.s32 v40  }
0x34b: {  	v41 =	vmul.u32 $0xE8, v6  }
0x34c: {  	v42 =	vand.u32 $0xFFFFFFF8, v7;
	v43 =	vadd.s32 $0x1, v7;
	v44 =	vand.u32 $0x7, v7  }
0x34d: {  	v46 =	vand.u32 $0xFFFFFFF8, v43;
	v10 =	vand.u32 $0x7, v43;
	v45 =	vadd.s32 v42, v41  }
0x34e: {  	v47 =	vadd.s32 v46, v41;
	v8 =	vadd.s32 $0xE8, v41;
	v12 =	vor.u32 v44, v45  }
0x34f: {  	v14 =	vor.u32 v10, v47;
	v9 =	vadd.s32 v42, v8  }
0x350: {  	v8 =	vadd.s32 v46, v8;
	v9 =	vor.u32 v44, v9  }
0x351: {  	v8 =	vor.u32 v10, v8;
	_ =	sdelay $0x1  }
0x352: {  	v48 =	vld.idx.msk [tilespmem:v12+s3+$0x0], $0xffff  }
0x353: {  	v49 =	vld.idx.msk [tilespmem:v14+s3+$0x0], $0xffff  }
0x354: {  	v9 =	vld.idx.msk [tilespmem:v9+s3+$0x0], $0xffff  }
0x355: {  	v8 =	vld.idx.msk [tilespmem:v8+s3+$0x0], $0xffff;
	_ =	sdelay $0x1  }
0x356: {  	v7 =	vcvt.s32.f32 v7;
	_ =	sdelay $0x1  }
0x357: {  	v5 =	vsub.f32 v5, v7  }
0x358: {  	v50 =	vsub.f32 v49, v48;
	v8 =	vsub.f32 v8, v9;
	_ =	sdelay $0x1  }
0x359: {  	v7 =	vmul.f32 v5, v50;
	v5 =	vmul.f32 v8, v5;
	_ =	sdelay $0x1  }
0x35a: {  	v6 =	vcvt.s32.f32 v6;
	v7 =	vadd.f32 v7, v48;
	v5 =	vadd.f32 v5, v9;
	_ =	sdelay $0x1  }
0x35b: {  	v4 =	vsub.f32 v4, v6;
	v5 =	vsub.f32 v5, v7;
	_ =	sdelay $0x1  }
0x35c: {  	v4 =	vmul.f32 v5, v4;
	_ =	sdelay $0x1  }
0x35d: {  	v4 =	vadd.f32 v4, v7;
	_ =	sdelay $0x1  }
0x35e: {  	[tilespmem:s10+$0x50] =	vst v4  }
0x35f: {  	v4 =	vld [tilespmem:$0x1C8B0]  }
0x360: {  	v51 =	vld [tilespmem:$0x1C7D0];
	_ =	sdelay $0x3  }
0x361: {  	v3 =	vadd.f32 v4, v3  }
0x362: {  	v2 =	vadd.f32 v51, v2  }
0x363: {  	v3 =	vmax.f32 v3, $0.0e+00  }
0x364: {  	v2 =	vmax.f32 v2, $0.0e+00;
	v3 =	vmin.f32 v3, $2.229999850e+02  }
0x365: {  	v2 =	vmin.f32 v2, $2.229999850e+02;
	v52 =	vtrunc.f32 v3  }
0x366: {  	v53 =	vtrunc.f32 v2;
	v4 =	vcvt.f32.s32 v52  }
0x367: {  	v5 =	vcvt.f32.s32 v53  }
0x368: {  	v54 =	vmul.u32 $0xE8, v4  }
0x369: {  	v55 =	vand.u32 $0xFFFFFFF8, v5;
	v56 =	vadd.s32 $0x1, v5;
	v57 =	vand.u32 $0x7, v5  }
0x36a: {  	v59 =	vand.u32 $0xFFFFFFF8, v56;
	v8 =	vand.u32 $0x7, v56;
	v58 =	vadd.s32 v55, v54  }
0x36b: {  	v60 =	vadd.s32 v59, v54;
	v6 =	vadd.s32 $0xE8, v54;
	v10 =	vor.u32 v57, v58  }
0x36c: {  	v12 =	vor.u32 v8, v60;
	v7 =	vadd.s32 v55, v6  }
0x36d: {  	v6 =	vadd.s32 v59, v6;
	v7 =	vor.u32 v57, v7  }
0x36e: {  	v6 =	vor.u32 v8, v6;
	_ =	sdelay $0x1  }
0x36f: {  	v61 =	vld.idx.msk [tilespmem:v10+s3+$0x0], $0xffff  }
0x370: {  	v62 =	vld.idx.msk [tilespmem:v12+s3+$0x0], $0xffff  }
0x371: {  	v7 =	vld.idx.msk [tilespmem:v7+s3+$0x0], $0xffff  }
0x372: {  	v6 =	vld.idx.msk [tilespmem:v6+s3+$0x0], $0xffff;
	_ =	sdelay $0x1  }
0x373: {  	v5 =	vcvt.s32.f32 v5;
	_ =	sdelay $0x1  }
0x374: {  	v2 =	vsub.f32 v2, v5  }
0x375: {  	v63 =	vsub.f32 v62, v61;
	v6 =	vsub.f32 v6, v7;
	_ =	sdelay $0x1  }
0x376: {  	v5 =	vmul.f32 v2, v63;
	v2 =	vmul.f32 v6, v2;
	_ =	sdelay $0x1  }
0x377: {  	v4 =	vcvt.s32.f32 v4;
	v5 =	vadd.f32 v5, v61;
	v2 =	vadd.f32 v2, v7;
	_ =	sdelay $0x1  }
0x378: {  	v3 =	vsub.f32 v3, v4;
	v2 =	vsub.f32 v2, v5  }
0x379: {  	p0 =	sne.s32 s9, $0x6C0  }
.Ltmp3:
0x37a: {  	v2 =	vmul.f32 v2, v3;
	(pc) =	sbr.rel @p0 .LBB2_9-.Ltmp3, $3  }
0x37b: {  	_ = 	snop  }
0x37c: {  	v2 =	vadd.f32 v2, v5;
	_ =	sdelay $0x1  }
0x37d: {  	s9 =	sadd.s32 $0x40, s9;
	[tilespmem:s10+$0x60] =	vst v2;
	s10 =	sadd.s32 $0xE0, s10  }
0x37e: {  	s15 =	sadd.s32 $0x1, s15  }
0x37f: {  	s8 =	smul.u32 $0x1880, s8;
	p0 =	sne.s32 s15, $0x4  }
.Ltmp4:
0x380: {  	_ = 	snop;
	(pc) =	sbr.rel @p0 .LBB2_6-.Ltmp4, $4  }
0x381: {  	s8 =	sadd.s32 s2, s8  }
0x382: {  	s17 =	sadd.s32 $0x380, s17;
	s18 =	sadd.s32 $0x380, s18;
	s8 =	sshrl.u32 s8, $0x3  }
0x383: {  	s19 =	sadd.s32 $0x380, s19;
	s7 =	sadd.s32 $0x380, s7;
	s8 =	sadd.s32 s5, s8  }
0x384: {  	[hbm4b:s8+s3] =	stream.linear.scatter [tilespmem:s22], [sflag:$0x4], $0x1880, $0x38;
	[tilespmem:$0x1E4C0] =	vst v63  }
0x385: {  	p0 =	seq.s32 s29, $0x17  }
.Ltmp5:
0x386: {  	_ = 	snop;
	(pc) =	sbr.rel @p0 .LBB2_15-.Ltmp5, $1  }
0x387: {  	_ =	sdelay $0x3  }
0x388: {  	s0 =	sadd.s32 s31, s13  }
0x389: {  	s0 =	smul.u32 $0xC400, s0;
	_ =	sdelay $0x1  }
0x38a: {  	s0 =	sadd.s32 s4, s0  }
0x38b: {  	s0 =	sshrl.u32 s0, $0x3  }
0x38c: {  	s2 =	simm.s32 $0x0;
	s0 =	sadd.s32 s1, s0  }
0x38d: {  	s7 =	simm.s32 $0x1C;
	s8 =	simm.s32 $0xE8;
	s9 =	sadd.s32 $0x0, s0  }
.LBB2_13:
0x38e: {  	[tilespmem:s2], [sflag:$0x1] =	stream.linear.gather [hbm4b:s9+s3], $0xE0, $0x38;
	[tilespmem:$0x1E4C0] =	vst v63  }
0x38f: {  	s9 =	smov.u32 s7;
	s2 =	smov.u32 s8;
	p0 =	sne.s32 s7, $0x1864  }
.Ltmp6:
0x390: {  	s7 =	sadd.s32 $0x1C, s7;
	(pc) =	sbr.rel @p0 .LBB2_13-.Ltmp6, $2  }
0x391: {  	_ =	sdelay $0x2  }
0x392: {  	s8 =	sadd.s32 $0xE8, s8;
	s9 =	sadd.s32 s9, s0  }
0x393: {  	[tilespmem:s2], [sflag:$0x1] =	stream.linear.gather [hbm4b:s9+s3], $0xE0, $0x38;
	[tilespmem:$0x1E4C0] =	vst v63  }
.LBB2_15:
0x394: {  	_ =	swait.ge [sflag:s23], $0xC400;
	s0 =	simm.s32 $0x0  }
0x395: {  	s2 =	simm.s32 $0x1C8C0;
	s7 =	simm.s32 $0x1D6C0;
	[sflag:s23] =	ssyncset.done $0x0  }
0x396: {  	s15 =	simm.s32 $0x1CA80;
	s17 =	simm.s32 $0x1D880;
	[sflag:s23] =	ssyncadd.s32 $0xFFFF3C00  }
.LBB2_16:
0x397: {  	_ =	swait.ge [sflag:s24], $0x1880;
	v1 =	vmov s7  }
0x398: {  	v0 =	vmov s2;
	[sflag:s24] =	ssyncset.done $0x0  }
0x399: {  	s8 =	simm.s32 $0x19670;
	s9 =	simm.s32 $0x0;
	[sflag:s24] =	ssyncadd.s32 $0xFFFFE780  }
.LBB2_17:
0x39a: {  	v4 =	vld [tilespmem:$0x1C7E0]  }
0x39b: {  	s10 =	sshra.s32 s9, $0x2;
	v5 =	vld [tilespmem:$0x1C700]  }
0x39c: {  	v3 =	vld.idx.msk [tilespmem:v1+s10+$0x0 ss:$0x1], $0xffff  }
0x39d: {  	v2 =	vld.idx.msk [tilespmem:v0+s10+$0x0 ss:$0x1], $0xffff;
	_ =	sdelay $0x3  }
0x39e: {  	v4 =	vadd.f32 v4, v3  }
0x39f: {  	v5 =	vadd.f32 v5, v2  }
0x3a0: {  	v4 =	vmax.f32 v4, $0.0e+00  }
0x3a1: {  	v5 =	vmax.f32 v5, $0.0e+00;
	v4 =	vmin.f32 v4, $2.229999850e+02  }
0x3a2: {  	v5 =	vmin.f32 v5, $2.229999850e+02;
	v6 =	vtrunc.f32 v4  }
0x3a3: {  	v7 =	vtrunc.f32 v5;
	v6 =	vcvt.f32.s32 v6  }
0x3a4: {  	v7 =	vcvt.f32.s32 v7  }
0x3a5: {  	v8 =	vmul.u32 $0xE8, v6  }
0x3a6: {  	v9 =	vand.u32 $0xFFFFFFF8, v7;
	v10 =	vadd.s32 $0x1, v7;
	v11 =	vand.u32 $0x7, v7  }
0x3a7: {  	v13 =	vand.u32 $0xFFFFFFF8, v10;
	v10 =	vand.u32 $0x7, v10;
	v12 =	vadd.s32 v9, v8  }
0x3a8: {  	v14 =	vadd.s32 v13, v8;
	v8 =	vadd.s32 $0xE8, v8;
	v12 =	vor.u32 v11, v12  }
0x3a9: {  	v14 =	vor.u32 v10, v14;
	v9 =	vadd.s32 v9, v8  }
0x3aa: {  	v8 =	vadd.s32 v13, v8;
	v9 =	vor.u32 v11, v9  }
0x3ab: {  	v8 =	vor.u32 v10, v8;
	_ =	sdelay $0x1  }
0x3ac: {  	v38 =	vld.idx.msk [tilespmem:v12+s25+$0x0], $0xffff  }
0x3ad: {  	v39 =	vld.idx.msk [tilespmem:v14+s25+$0x0], $0xffff  }
0x3ae: {  	v9 =	vld.idx.msk [tilespmem:v9+s25+$0x0], $0xffff  }
0x3af: {  	v8 =	vld.idx.msk [tilespmem:v8+s25+$0x0], $0xffff;
	_ =	sdelay $0x1  }
0x3b0: {  	v7 =	vcvt.s32.f32 v7;
	_ =	sdelay $0x1  }
0x3b1: {  	v5 =	vsub.f32 v5, v7  }
0x3b2: {  	v40 =	vsub.f32 v39, v38;
	v8 =	vsub.f32 v8, v9;
	_ =	sdelay $0x1  }
0x3b3: {  	v7 =	vmul.f32 v5, v40;
	v5 =	vmul.f32 v8, v5;
	_ =	sdelay $0x1  }
0x3b4: {  	v6 =	vcvt.s32.f32 v6;
	v7 =	vadd.f32 v7, v38;
	v5 =	vadd.f32 v5, v9;
	_ =	sdelay $0x1  }
0x3b5: {  	v4 =	vsub.f32 v4, v6;
	v5 =	vsub.f32 v5, v7;
	_ =	sdelay $0x1  }
0x3b6: {  	v4 =	vmul.f32 v5, v4;
	_ =	sdelay $0x1  }
0x3b7: {  	v4 =	vadd.f32 v4, v7;
	_ =	sdelay $0x1  }
0x3b8: {  	[tilespmem:s8+$0xFFFFFF90] =	vst v4  }
0x3b9: {  	v4 =	vld [tilespmem:$0x1C7F0]  }
0x3ba: {  	v41 =	vld [tilespmem:$0x1C710];
	_ =	sdelay $0x3  }
0x3bb: {  	v4 =	vadd.f32 v4, v3  }
0x3bc: {  	v5 =	vadd.f32 v41, v2  }
0x3bd: {  	v4 =	vmax.f32 v4, $0.0e+00  }
0x3be: {  	v5 =	vmax.f32 v5, $0.0e+00;
	v4 =	vmin.f32 v4, $2.229999850e+02  }
0x3bf: {  	v5 =	vmin.f32 v5, $2.229999850e+02;
	v42 =	vtrunc.f32 v4  }
0x3c0: {  	v43 =	vtrunc.f32 v5;
	v6 =	vcvt.f32.s32 v42  }
0x3c1: {  	v7 =	vcvt.f32.s32 v43  }
0x3c2: {  	v44 =	vmul.u32 $0xE8, v6  }
0x3c3: {  	v45 =	vand.u32 $0xFFFFFFF8, v7;
	v46 =	vadd.s32 $0x1, v7;
	v47 =	vand.u32 $0x7, v7  }
0x3c4: {  	v49 =	vand.u32 $0xFFFFFFF8, v46;
	v10 =	vand.u32 $0x7, v46;
	v48 =	vadd.s32 v45, v44  }
0x3c5: {  	v50 =	vadd.s32 v49, v44;
	v8 =	vadd.s32 $0xE8, v44;
	v12 =	vor.u32 v47, v48  }
0x3c6: {  	v14 =	vor.u32 v10, v50;
	v9 =	vadd.s32 v45, v8  }
0x3c7: {  	v8 =	vadd.s32 v49, v8;
	v9 =	vor.u32 v47, v9  }
0x3c8: {  	v8 =	vor.u32 v10, v8;
	_ =	sdelay $0x1  }
0x3c9: {  	v51 =	vld.idx.msk [tilespmem:v12+s25+$0x0], $0xffff  }
0x3ca: {  	v52 =	vld.idx.msk [tilespmem:v14+s25+$0x0], $0xffff  }
0x3cb: {  	v9 =	vld.idx.msk [tilespmem:v9+s25+$0x0], $0xffff  }
0x3cc: {  	v8 =	vld.idx.msk [tilespmem:v8+s25+$0x0], $0xffff;
	_ =	sdelay $0x1  }
0x3cd: {  	v7 =	vcvt.s32.f32 v7;
	_ =	sdelay $0x1  }
0x3ce: {  	v5 =	vsub.f32 v5, v7  }
0x3cf: {  	v53 =	vsub.f32 v52, v51;
	v8 =	vsub.f32 v8, v9;
	_ =	sdelay $0x1  }
0x3d0: {  	v7 =	vmul.f32 v5, v53;
	v5 =	vmul.f32 v8, v5;
	_ =	sdelay $0x1  }
0x3d1: {  	v6 =	vcvt.s32.f32 v6;
	v7 =	vadd.f32 v7, v51;
	v5 =	vadd.f32 v5, v9;
	_ =	sdelay $0x1  }
0x3d2: {  	v4 =	vsub.f32 v4, v6;
	v5 =	vsub.f32 v5, v7;
	_ =	sdelay $0x1  }
0x3d3: {  	v4 =	vmul.f32 v5, v4;
	_ =	sdelay $0x1  }
0x3d4: {  	v4 =	vadd.f32 v4, v7;
	_ =	sdelay $0x1  }
0x3d5: {  	[tilespmem:s8+$0xFFFFFFA0] =	vst v4  }
0x3d6: {  	v4 =	vld [tilespmem:$0x1C800]  }
0x3d7: {  	v54 =	vld [tilespmem:$0x1C720];
	_ =	sdelay $0x3  }
0x3d8: {  	v4 =	vadd.f32 v4, v3  }
0x3d9: {  	v5 =	vadd.f32 v54, v2  }
0x3da: {  	v4 =	vmax.f32 v4, $0.0e+00  }
0x3db: {  	v5 =	vmax.f32 v5, $0.0e+00;
	v4 =	vmin.f32 v4, $2.229999850e+02  }
0x3dc: {  	v5 =	vmin.f32 v5, $2.229999850e+02;
	v55 =	vtrunc.f32 v4  }
0x3dd: {  	v56 =	vtrunc.f32 v5;
	v6 =	vcvt.f32.s32 v55  }
0x3de: {  	v7 =	vcvt.f32.s32 v56  }
0x3df: {  	v57 =	vmul.u32 $0xE8, v6  }
0x3e0: {  	v58 =	vand.u32 $0xFFFFFFF8, v7;
	v59 =	vadd.s32 $0x1, v7;
	v60 =	vand.u32 $0x7, v7  }
0x3e1: {  	v62 =	vand.u32 $0xFFFFFFF8, v59;
	v10 =	vand.u32 $0x7, v59;
	v61 =	vadd.s32 v58, v57  }
0x3e2: {  	v63 =	vadd.s32 v62, v57;
	v8 =	vadd.s32 $0xE8, v57;
	v12 =	vor.u32 v60, v61  }
0x3e3: {  	v14 =	vor.u32 v10, v63;
	v9 =	vadd.s32 v58, v8  }
0x3e4: {  	v8 =	vadd.s32 v62, v8;
	v9 =	vor.u32 v60, v9  }
0x3e5: {  	v8 =	vor.u32 v10, v8;
	_ =	sdelay $0x1  }
0x3e6: {  	v13 =	vld.idx.msk [tilespmem:v12+s25+$0x0], $0xffff  }
0x3e7: {  	v15 =	vld.idx.msk [tilespmem:v14+s25+$0x0], $0xffff  }
0x3e8: {  	v9 =	vld.idx.msk [tilespmem:v9+s25+$0x0], $0xffff  }
0x3e9: {  	v8 =	vld.idx.msk [tilespmem:v8+s25+$0x0], $0xffff;
	_ =	sdelay $0x1  }
0x3ea: {  	v7 =	vcvt.s32.f32 v7;
	_ =	sdelay $0x1  }
0x3eb: {  	v5 =	vsub.f32 v5, v7  }
0x3ec: {  	v16 =	vsub.f32 v15, v13;
	v8 =	vsub.f32 v8, v9;
	_ =	sdelay $0x1  }
0x3ed: {  	v7 =	vmul.f32 v5, v16;
	v5 =	vmul.f32 v8, v5;
	_ =	sdelay $0x1  }
0x3ee: {  	v6 =	vcvt.s32.f32 v6;
	v7 =	vadd.f32 v7, v13;
	v5 =	vadd.f32 v5, v9;
	_ =	sdelay $0x1  }
0x3ef: {  	v4 =	vsub.f32 v4, v6;
	v5 =	vsub.f32 v5, v7;
	_ =	sdelay $0x1  }
0x3f0: {  	v4 =	vmul.f32 v5, v4;
	_ =	sdelay $0x1  }
0x3f1: {  	v4 =	vadd.f32 v4, v7;
	_ =	sdelay $0x1  }
0x3f2: {  	[tilespmem:s8+$0xFFFFFFB0] =	vst v4  }
0x3f3: {  	v4 =	vld [tilespmem:$0x1C810]  }
0x3f4: {  	v17 =	vld [tilespmem:$0x1C730];
	_ =	sdelay $0x3  }
0x3f5: {  	v4 =	vadd.f32 v4, v3  }
0x3f6: {  	v5 =	vadd.f32 v17, v2  }
0x3f7: {  	v4 =	vmax.f32 v4, $0.0e+00  }
0x3f8: {  	v5 =	vmax.f32 v5, $0.0e+00;
	v4 =	vmin.f32 v4, $2.229999850e+02  }
0x3f9: {  	v5 =	vmin.f32 v5, $2.229999850e+02;
	v18 =	vtrunc.f32 v4  }
0x3fa: {  	v19 =	vtrunc.f32 v5;
	v6 =	vcvt.f32.s32 v18  }
0x3fb: {  	v7 =	vcvt.f32.s32 v19  }
0x3fc: {  	v20 =	vmul.u32 $0xE8, v6  }
0x3fd: {  	v21 =	vand.u32 $0xFFFFFFF8, v7;
	v22 =	vadd.s32 $0x1, v7;
	v23 =	vand.u32 $0x7, v7  }
0x3fe: {  	v25 =	vand.u32 $0xFFFFFFF8, v22;
	v10 =	vand.u32 $0x7, v22;
	v24 =	vadd.s32 v21, v20  }
0x3ff: {  	v26 =	vadd.s32 v25, v20;
	v8 =	vadd.s32 $0xE8, v20;
	v12 =	vor.u32 v23, v24  }
0x400: {  	v14 =	vor.u32 v10, v26;
	v9 =	vadd.s32 v21, v8  }
0x401: {  	v8 =	vadd.s32 v25, v8;
	v9 =	vor.u32 v23, v9  }
0x402: {  	v8 =	vor.u32 v10, v8;
	_ =	sdelay $0x1  }
0x403: {  	v27 =	vld.idx.msk [tilespmem:v12+s25+$0x0], $0xffff  }
0x404: {  	v28 =	vld.idx.msk [tilespmem:v14+s25+$0x0], $0xffff  }
0x405: {  	v9 =	vld.idx.msk [tilespmem:v9+s25+$0x0], $0xffff  }
0x406: {  	v8 =	vld.idx.msk [tilespmem:v8+s25+$0x0], $0xffff;
	_ =	sdelay $0x1  }
0x407: {  	v7 =	vcvt.s32.f32 v7;
	_ =	sdelay $0x1  }
0x408: {  	v5 =	vsub.f32 v5, v7  }
0x409: {  	v29 =	vsub.f32 v28, v27;
	v8 =	vsub.f32 v8, v9;
	_ =	sdelay $0x1  }
0x40a: {  	v7 =	vmul.f32 v5, v29;
	v5 =	vmul.f32 v8, v5;
	_ =	sdelay $0x1  }
0x40b: {  	v6 =	vcvt.s32.f32 v6;
	v7 =	vadd.f32 v7, v27;
	v5 =	vadd.f32 v5, v9;
	_ =	sdelay $0x1  }
0x40c: {  	v4 =	vsub.f32 v4, v6;
	v5 =	vsub.f32 v5, v7;
	_ =	sdelay $0x1  }
0x40d: {  	v4 =	vmul.f32 v5, v4;
	_ =	sdelay $0x1  }
0x40e: {  	v4 =	vadd.f32 v4, v7;
	_ =	sdelay $0x1  }
0x40f: {  	[tilespmem:s8+$0xFFFFFFC0] =	vst v4  }
0x410: {  	v4 =	vld [tilespmem:$0x1C820]  }
0x411: {  	v30 =	vld [tilespmem:$0x1C740];
	_ =	sdelay $0x3  }
0x412: {  	v4 =	vadd.f32 v4, v3  }
0x413: {  	v5 =	vadd.f32 v30, v2  }
0x414: {  	v4 =	vmax.f32 v4, $0.0e+00  }
0x415: {  	v5 =	vmax.f32 v5, $0.0e+00;
	v4 =	vmin.f32 v4, $2.229999850e+02  }
0x416: {  	v5 =	vmin.f32 v5, $2.229999850e+02;
	v31 =	vtrunc.f32 v4  }
0x417: {  	v32 =	vtrunc.f32 v5;
	v6 =	vcvt.f32.s32 v31  }
0x418: {  	v7 =	vcvt.f32.s32 v32  }
0x419: {  	v33 =	vmul.u32 $0xE8, v6  }
0x41a: {  	v34 =	vand.u32 $0xFFFFFFF8, v7;
	v35 =	vadd.s32 $0x1, v7;
	v36 =	vand.u32 $0x7, v7  }
0x41b: {  	v38 =	vand.u32 $0xFFFFFFF8, v35;
	v10 =	vand.u32 $0x7, v35;
	v37 =	vadd.s32 v34, v33  }
0x41c: {  	v39 =	vadd.s32 v38, v33;
	v8 =	vadd.s32 $0xE8, v33;
	v12 =	vor.u32 v36, v37  }
0x41d: {  	v14 =	vor.u32 v10, v39;
	v9 =	vadd.s32 v34, v8  }
0x41e: {  	v8 =	vadd.s32 v38, v8;
	v9 =	vor.u32 v36, v9  }
0x41f: {  	v8 =	vor.u32 v10, v8;
	_ =	sdelay $0x1  }
0x420: {  	v40 =	vld.idx.msk [tilespmem:v12+s25+$0x0], $0xffff  }
0x421: {  	v41 =	vld.idx.msk [tilespmem:v14+s25+$0x0], $0xffff  }
0x422: {  	v9 =	vld.idx.msk [tilespmem:v9+s25+$0x0], $0xffff  }
0x423: {  	v8 =	vld.idx.msk [tilespmem:v8+s25+$0x0], $0xffff;
	_ =	sdelay $0x1  }
0x424: {  	v7 =	vcvt.s32.f32 v7;
	_ =	sdelay $0x1  }
0x425: {  	v5 =	vsub.f32 v5, v7  }
0x426: {  	v42 =	vsub.f32 v41, v40;
	v8 =	vsub.f32 v8, v9;
	_ =	sdelay $0x1  }
0x427: {  	v7 =	vmul.f32 v5, v42;
	v5 =	vmul.f32 v8, v5;
	_ =	sdelay $0x1  }
0x428: {  	v6 =	vcvt.s32.f32 v6;
	v7 =	vadd.f32 v7, v40;
	v5 =	vadd.f32 v5, v9;
	_ =	sdelay $0x1  }
0x429: {  	v4 =	vsub.f32 v4, v6;
	v5 =	vsub.f32 v5, v7;
	_ =	sdelay $0x1  }
0x42a: {  	v4 =	vmul.f32 v5, v4;
	_ =	sdelay $0x1  }
0x42b: {  	v4 =	vadd.f32 v4, v7;
	_ =	sdelay $0x1  }
0x42c: {  	[tilespmem:s8+$0xFFFFFFD0] =	vst v4  }
0x42d: {  	v4 =	vld [tilespmem:$0x1C830]  }
0x42e: {  	v43 =	vld [tilespmem:$0x1C750];
	_ =	sdelay $0x3  }
0x42f: {  	v4 =	vadd.f32 v4, v3  }
0x430: {  	v5 =	vadd.f32 v43, v2  }
0x431: {  	v4 =	vmax.f32 v4, $0.0e+00  }
0x432: {  	v5 =	vmax.f32 v5, $0.0e+00;
	v4 =	vmin.f32 v4, $2.229999850e+02  }
0x433: {  	v5 =	vmin.f32 v5, $2.229999850e+02;
	v44 =	vtrunc.f32 v4  }
0x434: {  	v45 =	vtrunc.f32 v5;
	v6 =	vcvt.f32.s32 v44  }
0x435: {  	v7 =	vcvt.f32.s32 v45  }
0x436: {  	v46 =	vmul.u32 $0xE8, v6  }
0x437: {  	v47 =	vand.u32 $0xFFFFFFF8, v7;
	v48 =	vadd.s32 $0x1, v7;
	v49 =	vand.u32 $0x7, v7  }
0x438: {  	v51 =	vand.u32 $0xFFFFFFF8, v48;
	v10 =	vand.u32 $0x7, v48;
	v50 =	vadd.s32 v47, v46  }
0x439: {  	v52 =	vadd.s32 v51, v46;
	v8 =	vadd.s32 $0xE8, v46;
	v12 =	vor.u32 v49, v50  }
0x43a: {  	v14 =	vor.u32 v10, v52;
	v9 =	vadd.s32 v47, v8  }
0x43b: {  	v8 =	vadd.s32 v51, v8;
	v9 =	vor.u32 v49, v9  }
0x43c: {  	v8 =	vor.u32 v10, v8;
	_ =	sdelay $0x1  }
0x43d: {  	v53 =	vld.idx.msk [tilespmem:v12+s25+$0x0], $0xffff  }
0x43e: {  	v54 =	vld.idx.msk [tilespmem:v14+s25+$0x0], $0xffff  }
0x43f: {  	v9 =	vld.idx.msk [tilespmem:v9+s25+$0x0], $0xffff  }
0x440: {  	v8 =	vld.idx.msk [tilespmem:v8+s25+$0x0], $0xffff;
	_ =	sdelay $0x1  }
0x441: {  	v7 =	vcvt.s32.f32 v7;
	_ =	sdelay $0x1  }
0x442: {  	v5 =	vsub.f32 v5, v7  }
0x443: {  	v55 =	vsub.f32 v54, v53;
	v8 =	vsub.f32 v8, v9;
	_ =	sdelay $0x1  }
0x444: {  	v7 =	vmul.f32 v5, v55;
	v5 =	vmul.f32 v8, v5;
	_ =	sdelay $0x1  }
0x445: {  	v6 =	vcvt.s32.f32 v6;
	v7 =	vadd.f32 v7, v53;
	v5 =	vadd.f32 v5, v9;
	_ =	sdelay $0x1  }
0x446: {  	v4 =	vsub.f32 v4, v6;
	v5 =	vsub.f32 v5, v7;
	_ =	sdelay $0x1  }
0x447: {  	v4 =	vmul.f32 v5, v4;
	_ =	sdelay $0x1  }
0x448: {  	v4 =	vadd.f32 v4, v7;
	_ =	sdelay $0x1  }
0x449: {  	[tilespmem:s8+$0xFFFFFFE0] =	vst v4  }
0x44a: {  	v4 =	vld [tilespmem:$0x1C840]  }
0x44b: {  	v56 =	vld [tilespmem:$0x1C760];
	_ =	sdelay $0x3  }
0x44c: {  	v4 =	vadd.f32 v4, v3  }
0x44d: {  	v5 =	vadd.f32 v56, v2  }
0x44e: {  	v4 =	vmax.f32 v4, $0.0e+00  }
0x44f: {  	v5 =	vmax.f32 v5, $0.0e+00;
	v4 =	vmin.f32 v4, $2.229999850e+02  }
0x450: {  	v5 =	vmin.f32 v5, $2.229999850e+02;
	v57 =	vtrunc.f32 v4  }
0x451: {  	v58 =	vtrunc.f32 v5;
	v6 =	vcvt.f32.s32 v57  }
0x452: {  	v7 =	vcvt.f32.s32 v58  }
0x453: {  	v59 =	vmul.u32 $0xE8, v6  }
0x454: {  	v60 =	vand.u32 $0xFFFFFFF8, v7;
	v61 =	vadd.s32 $0x1, v7;
	v62 =	vand.u32 $0x7, v7  }
0x455: {  	v16 =	vand.u32 $0xFFFFFFF8, v61;
	v10 =	vand.u32 $0x7, v61;
	v63 =	vadd.s32 v60, v59  }
0x456: {  	v17 =	vadd.s32 v16, v59;
	v8 =	vadd.s32 $0xE8, v59;
	v12 =	vor.u32 v62, v63  }
0x457: {  	v14 =	vor.u32 v10, v17;
	v9 =	vadd.s32 v60, v8  }
0x458: {  	v8 =	vadd.s32 v16, v8;
	v9 =	vor.u32 v62, v9  }
0x459: {  	v8 =	vor.u32 v10, v8;
	_ =	sdelay $0x1  }
0x45a: {  	v18 =	vld.idx.msk [tilespmem:v12+s25+$0x0], $0xffff  }
0x45b: {  	v19 =	vld.idx.msk [tilespmem:v14+s25+$0x0], $0xffff  }
0x45c: {  	v9 =	vld.idx.msk [tilespmem:v9+s25+$0x0], $0xffff  }
0x45d: {  	v8 =	vld.idx.msk [tilespmem:v8+s25+$0x0], $0xffff;
	_ =	sdelay $0x1  }
0x45e: {  	v7 =	vcvt.s32.f32 v7;
	_ =	sdelay $0x1  }
0x45f: {  	v5 =	vsub.f32 v5, v7  }
0x460: {  	v20 =	vsub.f32 v19, v18;
	v8 =	vsub.f32 v8, v9;
	_ =	sdelay $0x1  }
0x461: {  	v7 =	vmul.f32 v5, v20;
	v5 =	vmul.f32 v8, v5;
	_ =	sdelay $0x1  }
0x462: {  	v6 =	vcvt.s32.f32 v6;
	v7 =	vadd.f32 v7, v18;
	v5 =	vadd.f32 v5, v9;
	_ =	sdelay $0x1  }
0x463: {  	v4 =	vsub.f32 v4, v6;
	v5 =	vsub.f32 v5, v7;
	_ =	sdelay $0x1  }
0x464: {  	v4 =	vmul.f32 v5, v4;
	_ =	sdelay $0x1  }
0x465: {  	v4 =	vadd.f32 v4, v7;
	_ =	sdelay $0x1  }
0x466: {  	[tilespmem:s8+$0xFFFFFFF0] =	vst v4  }
0x467: {  	v4 =	vld [tilespmem:$0x1C850]  }
0x468: {  	v21 =	vld [tilespmem:$0x1C770];
	_ =	sdelay $0x3  }
0x469: {  	v4 =	vadd.f32 v4, v3  }
0x46a: {  	v5 =	vadd.f32 v21, v2  }
0x46b: {  	v4 =	vmax.f32 v4, $0.0e+00  }
0x46c: {  	v5 =	vmax.f32 v5, $0.0e+00;
	v4 =	vmin.f32 v4, $2.229999850e+02  }
0x46d: {  	v5 =	vmin.f32 v5, $2.229999850e+02;
	v22 =	vtrunc.f32 v4  }
0x46e: {  	v23 =	vtrunc.f32 v5;
	v6 =	vcvt.f32.s32 v22  }
0x46f: {  	v7 =	vcvt.f32.s32 v23  }
0x470: {  	v24 =	vmul.u32 $0xE8, v6  }
0x471: {  	v25 =	vand.u32 $0xFFFFFFF8, v7;
	v26 =	vadd.s32 $0x1, v7;
	v27 =	vand.u32 $0x7, v7  }
0x472: {  	v29 =	vand.u32 $0xFFFFFFF8, v26;
	v10 =	vand.u32 $0x7, v26;
	v28 =	vadd.s32 v25, v24  }
0x473: {  	v30 =	vadd.s32 v29, v24;
	v8 =	vadd.s32 $0xE8, v24;
	v12 =	vor.u32 v27, v28  }
0x474: {  	v14 =	vor.u32 v10, v30;
	v9 =	vadd.s32 v25, v8  }
0x475: {  	v8 =	vadd.s32 v29, v8;
	v9 =	vor.u32 v27, v9  }
0x476: {  	v8 =	vor.u32 v10, v8;
	_ =	sdelay $0x1  }
0x477: {  	v31 =	vld.idx.msk [tilespmem:v12+s25+$0x0], $0xffff  }
0x478: {  	v32 =	vld.idx.msk [tilespmem:v14+s25+$0x0], $0xffff  }
0x479: {  	v9 =	vld.idx.msk [tilespmem:v9+s25+$0x0], $0xffff  }
0x47a: {  	v8 =	vld.idx.msk [tilespmem:v8+s25+$0x0], $0xffff;
	_ =	sdelay $0x1  }
0x47b: {  	v7 =	vcvt.s32.f32 v7;
	_ =	sdelay $0x1  }
0x47c: {  	v5 =	vsub.f32 v5, v7  }
0x47d: {  	v33 =	vsub.f32 v32, v31;
	v8 =	vsub.f32 v8, v9;
	_ =	sdelay $0x1  }
0x47e: {  	v7 =	vmul.f32 v5, v33;
	v5 =	vmul.f32 v8, v5;
	_ =	sdelay $0x1  }
0x47f: {  	v6 =	vcvt.s32.f32 v6;
	v7 =	vadd.f32 v7, v31;
	v5 =	vadd.f32 v5, v9;
	_ =	sdelay $0x1  }
0x480: {  	v4 =	vsub.f32 v4, v6;
	v5 =	vsub.f32 v5, v7;
	_ =	sdelay $0x1  }
0x481: {  	v4 =	vmul.f32 v5, v4;
	_ =	sdelay $0x1  }
0x482: {  	v4 =	vadd.f32 v4, v7;
	_ =	sdelay $0x1  }
0x483: {  	[tilespmem:s8+$0x0] =	vst v4  }
0x484: {  	v4 =	vld [tilespmem:$0x1C860]  }
0x485: {  	v34 =	vld [tilespmem:$0x1C780];
	_ =	sdelay $0x3  }
0x486: {  	v4 =	vadd.f32 v4, v3  }
0x487: {  	v5 =	vadd.f32 v34, v2  }
0x488: {  	v4 =	vmax.f32 v4, $0.0e+00  }
0x489: {  	v5 =	vmax.f32 v5, $0.0e+00;
	v4 =	vmin.f32 v4, $2.229999850e+02  }
0x48a: {  	v5 =	vmin.f32 v5, $2.229999850e+02;
	v35 =	vtrunc.f32 v4  }
0x48b: {  	v36 =	vtrunc.f32 v5;
	v6 =	vcvt.f32.s32 v35  }
0x48c: {  	v7 =	vcvt.f32.s32 v36  }
0x48d: {  	v37 =	vmul.u32 $0xE8, v6  }
0x48e: {  	v38 =	vand.u32 $0xFFFFFFF8, v7;
	v39 =	vadd.s32 $0x1, v7;
	v40 =	vand.u32 $0x7, v7  }
0x48f: {  	v42 =	vand.u32 $0xFFFFFFF8, v39;
	v10 =	vand.u32 $0x7, v39;
	v41 =	vadd.s32 v38, v37  }
0x490: {  	v43 =	vadd.s32 v42, v37;
	v8 =	vadd.s32 $0xE8, v37;
	v12 =	vor.u32 v40, v41  }
0x491: {  	v14 =	vor.u32 v10, v43;
	v9 =	vadd.s32 v38, v8  }
0x492: {  	v8 =	vadd.s32 v42, v8;
	v9 =	vor.u32 v40, v9  }
0x493: {  	v8 =	vor.u32 v10, v8;
	_ =	sdelay $0x1  }
0x494: {  	v44 =	vld.idx.msk [tilespmem:v12+s25+$0x0], $0xffff  }
0x495: {  	v45 =	vld.idx.msk [tilespmem:v14+s25+$0x0], $0xffff  }
0x496: {  	v9 =	vld.idx.msk [tilespmem:v9+s25+$0x0], $0xffff  }
0x497: {  	v8 =	vld.idx.msk [tilespmem:v8+s25+$0x0], $0xffff;
	_ =	sdelay $0x1  }
0x498: {  	v7 =	vcvt.s32.f32 v7;
	_ =	sdelay $0x1  }
0x499: {  	v5 =	vsub.f32 v5, v7  }
0x49a: {  	v46 =	vsub.f32 v45, v44;
	v8 =	vsub.f32 v8, v9;
	_ =	sdelay $0x1  }
0x49b: {  	v7 =	vmul.f32 v5, v46;
	v5 =	vmul.f32 v8, v5;
	_ =	sdelay $0x1  }
0x49c: {  	v6 =	vcvt.s32.f32 v6;
	v7 =	vadd.f32 v7, v44;
	v5 =	vadd.f32 v5, v9;
	_ =	sdelay $0x1  }
0x49d: {  	v4 =	vsub.f32 v4, v6;
	v5 =	vsub.f32 v5, v7;
	_ =	sdelay $0x1  }
0x49e: {  	v4 =	vmul.f32 v5, v4;
	_ =	sdelay $0x1  }
0x49f: {  	v4 =	vadd.f32 v4, v7;
	_ =	sdelay $0x1  }
0x4a0: {  	[tilespmem:s8+$0x10] =	vst v4  }
0x4a1: {  	v4 =	vld [tilespmem:$0x1C870]  }
0x4a2: {  	v47 =	vld [tilespmem:$0x1C790];
	_ =	sdelay $0x3  }
0x4a3: {  	v4 =	vadd.f32 v4, v3  }
0x4a4: {  	v5 =	vadd.f32 v47, v2  }
0x4a5: {  	v4 =	vmax.f32 v4, $0.0e+00  }
0x4a6: {  	v5 =	vmax.f32 v5, $0.0e+00;
	v4 =	vmin.f32 v4, $2.229999850e+02  }
0x4a7: {  	v5 =	vmin.f32 v5, $2.229999850e+02;
	v48 =	vtrunc.f32 v4  }
0x4a8: {  	v49 =	vtrunc.f32 v5;
	v6 =	vcvt.f32.s32 v48  }
0x4a9: {  	v7 =	vcvt.f32.s32 v49  }
0x4aa: {  	v50 =	vmul.u32 $0xE8, v6  }
0x4ab: {  	v51 =	vand.u32 $0xFFFFFFF8, v7;
	v52 =	vadd.s32 $0x1, v7;
	v53 =	vand.u32 $0x7, v7  }
0x4ac: {  	v55 =	vand.u32 $0xFFFFFFF8, v52;
	v10 =	vand.u32 $0x7, v52;
	v54 =	vadd.s32 v51, v50  }
0x4ad: {  	v56 =	vadd.s32 v55, v50;
	v8 =	vadd.s32 $0xE8, v50;
	v12 =	vor.u32 v53, v54  }
0x4ae: {  	v14 =	vor.u32 v10, v56;
	v9 =	vadd.s32 v51, v8  }
0x4af: {  	v8 =	vadd.s32 v55, v8;
	v9 =	vor.u32 v53, v9  }
0x4b0: {  	v8 =	vor.u32 v10, v8;
	_ =	sdelay $0x1  }
0x4b1: {  	v57 =	vld.idx.msk [tilespmem:v12+s25+$0x0], $0xffff  }
0x4b2: {  	v58 =	vld.idx.msk [tilespmem:v14+s25+$0x0], $0xffff  }
0x4b3: {  	v9 =	vld.idx.msk [tilespmem:v9+s25+$0x0], $0xffff  }
0x4b4: {  	v8 =	vld.idx.msk [tilespmem:v8+s25+$0x0], $0xffff;
	_ =	sdelay $0x1  }
0x4b5: {  	v7 =	vcvt.s32.f32 v7;
	_ =	sdelay $0x1  }
0x4b6: {  	v5 =	vsub.f32 v5, v7  }
0x4b7: {  	v59 =	vsub.f32 v58, v57;
	v8 =	vsub.f32 v8, v9;
	_ =	sdelay $0x1  }
0x4b8: {  	v7 =	vmul.f32 v5, v59;
	v5 =	vmul.f32 v8, v5;
	_ =	sdelay $0x1  }
0x4b9: {  	v6 =	vcvt.s32.f32 v6;
	v7 =	vadd.f32 v7, v57;
	v5 =	vadd.f32 v5, v9;
	_ =	sdelay $0x1  }
0x4ba: {  	v4 =	vsub.f32 v4, v6;
	v5 =	vsub.f32 v5, v7;
	_ =	sdelay $0x1  }
0x4bb: {  	v4 =	vmul.f32 v5, v4;
	_ =	sdelay $0x1  }
0x4bc: {  	v4 =	vadd.f32 v4, v7;
	_ =	sdelay $0x1  }
0x4bd: {  	[tilespmem:s8+$0x20] =	vst v4  }
0x4be: {  	v4 =	vld [tilespmem:$0x1C880]  }
0x4bf: {  	v60 =	vld [tilespmem:$0x1C7A0];
	_ =	sdelay $0x3  }
0x4c0: {  	v4 =	vadd.f32 v4, v3  }
0x4c1: {  	v5 =	vadd.f32 v60, v2  }
0x4c2: {  	v4 =	vmax.f32 v4, $0.0e+00  }
0x4c3: {  	v5 =	vmax.f32 v5, $0.0e+00;
	v4 =	vmin.f32 v4, $2.229999850e+02  }
0x4c4: {  	v5 =	vmin.f32 v5, $2.229999850e+02;
	v61 =	vtrunc.f32 v4  }
0x4c5: {  	v62 =	vtrunc.f32 v5;
	v6 =	vcvt.f32.s32 v61  }
0x4c6: {  	v7 =	vcvt.f32.s32 v62  }
0x4c7: {  	v63 =	vmul.u32 $0xE8, v6  }
0x4c8: {  	v16 =	vand.u32 $0xFFFFFFF8, v7;
	v17 =	vadd.s32 $0x1, v7;
	v18 =	vand.u32 $0x7, v7  }
0x4c9: {  	v20 =	vand.u32 $0xFFFFFFF8, v17;
	v10 =	vand.u32 $0x7, v17;
	v19 =	vadd.s32 v16, v63  }
0x4ca: {  	v21 =	vadd.s32 v20, v63;
	v8 =	vadd.s32 $0xE8, v63;
	v12 =	vor.u32 v18, v19  }
0x4cb: {  	v14 =	vor.u32 v10, v21;
	v9 =	vadd.s32 v16, v8  }
0x4cc: {  	v8 =	vadd.s32 v20, v8;
	v9 =	vor.u32 v18, v9  }
0x4cd: {  	v8 =	vor.u32 v10, v8;
	_ =	sdelay $0x1  }
0x4ce: {  	v22 =	vld.idx.msk [tilespmem:v12+s25+$0x0], $0xffff  }
0x4cf: {  	v23 =	vld.idx.msk [tilespmem:v14+s25+$0x0], $0xffff  }
0x4d0: {  	v9 =	vld.idx.msk [tilespmem:v9+s25+$0x0], $0xffff  }
0x4d1: {  	v8 =	vld.idx.msk [tilespmem:v8+s25+$0x0], $0xffff;
	_ =	sdelay $0x1  }
0x4d2: {  	v7 =	vcvt.s32.f32 v7;
	_ =	sdelay $0x1  }
0x4d3: {  	v5 =	vsub.f32 v5, v7  }
0x4d4: {  	v24 =	vsub.f32 v23, v22;
	v8 =	vsub.f32 v8, v9;
	_ =	sdelay $0x1  }
0x4d5: {  	v7 =	vmul.f32 v5, v24;
	v5 =	vmul.f32 v8, v5;
	_ =	sdelay $0x1  }
0x4d6: {  	v6 =	vcvt.s32.f32 v6;
	v7 =	vadd.f32 v7, v22;
	v5 =	vadd.f32 v5, v9;
	_ =	sdelay $0x1  }
0x4d7: {  	v4 =	vsub.f32 v4, v6;
	v5 =	vsub.f32 v5, v7;
	_ =	sdelay $0x1  }
0x4d8: {  	v4 =	vmul.f32 v5, v4;
	_ =	sdelay $0x1  }
0x4d9: {  	v4 =	vadd.f32 v4, v7;
	_ =	sdelay $0x1  }
0x4da: {  	[tilespmem:s8+$0x30] =	vst v4  }
0x4db: {  	v4 =	vld [tilespmem:$0x1C890]  }
0x4dc: {  	v25 =	vld [tilespmem:$0x1C7B0];
	_ =	sdelay $0x3  }
0x4dd: {  	v4 =	vadd.f32 v4, v3  }
0x4de: {  	v5 =	vadd.f32 v25, v2  }
0x4df: {  	v4 =	vmax.f32 v4, $0.0e+00  }
0x4e0: {  	v5 =	vmax.f32 v5, $0.0e+00;
	v4 =	vmin.f32 v4, $2.229999850e+02  }
0x4e1: {  	v5 =	vmin.f32 v5, $2.229999850e+02;
	v26 =	vtrunc.f32 v4  }
0x4e2: {  	v27 =	vtrunc.f32 v5;
	v6 =	vcvt.f32.s32 v26  }
0x4e3: {  	v7 =	vcvt.f32.s32 v27  }
0x4e4: {  	v28 =	vmul.u32 $0xE8, v6  }
0x4e5: {  	v29 =	vand.u32 $0xFFFFFFF8, v7;
	v30 =	vadd.s32 $0x1, v7;
	v31 =	vand.u32 $0x7, v7  }
0x4e6: {  	v33 =	vand.u32 $0xFFFFFFF8, v30;
	v10 =	vand.u32 $0x7, v30;
	v32 =	vadd.s32 v29, v28  }
0x4e7: {  	v34 =	vadd.s32 v33, v28;
	v8 =	vadd.s32 $0xE8, v28;
	v12 =	vor.u32 v31, v32  }
0x4e8: {  	v14 =	vor.u32 v10, v34;
	v9 =	vadd.s32 v29, v8  }
0x4e9: {  	v8 =	vadd.s32 v33, v8;
	v9 =	vor.u32 v31, v9  }
0x4ea: {  	v8 =	vor.u32 v10, v8;
	_ =	sdelay $0x1  }
0x4eb: {  	v35 =	vld.idx.msk [tilespmem:v12+s25+$0x0], $0xffff  }
0x4ec: {  	v36 =	vld.idx.msk [tilespmem:v14+s25+$0x0], $0xffff  }
0x4ed: {  	v9 =	vld.idx.msk [tilespmem:v9+s25+$0x0], $0xffff  }
0x4ee: {  	v8 =	vld.idx.msk [tilespmem:v8+s25+$0x0], $0xffff;
	_ =	sdelay $0x1  }
0x4ef: {  	v7 =	vcvt.s32.f32 v7;
	_ =	sdelay $0x1  }
0x4f0: {  	v5 =	vsub.f32 v5, v7  }
0x4f1: {  	v37 =	vsub.f32 v36, v35;
	v8 =	vsub.f32 v8, v9;
	_ =	sdelay $0x1  }
0x4f2: {  	v7 =	vmul.f32 v5, v37;
	v5 =	vmul.f32 v8, v5;
	_ =	sdelay $0x1  }
0x4f3: {  	v6 =	vcvt.s32.f32 v6;
	v7 =	vadd.f32 v7, v35;
	v5 =	vadd.f32 v5, v9;
	_ =	sdelay $0x1  }
0x4f4: {  	v4 =	vsub.f32 v4, v6;
	v5 =	vsub.f32 v5, v7;
	_ =	sdelay $0x1  }
0x4f5: {  	v4 =	vmul.f32 v5, v4;
	_ =	sdelay $0x1  }
0x4f6: {  	v4 =	vadd.f32 v4, v7;
	_ =	sdelay $0x1  }
0x4f7: {  	[tilespmem:s8+$0x40] =	vst v4  }
0x4f8: {  	v4 =	vld [tilespmem:$0x1C8A0]  }
0x4f9: {  	v38 =	vld [tilespmem:$0x1C7C0];
	_ =	sdelay $0x3  }
0x4fa: {  	v4 =	vadd.f32 v4, v3  }
0x4fb: {  	v5 =	vadd.f32 v38, v2  }
0x4fc: {  	v4 =	vmax.f32 v4, $0.0e+00  }
0x4fd: {  	v5 =	vmax.f32 v5, $0.0e+00;
	v4 =	vmin.f32 v4, $2.229999850e+02  }
0x4fe: {  	v5 =	vmin.f32 v5, $2.229999850e+02;
	v39 =	vtrunc.f32 v4  }
0x4ff: {  	v40 =	vtrunc.f32 v5;
	v6 =	vcvt.f32.s32 v39  }
0x500: {  	v7 =	vcvt.f32.s32 v40  }
0x501: {  	v41 =	vmul.u32 $0xE8, v6  }
0x502: {  	v42 =	vand.u32 $0xFFFFFFF8, v7;
	v43 =	vadd.s32 $0x1, v7;
	v44 =	vand.u32 $0x7, v7  }
0x503: {  	v46 =	vand.u32 $0xFFFFFFF8, v43;
	v10 =	vand.u32 $0x7, v43;
	v45 =	vadd.s32 v42, v41  }
0x504: {  	v47 =	vadd.s32 v46, v41;
	v8 =	vadd.s32 $0xE8, v41;
	v12 =	vor.u32 v44, v45  }
0x505: {  	v14 =	vor.u32 v10, v47;
	v9 =	vadd.s32 v42, v8  }
0x506: {  	v8 =	vadd.s32 v46, v8;
	v9 =	vor.u32 v44, v9  }
0x507: {  	v8 =	vor.u32 v10, v8;
	_ =	sdelay $0x1  }
0x508: {  	v48 =	vld.idx.msk [tilespmem:v12+s25+$0x0], $0xffff  }
0x509: {  	v49 =	vld.idx.msk [tilespmem:v14+s25+$0x0], $0xffff  }
0x50a: {  	v9 =	vld.idx.msk [tilespmem:v9+s25+$0x0], $0xffff  }
0x50b: {  	v8 =	vld.idx.msk [tilespmem:v8+s25+$0x0], $0xffff;
	_ =	sdelay $0x1  }
0x50c: {  	v7 =	vcvt.s32.f32 v7;
	_ =	sdelay $0x1  }
0x50d: {  	v5 =	vsub.f32 v5, v7  }
0x50e: {  	v50 =	vsub.f32 v49, v48;
	v8 =	vsub.f32 v8, v9;
	_ =	sdelay $0x1  }
0x50f: {  	v7 =	vmul.f32 v5, v50;
	v5 =	vmul.f32 v8, v5;
	_ =	sdelay $0x1  }
0x510: {  	v6 =	vcvt.s32.f32 v6;
	v7 =	vadd.f32 v7, v48;
	v5 =	vadd.f32 v5, v9;
	_ =	sdelay $0x1  }
0x511: {  	v4 =	vsub.f32 v4, v6;
	v5 =	vsub.f32 v5, v7;
	_ =	sdelay $0x1  }
0x512: {  	v4 =	vmul.f32 v5, v4;
	_ =	sdelay $0x1  }
0x513: {  	v4 =	vadd.f32 v4, v7;
	_ =	sdelay $0x1  }
0x514: {  	[tilespmem:s8+$0x50] =	vst v4  }
0x515: {  	v4 =	vld [tilespmem:$0x1C8B0]  }
0x516: {  	v51 =	vld [tilespmem:$0x1C7D0];
	_ =	sdelay $0x3  }
0x517: {  	v3 =	vadd.f32 v4, v3  }
0x518: {  	v2 =	vadd.f32 v51, v2  }
0x519: {  	v3 =	vmax.f32 v3, $0.0e+00  }
0x51a: {  	v2 =	vmax.f32 v2, $0.0e+00;
	v3 =	vmin.f32 v3, $2.229999850e+02  }
0x51b: {  	v2 =	vmin.f32 v2, $2.229999850e+02;
	v52 =	vtrunc.f32 v3  }
0x51c: {  	v53 =	vtrunc.f32 v2;
	v4 =	vcvt.f32.s32 v52  }
0x51d: {  	v5 =	vcvt.f32.s32 v53  }
0x51e: {  	v54 =	vmul.u32 $0xE8, v4  }
0x51f: {  	v55 =	vand.u32 $0xFFFFFFF8, v5;
	v56 =	vadd.s32 $0x1, v5;
	v57 =	vand.u32 $0x7, v5  }
0x520: {  	v59 =	vand.u32 $0xFFFFFFF8, v56;
	v8 =	vand.u32 $0x7, v56;
	v58 =	vadd.s32 v55, v54  }
0x521: {  	v60 =	vadd.s32 v59, v54;
	v6 =	vadd.s32 $0xE8, v54;
	v10 =	vor.u32 v57, v58  }
0x522: {  	v12 =	vor.u32 v8, v60;
	v7 =	vadd.s32 v55, v6  }
0x523: {  	v6 =	vadd.s32 v59, v6;
	v7 =	vor.u32 v57, v7  }
0x524: {  	v6 =	vor.u32 v8, v6;
	_ =	sdelay $0x1  }
0x525: {  	v61 =	vld.idx.msk [tilespmem:v10+s25+$0x0], $0xffff  }
0x526: {  	v62 =	vld.idx.msk [tilespmem:v12+s25+$0x0], $0xffff  }
0x527: {  	v7 =	vld.idx.msk [tilespmem:v7+s25+$0x0], $0xffff  }
0x528: {  	v6 =	vld.idx.msk [tilespmem:v6+s25+$0x0], $0xffff;
	_ =	sdelay $0x1  }
0x529: {  	v5 =	vcvt.s32.f32 v5;
	_ =	sdelay $0x1  }
0x52a: {  	v2 =	vsub.f32 v2, v5  }
0x52b: {  	v63 =	vsub.f32 v62, v61;
	v6 =	vsub.f32 v6, v7;
	_ =	sdelay $0x1  }
0x52c: {  	v5 =	vmul.f32 v2, v63;
	v2 =	vmul.f32 v6, v2;
	_ =	sdelay $0x1  }
0x52d: {  	v4 =	vcvt.s32.f32 v4;
	v5 =	vadd.f32 v5, v61;
	v2 =	vadd.f32 v2, v7;
	_ =	sdelay $0x1  }
0x52e: {  	v3 =	vsub.f32 v3, v4;
	v2 =	vsub.f32 v2, v5  }
0x52f: {  	p0 =	sne.s32 s9, $0x6C0  }
.Ltmp7:
0x530: {  	v2 =	vmul.f32 v2, v3;
	(pc) =	sbr.rel @p0 .LBB2_17-.Ltmp7, $3  }
0x531: {  	_ = 	snop  }
0x532: {  	v2 =	vadd.f32 v2, v5;
	_ =	sdelay $0x1  }
0x533: {  	s9 =	sadd.s32 $0x40, s9;
	[tilespmem:s8+$0x60] =	vst v2;
	s8 =	sadd.s32 $0xE0, s8  }
0x534: {  	s8 =	smul.u32 $0x3100, s0;
	_ =	sdelay $0x1  }
0x535: {  	s8 =	sadd.s32 s30, s8  }
0x536: {  	s8 =	sshrl.u32 s8, $0x3  }
0x537: {  	s9 =	sadd.s32 s5, s8;
	s8 =	simm.s32 $0x0  }
0x538: {  	[hbm4b:s9+s8] =	stream.linear.scatter [tilespmem:s21], [sflag:$0x3], $0x1880, $0x38;
	[tilespmem:$0x1E4C0] =	vst v63  }
0x539: {  	v1 =	vmov s17;
	_ =	swait.ge [sflag:s26], $0x1880  }
0x53a: {  	v0 =	vmov s15;
	[sflag:s26] =	ssyncset.done $0x0  }
0x53b: {  	s18 =	sshllo.u32 s0, $0x1;
	s9 =	simm.s32 $0x1AEF0;
	[sflag:s26] =	ssyncadd.s32 $0xFFFFE780  }
.LBB2_19:
0x53c: {  	v4 =	vld [tilespmem:$0x1C7E0]  }
0x53d: {  	s10 =	sshra.s32 s8, $0x2;
	v5 =	vld [tilespmem:$0x1C700]  }
0x53e: {  	v3 =	vld.idx.msk [tilespmem:v1+s10+$0x0 ss:$0x1], $0xffff  }
0x53f: {  	v2 =	vld.idx.msk [tilespmem:v0+s10+$0x0 ss:$0x1], $0xffff;
	_ =	sdelay $0x3  }
0x540: {  	v4 =	vadd.f32 v4, v3  }
0x541: {  	v5 =	vadd.f32 v5, v2  }
0x542: {  	v4 =	vmax.f32 v4, $0.0e+00  }
0x543: {  	v5 =	vmax.f32 v5, $0.0e+00;
	v4 =	vmin.f32 v4, $2.229999850e+02  }
0x544: {  	v5 =	vmin.f32 v5, $2.229999850e+02;
	v6 =	vtrunc.f32 v4  }
0x545: {  	v7 =	vtrunc.f32 v5;
	v6 =	vcvt.f32.s32 v6  }
0x546: {  	v7 =	vcvt.f32.s32 v7  }
0x547: {  	v8 =	vmul.u32 $0xE8, v6  }
0x548: {  	v9 =	vand.u32 $0xFFFFFFF8, v7;
	v10 =	vadd.s32 $0x1, v7;
	v11 =	vand.u32 $0x7, v7  }
0x549: {  	v13 =	vand.u32 $0xFFFFFFF8, v10;
	v10 =	vand.u32 $0x7, v10;
	v12 =	vadd.s32 v9, v8  }
0x54a: {  	v14 =	vadd.s32 v13, v8;
	v8 =	vadd.s32 $0xE8, v8;
	v12 =	vor.u32 v11, v12  }
0x54b: {  	v14 =	vor.u32 v10, v14;
	v9 =	vadd.s32 v9, v8  }
0x54c: {  	v8 =	vadd.s32 v13, v8;
	v9 =	vor.u32 v11, v9  }
0x54d: {  	v8 =	vor.u32 v10, v8;
	_ =	sdelay $0x1  }
0x54e: {  	v38 =	vld.idx.msk [tilespmem:v12+s25+$0x0], $0xffff  }
0x54f: {  	v39 =	vld.idx.msk [tilespmem:v14+s25+$0x0], $0xffff  }
0x550: {  	v9 =	vld.idx.msk [tilespmem:v9+s25+$0x0], $0xffff  }
0x551: {  	v8 =	vld.idx.msk [tilespmem:v8+s25+$0x0], $0xffff;
	_ =	sdelay $0x1  }
0x552: {  	v7 =	vcvt.s32.f32 v7;
	_ =	sdelay $0x1  }
0x553: {  	v5 =	vsub.f32 v5, v7  }
0x554: {  	v40 =	vsub.f32 v39, v38;
	v8 =	vsub.f32 v8, v9;
	_ =	sdelay $0x1  }
0x555: {  	v7 =	vmul.f32 v5, v40;
	v5 =	vmul.f32 v8, v5;
	_ =	sdelay $0x1  }
0x556: {  	v6 =	vcvt.s32.f32 v6;
	v7 =	vadd.f32 v7, v38;
	v5 =	vadd.f32 v5, v9;
	_ =	sdelay $0x1  }
0x557: {  	v4 =	vsub.f32 v4, v6;
	v5 =	vsub.f32 v5, v7;
	_ =	sdelay $0x1  }
0x558: {  	v4 =	vmul.f32 v5, v4;
	_ =	sdelay $0x1  }
0x559: {  	v4 =	vadd.f32 v4, v7;
	_ =	sdelay $0x1  }
0x55a: {  	[tilespmem:s9+$0xFFFFFF90] =	vst v4  }
0x55b: {  	v4 =	vld [tilespmem:$0x1C7F0]  }
0x55c: {  	v41 =	vld [tilespmem:$0x1C710];
	_ =	sdelay $0x3  }
0x55d: {  	v4 =	vadd.f32 v4, v3  }
0x55e: {  	v5 =	vadd.f32 v41, v2  }
0x55f: {  	v4 =	vmax.f32 v4, $0.0e+00  }
0x560: {  	v5 =	vmax.f32 v5, $0.0e+00;
	v4 =	vmin.f32 v4, $2.229999850e+02  }
0x561: {  	v5 =	vmin.f32 v5, $2.229999850e+02;
	v42 =	vtrunc.f32 v4  }
0x562: {  	v43 =	vtrunc.f32 v5;
	v6 =	vcvt.f32.s32 v42  }
0x563: {  	v7 =	vcvt.f32.s32 v43  }
0x564: {  	v44 =	vmul.u32 $0xE8, v6  }
0x565: {  	v45 =	vand.u32 $0xFFFFFFF8, v7;
	v46 =	vadd.s32 $0x1, v7;
	v47 =	vand.u32 $0x7, v7  }
0x566: {  	v49 =	vand.u32 $0xFFFFFFF8, v46;
	v10 =	vand.u32 $0x7, v46;
	v48 =	vadd.s32 v45, v44  }
0x567: {  	v50 =	vadd.s32 v49, v44;
	v8 =	vadd.s32 $0xE8, v44;
	v12 =	vor.u32 v47, v48  }
0x568: {  	v14 =	vor.u32 v10, v50;
	v9 =	vadd.s32 v45, v8  }
0x569: {  	v8 =	vadd.s32 v49, v8;
	v9 =	vor.u32 v47, v9  }
0x56a: {  	v8 =	vor.u32 v10, v8;
	_ =	sdelay $0x1  }
0x56b: {  	v51 =	vld.idx.msk [tilespmem:v12+s25+$0x0], $0xffff  }
0x56c: {  	v52 =	vld.idx.msk [tilespmem:v14+s25+$0x0], $0xffff  }
0x56d: {  	v9 =	vld.idx.msk [tilespmem:v9+s25+$0x0], $0xffff  }
0x56e: {  	v8 =	vld.idx.msk [tilespmem:v8+s25+$0x0], $0xffff;
	_ =	sdelay $0x1  }
0x56f: {  	v7 =	vcvt.s32.f32 v7;
	_ =	sdelay $0x1  }
0x570: {  	v5 =	vsub.f32 v5, v7  }
0x571: {  	v53 =	vsub.f32 v52, v51;
	v8 =	vsub.f32 v8, v9;
	_ =	sdelay $0x1  }
0x572: {  	v7 =	vmul.f32 v5, v53;
	v5 =	vmul.f32 v8, v5;
	_ =	sdelay $0x1  }
0x573: {  	v6 =	vcvt.s32.f32 v6;
	v7 =	vadd.f32 v7, v51;
	v5 =	vadd.f32 v5, v9;
	_ =	sdelay $0x1  }
0x574: {  	v4 =	vsub.f32 v4, v6;
	v5 =	vsub.f32 v5, v7;
	_ =	sdelay $0x1  }
0x575: {  	v4 =	vmul.f32 v5, v4;
	_ =	sdelay $0x1  }
0x576: {  	v4 =	vadd.f32 v4, v7;
	_ =	sdelay $0x1  }
0x577: {  	[tilespmem:s9+$0xFFFFFFA0] =	vst v4  }
0x578: {  	v4 =	vld [tilespmem:$0x1C800]  }
0x579: {  	v54 =	vld [tilespmem:$0x1C720];
	_ =	sdelay $0x3  }
0x57a: {  	v4 =	vadd.f32 v4, v3  }
0x57b: {  	v5 =	vadd.f32 v54, v2  }
0x57c: {  	v4 =	vmax.f32 v4, $0.0e+00  }
0x57d: {  	v5 =	vmax.f32 v5, $0.0e+00;
	v4 =	vmin.f32 v4, $2.229999850e+02  }
0x57e: {  	v5 =	vmin.f32 v5, $2.229999850e+02;
	v55 =	vtrunc.f32 v4  }
0x57f: {  	v56 =	vtrunc.f32 v5;
	v6 =	vcvt.f32.s32 v55  }
0x580: {  	v7 =	vcvt.f32.s32 v56  }
0x581: {  	v57 =	vmul.u32 $0xE8, v6  }
0x582: {  	v58 =	vand.u32 $0xFFFFFFF8, v7;
	v59 =	vadd.s32 $0x1, v7;
	v60 =	vand.u32 $0x7, v7  }
0x583: {  	v62 =	vand.u32 $0xFFFFFFF8, v59;
	v10 =	vand.u32 $0x7, v59;
	v61 =	vadd.s32 v58, v57  }
0x584: {  	v63 =	vadd.s32 v62, v57;
	v8 =	vadd.s32 $0xE8, v57;
	v12 =	vor.u32 v60, v61  }
0x585: {  	v14 =	vor.u32 v10, v63;
	v9 =	vadd.s32 v58, v8  }
0x586: {  	v8 =	vadd.s32 v62, v8;
	v9 =	vor.u32 v60, v9  }
0x587: {  	v8 =	vor.u32 v10, v8;
	_ =	sdelay $0x1  }
0x588: {  	v13 =	vld.idx.msk [tilespmem:v12+s25+$0x0], $0xffff  }
0x589: {  	v15 =	vld.idx.msk [tilespmem:v14+s25+$0x0], $0xffff  }
0x58a: {  	v9 =	vld.idx.msk [tilespmem:v9+s25+$0x0], $0xffff  }
0x58b: {  	v8 =	vld.idx.msk [tilespmem:v8+s25+$0x0], $0xffff;
	_ =	sdelay $0x1  }
0x58c: {  	v7 =	vcvt.s32.f32 v7;
	_ =	sdelay $0x1  }
0x58d: {  	v5 =	vsub.f32 v5, v7  }
0x58e: {  	v16 =	vsub.f32 v15, v13;
	v8 =	vsub.f32 v8, v9;
	_ =	sdelay $0x1  }
0x58f: {  	v7 =	vmul.f32 v5, v16;
	v5 =	vmul.f32 v8, v5;
	_ =	sdelay $0x1  }
0x590: {  	v6 =	vcvt.s32.f32 v6;
	v7 =	vadd.f32 v7, v13;
	v5 =	vadd.f32 v5, v9;
	_ =	sdelay $0x1  }
0x591: {  	v4 =	vsub.f32 v4, v6;
	v5 =	vsub.f32 v5, v7;
	_ =	sdelay $0x1  }
0x592: {  	v4 =	vmul.f32 v5, v4;
	_ =	sdelay $0x1  }
0x593: {  	v4 =	vadd.f32 v4, v7;
	_ =	sdelay $0x1  }
0x594: {  	[tilespmem:s9+$0xFFFFFFB0] =	vst v4  }
0x595: {  	v4 =	vld [tilespmem:$0x1C810]  }
0x596: {  	v17 =	vld [tilespmem:$0x1C730];
	_ =	sdelay $0x3  }
0x597: {  	v4 =	vadd.f32 v4, v3  }
0x598: {  	v5 =	vadd.f32 v17, v2  }
0x599: {  	v4 =	vmax.f32 v4, $0.0e+00  }
0x59a: {  	v5 =	vmax.f32 v5, $0.0e+00;
	v4 =	vmin.f32 v4, $2.229999850e+02  }
0x59b: {  	v5 =	vmin.f32 v5, $2.229999850e+02;
	v18 =	vtrunc.f32 v4  }
0x59c: {  	v19 =	vtrunc.f32 v5;
	v6 =	vcvt.f32.s32 v18  }
0x59d: {  	v7 =	vcvt.f32.s32 v19  }
0x59e: {  	v20 =	vmul.u32 $0xE8, v6  }
0x59f: {  	v21 =	vand.u32 $0xFFFFFFF8, v7;
	v22 =	vadd.s32 $0x1, v7;
	v23 =	vand.u32 $0x7, v7  }
0x5a0: {  	v25 =	vand.u32 $0xFFFFFFF8, v22;
	v10 =	vand.u32 $0x7, v22;
	v24 =	vadd.s32 v21, v20  }
0x5a1: {  	v26 =	vadd.s32 v25, v20;
	v8 =	vadd.s32 $0xE8, v20;
	v12 =	vor.u32 v23, v24  }
0x5a2: {  	v14 =	vor.u32 v10, v26;
	v9 =	vadd.s32 v21, v8  }
0x5a3: {  	v8 =	vadd.s32 v25, v8;
	v9 =	vor.u32 v23, v9  }
0x5a4: {  	v8 =	vor.u32 v10, v8;
	_ =	sdelay $0x1  }
0x5a5: {  	v27 =	vld.idx.msk [tilespmem:v12+s25+$0x0], $0xffff  }
0x5a6: {  	v28 =	vld.idx.msk [tilespmem:v14+s25+$0x0], $0xffff  }
0x5a7: {  	v9 =	vld.idx.msk [tilespmem:v9+s25+$0x0], $0xffff  }
0x5a8: {  	v8 =	vld.idx.msk [tilespmem:v8+s25+$0x0], $0xffff;
	_ =	sdelay $0x1  }
0x5a9: {  	v7 =	vcvt.s32.f32 v7;
	_ =	sdelay $0x1  }
0x5aa: {  	v5 =	vsub.f32 v5, v7  }
0x5ab: {  	v29 =	vsub.f32 v28, v27;
	v8 =	vsub.f32 v8, v9;
	_ =	sdelay $0x1  }
0x5ac: {  	v7 =	vmul.f32 v5, v29;
	v5 =	vmul.f32 v8, v5;
	_ =	sdelay $0x1  }
0x5ad: {  	v6 =	vcvt.s32.f32 v6;
	v7 =	vadd.f32 v7, v27;
	v5 =	vadd.f32 v5, v9;
	_ =	sdelay $0x1  }
0x5ae: {  	v4 =	vsub.f32 v4, v6;
	v5 =	vsub.f32 v5, v7;
	_ =	sdelay $0x1  }
0x5af: {  	v4 =	vmul.f32 v5, v4;
	_ =	sdelay $0x1  }
0x5b0: {  	v4 =	vadd.f32 v4, v7;
	_ =	sdelay $0x1  }
0x5b1: {  	[tilespmem:s9+$0xFFFFFFC0] =	vst v4  }
0x5b2: {  	v4 =	vld [tilespmem:$0x1C820]  }
0x5b3: {  	v30 =	vld [tilespmem:$0x1C740];
	_ =	sdelay $0x3  }
0x5b4: {  	v4 =	vadd.f32 v4, v3  }
0x5b5: {  	v5 =	vadd.f32 v30, v2  }
0x5b6: {  	v4 =	vmax.f32 v4, $0.0e+00  }
0x5b7: {  	v5 =	vmax.f32 v5, $0.0e+00;
	v4 =	vmin.f32 v4, $2.229999850e+02  }
0x5b8: {  	v5 =	vmin.f32 v5, $2.229999850e+02;
	v31 =	vtrunc.f32 v4  }
0x5b9: {  	v32 =	vtrunc.f32 v5;
	v6 =	vcvt.f32.s32 v31  }
0x5ba: {  	v7 =	vcvt.f32.s32 v32  }
0x5bb: {  	v33 =	vmul.u32 $0xE8, v6  }
0x5bc: {  	v34 =	vand.u32 $0xFFFFFFF8, v7;
	v35 =	vadd.s32 $0x1, v7;
	v36 =	vand.u32 $0x7, v7  }
0x5bd: {  	v38 =	vand.u32 $0xFFFFFFF8, v35;
	v10 =	vand.u32 $0x7, v35;
	v37 =	vadd.s32 v34, v33  }
0x5be: {  	v39 =	vadd.s32 v38, v33;
	v8 =	vadd.s32 $0xE8, v33;
	v12 =	vor.u32 v36, v37  }
0x5bf: {  	v14 =	vor.u32 v10, v39;
	v9 =	vadd.s32 v34, v8  }
0x5c0: {  	v8 =	vadd.s32 v38, v8;
	v9 =	vor.u32 v36, v9  }
0x5c1: {  	v8 =	vor.u32 v10, v8;
	_ =	sdelay $0x1  }
0x5c2: {  	v40 =	vld.idx.msk [tilespmem:v12+s25+$0x0], $0xffff  }
0x5c3: {  	v41 =	vld.idx.msk [tilespmem:v14+s25+$0x0], $0xffff  }
0x5c4: {  	v9 =	vld.idx.msk [tilespmem:v9+s25+$0x0], $0xffff  }
0x5c5: {  	v8 =	vld.idx.msk [tilespmem:v8+s25+$0x0], $0xffff;
	_ =	sdelay $0x1  }
0x5c6: {  	v7 =	vcvt.s32.f32 v7;
	_ =	sdelay $0x1  }
0x5c7: {  	v5 =	vsub.f32 v5, v7  }
0x5c8: {  	v42 =	vsub.f32 v41, v40;
	v8 =	vsub.f32 v8, v9;
	_ =	sdelay $0x1  }
0x5c9: {  	v7 =	vmul.f32 v5, v42;
	v5 =	vmul.f32 v8, v5;
	_ =	sdelay $0x1  }
0x5ca: {  	v6 =	vcvt.s32.f32 v6;
	v7 =	vadd.f32 v7, v40;
	v5 =	vadd.f32 v5, v9;
	_ =	sdelay $0x1  }
0x5cb: {  	v4 =	vsub.f32 v4, v6;
	v5 =	vsub.f32 v5, v7;
	_ =	sdelay $0x1  }
0x5cc: {  	v4 =	vmul.f32 v5, v4;
	_ =	sdelay $0x1  }
0x5cd: {  	v4 =	vadd.f32 v4, v7;
	_ =	sdelay $0x1  }
0x5ce: {  	[tilespmem:s9+$0xFFFFFFD0] =	vst v4  }
0x5cf: {  	v4 =	vld [tilespmem:$0x1C830]  }
0x5d0: {  	v43 =	vld [tilespmem:$0x1C750];
	_ =	sdelay $0x3  }
0x5d1: {  	v4 =	vadd.f32 v4, v3  }
0x5d2: {  	v5 =	vadd.f32 v43, v2  }
0x5d3: {  	v4 =	vmax.f32 v4, $0.0e+00  }
0x5d4: {  	v5 =	vmax.f32 v5, $0.0e+00;
	v4 =	vmin.f32 v4, $2.229999850e+02  }
0x5d5: {  	v5 =	vmin.f32 v5, $2.229999850e+02;
	v44 =	vtrunc.f32 v4  }
0x5d6: {  	v45 =	vtrunc.f32 v5;
	v6 =	vcvt.f32.s32 v44  }
0x5d7: {  	v7 =	vcvt.f32.s32 v45  }
0x5d8: {  	v46 =	vmul.u32 $0xE8, v6  }
0x5d9: {  	v47 =	vand.u32 $0xFFFFFFF8, v7;
	v48 =	vadd.s32 $0x1, v7;
	v49 =	vand.u32 $0x7, v7  }
0x5da: {  	v51 =	vand.u32 $0xFFFFFFF8, v48;
	v10 =	vand.u32 $0x7, v48;
	v50 =	vadd.s32 v47, v46  }
0x5db: {  	v52 =	vadd.s32 v51, v46;
	v8 =	vadd.s32 $0xE8, v46;
	v12 =	vor.u32 v49, v50  }
0x5dc: {  	v14 =	vor.u32 v10, v52;
	v9 =	vadd.s32 v47, v8  }
0x5dd: {  	v8 =	vadd.s32 v51, v8;
	v9 =	vor.u32 v49, v9  }
0x5de: {  	v8 =	vor.u32 v10, v8;
	_ =	sdelay $0x1  }
0x5df: {  	v53 =	vld.idx.msk [tilespmem:v12+s25+$0x0], $0xffff  }
0x5e0: {  	v54 =	vld.idx.msk [tilespmem:v14+s25+$0x0], $0xffff  }
0x5e1: {  	v9 =	vld.idx.msk [tilespmem:v9+s25+$0x0], $0xffff  }
0x5e2: {  	v8 =	vld.idx.msk [tilespmem:v8+s25+$0x0], $0xffff;
	_ =	sdelay $0x1  }
0x5e3: {  	v7 =	vcvt.s32.f32 v7;
	_ =	sdelay $0x1  }
0x5e4: {  	v5 =	vsub.f32 v5, v7  }
0x5e5: {  	v55 =	vsub.f32 v54, v53;
	v8 =	vsub.f32 v8, v9;
	_ =	sdelay $0x1  }
0x5e6: {  	v7 =	vmul.f32 v5, v55;
	v5 =	vmul.f32 v8, v5;
	_ =	sdelay $0x1  }
0x5e7: {  	v6 =	vcvt.s32.f32 v6;
	v7 =	vadd.f32 v7, v53;
	v5 =	vadd.f32 v5, v9;
	_ =	sdelay $0x1  }
0x5e8: {  	v4 =	vsub.f32 v4, v6;
	v5 =	vsub.f32 v5, v7;
	_ =	sdelay $0x1  }
0x5e9: {  	v4 =	vmul.f32 v5, v4;
	_ =	sdelay $0x1  }
0x5ea: {  	v4 =	vadd.f32 v4, v7;
	_ =	sdelay $0x1  }
0x5eb: {  	[tilespmem:s9+$0xFFFFFFE0] =	vst v4  }
0x5ec: {  	v4 =	vld [tilespmem:$0x1C840]  }
0x5ed: {  	v56 =	vld [tilespmem:$0x1C760];
	_ =	sdelay $0x3  }
0x5ee: {  	v4 =	vadd.f32 v4, v3  }
0x5ef: {  	v5 =	vadd.f32 v56, v2  }
0x5f0: {  	v4 =	vmax.f32 v4, $0.0e+00  }
0x5f1: {  	v5 =	vmax.f32 v5, $0.0e+00;
	v4 =	vmin.f32 v4, $2.229999850e+02  }
0x5f2: {  	v5 =	vmin.f32 v5, $2.229999850e+02;
	v57 =	vtrunc.f32 v4  }
0x5f3: {  	v58 =	vtrunc.f32 v5;
	v6 =	vcvt.f32.s32 v57  }
0x5f4: {  	v7 =	vcvt.f32.s32 v58  }
0x5f5: {  	v59 =	vmul.u32 $0xE8, v6  }
0x5f6: {  	v60 =	vand.u32 $0xFFFFFFF8, v7;
	v61 =	vadd.s32 $0x1, v7;
	v62 =	vand.u32 $0x7, v7  }
0x5f7: {  	v16 =	vand.u32 $0xFFFFFFF8, v61;
	v10 =	vand.u32 $0x7, v61;
	v63 =	vadd.s32 v60, v59  }
0x5f8: {  	v17 =	vadd.s32 v16, v59;
	v8 =	vadd.s32 $0xE8, v59;
	v12 =	vor.u32 v62, v63  }
0x5f9: {  	v14 =	vor.u32 v10, v17;
	v9 =	vadd.s32 v60, v8  }
0x5fa: {  	v8 =	vadd.s32 v16, v8;
	v9 =	vor.u32 v62, v9  }
0x5fb: {  	v8 =	vor.u32 v10, v8;
	_ =	sdelay $0x1  }
0x5fc: {  	v18 =	vld.idx.msk [tilespmem:v12+s25+$0x0], $0xffff  }
0x5fd: {  	v19 =	vld.idx.msk [tilespmem:v14+s25+$0x0], $0xffff  }
0x5fe: {  	v9 =	vld.idx.msk [tilespmem:v9+s25+$0x0], $0xffff  }
0x5ff: {  	v8 =	vld.idx.msk [tilespmem:v8+s25+$0x0], $0xffff;
	_ =	sdelay $0x1  }
0x600: {  	v7 =	vcvt.s32.f32 v7;
	_ =	sdelay $0x1  }
0x601: {  	v5 =	vsub.f32 v5, v7  }
0x602: {  	v20 =	vsub.f32 v19, v18;
	v8 =	vsub.f32 v8, v9;
	_ =	sdelay $0x1  }
0x603: {  	v7 =	vmul.f32 v5, v20;
	v5 =	vmul.f32 v8, v5;
	_ =	sdelay $0x1  }
0x604: {  	v6 =	vcvt.s32.f32 v6;
	v7 =	vadd.f32 v7, v18;
	v5 =	vadd.f32 v5, v9;
	_ =	sdelay $0x1  }
0x605: {  	v4 =	vsub.f32 v4, v6;
	v5 =	vsub.f32 v5, v7;
	_ =	sdelay $0x1  }
0x606: {  	v4 =	vmul.f32 v5, v4;
	_ =	sdelay $0x1  }
0x607: {  	v4 =	vadd.f32 v4, v7;
	_ =	sdelay $0x1  }
0x608: {  	[tilespmem:s9+$0xFFFFFFF0] =	vst v4  }
0x609: {  	v4 =	vld [tilespmem:$0x1C850]  }
0x60a: {  	v21 =	vld [tilespmem:$0x1C770];
	_ =	sdelay $0x3  }
0x60b: {  	v4 =	vadd.f32 v4, v3  }
0x60c: {  	v5 =	vadd.f32 v21, v2  }
0x60d: {  	v4 =	vmax.f32 v4, $0.0e+00  }
0x60e: {  	v5 =	vmax.f32 v5, $0.0e+00;
	v4 =	vmin.f32 v4, $2.229999850e+02  }
0x60f: {  	v5 =	vmin.f32 v5, $2.229999850e+02;
	v22 =	vtrunc.f32 v4  }
0x610: {  	v23 =	vtrunc.f32 v5;
	v6 =	vcvt.f32.s32 v22  }
0x611: {  	v7 =	vcvt.f32.s32 v23  }
0x612: {  	v24 =	vmul.u32 $0xE8, v6  }
0x613: {  	v25 =	vand.u32 $0xFFFFFFF8, v7;
	v26 =	vadd.s32 $0x1, v7;
	v27 =	vand.u32 $0x7, v7  }
0x614: {  	v29 =	vand.u32 $0xFFFFFFF8, v26;
	v10 =	vand.u32 $0x7, v26;
	v28 =	vadd.s32 v25, v24  }
0x615: {  	v30 =	vadd.s32 v29, v24;
	v8 =	vadd.s32 $0xE8, v24;
	v12 =	vor.u32 v27, v28  }
0x616: {  	v14 =	vor.u32 v10, v30;
	v9 =	vadd.s32 v25, v8  }
0x617: {  	v8 =	vadd.s32 v29, v8;
	v9 =	vor.u32 v27, v9  }
0x618: {  	v8 =	vor.u32 v10, v8;
	_ =	sdelay $0x1  }
0x619: {  	v31 =	vld.idx.msk [tilespmem:v12+s25+$0x0], $0xffff  }
0x61a: {  	v32 =	vld.idx.msk [tilespmem:v14+s25+$0x0], $0xffff  }
0x61b: {  	v9 =	vld.idx.msk [tilespmem:v9+s25+$0x0], $0xffff  }
0x61c: {  	v8 =	vld.idx.msk [tilespmem:v8+s25+$0x0], $0xffff;
	_ =	sdelay $0x1  }
0x61d: {  	v7 =	vcvt.s32.f32 v7;
	_ =	sdelay $0x1  }
0x61e: {  	v5 =	vsub.f32 v5, v7  }
0x61f: {  	v33 =	vsub.f32 v32, v31;
	v8 =	vsub.f32 v8, v9;
	_ =	sdelay $0x1  }
0x620: {  	v7 =	vmul.f32 v5, v33;
	v5 =	vmul.f32 v8, v5;
	_ =	sdelay $0x1  }
0x621: {  	v6 =	vcvt.s32.f32 v6;
	v7 =	vadd.f32 v7, v31;
	v5 =	vadd.f32 v5, v9;
	_ =	sdelay $0x1  }
0x622: {  	v4 =	vsub.f32 v4, v6;
	v5 =	vsub.f32 v5, v7;
	_ =	sdelay $0x1  }
0x623: {  	v4 =	vmul.f32 v5, v4;
	_ =	sdelay $0x1  }
0x624: {  	v4 =	vadd.f32 v4, v7;
	_ =	sdelay $0x1  }
0x625: {  	[tilespmem:s9+$0x0] =	vst v4  }
0x626: {  	v4 =	vld [tilespmem:$0x1C860]  }
0x627: {  	v34 =	vld [tilespmem:$0x1C780];
	_ =	sdelay $0x3  }
0x628: {  	v4 =	vadd.f32 v4, v3  }
0x629: {  	v5 =	vadd.f32 v34, v2  }
0x62a: {  	v4 =	vmax.f32 v4, $0.0e+00  }
0x62b: {  	v5 =	vmax.f32 v5, $0.0e+00;
	v4 =	vmin.f32 v4, $2.229999850e+02  }
0x62c: {  	v5 =	vmin.f32 v5, $2.229999850e+02;
	v35 =	vtrunc.f32 v4  }
0x62d: {  	v36 =	vtrunc.f32 v5;
	v6 =	vcvt.f32.s32 v35  }
0x62e: {  	v7 =	vcvt.f32.s32 v36  }
0x62f: {  	v37 =	vmul.u32 $0xE8, v6  }
0x630: {  	v38 =	vand.u32 $0xFFFFFFF8, v7;
	v39 =	vadd.s32 $0x1, v7;
	v40 =	vand.u32 $0x7, v7  }
0x631: {  	v42 =	vand.u32 $0xFFFFFFF8, v39;
	v10 =	vand.u32 $0x7, v39;
	v41 =	vadd.s32 v38, v37  }
0x632: {  	v43 =	vadd.s32 v42, v37;
	v8 =	vadd.s32 $0xE8, v37;
	v12 =	vor.u32 v40, v41  }
0x633: {  	v14 =	vor.u32 v10, v43;
	v9 =	vadd.s32 v38, v8  }
0x634: {  	v8 =	vadd.s32 v42, v8;
	v9 =	vor.u32 v40, v9  }
0x635: {  	v8 =	vor.u32 v10, v8;
	_ =	sdelay $0x1  }
0x636: {  	v44 =	vld.idx.msk [tilespmem:v12+s25+$0x0], $0xffff  }
0x637: {  	v45 =	vld.idx.msk [tilespmem:v14+s25+$0x0], $0xffff  }
0x638: {  	v9 =	vld.idx.msk [tilespmem:v9+s25+$0x0], $0xffff  }
0x639: {  	v8 =	vld.idx.msk [tilespmem:v8+s25+$0x0], $0xffff;
	_ =	sdelay $0x1  }
0x63a: {  	v7 =	vcvt.s32.f32 v7;
	_ =	sdelay $0x1  }
0x63b: {  	v5 =	vsub.f32 v5, v7  }
0x63c: {  	v46 =	vsub.f32 v45, v44;
	v8 =	vsub.f32 v8, v9;
	_ =	sdelay $0x1  }
0x63d: {  	v7 =	vmul.f32 v5, v46;
	v5 =	vmul.f32 v8, v5;
	_ =	sdelay $0x1  }
0x63e: {  	v6 =	vcvt.s32.f32 v6;
	v7 =	vadd.f32 v7, v44;
	v5 =	vadd.f32 v5, v9;
	_ =	sdelay $0x1  }
0x63f: {  	v4 =	vsub.f32 v4, v6;
	v5 =	vsub.f32 v5, v7;
	_ =	sdelay $0x1  }
0x640: {  	v4 =	vmul.f32 v5, v4;
	_ =	sdelay $0x1  }
0x641: {  	v4 =	vadd.f32 v4, v7;
	_ =	sdelay $0x1  }
0x642: {  	[tilespmem:s9+$0x10] =	vst v4  }
0x643: {  	v4 =	vld [tilespmem:$0x1C870]  }
0x644: {  	v47 =	vld [tilespmem:$0x1C790];
	_ =	sdelay $0x3  }
0x645: {  	v4 =	vadd.f32 v4, v3  }
0x646: {  	v5 =	vadd.f32 v47, v2  }
0x647: {  	v4 =	vmax.f32 v4, $0.0e+00  }
0x648: {  	v5 =	vmax.f32 v5, $0.0e+00;
	v4 =	vmin.f32 v4, $2.229999850e+02  }
0x649: {  	v5 =	vmin.f32 v5, $2.229999850e+02;
	v48 =	vtrunc.f32 v4  }
0x64a: {  	v49 =	vtrunc.f32 v5;
	v6 =	vcvt.f32.s32 v48  }
0x64b: {  	v7 =	vcvt.f32.s32 v49  }
0x64c: {  	v50 =	vmul.u32 $0xE8, v6  }
0x64d: {  	v51 =	vand.u32 $0xFFFFFFF8, v7;
	v52 =	vadd.s32 $0x1, v7;
	v53 =	vand.u32 $0x7, v7  }
0x64e: {  	v55 =	vand.u32 $0xFFFFFFF8, v52;
	v10 =	vand.u32 $0x7, v52;
	v54 =	vadd.s32 v51, v50  }
0x64f: {  	v56 =	vadd.s32 v55, v50;
	v8 =	vadd.s32 $0xE8, v50;
	v12 =	vor.u32 v53, v54  }
0x650: {  	v14 =	vor.u32 v10, v56;
	v9 =	vadd.s32 v51, v8  }
0x651: {  	v8 =	vadd.s32 v55, v8;
	v9 =	vor.u32 v53, v9  }
0x652: {  	v8 =	vor.u32 v10, v8;
	_ =	sdelay $0x1  }
0x653: {  	v57 =	vld.idx.msk [tilespmem:v12+s25+$0x0], $0xffff  }
0x654: {  	v58 =	vld.idx.msk [tilespmem:v14+s25+$0x0], $0xffff  }
0x655: {  	v9 =	vld.idx.msk [tilespmem:v9+s25+$0x0], $0xffff  }
0x656: {  	v8 =	vld.idx.msk [tilespmem:v8+s25+$0x0], $0xffff;
	_ =	sdelay $0x1  }
0x657: {  	v7 =	vcvt.s32.f32 v7;
	_ =	sdelay $0x1  }
0x658: {  	v5 =	vsub.f32 v5, v7  }
0x659: {  	v59 =	vsub.f32 v58, v57;
	v8 =	vsub.f32 v8, v9;
	_ =	sdelay $0x1  }
0x65a: {  	v7 =	vmul.f32 v5, v59;
	v5 =	vmul.f32 v8, v5;
	_ =	sdelay $0x1  }
0x65b: {  	v6 =	vcvt.s32.f32 v6;
	v7 =	vadd.f32 v7, v57;
	v5 =	vadd.f32 v5, v9;
	_ =	sdelay $0x1  }
0x65c: {  	v4 =	vsub.f32 v4, v6;
	v5 =	vsub.f32 v5, v7;
	_ =	sdelay $0x1  }
0x65d: {  	v4 =	vmul.f32 v5, v4;
	_ =	sdelay $0x1  }
0x65e: {  	v4 =	vadd.f32 v4, v7;
	_ =	sdelay $0x1  }
0x65f: {  	[tilespmem:s9+$0x20] =	vst v4  }
0x660: {  	v4 =	vld [tilespmem:$0x1C880]  }
0x661: {  	v60 =	vld [tilespmem:$0x1C7A0];
	_ =	sdelay $0x3  }
0x662: {  	v4 =	vadd.f32 v4, v3  }
0x663: {  	v5 =	vadd.f32 v60, v2  }
0x664: {  	v4 =	vmax.f32 v4, $0.0e+00  }
0x665: {  	v5 =	vmax.f32 v5, $0.0e+00;
	v4 =	vmin.f32 v4, $2.229999850e+02  }
0x666: {  	v5 =	vmin.f32 v5, $2.229999850e+02;
	v61 =	vtrunc.f32 v4  }
0x667: {  	v62 =	vtrunc.f32 v5;
	v6 =	vcvt.f32.s32 v61  }
0x668: {  	v7 =	vcvt.f32.s32 v62  }
0x669: {  	v63 =	vmul.u32 $0xE8, v6  }
0x66a: {  	v16 =	vand.u32 $0xFFFFFFF8, v7;
	v17 =	vadd.s32 $0x1, v7;
	v18 =	vand.u32 $0x7, v7  }
0x66b: {  	v20 =	vand.u32 $0xFFFFFFF8, v17;
	v10 =	vand.u32 $0x7, v17;
	v19 =	vadd.s32 v16, v63  }
0x66c: {  	v21 =	vadd.s32 v20, v63;
	v8 =	vadd.s32 $0xE8, v63;
	v12 =	vor.u32 v18, v19  }
0x66d: {  	v14 =	vor.u32 v10, v21;
	v9 =	vadd.s32 v16, v8  }
0x66e: {  	v8 =	vadd.s32 v20, v8;
	v9 =	vor.u32 v18, v9  }
0x66f: {  	v8 =	vor.u32 v10, v8;
	_ =	sdelay $0x1  }
0x670: {  	v22 =	vld.idx.msk [tilespmem:v12+s25+$0x0], $0xffff  }
0x671: {  	v23 =	vld.idx.msk [tilespmem:v14+s25+$0x0], $0xffff  }
0x672: {  	v9 =	vld.idx.msk [tilespmem:v9+s25+$0x0], $0xffff  }
0x673: {  	v8 =	vld.idx.msk [tilespmem:v8+s25+$0x0], $0xffff;
	_ =	sdelay $0x1  }
0x674: {  	v7 =	vcvt.s32.f32 v7;
	_ =	sdelay $0x1  }
0x675: {  	v5 =	vsub.f32 v5, v7  }
0x676: {  	v24 =	vsub.f32 v23, v22;
	v8 =	vsub.f32 v8, v9;
	_ =	sdelay $0x1  }
0x677: {  	v7 =	vmul.f32 v5, v24;
	v5 =	vmul.f32 v8, v5;
	_ =	sdelay $0x1  }
0x678: {  	v6 =	vcvt.s32.f32 v6;
	v7 =	vadd.f32 v7, v22;
	v5 =	vadd.f32 v5, v9;
	_ =	sdelay $0x1  }
0x679: {  	v4 =	vsub.f32 v4, v6;
	v5 =	vsub.f32 v5, v7;
	_ =	sdelay $0x1  }
0x67a: {  	v4 =	vmul.f32 v5, v4;
	_ =	sdelay $0x1  }
0x67b: {  	v4 =	vadd.f32 v4, v7;
	_ =	sdelay $0x1  }
0x67c: {  	[tilespmem:s9+$0x30] =	vst v4  }
0x67d: {  	v4 =	vld [tilespmem:$0x1C890]  }
0x67e: {  	v25 =	vld [tilespmem:$0x1C7B0];
	_ =	sdelay $0x3  }
0x67f: {  	v4 =	vadd.f32 v4, v3  }
0x680: {  	v5 =	vadd.f32 v25, v2  }
0x681: {  	v4 =	vmax.f32 v4, $0.0e+00  }
0x682: {  	v5 =	vmax.f32 v5, $0.0e+00;
	v4 =	vmin.f32 v4, $2.229999850e+02  }
0x683: {  	v5 =	vmin.f32 v5, $2.229999850e+02;
	v26 =	vtrunc.f32 v4  }
0x684: {  	v27 =	vtrunc.f32 v5;
	v6 =	vcvt.f32.s32 v26  }
0x685: {  	v7 =	vcvt.f32.s32 v27  }
0x686: {  	v28 =	vmul.u32 $0xE8, v6  }
0x687: {  	v29 =	vand.u32 $0xFFFFFFF8, v7;
	v30 =	vadd.s32 $0x1, v7;
	v31 =	vand.u32 $0x7, v7  }
0x688: {  	v33 =	vand.u32 $0xFFFFFFF8, v30;
	v10 =	vand.u32 $0x7, v30;
	v32 =	vadd.s32 v29, v28  }
0x689: {  	v34 =	vadd.s32 v33, v28;
	v8 =	vadd.s32 $0xE8, v28;
	v12 =	vor.u32 v31, v32  }
0x68a: {  	v14 =	vor.u32 v10, v34;
	v9 =	vadd.s32 v29, v8  }
0x68b: {  	v8 =	vadd.s32 v33, v8;
	v9 =	vor.u32 v31, v9  }
0x68c: {  	v8 =	vor.u32 v10, v8;
	_ =	sdelay $0x1  }
0x68d: {  	v35 =	vld.idx.msk [tilespmem:v12+s25+$0x0], $0xffff  }
0x68e: {  	v36 =	vld.idx.msk [tilespmem:v14+s25+$0x0], $0xffff  }
0x68f: {  	v9 =	vld.idx.msk [tilespmem:v9+s25+$0x0], $0xffff  }
0x690: {  	v8 =	vld.idx.msk [tilespmem:v8+s25+$0x0], $0xffff;
	_ =	sdelay $0x1  }
0x691: {  	v7 =	vcvt.s32.f32 v7;
	_ =	sdelay $0x1  }
0x692: {  	v5 =	vsub.f32 v5, v7  }
0x693: {  	v37 =	vsub.f32 v36, v35;
	v8 =	vsub.f32 v8, v9;
	_ =	sdelay $0x1  }
0x694: {  	v7 =	vmul.f32 v5, v37;
	v5 =	vmul.f32 v8, v5;
	_ =	sdelay $0x1  }
0x695: {  	v6 =	vcvt.s32.f32 v6;
	v7 =	vadd.f32 v7, v35;
	v5 =	vadd.f32 v5, v9;
	_ =	sdelay $0x1  }
0x696: {  	v4 =	vsub.f32 v4, v6;
	v5 =	vsub.f32 v5, v7;
	_ =	sdelay $0x1  }
0x697: {  	v4 =	vmul.f32 v5, v4;
	_ =	sdelay $0x1  }
0x698: {  	v4 =	vadd.f32 v4, v7;
	_ =	sdelay $0x1  }
0x699: {  	[tilespmem:s9+$0x40] =	vst v4  }
0x69a: {  	v4 =	vld [tilespmem:$0x1C8A0]  }
0x69b: {  	v38 =	vld [tilespmem:$0x1C7C0];
	_ =	sdelay $0x3  }
0x69c: {  	v4 =	vadd.f32 v4, v3  }
0x69d: {  	v5 =	vadd.f32 v38, v2  }
0x69e: {  	v4 =	vmax.f32 v4, $0.0e+00  }
0x69f: {  	v5 =	vmax.f32 v5, $0.0e+00;
	v4 =	vmin.f32 v4, $2.229999850e+02  }
0x6a0: {  	v5 =	vmin.f32 v5, $2.229999850e+02;
	v39 =	vtrunc.f32 v4  }
0x6a1: {  	v40 =	vtrunc.f32 v5;
	v6 =	vcvt.f32.s32 v39  }
0x6a2: {  	v7 =	vcvt.f32.s32 v40  }
0x6a3: {  	v41 =	vmul.u32 $0xE8, v6  }
0x6a4: {  	v42 =	vand.u32 $0xFFFFFFF8, v7;
	v43 =	vadd.s32 $0x1, v7;
	v44 =	vand.u32 $0x7, v7  }
0x6a5: {  	v46 =	vand.u32 $0xFFFFFFF8, v43;
	v10 =	vand.u32 $0x7, v43;
	v45 =	vadd.s32 v42, v41  }
0x6a6: {  	v47 =	vadd.s32 v46, v41;
	v8 =	vadd.s32 $0xE8, v41;
	v12 =	vor.u32 v44, v45  }
0x6a7: {  	v14 =	vor.u32 v10, v47;
	v9 =	vadd.s32 v42, v8  }
0x6a8: {  	v8 =	vadd.s32 v46, v8;
	v9 =	vor.u32 v44, v9  }
0x6a9: {  	v8 =	vor.u32 v10, v8;
	_ =	sdelay $0x1  }
0x6aa: {  	v48 =	vld.idx.msk [tilespmem:v12+s25+$0x0], $0xffff  }
0x6ab: {  	v49 =	vld.idx.msk [tilespmem:v14+s25+$0x0], $0xffff  }
0x6ac: {  	v9 =	vld.idx.msk [tilespmem:v9+s25+$0x0], $0xffff  }
0x6ad: {  	v8 =	vld.idx.msk [tilespmem:v8+s25+$0x0], $0xffff;
	_ =	sdelay $0x1  }
0x6ae: {  	v7 =	vcvt.s32.f32 v7;
	_ =	sdelay $0x1  }
0x6af: {  	v5 =	vsub.f32 v5, v7  }
0x6b0: {  	v50 =	vsub.f32 v49, v48;
	v8 =	vsub.f32 v8, v9;
	_ =	sdelay $0x1  }
0x6b1: {  	v7 =	vmul.f32 v5, v50;
	v5 =	vmul.f32 v8, v5;
	_ =	sdelay $0x1  }
0x6b2: {  	v6 =	vcvt.s32.f32 v6;
	v7 =	vadd.f32 v7, v48;
	v5 =	vadd.f32 v5, v9;
	_ =	sdelay $0x1  }
0x6b3: {  	v4 =	vsub.f32 v4, v6;
	v5 =	vsub.f32 v5, v7;
	_ =	sdelay $0x1  }
0x6b4: {  	v4 =	vmul.f32 v5, v4;
	_ =	sdelay $0x1  }
0x6b5: {  	v4 =	vadd.f32 v4, v7;
	_ =	sdelay $0x1  }
0x6b6: {  	[tilespmem:s9+$0x50] =	vst v4  }
0x6b7: {  	v4 =	vld [tilespmem:$0x1C8B0]  }
0x6b8: {  	v51 =	vld [tilespmem:$0x1C7D0];
	_ =	sdelay $0x3  }
0x6b9: {  	v3 =	vadd.f32 v4, v3  }
0x6ba: {  	v2 =	vadd.f32 v51, v2  }
0x6bb: {  	v3 =	vmax.f32 v3, $0.0e+00  }
0x6bc: {  	v2 =	vmax.f32 v2, $0.0e+00;
	v3 =	vmin.f32 v3, $2.229999850e+02  }
0x6bd: {  	v2 =	vmin.f32 v2, $2.229999850e+02;
	v52 =	vtrunc.f32 v3  }
0x6be: {  	v53 =	vtrunc.f32 v2;
	v4 =	vcvt.f32.s32 v52  }
0x6bf: {  	v5 =	vcvt.f32.s32 v53  }
0x6c0: {  	v54 =	vmul.u32 $0xE8, v4  }
0x6c1: {  	v55 =	vand.u32 $0xFFFFFFF8, v5;
	v56 =	vadd.s32 $0x1, v5;
	v57 =	vand.u32 $0x7, v5  }
0x6c2: {  	v59 =	vand.u32 $0xFFFFFFF8, v56;
	v8 =	vand.u32 $0x7, v56;
	v58 =	vadd.s32 v55, v54  }
0x6c3: {  	v60 =	vadd.s32 v59, v54;
	v6 =	vadd.s32 $0xE8, v54;
	v10 =	vor.u32 v57, v58  }
0x6c4: {  	v12 =	vor.u32 v8, v60;
	v7 =	vadd.s32 v55, v6  }
0x6c5: {  	v6 =	vadd.s32 v59, v6;
	v7 =	vor.u32 v57, v7  }
0x6c6: {  	v6 =	vor.u32 v8, v6;
	_ =	sdelay $0x1  }
0x6c7: {  	v61 =	vld.idx.msk [tilespmem:v10+s25+$0x0], $0xffff  }
0x6c8: {  	v62 =	vld.idx.msk [tilespmem:v12+s25+$0x0], $0xffff  }
0x6c9: {  	v7 =	vld.idx.msk [tilespmem:v7+s25+$0x0], $0xffff  }
0x6ca: {  	v6 =	vld.idx.msk [tilespmem:v6+s25+$0x0], $0xffff;
	_ =	sdelay $0x1  }
0x6cb: {  	v5 =	vcvt.s32.f32 v5;
	_ =	sdelay $0x1  }
0x6cc: {  	v2 =	vsub.f32 v2, v5  }
0x6cd: {  	v63 =	vsub.f32 v62, v61;
	v6 =	vsub.f32 v6, v7;
	_ =	sdelay $0x1  }
0x6ce: {  	v5 =	vmul.f32 v2, v63;
	v2 =	vmul.f32 v6, v2;
	_ =	sdelay $0x1  }
0x6cf: {  	v4 =	vcvt.s32.f32 v4;
	v5 =	vadd.f32 v5, v61;
	v2 =	vadd.f32 v2, v7;
	_ =	sdelay $0x1  }
0x6d0: {  	v3 =	vsub.f32 v3, v4;
	v2 =	vsub.f32 v2, v5  }
0x6d1: {  	p0 =	sne.s32 s8, $0x6C0  }
.Ltmp8:
0x6d2: {  	v2 =	vmul.f32 v2, v3;
	(pc) =	sbr.rel @p0 .LBB2_19-.Ltmp8, $3  }
0x6d3: {  	_ = 	snop  }
0x6d4: {  	v2 =	vadd.f32 v2, v5;
	_ =	sdelay $0x1  }
0x6d5: {  	s8 =	sadd.s32 $0x40, s8;
	[tilespmem:s9+$0x60] =	vst v2;
	s9 =	sadd.s32 $0xE0, s9  }
0x6d6: {  	s0 =	sadd.s32 $0x1, s0  }
0x6d7: {  	s8 =	smul.u32 $0x1880, s18;
	p0 =	sne.s32 s0, $0x4  }
.Ltmp9:
0x6d8: {  	_ = 	snop;
	(pc) =	sbr.rel @p0 .LBB2_16-.Ltmp9, $4  }
0x6d9: {  	s8 =	sadd.s32 s30, s8  }
0x6da: {  	s2 =	sadd.s32 $0x380, s2;
	s7 =	sadd.s32 $0x380, s7;
	s8 =	sshrl.u32 s8, $0x3  }
0x6db: {  	s15 =	sadd.s32 $0x380, s15;
	s17 =	sadd.s32 $0x380, s17;
	s8 =	sadd.s32 s5, s8  }
0x6dc: {  	[hbm4b:s8+s3] =	stream.linear.scatter [tilespmem:s22], [sflag:$0x4], $0x1880, $0x38;
	[tilespmem:$0x1E4C0] =	vst v63  }
0x6dd: {  	s29 =	sadd.s32 $0x1, s29  }
0x6de: {  	p0 =	sne.s32 s29, $0x18  }
.Ltmp10:
0x6df: {  	_ = 	snop;
	(pc) =	sbr.rel @p0 .LBB2_3-.Ltmp10, $1  }
0x6e0: {  	_ =	sdelay $0x3  }
0x6e1: {  	_ =	swait.ge [sflag:s24], $0x1880  }
0x6e2: {  	[sflag:s24] =	ssyncset.done $0x0  }
0x6e3: {  	[sflag:s24] =	ssyncadd.s32 $0xFFFFE780  }
0x6e4: {  	_ =	swait.ge [sflag:s26], $0x1880  }
0x6e5: {  	s28 =	sadd.s32 $0x1, s28;
	s0 =	rddreg [dreg:$0x7]  }
0x6e6: {  	p0 =	sne.s32 s28, s0  }
.Ltmp11:
0x6e7: {  	_ = 	snop;
	(pc) =	sbr.rel @p0 .LBB2_1-.Ltmp11, $3  }
0x6e8: {  	_ =	sdelay $0x1  }
0x6e9: {  	[sflag:s26] =	ssyncset.done $0x0  }
0x6ea: {  	[sflag:s26] =	ssyncadd.s32 $0xFFFFE780  }
0x6eb: {  	_ =	sfence.sel $0x180000  }
0x6ec: {  	[bflag:$0x0] =	sbarrier.arrive $0xFFFF  }
0x6ed: {  	_ =	strace $0x90000047  }
0x6ee: {  	s0 =	stileid.u32;
	[bflag:$0x2] =	sbarrier.arrive $0xFFFF  }
0x6ef: {  	p0 =	sne.s32 s0, $0x0;
	s0 =	rddreg [dreg:$0x2]  }
0x6f0: {  	s0 =	sadd.s32 @!p0 $0x100000, s0  }
0x6f1: {  	[sflag:s0] =	ssyncadd.tile.s32 @!p0 $0x1;
	_ =	shalt  }
.Lfunc_end2:
_tile_overlayer_lowered:
.L_overlay_start_2:
0x6f2: {  	(tag) =	ssettag $0x2  }
0x6f3: {  	s0 =	rddreg [dreg:$0x0];
	s2 =	stileid.u32  }
0x6f4: {  	s1 =	rddreg [dreg:$0x1];
	p0 =	sne.s32 s2, $0x0  }
0x6f5: {  	s3 =	rddreg [dreg:$0x2];
	[bflag:$0x3] =	sbarrier.arrive $0xFFFF;
	s2 =	simm.s32 @!p0 $0x1C05  }
0x6f6: {  	[timem:s3], [sflag:s2] =	dma.local @!p0 [hbm:s0], s1  }
0x6f7: {  	s0 =	simm.s32 @!p0 $0x5  }
0x6f8: {  	_ =	swait.ge @!p0 [sflag:s0], s1  }
0x6f9: {  	s1 =	ssub.s32 @!p0 $0x0, s1;
	[sflag:s0] =	ssyncset.done @!p0 $0x0  }
0x6fa: {  	[sflag:s0] =	ssyncadd.s32 @!p0 s1  }
0x6fb: {  	[bflag:$0x3] =	sbarrier.arrive $0xFFFF  }
0x6fc: {  	_ =	shalt  }

</sc_bundles>
